<compile_context>
chip_gen: v7x
topology: tpu7x:2x2x1
jax: 0.10.2.dev20260603
libtpu: 0.0.44.dev20260713+nightly
codegen_flags: <defaults>
</compile_context>

<pallas_src>
import functools

import jax
import jax.numpy as jnp
from jax import lax
from jax.experimental import pallas as pl
from jax.experimental.pallas import tpu as pltpu
from jax.experimental.pallas import tpu_sc as plsc

NC = 2
NS = 16
NW = NC * NS


def _sc_mesh():
    return plsc.VectorSubcoreMesh(
        core_axis_name="c", subcore_axis_name="s", num_cores=NC, num_subcores=NS
    )


def _mac(src, dst, sem):
    return pltpu.make_async_copy(src, dst, sem)


def _sc_ep_a(ewb, p, src, dst, zeros, chunk=40):
    e, dm = ewb.shape
    n = zeros.shape[0]
    b_per_w = e // NW
    nch = b_per_w // chunk
    npair = nch // 2
    assert nch % 2 == 0

    buf = lambda: pltpu.VMEM((chunk, dm), jnp.float32)
    ibuf = lambda: pltpu.VMEM((chunk,), jnp.int32)
    sem = pltpu.SemaphoreType.DMA

    @functools.partial(
        pl.kernel,
        mesh=_sc_mesh(),
        out_type=(jax.ShapeDtypeStruct((e, dm), jnp.float32),
                  jax.ShapeDtypeStruct((NC, n, dm), jnp.float32)),
        scratch_types=(
            [buf() for _ in range(4)]
            + [buf() for _ in range(2)]
            + [ibuf() for _ in range(4)]
            + [pltpu.VMEM_SHARED((n, dm), jnp.float32)]
            + [sem] * 12
        ),
    )
    def k(ewb_hbm, p_hbm, src_hbm, dst_hbm, zeros_hbm, h0_hbm, parts_hbm,
          ewb_a, ewb_b, p_a, p_b, r_a, r_b, is_a, is_b, id_a, id_b, acc,
          s_ea, s_eb, s_pa, s_pb, s_ia, s_ib, s_da, s_db,
          s_sta, s_stb, s_sca, s_scb):
        cid = lax.axis_index("c")
        sid = lax.axis_index("s")
        wid = sid * NC + cid
        base = wid * b_per_w

        A = (ewb_a, p_a, r_a, is_a, id_a, s_ea, s_pa, s_ia, s_da, s_sta, s_sca)
        B = (ewb_b, p_b, r_b, is_b, id_b, s_eb, s_pb, s_ib, s_db, s_stb, s_scb)

        def off(c):
            return pl.multiple_of(base + c * chunk, 8)

        def ld_ewb(c, S):
            return _mac(ewb_hbm.at[pl.ds(off(c), chunk)], S[0], S[5])

        def ld_is(c, S):
            return _mac(src_hbm.at[pl.ds(off(c), chunk)], S[3], S[7])

        def ld_id(c, S):
            return _mac(dst_hbm.at[pl.ds(off(c), chunk)], S[4], S[8])

        def gat(S):
            return _mac(p_hbm.at[S[3]], S[1], S[6])

        def st(c, S):
            return _mac(S[0], h0_hbm.at[pl.ds(off(c), chunk)], S[9])

        def sca(S):
            return _mac(S[2], acc.at[S[4]], S[10])

        def compute(S):
            ewb_v, p_v, r_v = S[0], S[1], S[2]

            def row(r, carry):
                for g in range(dm // 16):
                    sl = pl.ds(g * 16, 16)
                    v = ewb_v[r, sl] + p_v[r, sl]
                    ewb_v[r, sl] = v
                    r_v[r, sl] = jnp.maximum(v, 0.0)
                return carry

            lax.fori_loop(0, chunk, row, 0)

        def start_loads(c, S):
            ld_ewb(c, S).start()
            ld_is(c, S).start()
            ld_id(c, S).start()

        @pl.when(sid == 0)
        def _():
            pltpu.sync_copy(zeros_hbm, acc)

        plsc.subcore_barrier()
        start_loads(0, A)

        def body(j, carry):
            c0 = 2 * j
            c1 = c0 + 1
            ld_is(c0, A).wait()
            gat(A).start()

            @pl.when(j >= 1)
            def _():
                st(c1 - 2, B).wait()
                sca(B).wait()

            start_loads(c1, B)
            ld_ewb(c0, A).wait()
            gat(A).wait()
            compute(A)
            ld_id(c0, A).wait()
            st(c0, A).start()
            sca(A).start(add=True)
            ld_is(c1, B).wait()
            gat(B).start()
            ld_ewb(c1, B).wait()
            gat(B).wait()
            compute(B)

            @pl.when(j + 1 < npair)
            def _():
                st(c0, A).wait()
                sca(A).wait()
                start_loads(c0 + 2, A)

            ld_id(c1, B).wait()
            st(c1, B).start()
            sca(B).start(add=True)
            return carry

        lax.fori_loop(0, npair, body, 0)
        st(nch - 2, A).wait()
        sca(A).wait()
        st(nch - 1, B).wait()
        sca(B).wait()
        plsc.subcore_barrier()

        @pl.when(sid == 0)
        def _():
            pltpu.sync_copy(acc, parts_hbm.at[cid])

    return k(ewb, p, src, dst, zeros)


def _sc_ep(h0, tw, rev, src2, dst, zeros, write_ht, chunk=40):
    e, dm = h0.shape
    n = zeros.shape[0]
    dw = dm // 2
    b_per_w = e // NW
    nch = b_per_w // chunk
    npair = nch // 2
    tail = nch % 2 == 1

    buf = lambda: pltpu.VMEM((chunk, dm), jnp.float32)
    wbuf = lambda: pltpu.VMEM((chunk, dm), jnp.float32)
    ibuf = lambda: pltpu.VMEM((chunk,), jnp.int32)
    sem = pltpu.SemaphoreType.DMA

    outs = [jax.ShapeDtypeStruct((NC, n, dm), jnp.float32)]
    if write_ht:
        outs = [jax.ShapeDtypeStruct((e, dm), jnp.float32)] + outs

    @functools.partial(
        pl.kernel,
        mesh=_sc_mesh(),
        out_type=tuple(outs),
        scratch_types=(
            [buf() for _ in range(2)]
            + [wbuf() for _ in range(4)]
            + [ibuf() for _ in range(6)]
            + [pltpu.VMEM_SHARED((n, dm), jnp.float32)]
            + [sem] * 16
        ),
    )
    def k(h0_hbm, t_hbm, rev_hbm, src_hbm, dst_hbm, zeros_hbm, *rest):
        if write_ht:
            ht_hbm, parts_hbm = rest[0], rest[1]
            rest = rest[2:]
        else:
            parts_hbm = rest[0]
            ht_hbm = None
            rest = rest[1:]
        (h0_a, h0_b, tr_a, tr_b, ts_a, ts_b,
         ir_a, ir_b, is_a, is_b, id_a, id_b, acc,
         s_ha, s_hb, s_ra, s_rb, s_sa, s_sb,
         s_ira, s_irb, s_isa, s_isb, s_ida, s_idb,
         s_sta, s_stb, s_sca, s_scb) = rest

        cid = lax.axis_index("c")
        sid = lax.axis_index("s")
        wid = sid * NC + cid
        base = wid * b_per_w

        A = (h0_a, tr_a, ts_a, ir_a, is_a, id_a,
             s_ha, s_ra, s_sa, s_ira, s_isa, s_ida, s_sta, s_sca)
        B = (h0_b, tr_b, ts_b, ir_b, is_b, id_b,
             s_hb, s_rb, s_sb, s_irb, s_isb, s_idb, s_stb, s_scb)

        def off(c):
            return pl.multiple_of(base + c * chunk, 8)

        def ld_h0(c, S):
            return _mac(h0_hbm.at[pl.ds(off(c), chunk)], S[0], S[6])

        def ld_ir(c, S):
            return _mac(rev_hbm.at[pl.ds(off(c), chunk)], S[3], S[9])

        def ld_is(c, S):
            return _mac(src_hbm.at[pl.ds(off(c), chunk)], S[4], S[10])

        def ld_id(c, S):
            return _mac(dst_hbm.at[pl.ds(off(c), chunk)], S[5], S[11])

        def gat_r(S):
            return _mac(t_hbm.at[S[3]], S[1], S[7])

        def gat_s(S):
            return _mac(t_hbm.at[S[4]], S[2], S[8])

        def st(c, S):
            return _mac(S[0], ht_hbm.at[pl.ds(off(c), chunk)], S[12])

        def sca(S):
            return _mac(S[0], acc.at[S[5]], S[13])

        def compute(S):
            h0_v, tr_v, ts_v = S[0], S[1], S[2]

            def row(r, carry):
                for g in range(dm // 16):
                    sl = pl.ds(g * 16, 16)
                    v = h0_v[r, sl] + ts_v[r, sl] - tr_v[r, sl]
                    h0_v[r, sl] = jnp.maximum(v, 0.0)
                return carry

            lax.fori_loop(0, chunk, row, 0)

        def start_loads(c, S):
            ld_h0(c, S).start()
            ld_ir(c, S).start()
            ld_is(c, S).start()
            ld_id(c, S).start()

        @pl.when(sid == 0)
        def _():
            pltpu.sync_copy(zeros_hbm, acc)

        plsc.subcore_barrier()
        start_loads(0, A)

        def body(j, carry):
            c0 = 2 * j
            c1 = c0 + 1
            ld_ir(c0, A).wait()
            ld_is(c0, A).wait()
            gat_r(A).start()
            gat_s(A).start()

            @pl.when(j >= 1)
            def _():
                if write_ht:
                    st(c1 - 2, B).wait()
                sca(B).wait()

            start_loads(c1, B)
            ld_h0(c0, A).wait()
            gat_r(A).wait()
            gat_s(A).wait()
            compute(A)
            ld_id(c0, A).wait()
            if write_ht:
                st(c0, A).start()
            sca(A).start(add=True)
            ld_ir(c1, B).wait()
            ld_is(c1, B).wait()
            gat_r(B).start()
            gat_s(B).start()
            ld_h0(c1, B).wait()
            gat_r(B).wait()
            gat_s(B).wait()
            compute(B)

            @pl.when(c0 + 2 < nch)
            def _():
                if write_ht:
                    st(c0, A).wait()
                sca(A).wait()
                start_loads(c0 + 2, A)

            ld_id(c1, B).wait()
            if write_ht:
                st(c1, B).start()
            sca(B).start(add=True)
            return carry

        lax.fori_loop(0, npair, body, 0)
        if tail:
            c = nch - 1
            ld_ir(c, A).wait()
            ld_is(c, A).wait()
            gat_r(A).start()
            gat_s(A).start()
            ld_h0(c, A).wait()
            gat_r(A).wait()
            gat_s(A).wait()
            compute(A)
            ld_id(c, A).wait()
            if write_ht:
                st(c, A).start()
            sca(A).start(add=True)
            if write_ht:
                st(c, A).wait()
            sca(A).wait()
        else:
            if write_ht:
                st(nch - 2, A).wait()
            sca(A).wait()
        if write_ht:
            st(nch - 2 if tail else nch - 1, B).wait()
        sca(B).wait()
        plsc.subcore_barrier()

        @pl.when(sid == 0)
        def _():
            pltpu.sync_copy(acc, parts_hbm.at[cid])

    return k(h0, tw, rev, src2, dst, zeros)


def _tc_a(ea_t, we_t, b_i, bk=2560):
    de, e = ea_t.shape

    def body(ea_ref, w_ref, b_ref, o_ref):
        o_ref[...] = lax.dot_general(
            ea_ref[...], w_ref[...], (((0,), (0,)), ((), ())),
            preferred_element_type=jnp.float32) + b_ref[...]

    return pl.pallas_call(
        body,
        grid=(e // bk,),
        in_specs=[
            pl.BlockSpec((de, bk), lambda i: (0, i)),
            pl.BlockSpec((de, 128), lambda i: (0, 0)),
            pl.BlockSpec((1, 128), lambda i: (0, 0)),
        ],
        out_specs=pl.BlockSpec((bk, 128), lambda i: (i, 0)),
        out_shape=jax.ShapeDtypeStruct((e, 128), jnp.float32),
        compiler_params=pltpu.CompilerParams(dimension_semantics=("parallel",)),
    )(ea_t, we_t, b_i)


def _tc_p(x, wx_t, bn=1000):
    n, d = x.shape

    def body(x_ref, w_ref, o_ref):
        o_ref[...] = jnp.dot(x_ref[...], w_ref[...],
                             preferred_element_type=jnp.float32)

    return pl.pallas_call(
        body,
        grid=(n // bn,),
        in_specs=[pl.BlockSpec((bn, d), lambda i: (i, 0)),
                  pl.BlockSpec((d, 128), lambda i: (0, 0))],
        out_specs=pl.BlockSpec((bn, 128), lambda i: (i, 0)),
        out_shape=jax.ShapeDtypeStruct((n, 128), jnp.float32),
        compiler_params=pltpu.CompilerParams(dimension_semantics=("parallel",)),
    )(x, wx_t)


def _tc_t(h, p0, p1, wh_t, b_h, relu_in, bk=2000):
    e = h.shape[0]
    n = p0.shape[0]
    ge = e // bk
    gn = n // bk

    def body(h_ref, p0_ref, p1_ref, w_ref, b_ref, t_ref):
        i = pl.program_id(0)

        @pl.when(i < ge)
        def _():
            hv = h_ref[...]
            if relu_in:
                hv = jnp.maximum(hv, 0.0)
            t_ref[...] = jnp.dot(hv, w_ref[...],
                                 preferred_element_type=jnp.float32)

        @pl.when(i >= ge)
        def _():
            t_ref[...] = jnp.dot(p0_ref[...] + p1_ref[...], w_ref[...],
                                 preferred_element_type=jnp.float32) + b_ref[...]

    return pl.pallas_call(
        body,
        grid=(ge + gn,),
        in_specs=[
            pl.BlockSpec((bk, 128), lambda i: (jnp.minimum(i, ge - 1), 0)),
            pl.BlockSpec((bk, 128), lambda i: (jnp.maximum(i - ge, 0), 0)),
            pl.BlockSpec((bk, 128), lambda i: (jnp.maximum(i - ge, 0), 0)),
            pl.BlockSpec((128, 128), lambda i: (0, 0)),
            pl.BlockSpec((1, 128), lambda i: (0, 0)),
        ],
        out_specs=pl.BlockSpec((bk, 128), lambda i: (i, 0)),
        out_shape=jax.ShapeDtypeStruct((e + n, 128), jnp.float32),
        compiler_params=pltpu.CompilerParams(dimension_semantics=("arbitrary",)),
    )(h, p0, p1, wh_t, b_h)


def _tc_out(x, p0, p1, wox_t, wom_t, b_o, bn=1000):
    n = x.shape[0]

    def body(x_ref, p0_ref, p1_ref, wx_ref, wm_ref, b_ref, o_ref):
        agg = p0_ref[...] + p1_ref[...]
        xv = x_ref[...]
        m = jnp.where(jnp.sum(agg, axis=1, keepdims=True) == 0.0, xv, agg)
        acc = jnp.dot(xv, wx_ref[...], preferred_element_type=jnp.float32)
        acc += jnp.dot(m, wm_ref[...], preferred_element_type=jnp.float32)
        o_ref[...] = jnp.maximum(acc + b_ref[...], 0.0)

    return pl.pallas_call(
        body,
        grid=(n // bn,),
        in_specs=[pl.BlockSpec((bn, 128), lambda i: (i, 0)),
                  pl.BlockSpec((bn, 128), lambda i: (i, 0)),
                  pl.BlockSpec((bn, 128), lambda i: (i, 0)),
                  pl.BlockSpec((128, 128), lambda i: (0, 0)),
                  pl.BlockSpec((128, 128), lambda i: (0, 0)),
                  pl.BlockSpec((1, 128), lambda i: (0, 0))],
        out_specs=pl.BlockSpec((bn, 128), lambda i: (i, 0)),
        out_shape=jax.ShapeDtypeStruct((n, 128), jnp.float32),
        compiler_params=pltpu.CompilerParams(dimension_semantics=("parallel",)),
    )(x, p0, p1, wox_t, wom_t, b_o)


def kernel(x, edge_attr, W_i, b_i, W_h, b_h, W_o, b_o, edge_index, rev_edge_index):
    n, d = x.shape
    e = edge_attr.shape[0]
    hid = W_h.shape[0]
    src = edge_index[0]
    dst = edge_index[1]
    src2 = src + jnp.int32(e)

    wx_t = W_i[:, :d].T
    we_t = W_i[:, d:].T
    wh_t = W_h.T
    wox_t = W_o[:, :d].T
    wom_t = W_o[:, d:].T
    b_i2 = b_i.reshape(1, hid)
    b_h2 = b_h.reshape(1, hid)
    b_o2 = b_o.reshape(1, hid)
    zeros_n = jnp.zeros((n, hid), jnp.float32)

    ewb = _tc_a(edge_attr.T, we_t, b_i2)
    p = _tc_p(x, wx_t)
    h0, parts = _sc_ep_a(ewb, p, src, dst, zeros_n)

    t1 = _tc_t(h0, parts[0], parts[1], wh_t, b_h2, relu_in=True)
    ht, parts = _sc_ep(h0, t1, rev_edge_index, src2, dst, zeros_n,
                       write_ht=True)

    t2 = _tc_t(ht, parts[0], parts[1], wh_t, b_h2, relu_in=False)
    parts, = _sc_ep(h0, t2, rev_edge_index, src2, dst, zeros_n,
                    write_ht=False)

    return _tc_out(x, parts[0], parts[1], wox_t, wom_t, b_o2)

# --- scband reference (transcript-rebuilt; emitter-appended) ---
"""Pipeline reference for scband-polydentate-omgnn-rnn-47425028882825 (READ-ONLY COPY).

The authoritative reference and input builder live on the scoring server;
editing this copy changes nothing except your own understanding.
"""

import jax, jax.numpy as jnp
import numpy as np

N = 10000
E = 320000
D = 128
DE = 16
HID = 128
DEPTH = 3


def setup_inputs(seed: int = 0) -> dict:
    key = jax.random.key(seed)
    ks = jax.random.split(key, 12)
    x = jax.random.normal(ks[0], (N, D), dtype=jnp.float32)
    edge_index = jax.random.randint(ks[1], (2, E), 0, N, dtype=jnp.int32)
    edge_attr = jax.random.normal(ks[2], (E, DE), dtype=jnp.float32)
    rev_edge_index = jax.random.randint(ks[3], (E,), 0, E, dtype=jnp.int32)
    W_i = jax.random.normal(ks[4], (HID, D + DE), dtype=jnp.float32) * 0.05
    b_i = jnp.zeros((HID,), dtype=jnp.float32)
    W_h = jax.random.normal(ks[5], (HID, HID), dtype=jnp.float32) * 0.05
    b_h = jnp.zeros((HID,), dtype=jnp.float32)
    W_o = jax.random.normal(ks[6], (HID, D + HID), dtype=jnp.float32) * 0.05
    b_o = jnp.zeros((HID,), dtype=jnp.float32)
    return {"x": x, "edge_attr": edge_attr, "W_i": W_i, "b_i": b_i,
            "W_h": W_h, "b_h": b_h, "W_o": W_o, "b_o": b_o,
            "edge_index": edge_index, "rev_edge_index": rev_edge_index}


def reference(x, edge_attr, W_i, b_i, W_h, b_h, W_o, b_o, edge_index, rev_edge_index):
    # BondMessagePassing core (dropout = identity in eval mode)
    src = edge_index[0]
    dst = edge_index[1]
    H0 = jnp.dot(jnp.concatenate([x[src], edge_attr], axis=1), W_i.T) + b_i
    Ht = jax.nn.relu(H0)
    for _ in range(1, DEPTH):
        agg = jnp.zeros((x.shape[0], Ht.shape[1]), dtype=Ht.dtype).at[dst].add(Ht)
        M = agg[src] - Ht[rev_edge_index]
        Ht = jax.nn.relu(H0 + jnp.dot(M, W_h.T) + b_h)
    agg = jnp.zeros((x.shape[0], Ht.shape[1]), dtype=Ht.dtype).at[dst].add(Ht)
    M = jnp.where(jnp.sum(agg, axis=1, keepdims=True) == 0, x, agg)
    out = jax.nn.relu(jnp.dot(jnp.concatenate([x, M], axis=1), W_o.T) + b_o)
    return out

if __name__ == "__main__":
    import jax
    _d = setup_inputs()
    print(jax.jit(kernel)(*tuple(_d.values())))

</pallas_src>

<mosaic_0001>
#map = affine_map<(d0, d1) -> (0, 0)>
#map1 = affine_map<(d0, d1) -> (0)>
#map2 = affine_map<(d0, d1) -> (0, 0, 0)>
module attributes {stable_mosaic.version = 14 : i64} {
  func.func @k(%arg0: i32, %arg1: i32, %arg2: memref<320000x128xf32, #tpu.memory_space<hbm>>, %arg3: memref<330000x128xf32, #tpu.memory_space<hbm>>, %arg4: memref<320000xi32, #tpu.memory_space<hbm>>, %arg5: memref<320000xi32, #tpu.memory_space<hbm>>, %arg6: memref<320000xi32, #tpu.memory_space<hbm>>, %arg7: memref<10000x128xf32, #tpu.memory_space<hbm>>, %arg8: memref<2x10000x128xf32, #tpu.memory_space<hbm>>, %arg9: memref<40x128xf32, #tpu.memory_space<vmem>>, %arg10: memref<40x128xf32, #tpu.memory_space<vmem>>, %arg11: memref<40x128xf32, #tpu.memory_space<vmem>>, %arg12: memref<40x128xf32, #tpu.memory_space<vmem>>, %arg13: memref<40x128xf32, #tpu.memory_space<vmem>>, %arg14: memref<40x128xf32, #tpu.memory_space<vmem>>, %arg15: memref<40xi32, #tpu.memory_space<vmem>>, %arg16: memref<40xi32, #tpu.memory_space<vmem>>, %arg17: memref<40xi32, #tpu.memory_space<vmem>>, %arg18: memref<40xi32, #tpu.memory_space<vmem>>, %arg19: memref<40xi32, #tpu.memory_space<vmem>>, %arg20: memref<40xi32, #tpu.memory_space<vmem>>, %arg21: memref<10000x128xf32, #tpu.memory_space<vmem_shared>>, %arg22: memref<!tpu.dma_semaphore, #tpu.memory_space<semaphore_mem>>, %arg23: memref<!tpu.dma_semaphore, #tpu.memory_space<semaphore_mem>>, %arg24: memref<!tpu.dma_semaphore, #tpu.memory_space<semaphore_mem>>, %arg25: memref<!tpu.dma_semaphore, #tpu.memory_space<semaphore_mem>>, %arg26: memref<!tpu.dma_semaphore, #tpu.memory_space<semaphore_mem>>, %arg27: memref<!tpu.dma_semaphore, #tpu.memory_space<semaphore_mem>>, %arg28: memref<!tpu.dma_semaphore, #tpu.memory_space<semaphore_mem>>, %arg29: memref<!tpu.dma_semaphore, #tpu.memory_space<semaphore_mem>>, %arg30: memref<!tpu.dma_semaphore, #tpu.memory_space<semaphore_mem>>, %arg31: memref<!tpu.dma_semaphore, #tpu.memory_space<semaphore_mem>>, %arg32: memref<!tpu.dma_semaphore, #tpu.memory_space<semaphore_mem>>, %arg33: memref<!tpu.dma_semaphore, #tpu.memory_space<semaphore_mem>>, %arg34: memref<!tpu.dma_semaphore, #tpu.memory_space<semaphore_mem>>, %arg35: memref<!tpu.dma_semaphore, #tpu.memory_space<semaphore_mem>>, %arg36: memref<!tpu.dma_semaphore, #tpu.memory_space<semaphore_mem>>, %arg37: memref<!tpu.dma_semaphore, #tpu.memory_space<semaphore_mem>>) attributes {dimension_semantics = [#tpu.dimension_semantics<core_parallel>, #tpu.dimension_semantics<subcore_parallel>], iteration_bounds = array<i64: 2, 16>, scalar_prefetch = 0 : i64, scratch_operands = 29 : i64, tpu.core_type = #tpu.core_type<sc_vector_subcore>, window_params = [{transform_indices = #map}, {transform_indices = #map}, {transform_indices = #map1}, {transform_indices = #map1}, {transform_indices = #map1}, {transform_indices = #map}, {transform_indices = #map2}]} {
    %mul3A = arith.constant 2 : i32
    %mul3A_0 = arith.muli %arg1, %mul3A : i32
    %add3A = arith.addi %mul3A_0, %arg0 : i32
    %mul3A_1 = arith.constant 10000 : i32
    %mul3A_2 = arith.muli %add3A, %mul3A_1 : i32
    %eq3A = arith.constant 0 : i32
    %eq3A_3 = arith.cmpi eq, %arg1, %eq3A : i32
    %convert_element_type3A = arith.extui %eq3A_3 : i1 to i32
    %cond3A = arith.constant 0 : i32
    %cond3A_4 = arith.cmpi ne, %convert_element_type3A, %cond3A : i32
    scf.if %cond3A_4 {
      "tpu.region"() ({
        %run_scoped3A = tpu.sem_alloc : memref<!tpu.dma_semaphore, #tpu.memory_space<semaphore_mem>>
        tpu.enqueue_dma source(%arg7 : memref<10000x128xf32, #tpu.memory_space<hbm>>) target(%arg21 : memref<10000x128xf32, #tpu.memory_space<vmem_shared>>) target_semaphore(%run_scoped3A : memref<!tpu.dma_semaphore, #tpu.memory_space<semaphore_mem>>)
        tpu.wait_dma2 semaphore(%run_scoped3A : memref<!tpu.dma_semaphore, #tpu.memory_space<semaphore_mem>>) src(%arg7 : memref<10000x128xf32, #tpu.memory_space<hbm>>) dst(%arg21 : memref<10000x128xf32, #tpu.memory_space<vmem_shared>>)
        tpu.yield
      }) : () -> ()
    } else {
    }
    %barrier3A = arith.constant 0 : index
    tpu.barrier barrier_id(%barrier3A)
    %add3A_5 = arith.constant 0 : i32
    %add3A_6 = arith.addi %mul3A_2, %add3A_5 : i32
    %multiple_of3A = tpu.assume_multiple %add3A_6, 8 : i32
    %dma_start3A = arith.constant 0 : i32
    %dma_start3A_7 = tpu.memref_slice %arg2[%multiple_of3A, %dma_start3A] : memref<320000x128xf32, #tpu.memory_space<hbm>> -> memref<40x128xf32, #tpu.memory_space<hbm>>
    %dma_start3A_8 = arith.constant 0 : i32
    %dma_start3A_9 = tpu.memref_slice %arg2[%multiple_of3A, %dma_start3A_8] : memref<320000x128xf32, #tpu.memory_space<hbm>> -> memref<40x128xf32, #tpu.memory_space<hbm>>
    tpu.enqueue_dma source(%dma_start3A_9 : memref<40x128xf32, #tpu.memory_space<hbm>>) target(%arg9 : memref<40x128xf32, #tpu.memory_space<vmem>>) target_semaphore(%arg22 : memref<!tpu.dma_semaphore, #tpu.memory_space<semaphore_mem>>)
    %add3A_10 = arith.constant 0 : i32
    %add3A_11 = arith.addi %mul3A_2, %add3A_10 : i32
    %multiple_of3A_12 = tpu.assume_multiple %add3A_11, 8 : i32
    %dma_start3A_13 = tpu.memref_slice %arg4[%multiple_of3A_12] : memref<320000xi32, #tpu.memory_space<hbm>> -> memref<40xi32, #tpu.memory_space<hbm>>
    %dma_start3A_14 = tpu.memref_slice %arg4[%multiple_of3A_12] : memref<320000xi32, #tpu.memory_space<hbm>> -> memref<40xi32, #tpu.memory_space<hbm>>
    tpu.enqueue_dma source(%dma_start3A_14 : memref<40xi32, #tpu.memory_space<hbm>>) target(%arg15 : memref<40xi32, #tpu.memory_space<vmem>>) target_semaphore(%arg28 : memref<!tpu.dma_semaphore, #tpu.memory_space<semaphore_mem>>)
    %add3A_15 = arith.constant 0 : i32
    %add3A_16 = arith.addi %mul3A_2, %add3A_15 : i32
    %multiple_of3A_17 = tpu.assume_multiple %add3A_16, 8 : i32
    %dma_start3A_18 = tpu.memref_slice %arg5[%multiple_of3A_17] : memref<320000xi32, #tpu.memory_space<hbm>> -> memref<40xi32, #tpu.memory_space<hbm>>
    %dma_start3A_19 = tpu.memref_slice %arg5[%multiple_of3A_17] : memref<320000xi32, #tpu.memory_space<hbm>> -> memref<40xi32, #tpu.memory_space<hbm>>
    tpu.enqueue_dma source(%dma_start3A_19 : memref<40xi32, #tpu.memory_space<hbm>>) target(%arg17 : memref<40xi32, #tpu.memory_space<vmem>>) target_semaphore(%arg30 : memref<!tpu.dma_semaphore, #tpu.memory_space<semaphore_mem>>)
    %add3A_20 = arith.constant 0 : i32
    %add3A_21 = arith.addi %mul3A_2, %add3A_20 : i32
    %multiple_of3A_22 = tpu.assume_multiple %add3A_21, 8 : i32
    %dma_start3A_23 = tpu.memref_slice %arg6[%multiple_of3A_22] : memref<320000xi32, #tpu.memory_space<hbm>> -> memref<40xi32, #tpu.memory_space<hbm>>
    %dma_start3A_24 = tpu.memref_slice %arg6[%multiple_of3A_22] : memref<320000xi32, #tpu.memory_space<hbm>> -> memref<40xi32, #tpu.memory_space<hbm>>
    tpu.enqueue_dma source(%dma_start3A_24 : memref<40xi32, #tpu.memory_space<hbm>>) target(%arg19 : memref<40xi32, #tpu.memory_space<vmem>>) target_semaphore(%arg32 : memref<!tpu.dma_semaphore, #tpu.memory_space<semaphore_mem>>)
    %scan3A = arith.constant 0 : i32
    %scan3A_25 = arith.constant 0 : i32
    %scan3A_26 = arith.constant 125 : i32
    %scan3A_27 = arith.addi %scan3A_25, %scan3A_26 : i32
    %scan3A_28 = arith.constant 1 : i32
    scf.for %scan3A_41 = %scan3A_25 to %scan3A_27 step %scan3A_28  : i32 {
      %mul3A_42 = arith.constant 2 : i32
      %mul3A_43 = arith.muli %mul3A_42, %scan3A_41 : i32
      %add3A_44 = arith.constant 1 : i32
      %add3A_45 = arith.addi %mul3A_43, %add3A_44 : i32
      %mul3A_46 = arith.constant 40 : i32
      %mul3A_47 = arith.muli %mul3A_43, %mul3A_46 : i32
      %add3A_48 = arith.addi %mul3A_2, %mul3A_47 : i32
      %multiple_of3A_49 = tpu.assume_multiple %add3A_48, 8 : i32
      %dma_wait3A_50 = tpu.memref_slice %arg4[%multiple_of3A_49] : memref<320000xi32, #tpu.memory_space<hbm>> -> memref<40xi32, #tpu.memory_space<hbm>>
      %dma_wait3A_51 = tpu.memref_slice %arg4[%multiple_of3A_49] : memref<320000xi32, #tpu.memory_space<hbm>> -> memref<40xi32, #tpu.memory_space<hbm>>
      tpu.wait_dma2 semaphore(%arg28 : memref<!tpu.dma_semaphore, #tpu.memory_space<semaphore_mem>>) src(%dma_wait3A_51 : memref<40xi32, #tpu.memory_space<hbm>>) dst(%arg15 : memref<40xi32, #tpu.memory_space<vmem>>)
      %mul3A_52 = arith.constant 40 : i32
      %mul3A_53 = arith.muli %mul3A_43, %mul3A_52 : i32
      %add3A_54 = arith.addi %mul3A_2, %mul3A_53 : i32
      %multiple_of3A_55 = tpu.assume_multiple %add3A_54, 8 : i32
      %dma_wait3A_56 = tpu.memref_slice %arg5[%multiple_of3A_55] : memref<320000xi32, #tpu.memory_space<hbm>> -> memref<40xi32, #tpu.memory_space<hbm>>
      %dma_wait3A_57 = tpu.memref_slice %arg5[%multiple_of3A_55] : memref<320000xi32, #tpu.memory_space<hbm>> -> memref<40xi32, #tpu.memory_space<hbm>>
      tpu.wait_dma2 semaphore(%arg30 : memref<!tpu.dma_semaphore, #tpu.memory_space<semaphore_mem>>) src(%dma_wait3A_57 : memref<40xi32, #tpu.memory_space<hbm>>) dst(%arg17 : memref<40xi32, #tpu.memory_space<vmem>>)
      %dma_start3A_58 = arith.constant 0 : i32
      %dma_start3A_59 = arith.constant 0 : i32
      %dma_start3A_60 = tpu.memref_slice %arg3[%dma_start3A_58, %dma_start3A_59] : memref<330000x128xf32, #tpu.memory_space<hbm>> -> memref<330000x128xf32, #tpu.memory_space<hbm>>
      tpu.enqueue_indirect_dma source(%dma_start3A_60 : memref<330000x128xf32, #tpu.memory_space<hbm>>) target(%arg11 : memref<40x128xf32, #tpu.memory_space<vmem>>) offsets(%arg15 : memref<40xi32, #tpu.memory_space<vmem>>) semaphore(%arg24 : memref<!tpu.dma_semaphore, #tpu.memory_space<semaphore_mem>>)
      %dma_start3A_61 = arith.constant 0 : i32
      %dma_start3A_62 = arith.constant 0 : i32
      %dma_start3A_63 = tpu.memref_slice %arg3[%dma_start3A_61, %dma_start3A_62] : memref<330000x128xf32, #tpu.memory_space<hbm>> -> memref<330000x128xf32, #tpu.memory_space<hbm>>
      tpu.enqueue_indirect_dma source(%dma_start3A_63 : memref<330000x128xf32, #tpu.memory_space<hbm>>) target(%arg13 : memref<40x128xf32, #tpu.memory_space<vmem>>) offsets(%arg17 : memref<40xi32, #tpu.memory_space<vmem>>) semaphore(%arg26 : memref<!tpu.dma_semaphore, #tpu.memory_space<semaphore_mem>>)
      %ge3A = arith.constant 1 : i32
      %ge3A_64 = arith.cmpi sge, %scan3A_41, %ge3A : i32
      %convert_element_type3A_65 = arith.extui %ge3A_64 : i1 to i32
      %cond3A_66 = arith.constant 0 : i32
      %cond3A_67 = arith.cmpi ne, %convert_element_type3A_65, %cond3A_66 : i32
      scf.if %cond3A_67 {
        %dma_wait3A_176 = arith.constant 0 : i32
        %dma_wait3A_177 = arith.constant 0 : i32
        %dma_wait3A_178 = tpu.memref_slice %arg21[%dma_wait3A_176, %dma_wait3A_177] : memref<10000x128xf32, #tpu.memory_space<vmem_shared>> -> memref<10000x128xf32, #tpu.memory_space<vmem_shared>>
        tpu.wait_indirect_dma semaphore(%arg37 : memref<!tpu.dma_semaphore, #tpu.memory_space<semaphore_mem>>) src(%arg10 : memref<40x128xf32, #tpu.memory_space<vmem>>) dst(%dma_wait3A_178 : memref<10000x128xf32, #tpu.memory_space<vmem_shared>>)
      } else {
      }
      %mul3A_68 = arith.constant 40 : i32
      %mul3A_69 = arith.muli %add3A_45, %mul3A_68 : i32
      %add3A_70 = arith.addi %mul3A_2, %mul3A_69 : i32
      %multiple_of3A_71 = tpu.assume_multiple %add3A_70, 8 : i32
      %dma_start3A_72 = arith.constant 0 : i32
      %dma_start3A_73 = tpu.memref_slice %arg2[%multiple_of3A_71, %dma_start3A_72] : memref<320000x128xf32, #tpu.memory_space<hbm>> -> memref<40x128xf32, #tpu.memory_space<hbm>>
      %dma_start3A_74 = arith.constant 0 : i32
      %dma_start3A_75 = tpu.memref_slice %arg2[%multiple_of3A_71, %dma_start3A_74] : memref<320000x128xf32, #tpu.memory_space<hbm>> -> memref<40x128xf32, #tpu.memory_space<hbm>>
      tpu.enqueue_dma source(%dma_start3A_75 : memref<40x128xf32, #tpu.memory_space<hbm>>) target(%arg10 : memref<40x128xf32, #tpu.memory_space<vmem>>) target_semaphore(%arg23 : memref<!tpu.dma_semaphore, #tpu.memory_space<semaphore_mem>>)
      %mul3A_76 = arith.constant 40 : i32
      %mul3A_77 = arith.muli %add3A_45, %mul3A_76 : i32
      %add3A_78 = arith.addi %mul3A_2, %mul3A_77 : i32
      %multiple_of3A_79 = tpu.assume_multiple %add3A_78, 8 : i32
      %dma_start3A_80 = tpu.memref_slice %arg4[%multiple_of3A_79] : memref<320000xi32, #tpu.memory_space<hbm>> -> memref<40xi32, #tpu.memory_space<hbm>>
      %dma_start3A_81 = tpu.memref_slice %arg4[%multiple_of3A_79] : memref<320000xi32, #tpu.memory_space<hbm>> -> memref<40xi32, #tpu.memory_space<hbm>>
      tpu.enqueue_dma source(%dma_start3A_81 : memref<40xi32, #tpu.memory_space<hbm>>) target(%arg16 : memref<40xi32, #tpu.memory_space<vmem>>) target_semaphore(%arg29 : memref<!tpu.dma_semaphore, #tpu.memory_space<semaphore_mem>>)
      %mul3A_82 = arith.constant 40 : i32
      %mul3A_83 = arith.muli %add3A_45, %mul3A_82 : i32
      %add3A_84 = arith.addi %mul3A_2, %mul3A_83 : i32
      %multiple_of3A_85 = tpu.assume_multiple %add3A_84, 8 : i32
      %dma_start3A_86 = tpu.memref_slice %arg5[%multiple_of3A_85] : memref<320000xi32, #tpu.memory_space<hbm>> -> memref<40xi32, #tpu.memory_space<hbm>>
      %dma_start3A_87 = tpu.memref_slice %arg5[%multiple_of3A_85] : memref<320000xi32, #tpu.memory_space<hbm>> -> memref<40xi32, #tpu.memory_space<hbm>>
      tpu.enqueue_dma source(%dma_start3A_87 : memref<40xi32, #tpu.memory_space<hbm>>) target(%arg18 : memref<40xi32, #tpu.memory_space<vmem>>) target_semaphore(%arg31 : memref<!tpu.dma_semaphore, #tpu.memory_space<semaphore_mem>>)
      %mul3A_88 = arith.constant 40 : i32
      %mul3A_89 = arith.muli %add3A_45, %mul3A_88 : i32
      %add3A_90 = arith.addi %mul3A_2, %mul3A_89 : i32
      %multiple_of3A_91 = tpu.assume_multiple %add3A_90, 8 : i32
      %dma_start3A_92 = tpu.memref_slice %arg6[%multiple_of3A_91] : memref<320000xi32, #tpu.memory_space<hbm>> -> memref<40xi32, #tpu.memory_space<hbm>>
      %dma_start3A_93 = tpu.memref_slice %arg6[%multiple_of3A_91] : memref<320000xi32, #tpu.memory_space<hbm>> -> memref<40xi32, #tpu.memory_space<hbm>>
      tpu.enqueue_dma source(%dma_start3A_93 : memref<40xi32, #tpu.memory_space<hbm>>) target(%arg20 : memref<40xi32, #tpu.memory_space<vmem>>) target_semaphore(%arg33 : memref<!tpu.dma_semaphore, #tpu.memory_space<semaphore_mem>>)
      %mul3A_94 = arith.constant 40 : i32
      %mul3A_95 = arith.muli %mul3A_43, %mul3A_94 : i32
      %add3A_96 = arith.addi %mul3A_2, %mul3A_95 : i32
      %multiple_of3A_97 = tpu.assume_multiple %add3A_96, 8 : i32
      %dma_wait3A_98 = arith.constant 0 : i32
      %dma_wait3A_99 = tpu.memref_slice %arg2[%multiple_of3A_97, %dma_wait3A_98] : memref<320000x128xf32, #tpu.memory_space<hbm>> -> memref<40x128xf32, #tpu.memory_space<hbm>>
      %dma_wait3A_100 = arith.constant 0 : i32
      %dma_wait3A_101 = tpu.memref_slice %arg2[%multiple_of3A_97, %dma_wait3A_100] : memref<320000x128xf32, #tpu.memory_space<hbm>> -> memref<40x128xf32, #tpu.memory_space<hbm>>
      tpu.wait_dma2 semaphore(%arg22 : memref<!tpu.dma_semaphore, #tpu.memory_space<semaphore_mem>>) src(%dma_wait3A_101 : memref<40x128xf32, #tpu.memory_space<hbm>>) dst(%arg9 : memref<40x128xf32, #tpu.memory_space<vmem>>)
      %dma_wait3A_102 = arith.constant 0 : i32
      %dma_wait3A_103 = arith.constant 0 : i32
      %dma_wait3A_104 = tpu.memref_slice %arg3[%dma_wait3A_102, %dma_wait3A_103] : memref<330000x128xf32, #tpu.memory_space<hbm>> -> memref<330000x128xf32, #tpu.memory_space<hbm>>
      tpu.wait_indirect_dma semaphore(%arg24 : memref<!tpu.dma_semaphore, #tpu.memory_space<semaphore_mem>>) src(%dma_wait3A_104 : memref<330000x128xf32, #tpu.memory_space<hbm>>) dst(%arg11 : memref<40x128xf32, #tpu.memory_space<vmem>>)
      %dma_wait3A_105 = arith.constant 0 : i32
      %dma_wait3A_106 = arith.constant 0 : i32
      %dma_wait3A_107 = tpu.memref_slice %arg3[%dma_wait3A_105, %dma_wait3A_106] : memref<330000x128xf32, #tpu.memory_space<hbm>> -> memref<330000x128xf32, #tpu.memory_space<hbm>>
      tpu.wait_indirect_dma semaphore(%arg26 : memref<!tpu.dma_semaphore, #tpu.memory_space<semaphore_mem>>) src(%dma_wait3A_107 : memref<330000x128xf32, #tpu.memory_space<hbm>>) dst(%arg13 : memref<40x128xf32, #tpu.memory_space<vmem>>)
      %scan3A_108 = arith.constant 0 : i32
      %scan3A_109 = arith.constant 0 : i32
      %scan3A_110 = arith.constant 40 : i32
      %scan3A_111 = arith.addi %scan3A_109, %scan3A_110 : i32
      %scan3A_112 = arith.constant 1 : i32
      scf.for %scan3A_176 = %scan3A_109 to %scan3A_111 step %scan3A_112  : i32 {
        %get3A = arith.index_cast %scan3A_176 : i32 to index
        %get3A_177 = arith.constant 0 : index
        %get3A_178 = tpu.vector_load %arg9[%get3A, %get3A_177] {strides = array<i32>} : memref<40x128xf32, #tpu.memory_space<vmem>>, vector<1x16xf32>,
        %get3A_179 = vector.shape_cast %get3A_178 : vector<1x16xf32> to vector<16xf32>
        %get3A_180 = arith.index_cast %scan3A_176 : i32 to index
        %get3A_181 = arith.constant 0 : index
        %get3A_182 = tpu.vector_load %arg13[%get3A_180, %get3A_181] {strides = array<i32>} : memref<40x128xf32, #tpu.memory_space<vmem>>, vector<1x16xf32>,
        %get3A_183 = vector.shape_cast %get3A_182 : vector<1x16xf32> to vector<16xf32>
        %add3A_184 = arith.addf %get3A_179, %get3A_183 : vector<16xf32>
        %get3A_185 = arith.index_cast %scan3A_176 : i32 to index
        %get3A_186 = arith.constant 0 : index
        %get3A_187 = tpu.vector_load %arg11[%get3A_185, %get3A_186] {strides = array<i32>} : memref<40x128xf32, #tpu.memory_space<vmem>>, vector<1x16xf32>,
        %get3A_188 = vector.shape_cast %get3A_187 : vector<1x16xf32> to vector<16xf32>
        %sub3A = arith.subf %add3A_184, %get3A_188 : vector<16xf32>
        %max3A = arith.constant 0.000000e+00 : f32
        %max3A_189 = vector.broadcast %max3A : f32 to vector<16xf32>
        %max3A_190 = arith.maximumf %sub3A, %max3A_189 : vector<16xf32>
        %swap3A = arith.index_cast %scan3A_176 : i32 to index
        %swap3A_191 = arith.constant 0 : index
        %swap3A_192 = tpu.vector_load %arg9[%swap3A, %swap3A_191] {strides = array<i32>} : memref<40x128xf32, #tpu.memory_space<vmem>>, vector<1x16xf32>,
        %swap3A_193 = vector.shape_cast %swap3A_192 : vector<1x16xf32> to vector<16xf32>
        %swap3A_194 = vector.shape_cast %max3A_190 : vector<16xf32> to vector<1x16xf32>
        tpu.vector_store %arg9[%swap3A, %swap3A_191], %swap3A_194 {strides = array<i32>} : memref<40x128xf32, #tpu.memory_space<vmem>>, vector<1x16xf32>,
        %get3A_195 = arith.index_cast %scan3A_176 : i32 to index
        %get3A_196 = arith.constant 16 : index
        %get3A_197 = tpu.vector_load %arg9[%get3A_195, %get3A_196] {strides = array<i32>} : memref<40x128xf32, #tpu.memory_space<vmem>>, vector<1x16xf32>,
        %get3A_198 = vector.shape_cast %get3A_197 : vector<1x16xf32> to vector<16xf32>
        %get3A_199 = arith.index_cast %scan3A_176 : i32 to index
        %get3A_200 = arith.constant 16 : index
        %get3A_201 = tpu.vector_load %arg13[%get3A_199, %get3A_200] {strides = array<i32>} : memref<40x128xf32, #tpu.memory_space<vmem>>, vector<1x16xf32>,
        %get3A_202 = vector.shape_cast %get3A_201 : vector<1x16xf32> to vector<16xf32>
        %add3A_203 = arith.addf %get3A_198, %get3A_202 : vector<16xf32>
        %get3A_204 = arith.index_cast %scan3A_176 : i32 to index
        %get3A_205 = arith.constant 16 : index
        %get3A_206 = tpu.vector_load %arg11[%get3A_204, %get3A_205] {strides = array<i32>} : memref<40x128xf32, #tpu.memory_space<vmem>>, vector<1x16xf32>,
        %get3A_207 = vector.shape_cast %get3A_206 : vector<1x16xf32> to vector<16xf32>
        %sub3A_208 = arith.subf %add3A_203, %get3A_207 : vector<16xf32>
        %max3A_209 = arith.constant 0.000000e+00 : f32
        %max3A_210 = vector.broadcast %max3A_209 : f32 to vector<16xf32>
        %max3A_211 = arith.maximumf %sub3A_208, %max3A_210 : vector<16xf32>
        %swap3A_212 = arith.index_cast %scan3A_176 : i32 to index
        %swap3A_213 = arith.constant 16 : index
        %swap3A_214 = tpu.vector_load %arg9[%swap3A_212, %swap3A_213] {strides = array<i32>} : memref<40x128xf32, #tpu.memory_space<vmem>>, vector<1x16xf32>,
        %swap3A_215 = vector.shape_cast %swap3A_214 : vector<1x16xf32> to vector<16xf32>
        %swap3A_216 = vector.shape_cast %max3A_211 : vector<16xf32> to vector<1x16xf32>
        tpu.vector_store %arg9[%swap3A_212, %swap3A_213], %swap3A_216 {strides = array<i32>} : memref<40x128xf32, #tpu.memory_space<vmem>>, vector<1x16xf32>,
        %get3A_217 = arith.index_cast %scan3A_176 : i32 to index
        %get3A_218 = arith.constant 32 : index
        %get3A_219 = tpu.vector_load %arg9[%get3A_217, %get3A_218] {strides = array<i32>} : memref<40x128xf32, #tpu.memory_space<vmem>>, vector<1x16xf32>,
        %get3A_220 = vector.shape_cast %get3A_219 : vector<1x16xf32> to vector<16xf32>
        %get3A_221 = arith.index_cast %scan3A_176 : i32 to index
        %get3A_222 = arith.constant 32 : index
        %get3A_223 = tpu.vector_load %arg13[%get3A_221, %get3A_222] {strides = array<i32>} : memref<40x128xf32, #tpu.memory_space<vmem>>, vector<1x16xf32>,
        %get3A_224 = vector.shape_cast %get3A_223 : vector<1x16xf32> to vector<16xf32>
        %add3A_225 = arith.addf %get3A_220, %get3A_224 : vector<16xf32>
        %get3A_226 = arith.index_cast %scan3A_176 : i32 to index
        %get3A_227 = arith.constant 32 : index
        %get3A_228 = tpu.vector_load %arg11[%get3A_226, %get3A_227] {strides = array<i32>} : memref<40x128xf32, #tpu.memory_space<vmem>>, vector<1x16xf32>,
        %get3A_229 = vector.shape_cast %get3A_228 : vector<1x16xf32> to vector<16xf32>
        %sub3A_230 = arith.subf %add3A_225, %get3A_229 : vector<16xf32>
        %max3A_231 = arith.constant 0.000000e+00 : f32
        %max3A_232 = vector.broadcast %max3A_231 : f32 to vector<16xf32>
        %max3A_233 = arith.maximumf %sub3A_230, %max3A_232 : vector<16xf32>
        %swap3A_234 = arith.index_cast %scan3A_176 : i32 to index
        %swap3A_235 = arith.constant 32 : index
        %swap3A_236 = tpu.vector_load %arg9[%swap3A_234, %swap3A_235] {strides = array<i32>} : memref<40x128xf32, #tpu.memory_space<vmem>>, vector<1x16xf32>,
        %swap3A_237 = vector.shape_cast %swap3A_236 : vector<1x16xf32> to vector<16xf32>
        %swap3A_238 = vector.shape_cast %max3A_233 : vector<16xf32> to vector<1x16xf32>
        tpu.vector_store %arg9[%swap3A_234, %swap3A_235], %swap3A_238 {strides = array<i32>} : memref<40x128xf32, #tpu.memory_space<vmem>>, vector<1x16xf32>,
        %get3A_239 = arith.index_cast %scan3A_176 : i32 to index
        %get3A_240 = arith.constant 48 : index
        %get3A_241 = tpu.vector_load %arg9[%get3A_239, %get3A_240] {strides = array<i32>} : memref<40x128xf32, #tpu.memory_space<vmem>>, vector<1x16xf32>,
        %get3A_242 = vector.shape_cast %get3A_241 : vector<1x16xf32> to vector<16xf32>
        %get3A_243 = arith.index_cast %scan3A_176 : i32 to index
        %get3A_244 = arith.constant 48 : index
        %get3A_245 = tpu.vector_load %arg13[%get3A_243, %get3A_244] {strides = array<i32>} : memref<40x128xf32, #tpu.memory_space<vmem>>, vector<1x16xf32>,
        %get3A_246 = vector.shape_cast %get3A_245 : vector<1x16xf32> to vector<16xf32>
        %add3A_247 = arith.addf %get3A_242, %get3A_246 : vector<16xf32>
        %get3A_248 = arith.index_cast %scan3A_176 : i32 to index
        %get3A_249 = arith.constant 48 : index
        %get3A_250 = tpu.vector_load %arg11[%get3A_248, %get3A_249] {strides = array<i32>} : memref<40x128xf32, #tpu.memory_space<vmem>>, vector<1x16xf32>,
        %get3A_251 = vector.shape_cast %get3A_250 : vector<1x16xf32> to vector<16xf32>
        %sub3A_252 = arith.subf %add3A_247, %get3A_251 : vector<16xf32>
        %max3A_253 = arith.constant 0.000000e+00 : f32
        %max3A_254 = vector.broadcast %max3A_253 : f32 to vector<16xf32>
        %max3A_255 = arith.maximumf %sub3A_252, %max3A_254 : vector<16xf32>
        %swap3A_256 = arith.index_cast %scan3A_176 : i32 to index
        %swap3A_257 = arith.constant 48 : index
        %swap3A_258 = tpu.vector_load %arg9[%swap3A_256, %swap3A_257] {strides = array<i32>} : memref<40x128xf32, #tpu.memory_space<vmem>>, vector<1x16xf32>,
        %swap3A_259 = vector.shape_cast %swap3A_258 : vector<1x16xf32> to vector<16xf32>
        %swap3A_260 = vector.shape_cast %max3A_255 : vector<16xf32> to vector<1x16xf32>
        tpu.vector_store %arg9[%swap3A_256, %swap3A_257], %swap3A_260 {strides = array<i32>} : memref<40x128xf32, #tpu.memory_space<vmem>>, vector<1x16xf32>,
        %get3A_261 = arith.index_cast %scan3A_176 : i32 to index
        %get3A_262 = arith.constant 64 : index
        %get3A_263 = tpu.vector_load %arg9[%get3A_261, %get3A_262] {strides = array<i32>} : memref<40x128xf32, #tpu.memory_space<vmem>>, vector<1x16xf32>,
        %get3A_264 = vector.shape_cast %get3A_263 : vector<1x16xf32> to vector<16xf32>
        %get3A_265 = arith.index_cast %scan3A_176 : i32 to index
        %get3A_266 = arith.constant 64 : index
        %get3A_267 = tpu.vector_load %arg13[%get3A_265, %get3A_266] {strides = array<i32>} : memref<40x128xf32, #tpu.memory_space<vmem>>, vector<1x16xf32>,
        %get3A_268 = vector.shape_cast %get3A_267 : vector<1x16xf32> to vector<16xf32>
        %add3A_269 = arith.addf %get3A_264, %get3A_268 : vector<16xf32>
        %get3A_270 = arith.index_cast %scan3A_176 : i32 to index
        %get3A_271 = arith.constant 64 : index
        %get3A_272 = tpu.vector_load %arg11[%get3A_270, %get3A_271] {strides = array<i32>} : memref<40x128xf32, #tpu.memory_space<vmem>>, vector<1x16xf32>,
        %get3A_273 = vector.shape_cast %get3A_272 : vector<1x16xf32> to vector<16xf32>
        %sub3A_274 = arith.subf %add3A_269, %get3A_273 : vector<16xf32>
        %max3A_275 = arith.constant 0.000000e+00 : f32
        %max3A_276 = vector.broadcast %max3A_275 : f32 to vector<16xf32>
        %max3A_277 = arith.maximumf %sub3A_274, %max3A_276 : vector<16xf32>
        %swap3A_278 = arith.index_cast %scan3A_176 : i32 to index
        %swap3A_279 = arith.constant 64 : index
        %swap3A_280 = tpu.vector_load %arg9[%swap3A_278, %swap3A_279] {strides = array<i32>} : memref<40x128xf32, #tpu.memory_space<vmem>>, vector<1x16xf32>,
        %swap3A_281 = vector.shape_cast %swap3A_280 : vector<1x16xf32> to vector<16xf32>
        %swap3A_282 = vector.shape_cast %max3A_277 : vector<16xf32> to vector<1x16xf32>
        tpu.vector_store %arg9[%swap3A_278, %swap3A_279], %swap3A_282 {strides = array<i32>} : memref<40x128xf32, #tpu.memory_space<vmem>>, vector<1x16xf32>,
        %get3A_283 = arith.index_cast %scan3A_176 : i32 to index
        %get3A_284 = arith.constant 80 : index
        %get3A_285 = tpu.vector_load %arg9[%get3A_283, %get3A_284] {strides = array<i32>} : memref<40x128xf32, #tpu.memory_space<vmem>>, vector<1x16xf32>,
        %get3A_286 = vector.shape_cast %get3A_285 : vector<1x16xf32> to vector<16xf32>
        %get3A_287 = arith.index_cast %scan3A_176 : i32 to index
        %get3A_288 = arith.constant 80 : index
        %get3A_289 = tpu.vector_load %arg13[%get3A_287, %get3A_288] {strides = array<i32>} : memref<40x128xf32, #tpu.memory_space<vmem>>, vector<1x16xf32>,
        %get3A_290 = vector.shape_cast %get3A_289 : vector<1x16xf32> to vector<16xf32>
        %add3A_291 = arith.addf %get3A_286, %get3A_290 : vector<16xf32>
        %get3A_292 = arith.index_cast %scan3A_176 : i32 to index
        %get3A_293 = arith.constant 80 : index
        %get3A_294 = tpu.vector_load %arg11[%get3A_292, %get3A_293] {strides = array<i32>} : memref<40x128xf32, #tpu.memory_space<vmem>>, vector<1x16xf32>,
        %get3A_295 = vector.shape_cast %get3A_294 : vector<1x16xf32> to vector<16xf32>
        %sub3A_296 = arith.subf %add3A_291, %get3A_295 : vector<16xf32>
        %max3A_297 = arith.constant 0.000000e+00 : f32
        %max3A_298 = vector.broadcast %max3A_297 : f32 to vector<16xf32>
        %max3A_299 = arith.maximumf %sub3A_296, %max3A_298 : vector<16xf32>
        %swap3A_300 = arith.index_cast %scan3A_176 : i32 to index
        %swap3A_301 = arith.constant 80 : index
        %swap3A_302 = tpu.vector_load %arg9[%swap3A_300, %swap3A_301] {strides = array<i32>} : memref<40x128xf32, #tpu.memory_space<vmem>>, vector<1x16xf32>,
        %swap3A_303 = vector.shape_cast %swap3A_302 : vector<1x16xf32> to vector<16xf32>
        %swap3A_304 = vector.shape_cast %max3A_299 : vector<16xf32> to vector<1x16xf32>
        tpu.vector_store %arg9[%swap3A_300, %swap3A_301], %swap3A_304 {strides = array<i32>} : memref<40x128xf32, #tpu.memory_space<vmem>>, vector<1x16xf32>,
        %get3A_305 = arith.index_cast %scan3A_176 : i32 to index
        %get3A_306 = arith.constant 96 : index
        %get3A_307 = tpu.vector_load %arg9[%get3A_305, %get3A_306] {strides = array<i32>} : memref<40x128xf32, #tpu.memory_space<vmem>>, vector<1x16xf32>,
        %get3A_308 = vector.shape_cast %get3A_307 : vector<1x16xf32> to vector<16xf32>
        %get3A_309 = arith.index_cast %scan3A_176 : i32 to index
        %get3A_310 = arith.constant 96 : index
        %get3A_311 = tpu.vector_load %arg13[%get3A_309, %get3A_310] {strides = array<i32>} : memref<40x128xf32, #tpu.memory_space<vmem>>, vector<1x16xf32>,
        %get3A_312 = vector.shape_cast %get3A_311 : vector<1x16xf32> to vector<16xf32>
        %add3A_313 = arith.addf %get3A_308, %get3A_312 : vector<16xf32>
        %get3A_314 = arith.index_cast %scan3A_176 : i32 to index
        %get3A_315 = arith.constant 96 : index
        %get3A_316 = tpu.vector_load %arg11[%get3A_314, %get3A_315] {strides = array<i32>} : memref<40x128xf32, #tpu.memory_space<vmem>>, vector<1x16xf32>,
        %get3A_317 = vector.shape_cast %get3A_316 : vector<1x16xf32> to vector<16xf32>
        %sub3A_318 = arith.subf %add3A_313, %get3A_317 : vector<16xf32>
        %max3A_319 = arith.constant 0.000000e+00 : f32
        %max3A_320 = vector.broadcast %max3A_319 : f32 to vector<16xf32>
        %max3A_321 = arith.maximumf %sub3A_318, %max3A_320 : vector<16xf32>
        %swap3A_322 = arith.index_cast %scan3A_176 : i32 to index
        %swap3A_323 = arith.constant 96 : index
        %swap3A_324 = tpu.vector_load %arg9[%swap3A_322, %swap3A_323] {strides = array<i32>} : memref<40x128xf32, #tpu.memory_space<vmem>>, vector<1x16xf32>,
        %swap3A_325 = vector.shape_cast %swap3A_324 : vector<1x16xf32> to vector<16xf32>
        %swap3A_326 = vector.shape_cast %max3A_321 : vector<16xf32> to vector<1x16xf32>
        tpu.vector_store %arg9[%swap3A_322, %swap3A_323], %swap3A_326 {strides = array<i32>} : memref<40x128xf32, #tpu.memory_space<vmem>>, vector<1x16xf32>,
        %get3A_327 = arith.index_cast %scan3A_176 : i32 to index
        %get3A_328 = arith.constant 112 : index
        %get3A_329 = tpu.vector_load %arg9[%get3A_327, %get3A_328] {strides = array<i32>} : memref<40x128xf32, #tpu.memory_space<vmem>>, vector<1x16xf32>,
        %get3A_330 = vector.shape_cast %get3A_329 : vector<1x16xf32> to vector<16xf32>
        %get3A_331 = arith.index_cast %scan3A_176 : i32 to index
        %get3A_332 = arith.constant 112 : index
        %get3A_333 = tpu.vector_load %arg13[%get3A_331, %get3A_332] {strides = array<i32>} : memref<40x128xf32, #tpu.memory_space<vmem>>, vector<1x16xf32>,
        %get3A_334 = vector.shape_cast %get3A_333 : vector<1x16xf32> to vector<16xf32>
        %add3A_335 = arith.addf %get3A_330, %get3A_334 : vector<16xf32>
        %get3A_336 = arith.index_cast %scan3A_176 : i32 to index
        %get3A_337 = arith.constant 112 : index
        %get3A_338 = tpu.vector_load %arg11[%get3A_336, %get3A_337] {strides = array<i32>} : memref<40x128xf32, #tpu.memory_space<vmem>>, vector<1x16xf32>,
        %get3A_339 = vector.shape_cast %get3A_338 : vector<1x16xf32> to vector<16xf32>
        %sub3A_340 = arith.subf %add3A_335, %get3A_339 : vector<16xf32>
        %max3A_341 = arith.constant 0.000000e+00 : f32
        %max3A_342 = vector.broadcast %max3A_341 : f32 to vector<16xf32>
        %max3A_343 = arith.maximumf %sub3A_340, %max3A_342 : vector<16xf32>
        %swap3A_344 = arith.index_cast %scan3A_176 : i32 to index
        %swap3A_345 = arith.constant 112 : index
        %swap3A_346 = tpu.vector_load %arg9[%swap3A_344, %swap3A_345] {strides = array<i32>} : memref<40x128xf32, #tpu.memory_space<vmem>>, vector<1x16xf32>,
        %swap3A_347 = vector.shape_cast %swap3A_346 : vector<1x16xf32> to vector<16xf32>
        %swap3A_348 = vector.shape_cast %max3A_343 : vector<16xf32> to vector<1x16xf32>
        tpu.vector_store %arg9[%swap3A_344, %swap3A_345], %swap3A_348 {strides = array<i32>} : memref<40x128xf32, #tpu.memory_space<vmem>>, vector<1x16xf32>,
      }
      %scan3A_113 = arith.constant 40 : i32
      %mul3A_114 = arith.constant 40 : i32
      %mul3A_115 = arith.muli %mul3A_43, %mul3A_114 : i32
      %add3A_116 = arith.addi %mul3A_2, %mul3A_115 : i32
      %multiple_of3A_117 = tpu.assume_multiple %add3A_116, 8 : i32
      %dma_wait3A_118 = tpu.memref_slice %arg6[%multiple_of3A_117] : memref<320000xi32, #tpu.memory_space<hbm>> -> memref<40xi32, #tpu.memory_space<hbm>>
      %dma_wait3A_119 = tpu.memref_slice %arg6[%multiple_of3A_117] : memref<320000xi32, #tpu.memory_space<hbm>> -> memref<40xi32, #tpu.memory_space<hbm>>
      tpu.wait_dma2 semaphore(%arg32 : memref<!tpu.dma_semaphore, #tpu.memory_space<semaphore_mem>>) src(%dma_wait3A_119 : memref<40xi32, #tpu.memory_space<hbm>>) dst(%arg19 : memref<40xi32, #tpu.memory_space<vmem>>)
      %dma_start3A_120 = arith.constant 0 : i32
      %dma_start3A_121 = arith.constant 0 : i32
      %dma_start3A_122 = tpu.memref_slice %arg21[%dma_start3A_120, %dma_start3A_121] : memref<10000x128xf32, #tpu.memory_space<vmem_shared>> -> memref<10000x128xf32, #tpu.memory_space<vmem_shared>>
      tpu.enqueue_indirect_dma source(%arg9 : memref<40x128xf32, #tpu.memory_space<vmem>>) target(%dma_start3A_122 : memref<10000x128xf32, #tpu.memory_space<vmem_shared>>) offsets(%arg19 : memref<40xi32, #tpu.memory_space<vmem>>) semaphore(%arg36 : memref<!tpu.dma_semaphore, #tpu.memory_space<semaphore_mem>>) {add = true}
      %mul3A_123 = arith.constant 40 : i32
      %mul3A_124 = arith.muli %add3A_45, %mul3A_123 : i32
      %add3A_125 = arith.addi %mul3A_2, %mul3A_124 : i32
      %multiple_of3A_126 = tpu.assume_multiple %add3A_125, 8 : i32
      %dma_wait3A_127 = tpu.memref_slice %arg4[%multiple_of3A_126] : memref<320000xi32, #tpu.memory_space<hbm>> -> memref<40xi32, #tpu.memory_space<hbm>>
      %dma_wait3A_128 = tpu.memref_slice %arg4[%multiple_of3A_126] : memref<320000xi32, #tpu.memory_space<hbm>> -> memref<40xi32, #tpu.memory_space<hbm>>
      tpu.wait_dma2 semaphore(%arg29 : memref<!tpu.dma_semaphore, #tpu.memory_space<semaphore_mem>>) src(%dma_wait3A_128 : memref<40xi32, #tpu.memory_space<hbm>>) dst(%arg16 : memref<40xi32, #tpu.memory_space<vmem>>)
      %mul3A_129 = arith.constant 40 : i32
      %mul3A_130 = arith.muli %add3A_45, %mul3A_129 : i32
      %add3A_131 = arith.addi %mul3A_2, %mul3A_130 : i32
      %multiple_of3A_132 = tpu.assume_multiple %add3A_131, 8 : i32
      %dma_wait3A_133 = tpu.memref_slice %arg5[%multiple_of3A_132] : memref<320000xi32, #tpu.memory_space<hbm>> -> memref<40xi32, #tpu.memory_space<hbm>>
      %dma_wait3A_134 = tpu.memref_slice %arg5[%multiple_of3A_132] : memref<320000xi32, #tpu.memory_space<hbm>> -> memref<40xi32, #tpu.memory_space<hbm>>
      tpu.wait_dma2 semaphore(%arg31 : memref<!tpu.dma_semaphore, #tpu.memory_space<semaphore_mem>>) src(%dma_wait3A_134 : memref<40xi32, #tpu.memory_space<hbm>>) dst(%arg18 : memref<40xi32, #tpu.memory_space<vmem>>)
      %dma_start3A_135 = arith.constant 0 : i32
      %dma_start3A_136 = arith.constant 0 : i32
      %dma_start3A_137 = tpu.memref_slice %arg3[%dma_start3A_135, %dma_start3A_136] : memref<330000x128xf32, #tpu.memory_space<hbm>> -> memref<330000x128xf32, #tpu.memory_space<hbm>>
      tpu.enqueue_indirect_dma source(%dma_start3A_137 : memref<330000x128xf32, #tpu.memory_space<hbm>>) target(%arg12 : memref<40x128xf32, #tpu.memory_space<vmem>>) offsets(%arg16 : memref<40xi32, #tpu.memory_space<vmem>>) semaphore(%arg25 : memref<!tpu.dma_semaphore, #tpu.memory_space<semaphore_mem>>)
      %dma_start3A_138 = arith.constant 0 : i32
      %dma_start3A_139 = arith.constant 0 : i32
      %dma_start3A_140 = tpu.memref_slice %arg3[%dma_start3A_138, %dma_start3A_139] : memref<330000x128xf32, #tpu.memory_space<hbm>> -> memref<330000x128xf32, #tpu.memory_space<hbm>>
      tpu.enqueue_indirect_dma source(%dma_start3A_140 : memref<330000x128xf32, #tpu.memory_space<hbm>>) target(%arg14 : memref<40x128xf32, #tpu.memory_space<vmem>>) offsets(%arg18 : memref<40xi32, #tpu.memory_space<vmem>>) semaphore(%arg27 : memref<!tpu.dma_semaphore, #tpu.memory_space<semaphore_mem>>)
      %mul3A_141 = arith.constant 40 : i32
      %mul3A_142 = arith.muli %add3A_45, %mul3A_141 : i32
      %add3A_143 = arith.addi %mul3A_2, %mul3A_142 : i32
      %multiple_of3A_144 = tpu.assume_multiple %add3A_143, 8 : i32
      %dma_wait3A_145 = arith.constant 0 : i32
      %dma_wait3A_146 = tpu.memref_slice %arg2[%multiple_of3A_144, %dma_wait3A_145] : memref<320000x128xf32, #tpu.memory_space<hbm>> -> memref<40x128xf32, #tpu.memory_space<hbm>>
      %dma_wait3A_147 = arith.constant 0 : i32
      %dma_wait3A_148 = tpu.memref_slice %arg2[%multiple_of3A_144, %dma_wait3A_147] : memref<320000x128xf32, #tpu.memory_space<hbm>> -> memref<40x128xf32, #tpu.memory_space<hbm>>
      tpu.wait_dma2 semaphore(%arg23 : memref<!tpu.dma_semaphore, #tpu.memory_space<semaphore_mem>>) src(%dma_wait3A_148 : memref<40x128xf32, #tpu.memory_space<hbm>>) dst(%arg10 : memref<40x128xf32, #tpu.memory_space<vmem>>)
      %dma_wait3A_149 = arith.constant 0 : i32
      %dma_wait3A_150 = arith.constant 0 : i32
      %dma_wait3A_151 = tpu.memref_slice %arg3[%dma_wait3A_149, %dma_wait3A_150] : memref<330000x128xf32, #tpu.memory_space<hbm>> -> memref<330000x128xf32, #tpu.memory_space<hbm>>
      tpu.wait_indirect_dma semaphore(%arg25 : memref<!tpu.dma_semaphore, #tpu.memory_space<semaphore_mem>>) src(%dma_wait3A_151 : memref<330000x128xf32, #tpu.memory_space<hbm>>) dst(%arg12 : memref<40x128xf32, #tpu.memory_space<vmem>>)
      %dma_wait3A_152 = arith.constant 0 : i32
      %dma_wait3A_153 = arith.constant 0 : i32
      %dma_wait3A_154 = tpu.memref_slice %arg3[%dma_wait3A_152, %dma_wait3A_153] : memref<330000x128xf32, #tpu.memory_space<hbm>> -> memref<330000x128xf32, #tpu.memory_space<hbm>>
      tpu.wait_indirect_dma semaphore(%arg27 : memref<!tpu.dma_semaphore, #tpu.memory_space<semaphore_mem>>) src(%dma_wait3A_154 : memref<330000x128xf32, #tpu.memory_space<hbm>>) dst(%arg14 : memref<40x128xf32, #tpu.memory_space<vmem>>)
      %scan3A_155 = arith.constant 0 : i32
      %scan3A_156 = arith.constant 0 : i32
      %scan3A_157 = arith.constant 40 : i32
      %scan3A_158 = arith.addi %scan3A_156, %scan3A_157 : i32
      %scan3A_159 = arith.constant 1 : i32
      scf.for %scan3A_176 = %scan3A_156 to %scan3A_158 step %scan3A_159  : i32 {
        %get3A = arith.index_cast %scan3A_176 : i32 to index
        %get3A_177 = arith.constant 0 : index
        %get3A_178 = tpu.vector_load %arg10[%get3A, %get3A_177] {strides = array<i32>} : memref<40x128xf32, #tpu.memory_space<vmem>>, vector<1x16xf32>,
        %get3A_179 = vector.shape_cast %get3A_178 : vector<1x16xf32> to vector<16xf32>
        %get3A_180 = arith.index_cast %scan3A_176 : i32 to index
        %get3A_181 = arith.constant 0 : index
        %get3A_182 = tpu.vector_load %arg14[%get3A_180, %get3A_181] {strides = array<i32>} : memref<40x128xf32, #tpu.memory_space<vmem>>, vector<1x16xf32>,
        %get3A_183 = vector.shape_cast %get3A_182 : vector<1x16xf32> to vector<16xf32>
        %add3A_184 = arith.addf %get3A_179, %get3A_183 : vector<16xf32>
        %get3A_185 = arith.index_cast %scan3A_176 : i32 to index
        %get3A_186 = arith.constant 0 : index
        %get3A_187 = tpu.vector_load %arg12[%get3A_185, %get3A_186] {strides = array<i32>} : memref<40x128xf32, #tpu.memory_space<vmem>>, vector<1x16xf32>,
        %get3A_188 = vector.shape_cast %get3A_187 : vector<1x16xf32> to vector<16xf32>
        %sub3A = arith.subf %add3A_184, %get3A_188 : vector<16xf32>
        %max3A = arith.constant 0.000000e+00 : f32
        %max3A_189 = vector.broadcast %max3A : f32 to vector<16xf32>
        %max3A_190 = arith.maximumf %sub3A, %max3A_189 : vector<16xf32>
        %swap3A = arith.index_cast %scan3A_176 : i32 to index
        %swap3A_191 = arith.constant 0 : index
        %swap3A_192 = tpu.vector_load %arg10[%swap3A, %swap3A_191] {strides = array<i32>} : memref<40x128xf32, #tpu.memory_space<vmem>>, vector<1x16xf32>,
        %swap3A_193 = vector.shape_cast %swap3A_192 : vector<1x16xf32> to vector<16xf32>
        %swap3A_194 = vector.shape_cast %max3A_190 : vector<16xf32> to vector<1x16xf32>
        tpu.vector_store %arg10[%swap3A, %swap3A_191], %swap3A_194 {strides = array<i32>} : memref<40x128xf32, #tpu.memory_space<vmem>>, vector<1x16xf32>,
        %get3A_195 = arith.index_cast %scan3A_176 : i32 to index
        %get3A_196 = arith.constant 16 : index
        %get3A_197 = tpu.vector_load %arg10[%get3A_195, %get3A_196] {strides = array<i32>} : memref<40x128xf32, #tpu.memory_space<vmem>>, vector<1x16xf32>,
        %get3A_198 = vector.shape_cast %get3A_197 : vector<1x16xf32> to vector<16xf32>
        %get3A_199 = arith.index_cast %scan3A_176 : i32 to index
        %get3A_200 = arith.constant 16 : index
        %get3A_201 = tpu.vector_load %arg14[%get3A_199, %get3A_200] {strides = array<i32>} : memref<40x128xf32, #tpu.memory_space<vmem>>, vector<1x16xf32>,
        %get3A_202 = vector.shape_cast %get3A_201 : vector<1x16xf32> to vector<16xf32>
        %add3A_203 = arith.addf %get3A_198, %get3A_202 : vector<16xf32>
        %get3A_204 = arith.index_cast %scan3A_176 : i32 to index
        %get3A_205 = arith.constant 16 : index
        %get3A_206 = tpu.vector_load %arg12[%get3A_204, %get3A_205] {strides = array<i32>} : memref<40x128xf32, #tpu.memory_space<vmem>>, vector<1x16xf32>,
        %get3A_207 = vector.shape_cast %get3A_206 : vector<1x16xf32> to vector<16xf32>
        %sub3A_208 = arith.subf %add3A_203, %get3A_207 : vector<16xf32>
        %max3A_209 = arith.constant 0.000000e+00 : f32
        %max3A_210 = vector.broadcast %max3A_209 : f32 to vector<16xf32>
        %max3A_211 = arith.maximumf %sub3A_208, %max3A_210 : vector<16xf32>
        %swap3A_212 = arith.index_cast %scan3A_176 : i32 to index
        %swap3A_213 = arith.constant 16 : index
        %swap3A_214 = tpu.vector_load %arg10[%swap3A_212, %swap3A_213] {strides = array<i32>} : memref<40x128xf32, #tpu.memory_space<vmem>>, vector<1x16xf32>,
        %swap3A_215 = vector.shape_cast %swap3A_214 : vector<1x16xf32> to vector<16xf32>
        %swap3A_216 = vector.shape_cast %max3A_211 : vector<16xf32> to vector<1x16xf32>
        tpu.vector_store %arg10[%swap3A_212, %swap3A_213], %swap3A_216 {strides = array<i32>} : memref<40x128xf32, #tpu.memory_space<vmem>>, vector<1x16xf32>,
        %get3A_217 = arith.index_cast %scan3A_176 : i32 to index
        %get3A_218 = arith.constant 32 : index
        %get3A_219 = tpu.vector_load %arg10[%get3A_217, %get3A_218] {strides = array<i32>} : memref<40x128xf32, #tpu.memory_space<vmem>>, vector<1x16xf32>,
        %get3A_220 = vector.shape_cast %get3A_219 : vector<1x16xf32> to vector<16xf32>
        %get3A_221 = arith.index_cast %scan3A_176 : i32 to index
        %get3A_222 = arith.constant 32 : index
        %get3A_223 = tpu.vector_load %arg14[%get3A_221, %get3A_222] {strides = array<i32>} : memref<40x128xf32, #tpu.memory_space<vmem>>, vector<1x16xf32>,
        %get3A_224 = vector.shape_cast %get3A_223 : vector<1x16xf32> to vector<16xf32>
        %add3A_225 = arith.addf %get3A_220, %get3A_224 : vector<16xf32>
        %get3A_226 = arith.index_cast %scan3A_176 : i32 to index
        %get3A_227 = arith.constant 32 : index
        %get3A_228 = tpu.vector_load %arg12[%get3A_226, %get3A_227] {strides = array<i32>} : memref<40x128xf32, #tpu.memory_space<vmem>>, vector<1x16xf32>,
        %get3A_229 = vector.shape_cast %get3A_228 : vector<1x16xf32> to vector<16xf32>
        %sub3A_230 = arith.subf %add3A_225, %get3A_229 : vector<16xf32>
        %max3A_231 = arith.constant 0.000000e+00 : f32
        %max3A_232 = vector.broadcast %max3A_231 : f32 to vector<16xf32>
        %max3A_233 = arith.maximumf %sub3A_230, %max3A_232 : vector<16xf32>
        %swap3A_234 = arith.index_cast %scan3A_176 : i32 to index
        %swap3A_235 = arith.constant 32 : index
        %swap3A_236 = tpu.vector_load %arg10[%swap3A_234, %swap3A_235] {strides = array<i32>} : memref<40x128xf32, #tpu.memory_space<vmem>>, vector<1x16xf32>,
        %swap3A_237 = vector.shape_cast %swap3A_236 : vector<1x16xf32> to vector<16xf32>
        %swap3A_238 = vector.shape_cast %max3A_233 : vector<16xf32> to vector<1x16xf32>
        tpu.vector_store %arg10[%swap3A_234, %swap3A_235], %swap3A_238 {strides = array<i32>} : memref<40x128xf32, #tpu.memory_space<vmem>>, vector<1x16xf32>,
        %get3A_239 = arith.index_cast %scan3A_176 : i32 to index
        %get3A_240 = arith.constant 48 : index
        %get3A_241 = tpu.vector_load %arg10[%get3A_239, %get3A_240] {strides = array<i32>} : memref<40x128xf32, #tpu.memory_space<vmem>>, vector<1x16xf32>,
        %get3A_242 = vector.shape_cast %get3A_241 : vector<1x16xf32> to vector<16xf32>
        %get3A_243 = arith.index_cast %scan3A_176 : i32 to index
        %get3A_244 = arith.constant 48 : index
        %get3A_245 = tpu.vector_load %arg14[%get3A_243, %get3A_244] {strides = array<i32>} : memref<40x128xf32, #tpu.memory_space<vmem>>, vector<1x16xf32>,
        %get3A_246 = vector.shape_cast %get3A_245 : vector<1x16xf32> to vector<16xf32>
        %add3A_247 = arith.addf %get3A_242, %get3A_246 : vector<16xf32>
        %get3A_248 = arith.index_cast %scan3A_176 : i32 to index
        %get3A_249 = arith.constant 48 : index
        %get3A_250 = tpu.vector_load %arg12[%get3A_248, %get3A_249] {strides = array<i32>} : memref<40x128xf32, #tpu.memory_space<vmem>>, vector<1x16xf32>,
        %get3A_251 = vector.shape_cast %get3A_250 : vector<1x16xf32> to vector<16xf32>
        %sub3A_252 = arith.subf %add3A_247, %get3A_251 : vector<16xf32>
        %max3A_253 = arith.constant 0.000000e+00 : f32
        %max3A_254 = vector.broadcast %max3A_253 : f32 to vector<16xf32>
        %max3A_255 = arith.maximumf %sub3A_252, %max3A_254 : vector<16xf32>
        %swap3A_256 = arith.index_cast %scan3A_176 : i32 to index
        %swap3A_257 = arith.constant 48 : index
        %swap3A_258 = tpu.vector_load %arg10[%swap3A_256, %swap3A_257] {strides = array<i32>} : memref<40x128xf32, #tpu.memory_space<vmem>>, vector<1x16xf32>,
        %swap3A_259 = vector.shape_cast %swap3A_258 : vector<1x16xf32> to vector<16xf32>
        %swap3A_260 = vector.shape_cast %max3A_255 : vector<16xf32> to vector<1x16xf32>
        tpu.vector_store %arg10[%swap3A_256, %swap3A_257], %swap3A_260 {strides = array<i32>} : memref<40x128xf32, #tpu.memory_space<vmem>>, vector<1x16xf32>,
        %get3A_261 = arith.index_cast %scan3A_176 : i32 to index
        %get3A_262 = arith.constant 64 : index
        %get3A_263 = tpu.vector_load %arg10[%get3A_261, %get3A_262] {strides = array<i32>} : memref<40x128xf32, #tpu.memory_space<vmem>>, vector<1x16xf32>,
        %get3A_264 = vector.shape_cast %get3A_263 : vector<1x16xf32> to vector<16xf32>
        %get3A_265 = arith.index_cast %scan3A_176 : i32 to index
        %get3A_266 = arith.constant 64 : index
        %get3A_267 = tpu.vector_load %arg14[%get3A_265, %get3A_266] {strides = array<i32>} : memref<40x128xf32, #tpu.memory_space<vmem>>, vector<1x16xf32>,
        %get3A_268 = vector.shape_cast %get3A_267 : vector<1x16xf32> to vector<16xf32>
        %add3A_269 = arith.addf %get3A_264, %get3A_268 : vector<16xf32>
        %get3A_270 = arith.index_cast %scan3A_176 : i32 to index
        %get3A_271 = arith.constant 64 : index
        %get3A_272 = tpu.vector_load %arg12[%get3A_270, %get3A_271] {strides = array<i32>} : memref<40x128xf32, #tpu.memory_space<vmem>>, vector<1x16xf32>,
        %get3A_273 = vector.shape_cast %get3A_272 : vector<1x16xf32> to vector<16xf32>
        %sub3A_274 = arith.subf %add3A_269, %get3A_273 : vector<16xf32>
        %max3A_275 = arith.constant 0.000000e+00 : f32
        %max3A_276 = vector.broadcast %max3A_275 : f32 to vector<16xf32>
        %max3A_277 = arith.maximumf %sub3A_274, %max3A_276 : vector<16xf32>
        %swap3A_278 = arith.index_cast %scan3A_176 : i32 to index
        %swap3A_279 = arith.constant 64 : index
        %swap3A_280 = tpu.vector_load %arg10[%swap3A_278, %swap3A_279] {strides = array<i32>} : memref<40x128xf32, #tpu.memory_space<vmem>>, vector<1x16xf32>,
        %swap3A_281 = vector.shape_cast %swap3A_280 : vector<1x16xf32> to vector<16xf32>
        %swap3A_282 = vector.shape_cast %max3A_277 : vector<16xf32> to vector<1x16xf32>
        tpu.vector_store %arg10[%swap3A_278, %swap3A_279], %swap3A_282 {strides = array<i32>} : memref<40x128xf32, #tpu.memory_space<vmem>>, vector<1x16xf32>,
        %get3A_283 = arith.index_cast %scan3A_176 : i32 to index
        %get3A_284 = arith.constant 80 : index
        %get3A_285 = tpu.vector_load %arg10[%get3A_283, %get3A_284] {strides = array<i32>} : memref<40x128xf32, #tpu.memory_space<vmem>>, vector<1x16xf32>,
        %get3A_286 = vector.shape_cast %get3A_285 : vector<1x16xf32> to vector<16xf32>
        %get3A_287 = arith.index_cast %scan3A_176 : i32 to index
        %get3A_288 = arith.constant 80 : index
        %get3A_289 = tpu.vector_load %arg14[%get3A_287, %get3A_288] {strides = array<i32>} : memref<40x128xf32, #tpu.memory_space<vmem>>, vector<1x16xf32>,
        %get3A_290 = vector.shape_cast %get3A_289 : vector<1x16xf32> to vector<16xf32>
        %add3A_291 = arith.addf %get3A_286, %get3A_290 : vector<16xf32>
        %get3A_292 = arith.index_cast %scan3A_176 : i32 to index
        %get3A_293 = arith.constant 80 : index
        %get3A_294 = tpu.vector_load %arg12[%get3A_292, %get3A_293] {strides = array<i32>} : memref<40x128xf32, #tpu.memory_space<vmem>>, vector<1x16xf32>,
        %get3A_295 = vector.shape_cast %get3A_294 : vector<1x16xf32> to vector<16xf32>
        %sub3A_296 = arith.subf %add3A_291, %get3A_295 : vector<16xf32>
        %max3A_297 = arith.constant 0.000000e+00 : f32
        %max3A_298 = vector.broadcast %max3A_297 : f32 to vector<16xf32>
        %max3A_299 = arith.maximumf %sub3A_296, %max3A_298 : vector<16xf32>
        %swap3A_300 = arith.index_cast %scan3A_176 : i32 to index
        %swap3A_301 = arith.constant 80 : index
        %swap3A_302 = tpu.vector_load %arg10[%swap3A_300, %swap3A_301] {strides = array<i32>} : memref<40x128xf32, #tpu.memory_space<vmem>>, vector<1x16xf32>,
        %swap3A_303 = vector.shape_cast %swap3A_302 : vector<1x16xf32> to vector<16xf32>
        %swap3A_304 = vector.shape_cast %max3A_299 : vector<16xf32> to vector<1x16xf32>
        tpu.vector_store %arg10[%swap3A_300, %swap3A_301], %swap3A_304 {strides = array<i32>} : memref<40x128xf32, #tpu.memory_space<vmem>>, vector<1x16xf32>,
        %get3A_305 = arith.index_cast %scan3A_176 : i32 to index
        %get3A_306 = arith.constant 96 : index
        %get3A_307 = tpu.vector_load %arg10[%get3A_305, %get3A_306] {strides = array<i32>} : memref<40x128xf32, #tpu.memory_space<vmem>>, vector<1x16xf32>,
        %get3A_308 = vector.shape_cast %get3A_307 : vector<1x16xf32> to vector<16xf32>
        %get3A_309 = arith.index_cast %scan3A_176 : i32 to index
        %get3A_310 = arith.constant 96 : index
        %get3A_311 = tpu.vector_load %arg14[%get3A_309, %get3A_310] {strides = array<i32>} : memref<40x128xf32, #tpu.memory_space<vmem>>, vector<1x16xf32>,
        %get3A_312 = vector.shape_cast %get3A_311 : vector<1x16xf32> to vector<16xf32>
        %add3A_313 = arith.addf %get3A_308, %get3A_312 : vector<16xf32>
        %get3A_314 = arith.index_cast %scan3A_176 : i32 to index
        %get3A_315 = arith.constant 96 : index
        %get3A_316 = tpu.vector_load %arg12[%get3A_314, %get3A_315] {strides = array<i32>} : memref<40x128xf32, #tpu.memory_space<vmem>>, vector<1x16xf32>,
        %get3A_317 = vector.shape_cast %get3A_316 : vector<1x16xf32> to vector<16xf32>
        %sub3A_318 = arith.subf %add3A_313, %get3A_317 : vector<16xf32>
        %max3A_319 = arith.constant 0.000000e+00 : f32
        %max3A_320 = vector.broadcast %max3A_319 : f32 to vector<16xf32>
        %max3A_321 = arith.maximumf %sub3A_318, %max3A_320 : vector<16xf32>
        %swap3A_322 = arith.index_cast %scan3A_176 : i32 to index
        %swap3A_323 = arith.constant 96 : index
        %swap3A_324 = tpu.vector_load %arg10[%swap3A_322, %swap3A_323] {strides = array<i32>} : memref<40x128xf32, #tpu.memory_space<vmem>>, vector<1x16xf32>,
        %swap3A_325 = vector.shape_cast %swap3A_324 : vector<1x16xf32> to vector<16xf32>
        %swap3A_326 = vector.shape_cast %max3A_321 : vector<16xf32> to vector<1x16xf32>
        tpu.vector_store %arg10[%swap3A_322, %swap3A_323], %swap3A_326 {strides = array<i32>} : memref<40x128xf32, #tpu.memory_space<vmem>>, vector<1x16xf32>,
        %get3A_327 = arith.index_cast %scan3A_176 : i32 to index
        %get3A_328 = arith.constant 112 : index
        %get3A_329 = tpu.vector_load %arg10[%get3A_327, %get3A_328] {strides = array<i32>} : memref<40x128xf32, #tpu.memory_space<vmem>>, vector<1x16xf32>,
        %get3A_330 = vector.shape_cast %get3A_329 : vector<1x16xf32> to vector<16xf32>
        %get3A_331 = arith.index_cast %scan3A_176 : i32 to index
        %get3A_332 = arith.constant 112 : index
        %get3A_333 = tpu.vector_load %arg14[%get3A_331, %get3A_332] {strides = array<i32>} : memref<40x128xf32, #tpu.memory_space<vmem>>, vector<1x16xf32>,
        %get3A_334 = vector.shape_cast %get3A_333 : vector<1x16xf32> to vector<16xf32>
        %add3A_335 = arith.addf %get3A_330, %get3A_334 : vector<16xf32>
        %get3A_336 = arith.index_cast %scan3A_176 : i32 to index
        %get3A_337 = arith.constant 112 : index
        %get3A_338 = tpu.vector_load %arg12[%get3A_336, %get3A_337] {strides = array<i32>} : memref<40x128xf32, #tpu.memory_space<vmem>>, vector<1x16xf32>,
        %get3A_339 = vector.shape_cast %get3A_338 : vector<1x16xf32> to vector<16xf32>
        %sub3A_340 = arith.subf %add3A_335, %get3A_339 : vector<16xf32>
        %max3A_341 = arith.constant 0.000000e+00 : f32
        %max3A_342 = vector.broadcast %max3A_341 : f32 to vector<16xf32>
        %max3A_343 = arith.maximumf %sub3A_340, %max3A_342 : vector<16xf32>
        %swap3A_344 = arith.index_cast %scan3A_176 : i32 to index
        %swap3A_345 = arith.constant 112 : index
        %swap3A_346 = tpu.vector_load %arg10[%swap3A_344, %swap3A_345] {strides = array<i32>} : memref<40x128xf32, #tpu.memory_space<vmem>>, vector<1x16xf32>,
        %swap3A_347 = vector.shape_cast %swap3A_346 : vector<1x16xf32> to vector<16xf32>
        %swap3A_348 = vector.shape_cast %max3A_343 : vector<16xf32> to vector<1x16xf32>
        tpu.vector_store %arg10[%swap3A_344, %swap3A_345], %swap3A_348 {strides = array<i32>} : memref<40x128xf32, #tpu.memory_space<vmem>>, vector<1x16xf32>,
      }
      %scan3A_160 = arith.constant 40 : i32
      %add3A_161 = arith.constant 2 : i32
      %add3A_162 = arith.addi %mul3A_43, %add3A_161 : i32
      %lt3A = arith.constant 250 : i32
      %lt3A_163 = arith.cmpi slt, %add3A_162, %lt3A : i32
      %convert_element_type3A_164 = arith.extui %lt3A_163 : i1 to i32
      %cond3A_165 = arith.constant 0 : i32
      %cond3A_166 = arith.cmpi ne, %convert_element_type3A_164, %cond3A_165 : i32
      scf.if %cond3A_166 {
        %dma_wait3A_176 = arith.constant 0 : i32
        %dma_wait3A_177 = arith.constant 0 : i32
        %dma_wait3A_178 = tpu.memref_slice %arg21[%dma_wait3A_176, %dma_wait3A_177] : memref<10000x128xf32, #tpu.memory_space<vmem_shared>> -> memref<10000x128xf32, #tpu.memory_space<vmem_shared>>
        tpu.wait_indirect_dma semaphore(%arg36 : memref<!tpu.dma_semaphore, #tpu.memory_space<semaphore_mem>>) src(%arg9 : memref<40x128xf32, #tpu.memory_space<vmem>>) dst(%dma_wait3A_178 : memref<10000x128xf32, #tpu.memory_space<vmem_shared>>)
        %add3A_179 = arith.constant 2 : i32
        %add3A_180 = arith.addi %mul3A_43, %add3A_179 : i32
        %mul3A_181 = arith.constant 40 : i32
        %mul3A_182 = arith.muli %add3A_180, %mul3A_181 : i32
        %add3A_183 = arith.addi %mul3A_2, %mul3A_182 : i32
        %multiple_of3A_184 = tpu.assume_multiple %add3A_183, 8 : i32
        %dma_start3A_185 = arith.constant 0 : i32
        %dma_start3A_186 = tpu.memref_slice %arg2[%multiple_of3A_184, %dma_start3A_185] : memref<320000x128xf32, #tpu.memory_space<hbm>> -> memref<40x128xf32, #tpu.memory_space<hbm>>
        %dma_start3A_187 = arith.constant 0 : i32
        %dma_start3A_188 = tpu.memref_slice %arg2[%multiple_of3A_184, %dma_start3A_187] : memref<320000x128xf32, #tpu.memory_space<hbm>> -> memref<40x128xf32, #tpu.memory_space<hbm>>
        tpu.enqueue_dma source(%dma_start3A_188 : memref<40x128xf32, #tpu.memory_space<hbm>>) target(%arg9 : memref<40x128xf32, #tpu.memory_space<vmem>>) target_semaphore(%arg22 : memref<!tpu.dma_semaphore, #tpu.memory_space<semaphore_mem>>)
        %mul3A_189 = arith.constant 40 : i32
        %mul3A_190 = arith.muli %add3A_180, %mul3A_189 : i32
        %add3A_191 = arith.addi %mul3A_2, %mul3A_190 : i32
        %multiple_of3A_192 = tpu.assume_multiple %add3A_191, 8 : i32
        %dma_start3A_193 = tpu.memref_slice %arg4[%multiple_of3A_192] : memref<320000xi32, #tpu.memory_space<hbm>> -> memref<40xi32, #tpu.memory_space<hbm>>
        %dma_start3A_194 = tpu.memref_slice %arg4[%multiple_of3A_192] : memref<320000xi32, #tpu.memory_space<hbm>> -> memref<40xi32, #tpu.memory_space<hbm>>
        tpu.enqueue_dma source(%dma_start3A_194 : memref<40xi32, #tpu.memory_space<hbm>>) target(%arg15 : memref<40xi32, #tpu.memory_space<vmem>>) target_semaphore(%arg28 : memref<!tpu.dma_semaphore, #tpu.memory_space<semaphore_mem>>)
        %mul3A_195 = arith.constant 40 : i32
        %mul3A_196 = arith.muli %add3A_180, %mul3A_195 : i32
        %add3A_197 = arith.addi %mul3A_2, %mul3A_196 : i32
        %multiple_of3A_198 = tpu.assume_multiple %add3A_197, 8 : i32
        %dma_start3A_199 = tpu.memref_slice %arg5[%multiple_of3A_198] : memref<320000xi32, #tpu.memory_space<hbm>> -> memref<40xi32, #tpu.memory_space<hbm>>
        %dma_start3A_200 = tpu.memref_slice %arg5[%multiple_of3A_198] : memref<320000xi32, #tpu.memory_space<hbm>> -> memref<40xi32, #tpu.memory_space<hbm>>
        tpu.enqueue_dma source(%dma_start3A_200 : memref<40xi32, #tpu.memory_space<hbm>>) target(%arg17 : memref<40xi32, #tpu.memory_space<vmem>>) target_semaphore(%arg30 : memref<!tpu.dma_semaphore, #tpu.memory_space<semaphore_mem>>)
        %mul3A_201 = arith.constant 40 : i32
        %mul3A_202 = arith.muli %add3A_180, %mul3A_201 : i32
        %add3A_203 = arith.addi %mul3A_2, %mul3A_202 : i32
        %multiple_of3A_204 = tpu.assume_multiple %add3A_203, 8 : i32
        %dma_start3A_205 = tpu.memref_slice %arg6[%multiple_of3A_204] : memref<320000xi32, #tpu.memory_space<hbm>> -> memref<40xi32, #tpu.memory_space<hbm>>
        %dma_start3A_206 = tpu.memref_slice %arg6[%multiple_of3A_204] : memref<320000xi32, #tpu.memory_space<hbm>> -> memref<40xi32, #tpu.memory_space<hbm>>
        tpu.enqueue_dma source(%dma_start3A_206 : memref<40xi32, #tpu.memory_space<hbm>>) target(%arg19 : memref<40xi32, #tpu.memory_space<vmem>>) target_semaphore(%arg32 : memref<!tpu.dma_semaphore, #tpu.memory_space<semaphore_mem>>)
      } else {
      }
      %mul3A_167 = arith.constant 40 : i32
      %mul3A_168 = arith.muli %add3A_45, %mul3A_167 : i32
      %add3A_169 = arith.addi %mul3A_2, %mul3A_168 : i32
      %multiple_of3A_170 = tpu.assume_multiple %add3A_169, 8 : i32
      %dma_wait3A_171 = tpu.memref_slice %arg6[%multiple_of3A_170] : memref<320000xi32, #tpu.memory_space<hbm>> -> memref<40xi32, #tpu.memory_space<hbm>>
      %dma_wait3A_172 = tpu.memref_slice %arg6[%multiple_of3A_170] : memref<320000xi32, #tpu.memory_space<hbm>> -> memref<40xi32, #tpu.memory_space<hbm>>
      tpu.wait_dma2 semaphore(%arg33 : memref<!tpu.dma_semaphore, #tpu.memory_space<semaphore_mem>>) src(%dma_wait3A_172 : memref<40xi32, #tpu.memory_space<hbm>>) dst(%arg20 : memref<40xi32, #tpu.memory_space<vmem>>)
      %dma_start3A_173 = arith.constant 0 : i32
      %dma_start3A_174 = arith.constant 0 : i32
      %dma_start3A_175 = tpu.memref_slice %arg21[%dma_start3A_173, %dma_start3A_174] : memref<10000x128xf32, #tpu.memory_space<vmem_shared>> -> memref<10000x128xf32, #tpu.memory_space<vmem_shared>>
      tpu.enqueue_indirect_dma source(%arg10 : memref<40x128xf32, #tpu.memory_space<vmem>>) target(%dma_start3A_175 : memref<10000x128xf32, #tpu.memory_space<vmem_shared>>) offsets(%arg20 : memref<40xi32, #tpu.memory_space<vmem>>) semaphore(%arg37 : memref<!tpu.dma_semaphore, #tpu.memory_space<semaphore_mem>>) {add = true}
    }
    %scan3A_29 = arith.constant 125 : i32
    %dma_wait3A = arith.constant 0 : i32
    %dma_wait3A_30 = arith.constant 0 : i32
    %dma_wait3A_31 = tpu.memref_slice %arg21[%dma_wait3A, %dma_wait3A_30] : memref<10000x128xf32, #tpu.memory_space<vmem_shared>> -> memref<10000x128xf32, #tpu.memory_space<vmem_shared>>
    tpu.wait_indirect_dma semaphore(%arg36 : memref<!tpu.dma_semaphore, #tpu.memory_space<semaphore_mem>>) src(%arg9 : memref<40x128xf32, #tpu.memory_space<vmem>>) dst(%dma_wait3A_31 : memref<10000x128xf32, #tpu.memory_space<vmem_shared>>)
    %dma_wait3A_32 = arith.constant 0 : i32
    %dma_wait3A_33 = arith.constant 0 : i32
    %dma_wait3A_34 = tpu.memref_slice %arg21[%dma_wait3A_32, %dma_wait3A_33] : memref<10000x128xf32, #tpu.memory_space<vmem_shared>> -> memref<10000x128xf32, #tpu.memory_space<vmem_shared>>
    tpu.wait_indirect_dma semaphore(%arg37 : memref<!tpu.dma_semaphore, #tpu.memory_space<semaphore_mem>>) src(%arg10 : memref<40x128xf32, #tpu.memory_space<vmem>>) dst(%dma_wait3A_34 : memref<10000x128xf32, #tpu.memory_space<vmem_shared>>)
    %barrier3A_35 = arith.constant 0 : index
    tpu.barrier barrier_id(%barrier3A_35)
    %eq3A_36 = arith.constant 0 : i32
    %eq3A_37 = arith.cmpi eq, %arg1, %eq3A_36 : i32
    %convert_element_type3A_38 = arith.extui %eq3A_37 : i1 to i32
    %cond3A_39 = arith.constant 0 : i32
    %cond3A_40 = arith.cmpi ne, %convert_element_type3A_38, %cond3A_39 : i32
    scf.if %cond3A_40 {
      "tpu.region"() ({
        %run_scoped3A = tpu.sem_alloc : memref<!tpu.dma_semaphore, #tpu.memory_space<semaphore_mem>>
        %dma_start3A_41 = arith.constant 0 : i32
        %dma_start3A_42 = arith.constant 0 : i32
        %dma_start3A_43 = tpu.memref_slice %arg8[%arg0, %dma_start3A_41, %dma_start3A_42] : memref<2x10000x128xf32, #tpu.memory_space<hbm>> -> memref<1x10000x128xf32, #tpu.memory_space<hbm>>
        %dma_start3A_44 = tpu.memref_squeeze %dma_start3A_43 : memref<1x10000x128xf32, #tpu.memory_space<hbm>> -> memref<10000x128xf32, #tpu.memory_space<hbm>>
        tpu.enqueue_dma source(%arg21 : memref<10000x128xf32, #tpu.memory_space<vmem_shared>>) target(%dma_start3A_44 : memref<10000x128xf32, #tpu.memory_space<hbm>>) target_semaphore(%run_scoped3A : memref<!tpu.dma_semaphore, #tpu.memory_space<semaphore_mem>>)
        %dma_wait3A_45 = arith.constant 0 : i32
        %dma_wait3A_46 = arith.constant 0 : i32
        %dma_wait3A_47 = tpu.memref_slice %arg8[%arg0, %dma_wait3A_45, %dma_wait3A_46] : memref<2x10000x128xf32, #tpu.memory_space<hbm>> -> memref<1x10000x128xf32, #tpu.memory_space<hbm>>
        %dma_wait3A_48 = tpu.memref_squeeze %dma_wait3A_47 : memref<1x10000x128xf32, #tpu.memory_space<hbm>> -> memref<10000x128xf32, #tpu.memory_space<hbm>>
        tpu.wait_dma2 semaphore(%run_scoped3A : memref<!tpu.dma_semaphore, #tpu.memory_space<semaphore_mem>>) src(%arg21 : memref<10000x128xf32, #tpu.memory_space<vmem_shared>>) dst(%dma_wait3A_48 : memref<10000x128xf32, #tpu.memory_space<hbm>>)
        tpu.yield
      }) : () -> ()
    } else {
    }
    return
  }
}

#map = affine_map<(d0, d1) -> (0, 0)>
#map1 = affine_map<(d0, d1) -> (0)>
#map2 = affine_map<(d0, d1) -> (0, 0, 0)>
module attributes {stable_mosaic.version = 14 : i64} {
  func.func @k(%arg0: i32, %arg1: i32, %arg2: memref<320000x128xf32, #tpu.memory_space<hbm>>, %arg3: memref<330000x128xf32, #tpu.memory_space<hbm>>, %arg4: memref<320000xi32, #tpu.memory_space<hbm>>, %arg5: memref<320000xi32, #tpu.memory_space<hbm>>, %arg6: memref<320000xi32, #tpu.memory_space<hbm>>, %arg7: memref<10000x128xf32, #tpu.memory_space<hbm>>, %arg8: memref<320000x128xf32, #tpu.memory_space<hbm>>, %arg9: memref<2x10000x128xf32, #tpu.memory_space<hbm>>, %arg10: memref<40x128xf32, #tpu.memory_space<vmem>>, %arg11: memref<40x128xf32, #tpu.memory_space<vmem>>, %arg12: memref<40x128xf32, #tpu.memory_space<vmem>>, %arg13: memref<40x128xf32, #tpu.memory_space<vmem>>, %arg14: memref<40x128xf32, #tpu.memory_space<vmem>>, %arg15: memref<40x128xf32, #tpu.memory_space<vmem>>, %arg16: memref<40xi32, #tpu.memory_space<vmem>>, %arg17: memref<40xi32, #tpu.memory_space<vmem>>, %arg18: memref<40xi32, #tpu.memory_space<vmem>>, %arg19: memref<40xi32, #tpu.memory_space<vmem>>, %arg20: memref<40xi32, #tpu.memory_space<vmem>>, %arg21: memref<40xi32, #tpu.memory_space<vmem>>, %arg22: memref<10000x128xf32, #tpu.memory_space<vmem_shared>>, %arg23: memref<!tpu.dma_semaphore, #tpu.memory_space<semaphore_mem>>, %arg24: memref<!tpu.dma_semaphore, #tpu.memory_space<semaphore_mem>>, %arg25: memref<!tpu.dma_semaphore, #tpu.memory_space<semaphore_mem>>, %arg26: memref<!tpu.dma_semaphore, #tpu.memory_space<semaphore_mem>>, %arg27: memref<!tpu.dma_semaphore, #tpu.memory_space<semaphore_mem>>, %arg28: memref<!tpu.dma_semaphore, #tpu.memory_space<semaphore_mem>>, %arg29: memref<!tpu.dma_semaphore, #tpu.memory_space<semaphore_mem>>, %arg30: memref<!tpu.dma_semaphore, #tpu.memory_space<semaphore_mem>>, %arg31: memref<!tpu.dma_semaphore, #tpu.memory_space<semaphore_mem>>, %arg32: memref<!tpu.dma_semaphore, #tpu.memory_space<semaphore_mem>>, %arg33: memref<!tpu.dma_semaphore, #tpu.memory_space<semaphore_mem>>, %arg34: memref<!tpu.dma_semaphore, #tpu.memory_space<semaphore_mem>>, %arg35: memref<!tpu.dma_semaphore, #tpu.memory_space<semaphore_mem>>, %arg36: memref<!tpu.dma_semaphore, #tpu.memory_space<semaphore_mem>>, %arg37: memref<!tpu.dma_semaphore, #tpu.memory_space<semaphore_mem>>, %arg38: memref<!tpu.dma_semaphore, #tpu.memory_space<semaphore_mem>>) attributes {dimension_semantics = [#tpu.dimension_semantics<core_parallel>, #tpu.dimension_semantics<subcore_parallel>], iteration_bounds = array<i64: 2, 16>, scalar_prefetch = 0 : i64, scratch_operands = 29 : i64, tpu.core_type = #tpu.core_type<sc_vector_subcore>, window_params = [{transform_indices = #map}, {transform_indices = #map}, {transform_indices = #map1}, {transform_indices = #map1}, {transform_indices = #map1}, {transform_indices = #map}, {transform_indices = #map}, {transform_indices = #map2}]} {
    %mul3A = arith.constant 2 : i32
    %mul3A_0 = arith.muli %arg1, %mul3A : i32
    %add3A = arith.addi %mul3A_0, %arg0 : i32
    %mul3A_1 = arith.constant 10000 : i32
    %mul3A_2 = arith.muli %add3A, %mul3A_1 : i32
    %eq3A = arith.constant 0 : i32
    %eq3A_3 = arith.cmpi eq, %arg1, %eq3A : i32
    %convert_element_type3A = arith.extui %eq3A_3 : i1 to i32
    %cond3A = arith.constant 0 : i32
    %cond3A_4 = arith.cmpi ne, %convert_element_type3A, %cond3A : i32
    scf.if %cond3A_4 {
      "tpu.region"() ({
        %run_scoped3A = tpu.sem_alloc : memref<!tpu.dma_semaphore, #tpu.memory_space<semaphore_mem>>
        tpu.enqueue_dma source(%arg7 : memref<10000x128xf32, #tpu.memory_space<hbm>>) target(%arg22 : memref<10000x128xf32, #tpu.memory_space<vmem_shared>>) target_semaphore(%run_scoped3A : memref<!tpu.dma_semaphore, #tpu.memory_space<semaphore_mem>>)
        tpu.wait_dma2 semaphore(%run_scoped3A : memref<!tpu.dma_semaphore, #tpu.memory_space<semaphore_mem>>) src(%arg7 : memref<10000x128xf32, #tpu.memory_space<hbm>>) dst(%arg22 : memref<10000x128xf32, #tpu.memory_space<vmem_shared>>)
        tpu.yield
      }) : () -> ()
    } else {
    }
    %barrier3A = arith.constant 0 : index
    tpu.barrier barrier_id(%barrier3A)
    %add3A_5 = arith.constant 0 : i32
    %add3A_6 = arith.addi %mul3A_2, %add3A_5 : i32
    %multiple_of3A = tpu.assume_multiple %add3A_6, 8 : i32
    %dma_start3A = arith.constant 0 : i32
    %dma_start3A_7 = tpu.memref_slice %arg2[%multiple_of3A, %dma_start3A] : memref<320000x128xf32, #tpu.memory_space<hbm>> -> memref<40x128xf32, #tpu.memory_space<hbm>>
    %dma_start3A_8 = arith.constant 0 : i32
    %dma_start3A_9 = tpu.memref_slice %arg2[%multiple_of3A, %dma_start3A_8] : memref<320000x128xf32, #tpu.memory_space<hbm>> -> memref<40x128xf32, #tpu.memory_space<hbm>>
    tpu.enqueue_dma source(%dma_start3A_9 : memref<40x128xf32, #tpu.memory_space<hbm>>) target(%arg10 : memref<40x128xf32, #tpu.memory_space<vmem>>) target_semaphore(%arg23 : memref<!tpu.dma_semaphore, #tpu.memory_space<semaphore_mem>>)
    %add3A_10 = arith.constant 0 : i32
    %add3A_11 = arith.addi %mul3A_2, %add3A_10 : i32
    %multiple_of3A_12 = tpu.assume_multiple %add3A_11, 8 : i32
    %dma_start3A_13 = tpu.memref_slice %arg4[%multiple_of3A_12] : memref<320000xi32, #tpu.memory_space<hbm>> -> memref<40xi32, #tpu.memory_space<hbm>>
    %dma_start3A_14 = tpu.memref_slice %arg4[%multiple_of3A_12] : memref<320000xi32, #tpu.memory_space<hbm>> -> memref<40xi32, #tpu.memory_space<hbm>>
    tpu.enqueue_dma source(%dma_start3A_14 : memref<40xi32, #tpu.memory_space<hbm>>) target(%arg16 : memref<40xi32, #tpu.memory_space<vmem>>) target_semaphore(%arg29 : memref<!tpu.dma_semaphore, #tpu.memory_space<semaphore_mem>>)
    %add3A_15 = arith.constant 0 : i32
    %add3A_16 = arith.addi %mul3A_2, %add3A_15 : i32
    %multiple_of3A_17 = tpu.assume_multiple %add3A_16, 8 : i32
    %dma_start3A_18 = tpu.memref_slice %arg5[%multiple_of3A_17] : memref<320000xi32, #tpu.memory_space<hbm>> -> memref<40xi32, #tpu.memory_space<hbm>>
    %dma_start3A_19 = tpu.memref_slice %arg5[%multiple_of3A_17] : memref<320000xi32, #tpu.memory_space<hbm>> -> memref<40xi32, #tpu.memory_space<hbm>>
    tpu.enqueue_dma source(%dma_start3A_19 : memref<40xi32, #tpu.memory_space<hbm>>) target(%arg18 : memref<40xi32, #tpu.memory_space<vmem>>) target_semaphore(%arg31 : memref<!tpu.dma_semaphore, #tpu.memory_space<semaphore_mem>>)
    %add3A_20 = arith.constant 0 : i32
    %add3A_21 = arith.addi %mul3A_2, %add3A_20 : i32
    %multiple_of3A_22 = tpu.assume_multiple %add3A_21, 8 : i32
    %dma_start3A_23 = tpu.memref_slice %arg6[%multiple_of3A_22] : memref<320000xi32, #tpu.memory_space<hbm>> -> memref<40xi32, #tpu.memory_space<hbm>>
    %dma_start3A_24 = tpu.memref_slice %arg6[%multiple_of3A_22] : memref<320000xi32, #tpu.memory_space<hbm>> -> memref<40xi32, #tpu.memory_space<hbm>>
    tpu.enqueue_dma source(%dma_start3A_24 : memref<40xi32, #tpu.memory_space<hbm>>) target(%arg20 : memref<40xi32, #tpu.memory_space<vmem>>) target_semaphore(%arg33 : memref<!tpu.dma_semaphore, #tpu.memory_space<semaphore_mem>>)
    %scan3A = arith.constant 0 : i32
    %scan3A_25 = arith.constant 0 : i32
    %scan3A_26 = arith.constant 125 : i32
    %scan3A_27 = arith.addi %scan3A_25, %scan3A_26 : i32
    %scan3A_28 = arith.constant 1 : i32
    scf.for %scan3A_55 = %scan3A_25 to %scan3A_27 step %scan3A_28  : i32 {
      %mul3A_56 = arith.constant 2 : i32
      %mul3A_57 = arith.muli %mul3A_56, %scan3A_55 : i32
      %add3A_58 = arith.constant 1 : i32
      %add3A_59 = arith.addi %mul3A_57, %add3A_58 : i32
      %mul3A_60 = arith.constant 40 : i32
      %mul3A_61 = arith.muli %mul3A_57, %mul3A_60 : i32
      %add3A_62 = arith.addi %mul3A_2, %mul3A_61 : i32
      %multiple_of3A_63 = tpu.assume_multiple %add3A_62, 8 : i32
      %dma_wait3A_64 = tpu.memref_slice %arg4[%multiple_of3A_63] : memref<320000xi32, #tpu.memory_space<hbm>> -> memref<40xi32, #tpu.memory_space<hbm>>
      %dma_wait3A_65 = tpu.memref_slice %arg4[%multiple_of3A_63] : memref<320000xi32, #tpu.memory_space<hbm>> -> memref<40xi32, #tpu.memory_space<hbm>>
      tpu.wait_dma2 semaphore(%arg29 : memref<!tpu.dma_semaphore, #tpu.memory_space<semaphore_mem>>) src(%dma_wait3A_65 : memref<40xi32, #tpu.memory_space<hbm>>) dst(%arg16 : memref<40xi32, #tpu.memory_space<vmem>>)
      %mul3A_66 = arith.constant 40 : i32
      %mul3A_67 = arith.muli %mul3A_57, %mul3A_66 : i32
      %add3A_68 = arith.addi %mul3A_2, %mul3A_67 : i32
      %multiple_of3A_69 = tpu.assume_multiple %add3A_68, 8 : i32
      %dma_wait3A_70 = tpu.memref_slice %arg5[%multiple_of3A_69] : memref<320000xi32, #tpu.memory_space<hbm>> -> memref<40xi32, #tpu.memory_space<hbm>>
      %dma_wait3A_71 = tpu.memref_slice %arg5[%multiple_of3A_69] : memref<320000xi32, #tpu.memory_space<hbm>> -> memref<40xi32, #tpu.memory_space<hbm>>
      tpu.wait_dma2 semaphore(%arg31 : memref<!tpu.dma_semaphore, #tpu.memory_space<semaphore_mem>>) src(%dma_wait3A_71 : memref<40xi32, #tpu.memory_space<hbm>>) dst(%arg18 : memref<40xi32, #tpu.memory_space<vmem>>)
      %dma_start3A_72 = arith.constant 0 : i32
      %dma_start3A_73 = arith.constant 0 : i32
      %dma_start3A_74 = tpu.memref_slice %arg3[%dma_start3A_72, %dma_start3A_73] : memref<330000x128xf32, #tpu.memory_space<hbm>> -> memref<330000x128xf32, #tpu.memory_space<hbm>>
      tpu.enqueue_indirect_dma source(%dma_start3A_74 : memref<330000x128xf32, #tpu.memory_space<hbm>>) target(%arg12 : memref<40x128xf32, #tpu.memory_space<vmem>>) offsets(%arg16 : memref<40xi32, #tpu.memory_space<vmem>>) semaphore(%arg25 : memref<!tpu.dma_semaphore, #tpu.memory_space<semaphore_mem>>)
      %dma_start3A_75 = arith.constant 0 : i32
      %dma_start3A_76 = arith.constant 0 : i32
      %dma_start3A_77 = tpu.memref_slice %arg3[%dma_start3A_75, %dma_start3A_76] : memref<330000x128xf32, #tpu.memory_space<hbm>> -> memref<330000x128xf32, #tpu.memory_space<hbm>>
      tpu.enqueue_indirect_dma source(%dma_start3A_77 : memref<330000x128xf32, #tpu.memory_space<hbm>>) target(%arg14 : memref<40x128xf32, #tpu.memory_space<vmem>>) offsets(%arg18 : memref<40xi32, #tpu.memory_space<vmem>>) semaphore(%arg27 : memref<!tpu.dma_semaphore, #tpu.memory_space<semaphore_mem>>)
      %ge3A = arith.constant 1 : i32
      %ge3A_78 = arith.cmpi sge, %scan3A_55, %ge3A : i32
      %convert_element_type3A_79 = arith.extui %ge3A_78 : i1 to i32
      %cond3A_80 = arith.constant 0 : i32
      %cond3A_81 = arith.cmpi ne, %convert_element_type3A_79, %cond3A_80 : i32
      scf.if %cond3A_81 {
        %sub3A = arith.constant 2 : i32
        %sub3A_206 = arith.subi %add3A_59, %sub3A : i32
        %mul3A_207 = arith.constant 40 : i32
        %mul3A_208 = arith.muli %sub3A_206, %mul3A_207 : i32
        %add3A_209 = arith.addi %mul3A_2, %mul3A_208 : i32
        %multiple_of3A_210 = tpu.assume_multiple %add3A_209, 8 : i32
        %dma_wait3A_211 = arith.constant 0 : i32
        %dma_wait3A_212 = tpu.memref_slice %arg8[%multiple_of3A_210, %dma_wait3A_211] : memref<320000x128xf32, #tpu.memory_space<hbm>> -> memref<40x128xf32, #tpu.memory_space<hbm>>
        %dma_wait3A_213 = arith.constant 0 : i32
        %dma_wait3A_214 = tpu.memref_slice %arg8[%multiple_of3A_210, %dma_wait3A_213] : memref<320000x128xf32, #tpu.memory_space<hbm>> -> memref<40x128xf32, #tpu.memory_space<hbm>>
        tpu.wait_dma2 semaphore(%arg36 : memref<!tpu.dma_semaphore, #tpu.memory_space<semaphore_mem>>) src(%arg11 : memref<40x128xf32, #tpu.memory_space<vmem>>) dst(%dma_wait3A_214 : memref<40x128xf32, #tpu.memory_space<hbm>>)
        %dma_wait3A_215 = arith.constant 0 : i32
        %dma_wait3A_216 = arith.constant 0 : i32
        %dma_wait3A_217 = tpu.memref_slice %arg22[%dma_wait3A_215, %dma_wait3A_216] : memref<10000x128xf32, #tpu.memory_space<vmem_shared>> -> memref<10000x128xf32, #tpu.memory_space<vmem_shared>>
        tpu.wait_indirect_dma semaphore(%arg38 : memref<!tpu.dma_semaphore, #tpu.memory_space<semaphore_mem>>) src(%arg11 : memref<40x128xf32, #tpu.memory_space<vmem>>) dst(%dma_wait3A_217 : memref<10000x128xf32, #tpu.memory_space<vmem_shared>>)
      } else {
      }
      %mul3A_82 = arith.constant 40 : i32
      %mul3A_83 = arith.muli %add3A_59, %mul3A_82 : i32
      %add3A_84 = arith.addi %mul3A_2, %mul3A_83 : i32
      %multiple_of3A_85 = tpu.assume_multiple %add3A_84, 8 : i32
      %dma_start3A_86 = arith.constant 0 : i32
      %dma_start3A_87 = tpu.memref_slice %arg2[%multiple_of3A_85, %dma_start3A_86] : memref<320000x128xf32, #tpu.memory_space<hbm>> -> memref<40x128xf32, #tpu.memory_space<hbm>>
      %dma_start3A_88 = arith.constant 0 : i32
      %dma_start3A_89 = tpu.memref_slice %arg2[%multiple_of3A_85, %dma_start3A_88] : memref<320000x128xf32, #tpu.memory_space<hbm>> -> memref<40x128xf32, #tpu.memory_space<hbm>>
      tpu.enqueue_dma source(%dma_start3A_89 : memref<40x128xf32, #tpu.memory_space<hbm>>) target(%arg11 : memref<40x128xf32, #tpu.memory_space<vmem>>) target_semaphore(%arg24 : memref<!tpu.dma_semaphore, #tpu.memory_space<semaphore_mem>>)
      %mul3A_90 = arith.constant 40 : i32
      %mul3A_91 = arith.muli %add3A_59, %mul3A_90 : i32
      %add3A_92 = arith.addi %mul3A_2, %mul3A_91 : i32
      %multiple_of3A_93 = tpu.assume_multiple %add3A_92, 8 : i32
      %dma_start3A_94 = tpu.memref_slice %arg4[%multiple_of3A_93] : memref<320000xi32, #tpu.memory_space<hbm>> -> memref<40xi32, #tpu.memory_space<hbm>>
      %dma_start3A_95 = tpu.memref_slice %arg4[%multiple_of3A_93] : memref<320000xi32, #tpu.memory_space<hbm>> -> memref<40xi32, #tpu.memory_space<hbm>>
      tpu.enqueue_dma source(%dma_start3A_95 : memref<40xi32, #tpu.memory_space<hbm>>) target(%arg17 : memref<40xi32, #tpu.memory_space<vmem>>) target_semaphore(%arg30 : memref<!tpu.dma_semaphore, #tpu.memory_space<semaphore_mem>>)
      %mul3A_96 = arith.constant 40 : i32
      %mul3A_97 = arith.muli %add3A_59, %mul3A_96 : i32
      %add3A_98 = arith.addi %mul3A_2, %mul3A_97 : i32
      %multiple_of3A_99 = tpu.assume_multiple %add3A_98, 8 : i32
      %dma_start3A_100 = tpu.memref_slice %arg5[%multiple_of3A_99] : memref<320000xi32, #tpu.memory_space<hbm>> -> memref<40xi32, #tpu.memory_space<hbm>>
      %dma_start3A_101 = tpu.memref_slice %arg5[%multiple_of3A_99] : memref<320000xi32, #tpu.memory_space<hbm>> -> memref<40xi32, #tpu.memory_space<hbm>>
      tpu.enqueue_dma source(%dma_start3A_101 : memref<40xi32, #tpu.memory_space<hbm>>) target(%arg19 : memref<40xi32, #tpu.memory_space<vmem>>) target_semaphore(%arg32 : memref<!tpu.dma_semaphore, #tpu.memory_space<semaphore_mem>>)
      %mul3A_102 = arith.constant 40 : i32
      %mul3A_103 = arith.muli %add3A_59, %mul3A_102 : i32
      %add3A_104 = arith.addi %mul3A_2, %mul3A_103 : i32
      %multiple_of3A_105 = tpu.assume_multiple %add3A_104, 8 : i32
      %dma_start3A_106 = tpu.memref_slice %arg6[%multiple_of3A_105] : memref<320000xi32, #tpu.memory_space<hbm>> -> memref<40xi32, #tpu.memory_space<hbm>>
      %dma_start3A_107 = tpu.memref_slice %arg6[%multiple_of3A_105] : memref<320000xi32, #tpu.memory_space<hbm>> -> memref<40xi32, #tpu.memory_space<hbm>>
      tpu.enqueue_dma source(%dma_start3A_107 : memref<40xi32, #tpu.memory_space<hbm>>) target(%arg21 : memref<40xi32, #tpu.memory_space<vmem>>) target_semaphore(%arg34 : memref<!tpu.dma_semaphore, #tpu.memory_space<semaphore_mem>>)
      %mul3A_108 = arith.constant 40 : i32
      %mul3A_109 = arith.muli %mul3A_57, %mul3A_108 : i32
      %add3A_110 = arith.addi %mul3A_2, %mul3A_109 : i32
      %multiple_of3A_111 = tpu.assume_multiple %add3A_110, 8 : i32
      %dma_wait3A_112 = arith.constant 0 : i32
      %dma_wait3A_113 = tpu.memref_slice %arg2[%multiple_of3A_111, %dma_wait3A_112] : memref<320000x128xf32, #tpu.memory_space<hbm>> -> memref<40x128xf32, #tpu.memory_space<hbm>>
      %dma_wait3A_114 = arith.constant 0 : i32
      %dma_wait3A_115 = tpu.memref_slice %arg2[%multiple_of3A_111, %dma_wait3A_114] : memref<320000x128xf32, #tpu.memory_space<hbm>> -> memref<40x128xf32, #tpu.memory_space<hbm>>
      tpu.wait_dma2 semaphore(%arg23 : memref<!tpu.dma_semaphore, #tpu.memory_space<semaphore_mem>>) src(%dma_wait3A_115 : memref<40x128xf32, #tpu.memory_space<hbm>>) dst(%arg10 : memref<40x128xf32, #tpu.memory_space<vmem>>)
      %dma_wait3A_116 = arith.constant 0 : i32
      %dma_wait3A_117 = arith.constant 0 : i32
      %dma_wait3A_118 = tpu.memref_slice %arg3[%dma_wait3A_116, %dma_wait3A_117] : memref<330000x128xf32, #tpu.memory_space<hbm>> -> memref<330000x128xf32, #tpu.memory_space<hbm>>
      tpu.wait_indirect_dma semaphore(%arg25 : memref<!tpu.dma_semaphore, #tpu.memory_space<semaphore_mem>>) src(%dma_wait3A_118 : memref<330000x128xf32, #tpu.memory_space<hbm>>) dst(%arg12 : memref<40x128xf32, #tpu.memory_space<vmem>>)
      %dma_wait3A_119 = arith.constant 0 : i32
      %dma_wait3A_120 = arith.constant 0 : i32
      %dma_wait3A_121 = tpu.memref_slice %arg3[%dma_wait3A_119, %dma_wait3A_120] : memref<330000x128xf32, #tpu.memory_space<hbm>> -> memref<330000x128xf32, #tpu.memory_space<hbm>>
      tpu.wait_indirect_dma semaphore(%arg27 : memref<!tpu.dma_semaphore, #tpu.memory_space<semaphore_mem>>) src(%dma_wait3A_121 : memref<330000x128xf32, #tpu.memory_space<hbm>>) dst(%arg14 : memref<40x128xf32, #tpu.memory_space<vmem>>)
      %scan3A_122 = arith.constant 0 : i32
      %scan3A_123 = arith.constant 0 : i32
      %scan3A_124 = arith.constant 40 : i32
      %scan3A_125 = arith.addi %scan3A_123, %scan3A_124 : i32
      %scan3A_126 = arith.constant 1 : i32
      scf.for %scan3A_206 = %scan3A_123 to %scan3A_125 step %scan3A_126  : i32 {
        %get3A = arith.index_cast %scan3A_206 : i32 to index
        %get3A_207 = arith.constant 0 : index
        %get3A_208 = tpu.vector_load %arg10[%get3A, %get3A_207] {strides = array<i32>} : memref<40x128xf32, #tpu.memory_space<vmem>>, vector<1x16xf32>,
        %get3A_209 = vector.shape_cast %get3A_208 : vector<1x16xf32> to vector<16xf32>
        %get3A_210 = arith.index_cast %scan3A_206 : i32 to index
        %get3A_211 = arith.constant 0 : index
        %get3A_212 = tpu.vector_load %arg14[%get3A_210, %get3A_211] {strides = array<i32>} : memref<40x128xf32, #tpu.memory_space<vmem>>, vector<1x16xf32>,
        %get3A_213 = vector.shape_cast %get3A_212 : vector<1x16xf32> to vector<16xf32>
        %add3A_214 = arith.addf %get3A_209, %get3A_213 : vector<16xf32>
        %get3A_215 = arith.index_cast %scan3A_206 : i32 to index
        %get3A_216 = arith.constant 0 : index
        %get3A_217 = tpu.vector_load %arg12[%get3A_215, %get3A_216] {strides = array<i32>} : memref<40x128xf32, #tpu.memory_space<vmem>>, vector<1x16xf32>,
        %get3A_218 = vector.shape_cast %get3A_217 : vector<1x16xf32> to vector<16xf32>
        %sub3A = arith.subf %add3A_214, %get3A_218 : vector<16xf32>
        %max3A = arith.constant 0.000000e+00 : f32
        %max3A_219 = vector.broadcast %max3A : f32 to vector<16xf32>
        %max3A_220 = arith.maximumf %sub3A, %max3A_219 : vector<16xf32>
        %swap3A = arith.index_cast %scan3A_206 : i32 to index
        %swap3A_221 = arith.constant 0 : index
        %swap3A_222 = tpu.vector_load %arg10[%swap3A, %swap3A_221] {strides = array<i32>} : memref<40x128xf32, #tpu.memory_space<vmem>>, vector<1x16xf32>,
        %swap3A_223 = vector.shape_cast %swap3A_222 : vector<1x16xf32> to vector<16xf32>
        %swap3A_224 = vector.shape_cast %max3A_220 : vector<16xf32> to vector<1x16xf32>
        tpu.vector_store %arg10[%swap3A, %swap3A_221], %swap3A_224 {strides = array<i32>} : memref<40x128xf32, #tpu.memory_space<vmem>>, vector<1x16xf32>,
        %get3A_225 = arith.index_cast %scan3A_206 : i32 to index
        %get3A_226 = arith.constant 16 : index
        %get3A_227 = tpu.vector_load %arg10[%get3A_225, %get3A_226] {strides = array<i32>} : memref<40x128xf32, #tpu.memory_space<vmem>>, vector<1x16xf32>,
        %get3A_228 = vector.shape_cast %get3A_227 : vector<1x16xf32> to vector<16xf32>
        %get3A_229 = arith.index_cast %scan3A_206 : i32 to index
        %get3A_230 = arith.constant 16 : index
        %get3A_231 = tpu.vector_load %arg14[%get3A_229, %get3A_230] {strides = array<i32>} : memref<40x128xf32, #tpu.memory_space<vmem>>, vector<1x16xf32>,
        %get3A_232 = vector.shape_cast %get3A_231 : vector<1x16xf32> to vector<16xf32>
        %add3A_233 = arith.addf %get3A_228, %get3A_232 : vector<16xf32>
        %get3A_234 = arith.index_cast %scan3A_206 : i32 to index
        %get3A_235 = arith.constant 16 : index
        %get3A_236 = tpu.vector_load %arg12[%get3A_234, %get3A_235] {strides = array<i32>} : memref<40x128xf32, #tpu.memory_space<vmem>>, vector<1x16xf32>,
        %get3A_237 = vector.shape_cast %get3A_236 : vector<1x16xf32> to vector<16xf32>
        %sub3A_238 = arith.subf %add3A_233, %get3A_237 : vector<16xf32>
        %max3A_239 = arith.constant 0.000000e+00 : f32
        %max3A_240 = vector.broadcast %max3A_239 : f32 to vector<16xf32>
        %max3A_241 = arith.maximumf %sub3A_238, %max3A_240 : vector<16xf32>
        %swap3A_242 = arith.index_cast %scan3A_206 : i32 to index
        %swap3A_243 = arith.constant 16 : index
        %swap3A_244 = tpu.vector_load %arg10[%swap3A_242, %swap3A_243] {strides = array<i32>} : memref<40x128xf32, #tpu.memory_space<vmem>>, vector<1x16xf32>,
        %swap3A_245 = vector.shape_cast %swap3A_244 : vector<1x16xf32> to vector<16xf32>
        %swap3A_246 = vector.shape_cast %max3A_241 : vector<16xf32> to vector<1x16xf32>
        tpu.vector_store %arg10[%swap3A_242, %swap3A_243], %swap3A_246 {strides = array<i32>} : memref<40x128xf32, #tpu.memory_space<vmem>>, vector<1x16xf32>,
        %get3A_247 = arith.index_cast %scan3A_206 : i32 to index
        %get3A_248 = arith.constant 32 : index
        %get3A_249 = tpu.vector_load %arg10[%get3A_247, %get3A_248] {strides = array<i32>} : memref<40x128xf32, #tpu.memory_space<vmem>>, vector<1x16xf32>,
        %get3A_250 = vector.shape_cast %get3A_249 : vector<1x16xf32> to vector<16xf32>
        %get3A_251 = arith.index_cast %scan3A_206 : i32 to index
        %get3A_252 = arith.constant 32 : index
        %get3A_253 = tpu.vector_load %arg14[%get3A_251, %get3A_252] {strides = array<i32>} : memref<40x128xf32, #tpu.memory_space<vmem>>, vector<1x16xf32>,
        %get3A_254 = vector.shape_cast %get3A_253 : vector<1x16xf32> to vector<16xf32>
        %add3A_255 = arith.addf %get3A_250, %get3A_254 : vector<16xf32>
        %get3A_256 = arith.index_cast %scan3A_206 : i32 to index
        %get3A_257 = arith.constant 32 : index
        %get3A_258 = tpu.vector_load %arg12[%get3A_256, %get3A_257] {strides = array<i32>} : memref<40x128xf32, #tpu.memory_space<vmem>>, vector<1x16xf32>,
        %get3A_259 = vector.shape_cast %get3A_258 : vector<1x16xf32> to vector<16xf32>
        %sub3A_260 = arith.subf %add3A_255, %get3A_259 : vector<16xf32>
        %max3A_261 = arith.constant 0.000000e+00 : f32
        %max3A_262 = vector.broadcast %max3A_261 : f32 to vector<16xf32>
        %max3A_263 = arith.maximumf %sub3A_260, %max3A_262 : vector<16xf32>
        %swap3A_264 = arith.index_cast %scan3A_206 : i32 to index
        %swap3A_265 = arith.constant 32 : index
        %swap3A_266 = tpu.vector_load %arg10[%swap3A_264, %swap3A_265] {strides = array<i32>} : memref<40x128xf32, #tpu.memory_space<vmem>>, vector<1x16xf32>,
        %swap3A_267 = vector.shape_cast %swap3A_266 : vector<1x16xf32> to vector<16xf32>
        %swap3A_268 = vector.shape_cast %max3A_263 : vector<16xf32> to vector<1x16xf32>
        tpu.vector_store %arg10[%swap3A_264, %swap3A_265], %swap3A_268 {strides = array<i32>} : memref<40x128xf32, #tpu.memory_space<vmem>>, vector<1x16xf32>,
        %get3A_269 = arith.index_cast %scan3A_206 : i32 to index
        %get3A_270 = arith.constant 48 : index
        %get3A_271 = tpu.vector_load %arg10[%get3A_269, %get3A_270] {strides = array<i32>} : memref<40x128xf32, #tpu.memory_space<vmem>>, vector<1x16xf32>,
        %get3A_272 = vector.shape_cast %get3A_271 : vector<1x16xf32> to vector<16xf32>
        %get3A_273 = arith.index_cast %scan3A_206 : i32 to index
        %get3A_274 = arith.constant 48 : index
        %get3A_275 = tpu.vector_load %arg14[%get3A_273, %get3A_274] {strides = array<i32>} : memref<40x128xf32, #tpu.memory_space<vmem>>, vector<1x16xf32>,
        %get3A_276 = vector.shape_cast %get3A_275 : vector<1x16xf32> to vector<16xf32>
        %add3A_277 = arith.addf %get3A_272, %get3A_276 : vector<16xf32>
        %get3A_278 = arith.index_cast %scan3A_206 : i32 to index
        %get3A_279 = arith.constant 48 : index
        %get3A_280 = tpu.vector_load %arg12[%get3A_278, %get3A_279] {strides = array<i32>} : memref<40x128xf32, #tpu.memory_space<vmem>>, vector<1x16xf32>,
        %get3A_281 = vector.shape_cast %get3A_280 : vector<1x16xf32> to vector<16xf32>
        %sub3A_282 = arith.subf %add3A_277, %get3A_281 : vector<16xf32>
        %max3A_283 = arith.constant 0.000000e+00 : f32
        %max3A_284 = vector.broadcast %max3A_283 : f32 to vector<16xf32>
        %max3A_285 = arith.maximumf %sub3A_282, %max3A_284 : vector<16xf32>
        %swap3A_286 = arith.index_cast %scan3A_206 : i32 to index
        %swap3A_287 = arith.constant 48 : index
        %swap3A_288 = tpu.vector_load %arg10[%swap3A_286, %swap3A_287] {strides = array<i32>} : memref<40x128xf32, #tpu.memory_space<vmem>>, vector<1x16xf32>,
        %swap3A_289 = vector.shape_cast %swap3A_288 : vector<1x16xf32> to vector<16xf32>
        %swap3A_290 = vector.shape_cast %max3A_285 : vector<16xf32> to vector<1x16xf32>
        tpu.vector_store %arg10[%swap3A_286, %swap3A_287], %swap3A_290 {strides = array<i32>} : memref<40x128xf32, #tpu.memory_space<vmem>>, vector<1x16xf32>,
        %get3A_291 = arith.index_cast %scan3A_206 : i32 to index
        %get3A_292 = arith.constant 64 : index
        %get3A_293 = tpu.vector_load %arg10[%get3A_291, %get3A_292] {strides = array<i32>} : memref<40x128xf32, #tpu.memory_space<vmem>>, vector<1x16xf32>,
        %get3A_294 = vector.shape_cast %get3A_293 : vector<1x16xf32> to vector<16xf32>
        %get3A_295 = arith.index_cast %scan3A_206 : i32 to index
        %get3A_296 = arith.constant 64 : index
        %get3A_297 = tpu.vector_load %arg14[%get3A_295, %get3A_296] {strides = array<i32>} : memref<40x128xf32, #tpu.memory_space<vmem>>, vector<1x16xf32>,
        %get3A_298 = vector.shape_cast %get3A_297 : vector<1x16xf32> to vector<16xf32>
        %add3A_299 = arith.addf %get3A_294, %get3A_298 : vector<16xf32>
        %get3A_300 = arith.index_cast %scan3A_206 : i32 to index
        %get3A_301 = arith.constant 64 : index
        %get3A_302 = tpu.vector_load %arg12[%get3A_300, %get3A_301] {strides = array<i32>} : memref<40x128xf32, #tpu.memory_space<vmem>>, vector<1x16xf32>,
        %get3A_303 = vector.shape_cast %get3A_302 : vector<1x16xf32> to vector<16xf32>
        %sub3A_304 = arith.subf %add3A_299, %get3A_303 : vector<16xf32>
        %max3A_305 = arith.constant 0.000000e+00 : f32
        %max3A_306 = vector.broadcast %max3A_305 : f32 to vector<16xf32>
        %max3A_307 = arith.maximumf %sub3A_304, %max3A_306 : vector<16xf32>
        %swap3A_308 = arith.index_cast %scan3A_206 : i32 to index
        %swap3A_309 = arith.constant 64 : index
        %swap3A_310 = tpu.vector_load %arg10[%swap3A_308, %swap3A_309] {strides = array<i32>} : memref<40x128xf32, #tpu.memory_space<vmem>>, vector<1x16xf32>,
        %swap3A_311 = vector.shape_cast %swap3A_310 : vector<1x16xf32> to vector<16xf32>
        %swap3A_312 = vector.shape_cast %max3A_307 : vector<16xf32> to vector<1x16xf32>
        tpu.vector_store %arg10[%swap3A_308, %swap3A_309], %swap3A_312 {strides = array<i32>} : memref<40x128xf32, #tpu.memory_space<vmem>>, vector<1x16xf32>,
        %get3A_313 = arith.index_cast %scan3A_206 : i32 to index
        %get3A_314 = arith.constant 80 : index
        %get3A_315 = tpu.vector_load %arg10[%get3A_313, %get3A_314] {strides = array<i32>} : memref<40x128xf32, #tpu.memory_space<vmem>>, vector<1x16xf32>,
        %get3A_316 = vector.shape_cast %get3A_315 : vector<1x16xf32> to vector<16xf32>
        %get3A_317 = arith.index_cast %scan3A_206 : i32 to index
        %get3A_318 = arith.constant 80 : index
        %get3A_319 = tpu.vector_load %arg14[%get3A_317, %get3A_318] {strides = array<i32>} : memref<40x128xf32, #tpu.memory_space<vmem>>, vector<1x16xf32>,
        %get3A_320 = vector.shape_cast %get3A_319 : vector<1x16xf32> to vector<16xf32>
        %add3A_321 = arith.addf %get3A_316, %get3A_320 : vector<16xf32>
        %get3A_322 = arith.index_cast %scan3A_206 : i32 to index
        %get3A_323 = arith.constant 80 : index
        %get3A_324 = tpu.vector_load %arg12[%get3A_322, %get3A_323] {strides = array<i32>} : memref<40x128xf32, #tpu.memory_space<vmem>>, vector<1x16xf32>,
        %get3A_325 = vector.shape_cast %get3A_324 : vector<1x16xf32> to vector<16xf32>
        %sub3A_326 = arith.subf %add3A_321, %get3A_325 : vector<16xf32>
        %max3A_327 = arith.constant 0.000000e+00 : f32
        %max3A_328 = vector.broadcast %max3A_327 : f32 to vector<16xf32>
        %max3A_329 = arith.maximumf %sub3A_326, %max3A_328 : vector<16xf32>
        %swap3A_330 = arith.index_cast %scan3A_206 : i32 to index
        %swap3A_331 = arith.constant 80 : index
        %swap3A_332 = tpu.vector_load %arg10[%swap3A_330, %swap3A_331] {strides = array<i32>} : memref<40x128xf32, #tpu.memory_space<vmem>>, vector<1x16xf32>,
        %swap3A_333 = vector.shape_cast %swap3A_332 : vector<1x16xf32> to vector<16xf32>
        %swap3A_334 = vector.shape_cast %max3A_329 : vector<16xf32> to vector<1x16xf32>
        tpu.vector_store %arg10[%swap3A_330, %swap3A_331], %swap3A_334 {strides = array<i32>} : memref<40x128xf32, #tpu.memory_space<vmem>>, vector<1x16xf32>,
        %get3A_335 = arith.index_cast %scan3A_206 : i32 to index
        %get3A_336 = arith.constant 96 : index
        %get3A_337 = tpu.vector_load %arg10[%get3A_335, %get3A_336] {strides = array<i32>} : memref<40x128xf32, #tpu.memory_space<vmem>>, vector<1x16xf32>,
        %get3A_338 = vector.shape_cast %get3A_337 : vector<1x16xf32> to vector<16xf32>
        %get3A_339 = arith.index_cast %scan3A_206 : i32 to index
        %get3A_340 = arith.constant 96 : index
        %get3A_341 = tpu.vector_load %arg14[%get3A_339, %get3A_340] {strides = array<i32>} : memref<40x128xf32, #tpu.memory_space<vmem>>, vector<1x16xf32>,
        %get3A_342 = vector.shape_cast %get3A_341 : vector<1x16xf32> to vector<16xf32>
        %add3A_343 = arith.addf %get3A_338, %get3A_342 : vector<16xf32>
        %get3A_344 = arith.index_cast %scan3A_206 : i32 to index
        %get3A_345 = arith.constant 96 : index
        %get3A_346 = tpu.vector_load %arg12[%get3A_344, %get3A_345] {strides = array<i32>} : memref<40x128xf32, #tpu.memory_space<vmem>>, vector<1x16xf32>,
        %get3A_347 = vector.shape_cast %get3A_346 : vector<1x16xf32> to vector<16xf32>
        %sub3A_348 = arith.subf %add3A_343, %get3A_347 : vector<16xf32>
        %max3A_349 = arith.constant 0.000000e+00 : f32
        %max3A_350 = vector.broadcast %max3A_349 : f32 to vector<16xf32>
        %max3A_351 = arith.maximumf %sub3A_348, %max3A_350 : vector<16xf32>
        %swap3A_352 = arith.index_cast %scan3A_206 : i32 to index
        %swap3A_353 = arith.constant 96 : index
        %swap3A_354 = tpu.vector_load %arg10[%swap3A_352, %swap3A_353] {strides = array<i32>} : memref<40x128xf32, #tpu.memory_space<vmem>>, vector<1x16xf32>,
        %swap3A_355 = vector.shape_cast %swap3A_354 : vector<1x16xf32> to vector<16xf32>
        %swap3A_356 = vector.shape_cast %max3A_351 : vector<16xf32> to vector<1x16xf32>
        tpu.vector_store %arg10[%swap3A_352, %swap3A_353], %swap3A_356 {strides = array<i32>} : memref<40x128xf32, #tpu.memory_space<vmem>>, vector<1x16xf32>,
        %get3A_357 = arith.index_cast %scan3A_206 : i32 to index
        %get3A_358 = arith.constant 112 : index
        %get3A_359 = tpu.vector_load %arg10[%get3A_357, %get3A_358] {strides = array<i32>} : memref<40x128xf32, #tpu.memory_space<vmem>>, vector<1x16xf32>,
        %get3A_360 = vector.shape_cast %get3A_359 : vector<1x16xf32> to vector<16xf32>
        %get3A_361 = arith.index_cast %scan3A_206 : i32 to index
        %get3A_362 = arith.constant 112 : index
        %get3A_363 = tpu.vector_load %arg14[%get3A_361, %get3A_362] {strides = array<i32>} : memref<40x128xf32, #tpu.memory_space<vmem>>, vector<1x16xf32>,
        %get3A_364 = vector.shape_cast %get3A_363 : vector<1x16xf32> to vector<16xf32>
        %add3A_365 = arith.addf %get3A_360, %get3A_364 : vector<16xf32>
        %get3A_366 = arith.index_cast %scan3A_206 : i32 to index
        %get3A_367 = arith.constant 112 : index
        %get3A_368 = tpu.vector_load %arg12[%get3A_366, %get3A_367] {strides = array<i32>} : memref<40x128xf32, #tpu.memory_space<vmem>>, vector<1x16xf32>,
        %get3A_369 = vector.shape_cast %get3A_368 : vector<1x16xf32> to vector<16xf32>
        %sub3A_370 = arith.subf %add3A_365, %get3A_369 : vector<16xf32>
        %max3A_371 = arith.constant 0.000000e+00 : f32
        %max3A_372 = vector.broadcast %max3A_371 : f32 to vector<16xf32>
        %max3A_373 = arith.maximumf %sub3A_370, %max3A_372 : vector<16xf32>
        %swap3A_374 = arith.index_cast %scan3A_206 : i32 to index
        %swap3A_375 = arith.constant 112 : index
        %swap3A_376 = tpu.vector_load %arg10[%swap3A_374, %swap3A_375] {strides = array<i32>} : memref<40x128xf32, #tpu.memory_space<vmem>>, vector<1x16xf32>,
        %swap3A_377 = vector.shape_cast %swap3A_376 : vector<1x16xf32> to vector<16xf32>
        %swap3A_378 = vector.shape_cast %max3A_373 : vector<16xf32> to vector<1x16xf32>
        tpu.vector_store %arg10[%swap3A_374, %swap3A_375], %swap3A_378 {strides = array<i32>} : memref<40x128xf32, #tpu.memory_space<vmem>>, vector<1x16xf32>,
      }
      %scan3A_127 = arith.constant 40 : i32
      %mul3A_128 = arith.constant 40 : i32
      %mul3A_129 = arith.muli %mul3A_57, %mul3A_128 : i32
      %add3A_130 = arith.addi %mul3A_2, %mul3A_129 : i32
      %multiple_of3A_131 = tpu.assume_multiple %add3A_130, 8 : i32
      %dma_wait3A_132 = tpu.memref_slice %arg6[%multiple_of3A_131] : memref<320000xi32, #tpu.memory_space<hbm>> -> memref<40xi32, #tpu.memory_space<hbm>>
      %dma_wait3A_133 = tpu.memref_slice %arg6[%multiple_of3A_131] : memref<320000xi32, #tpu.memory_space<hbm>> -> memref<40xi32, #tpu.memory_space<hbm>>
      tpu.wait_dma2 semaphore(%arg33 : memref<!tpu.dma_semaphore, #tpu.memory_space<semaphore_mem>>) src(%dma_wait3A_133 : memref<40xi32, #tpu.memory_space<hbm>>) dst(%arg20 : memref<40xi32, #tpu.memory_space<vmem>>)
      %mul3A_134 = arith.constant 40 : i32
      %mul3A_135 = arith.muli %mul3A_57, %mul3A_134 : i32
      %add3A_136 = arith.addi %mul3A_2, %mul3A_135 : i32
      %multiple_of3A_137 = tpu.assume_multiple %add3A_136, 8 : i32
      %dma_start3A_138 = arith.constant 0 : i32
      %dma_start3A_139 = tpu.memref_slice %arg8[%multiple_of3A_137, %dma_start3A_138] : memref<320000x128xf32, #tpu.memory_space<hbm>> -> memref<40x128xf32, #tpu.memory_space<hbm>>
      %dma_start3A_140 = arith.constant 0 : i32
      %dma_start3A_141 = tpu.memref_slice %arg8[%multiple_of3A_137, %dma_start3A_140] : memref<320000x128xf32, #tpu.memory_space<hbm>> -> memref<40x128xf32, #tpu.memory_space<hbm>>
      tpu.enqueue_dma source(%arg10 : memref<40x128xf32, #tpu.memory_space<vmem>>) target(%dma_start3A_141 : memref<40x128xf32, #tpu.memory_space<hbm>>) target_semaphore(%arg35 : memref<!tpu.dma_semaphore, #tpu.memory_space<semaphore_mem>>)
      %dma_start3A_142 = arith.constant 0 : i32
      %dma_start3A_143 = arith.constant 0 : i32
      %dma_start3A_144 = tpu.memref_slice %arg22[%dma_start3A_142, %dma_start3A_143] : memref<10000x128xf32, #tpu.memory_space<vmem_shared>> -> memref<10000x128xf32, #tpu.memory_space<vmem_shared>>
      tpu.enqueue_indirect_dma source(%arg10 : memref<40x128xf32, #tpu.memory_space<vmem>>) target(%dma_start3A_144 : memref<10000x128xf32, #tpu.memory_space<vmem_shared>>) offsets(%arg20 : memref<40xi32, #tpu.memory_space<vmem>>) semaphore(%arg37 : memref<!tpu.dma_semaphore, #tpu.memory_space<semaphore_mem>>) {add = true}
      %mul3A_145 = arith.constant 40 : i32
      %mul3A_146 = arith.muli %add3A_59, %mul3A_145 : i32
      %add3A_147 = arith.addi %mul3A_2, %mul3A_146 : i32
      %multiple_of3A_148 = tpu.assume_multiple %add3A_147, 8 : i32
      %dma_wait3A_149 = tpu.memref_slice %arg4[%multiple_of3A_148] : memref<320000xi32, #tpu.memory_space<hbm>> -> memref<40xi32, #tpu.memory_space<hbm>>
      %dma_wait3A_150 = tpu.memref_slice %arg4[%multiple_of3A_148] : memref<320000xi32, #tpu.memory_space<hbm>> -> memref<40xi32, #tpu.memory_space<hbm>>
      tpu.wait_dma2 semaphore(%arg30 : memref<!tpu.dma_semaphore, #tpu.memory_space<semaphore_mem>>) src(%dma_wait3A_150 : memref<40xi32, #tpu.memory_space<hbm>>) dst(%arg17 : memref<40xi32, #tpu.memory_space<vmem>>)
      %mul3A_151 = arith.constant 40 : i32
      %mul3A_152 = arith.muli %add3A_59, %mul3A_151 : i32
      %add3A_153 = arith.addi %mul3A_2, %mul3A_152 : i32
      %multiple_of3A_154 = tpu.assume_multiple %add3A_153, 8 : i32
      %dma_wait3A_155 = tpu.memref_slice %arg5[%multiple_of3A_154] : memref<320000xi32, #tpu.memory_space<hbm>> -> memref<40xi32, #tpu.memory_space<hbm>>
      %dma_wait3A_156 = tpu.memref_slice %arg5[%multiple_of3A_154] : memref<320000xi32, #tpu.memory_space<hbm>> -> memref<40xi32, #tpu.memory_space<hbm>>
      tpu.wait_dma2 semaphore(%arg32 : memref<!tpu.dma_semaphore, #tpu.memory_space<semaphore_mem>>) src(%dma_wait3A_156 : memref<40xi32, #tpu.memory_space<hbm>>) dst(%arg19 : memref<40xi32, #tpu.memory_space<vmem>>)
      %dma_start3A_157 = arith.constant 0 : i32
      %dma_start3A_158 = arith.constant 0 : i32
      %dma_start3A_159 = tpu.memref_slice %arg3[%dma_start3A_157, %dma_start3A_158] : memref<330000x128xf32, #tpu.memory_space<hbm>> -> memref<330000x128xf32, #tpu.memory_space<hbm>>
      tpu.enqueue_indirect_dma source(%dma_start3A_159 : memref<330000x128xf32, #tpu.memory_space<hbm>>) target(%arg13 : memref<40x128xf32, #tpu.memory_space<vmem>>) offsets(%arg17 : memref<40xi32, #tpu.memory_space<vmem>>) semaphore(%arg26 : memref<!tpu.dma_semaphore, #tpu.memory_space<semaphore_mem>>)
      %dma_start3A_160 = arith.constant 0 : i32
      %dma_start3A_161 = arith.constant 0 : i32
      %dma_start3A_162 = tpu.memref_slice %arg3[%dma_start3A_160, %dma_start3A_161] : memref<330000x128xf32, #tpu.memory_space<hbm>> -> memref<330000x128xf32, #tpu.memory_space<hbm>>
      tpu.enqueue_indirect_dma source(%dma_start3A_162 : memref<330000x128xf32, #tpu.memory_space<hbm>>) target(%arg15 : memref<40x128xf32, #tpu.memory_space<vmem>>) offsets(%arg19 : memref<40xi32, #tpu.memory_space<vmem>>) semaphore(%arg28 : memref<!tpu.dma_semaphore, #tpu.memory_space<semaphore_mem>>)
      %mul3A_163 = arith.constant 40 : i32
      %mul3A_164 = arith.muli %add3A_59, %mul3A_163 : i32
      %add3A_165 = arith.addi %mul3A_2, %mul3A_164 : i32
      %multiple_of3A_166 = tpu.assume_multiple %add3A_165, 8 : i32
      %dma_wait3A_167 = arith.constant 0 : i32
      %dma_wait3A_168 = tpu.memref_slice %arg2[%multiple_of3A_166, %dma_wait3A_167] : memref<320000x128xf32, #tpu.memory_space<hbm>> -> memref<40x128xf32, #tpu.memory_space<hbm>>
      %dma_wait3A_169 = arith.constant 0 : i32
      %dma_wait3A_170 = tpu.memref_slice %arg2[%multiple_of3A_166, %dma_wait3A_169] : memref<320000x128xf32, #tpu.memory_space<hbm>> -> memref<40x128xf32, #tpu.memory_space<hbm>>
      tpu.wait_dma2 semaphore(%arg24 : memref<!tpu.dma_semaphore, #tpu.memory_space<semaphore_mem>>) src(%dma_wait3A_170 : memref<40x128xf32, #tpu.memory_space<hbm>>) dst(%arg11 : memref<40x128xf32, #tpu.memory_space<vmem>>)
      %dma_wait3A_171 = arith.constant 0 : i32
      %dma_wait3A_172 = arith.constant 0 : i32
      %dma_wait3A_173 = tpu.memref_slice %arg3[%dma_wait3A_171, %dma_wait3A_172] : memref<330000x128xf32, #tpu.memory_space<hbm>> -> memref<330000x128xf32, #tpu.memory_space<hbm>>
      tpu.wait_indirect_dma semaphore(%arg26 : memref<!tpu.dma_semaphore, #tpu.memory_space<semaphore_mem>>) src(%dma_wait3A_173 : memref<330000x128xf32, #tpu.memory_space<hbm>>) dst(%arg13 : memref<40x128xf32, #tpu.memory_space<vmem>>)
      %dma_wait3A_174 = arith.constant 0 : i32
      %dma_wait3A_175 = arith.constant 0 : i32
      %dma_wait3A_176 = tpu.memref_slice %arg3[%dma_wait3A_174, %dma_wait3A_175] : memref<330000x128xf32, #tpu.memory_space<hbm>> -> memref<330000x128xf32, #tpu.memory_space<hbm>>
      tpu.wait_indirect_dma semaphore(%arg28 : memref<!tpu.dma_semaphore, #tpu.memory_space<semaphore_mem>>) src(%dma_wait3A_176 : memref<330000x128xf32, #tpu.memory_space<hbm>>) dst(%arg15 : memref<40x128xf32, #tpu.memory_space<vmem>>)
      %scan3A_177 = arith.constant 0 : i32
      %scan3A_178 = arith.constant 0 : i32
      %scan3A_179 = arith.constant 40 : i32
      %scan3A_180 = arith.addi %scan3A_178, %scan3A_179 : i32
      %scan3A_181 = arith.constant 1 : i32
      scf.for %scan3A_206 = %scan3A_178 to %scan3A_180 step %scan3A_181  : i32 {
        %get3A = arith.index_cast %scan3A_206 : i32 to index
        %get3A_207 = arith.constant 0 : index
        %get3A_208 = tpu.vector_load %arg11[%get3A, %get3A_207] {strides = array<i32>} : memref<40x128xf32, #tpu.memory_space<vmem>>, vector<1x16xf32>,
        %get3A_209 = vector.shape_cast %get3A_208 : vector<1x16xf32> to vector<16xf32>
        %get3A_210 = arith.index_cast %scan3A_206 : i32 to index
        %get3A_211 = arith.constant 0 : index
        %get3A_212 = tpu.vector_load %arg15[%get3A_210, %get3A_211] {strides = array<i32>} : memref<40x128xf32, #tpu.memory_space<vmem>>, vector<1x16xf32>,
        %get3A_213 = vector.shape_cast %get3A_212 : vector<1x16xf32> to vector<16xf32>
        %add3A_214 = arith.addf %get3A_209, %get3A_213 : vector<16xf32>
        %get3A_215 = arith.index_cast %scan3A_206 : i32 to index
        %get3A_216 = arith.constant 0 : index
        %get3A_217 = tpu.vector_load %arg13[%get3A_215, %get3A_216] {strides = array<i32>} : memref<40x128xf32, #tpu.memory_space<vmem>>, vector<1x16xf32>,
        %get3A_218 = vector.shape_cast %get3A_217 : vector<1x16xf32> to vector<16xf32>
        %sub3A = arith.subf %add3A_214, %get3A_218 : vector<16xf32>
        %max3A = arith.constant 0.000000e+00 : f32
        %max3A_219 = vector.broadcast %max3A : f32 to vector<16xf32>
        %max3A_220 = arith.maximumf %sub3A, %max3A_219 : vector<16xf32>
        %swap3A = arith.index_cast %scan3A_206 : i32 to index
        %swap3A_221 = arith.constant 0 : index
        %swap3A_222 = tpu.vector_load %arg11[%swap3A, %swap3A_221] {strides = array<i32>} : memref<40x128xf32, #tpu.memory_space<vmem>>, vector<1x16xf32>,
        %swap3A_223 = vector.shape_cast %swap3A_222 : vector<1x16xf32> to vector<16xf32>
        %swap3A_224 = vector.shape_cast %max3A_220 : vector<16xf32> to vector<1x16xf32>
        tpu.vector_store %arg11[%swap3A, %swap3A_221], %swap3A_224 {strides = array<i32>} : memref<40x128xf32, #tpu.memory_space<vmem>>, vector<1x16xf32>,
        %get3A_225 = arith.index_cast %scan3A_206 : i32 to index
        %get3A_226 = arith.constant 16 : index
        %get3A_227 = tpu.vector_load %arg11[%get3A_225, %get3A_226] {strides = array<i32>} : memref<40x128xf32, #tpu.memory_space<vmem>>, vector<1x16xf32>,
        %get3A_228 = vector.shape_cast %get3A_227 : vector<1x16xf32> to vector<16xf32>
        %get3A_229 = arith.index_cast %scan3A_206 : i32 to index
        %get3A_230 = arith.constant 16 : index
        %get3A_231 = tpu.vector_load %arg15[%get3A_229, %get3A_230] {strides = array<i32>} : memref<40x128xf32, #tpu.memory_space<vmem>>, vector<1x16xf32>,
        %get3A_232 = vector.shape_cast %get3A_231 : vector<1x16xf32> to vector<16xf32>
        %add3A_233 = arith.addf %get3A_228, %get3A_232 : vector<16xf32>
        %get3A_234 = arith.index_cast %scan3A_206 : i32 to index
        %get3A_235 = arith.constant 16 : index
        %get3A_236 = tpu.vector_load %arg13[%get3A_234, %get3A_235] {strides = array<i32>} : memref<40x128xf32, #tpu.memory_space<vmem>>, vector<1x16xf32>,
        %get3A_237 = vector.shape_cast %get3A_236 : vector<1x16xf32> to vector<16xf32>
        %sub3A_238 = arith.subf %add3A_233, %get3A_237 : vector<16xf32>
        %max3A_239 = arith.constant 0.000000e+00 : f32
        %max3A_240 = vector.broadcast %max3A_239 : f32 to vector<16xf32>
        %max3A_241 = arith.maximumf %sub3A_238, %max3A_240 : vector<16xf32>
        %swap3A_242 = arith.index_cast %scan3A_206 : i32 to index
        %swap3A_243 = arith.constant 16 : index
        %swap3A_244 = tpu.vector_load %arg11[%swap3A_242, %swap3A_243] {strides = array<i32>} : memref<40x128xf32, #tpu.memory_space<vmem>>, vector<1x16xf32>,
        %swap3A_245 = vector.shape_cast %swap3A_244 : vector<1x16xf32> to vector<16xf32>
        %swap3A_246 = vector.shape_cast %max3A_241 : vector<16xf32> to vector<1x16xf32>
        tpu.vector_store %arg11[%swap3A_242, %swap3A_243], %swap3A_246 {strides = array<i32>} : memref<40x128xf32, #tpu.memory_space<vmem>>, vector<1x16xf32>,
        %get3A_247 = arith.index_cast %scan3A_206 : i32 to index
        %get3A_248 = arith.constant 32 : index
        %get3A_249 = tpu.vector_load %arg11[%get3A_247, %get3A_248] {strides = array<i32>} : memref<40x128xf32, #tpu.memory_space<vmem>>, vector<1x16xf32>,
        %get3A_250 = vector.shape_cast %get3A_249 : vector<1x16xf32> to vector<16xf32>
        %get3A_251 = arith.index_cast %scan3A_206 : i32 to index
        %get3A_252 = arith.constant 32 : index
        %get3A_253 = tpu.vector_load %arg15[%get3A_251, %get3A_252] {strides = array<i32>} : memref<40x128xf32, #tpu.memory_space<vmem>>, vector<1x16xf32>,
        %get3A_254 = vector.shape_cast %get3A_253 : vector<1x16xf32> to vector<16xf32>
        %add3A_255 = arith.addf %get3A_250, %get3A_254 : vector<16xf32>
        %get3A_256 = arith.index_cast %scan3A_206 : i32 to index
        %get3A_257 = arith.constant 32 : index
        %get3A_258 = tpu.vector_load %arg13[%get3A_256, %get3A_257] {strides = array<i32>} : memref<40x128xf32, #tpu.memory_space<vmem>>, vector<1x16xf32>,
        %get3A_259 = vector.shape_cast %get3A_258 : vector<1x16xf32> to vector<16xf32>
        %sub3A_260 = arith.subf %add3A_255, %get3A_259 : vector<16xf32>
        %max3A_261 = arith.constant 0.000000e+00 : f32
        %max3A_262 = vector.broadcast %max3A_261 : f32 to vector<16xf32>
        %max3A_263 = arith.maximumf %sub3A_260, %max3A_262 : vector<16xf32>
        %swap3A_264 = arith.index_cast %scan3A_206 : i32 to index
        %swap3A_265 = arith.constant 32 : index
        %swap3A_266 = tpu.vector_load %arg11[%swap3A_264, %swap3A_265] {strides = array<i32>} : memref<40x128xf32, #tpu.memory_space<vmem>>, vector<1x16xf32>,
        %swap3A_267 = vector.shape_cast %swap3A_266 : vector<1x16xf32> to vector<16xf32>
        %swap3A_268 = vector.shape_cast %max3A_263 : vector<16xf32> to vector<1x16xf32>
        tpu.vector_store %arg11[%swap3A_264, %swap3A_265], %swap3A_268 {strides = array<i32>} : memref<40x128xf32, #tpu.memory_space<vmem>>, vector<1x16xf32>,
        %get3A_269 = arith.index_cast %scan3A_206 : i32 to index
        %get3A_270 = arith.constant 48 : index
        %get3A_271 = tpu.vector_load %arg11[%get3A_269, %get3A_270] {strides = array<i32>} : memref<40x128xf32, #tpu.memory_space<vmem>>, vector<1x16xf32>,
        %get3A_272 = vector.shape_cast %get3A_271 : vector<1x16xf32> to vector<16xf32>
        %get3A_273 = arith.index_cast %scan3A_206 : i32 to index
        %get3A_274 = arith.constant 48 : index
        %get3A_275 = tpu.vector_load %arg15[%get3A_273, %get3A_274] {strides = array<i32>} : memref<40x128xf32, #tpu.memory_space<vmem>>, vector<1x16xf32>,
        %get3A_276 = vector.shape_cast %get3A_275 : vector<1x16xf32> to vector<16xf32>
        %add3A_277 = arith.addf %get3A_272, %get3A_276 : vector<16xf32>
        %get3A_278 = arith.index_cast %scan3A_206 : i32 to index
        %get3A_279 = arith.constant 48 : index
        %get3A_280 = tpu.vector_load %arg13[%get3A_278, %get3A_279] {strides = array<i32>} : memref<40x128xf32, #tpu.memory_space<vmem>>, vector<1x16xf32>,
        %get3A_281 = vector.shape_cast %get3A_280 : vector<1x16xf32> to vector<16xf32>
        %sub3A_282 = arith.subf %add3A_277, %get3A_281 : vector<16xf32>
        %max3A_283 = arith.constant 0.000000e+00 : f32
        %max3A_284 = vector.broadcast %max3A_283 : f32 to vector<16xf32>
        %max3A_285 = arith.maximumf %sub3A_282, %max3A_284 : vector<16xf32>
        %swap3A_286 = arith.index_cast %scan3A_206 : i32 to index
        %swap3A_287 = arith.constant 48 : index
        %swap3A_288 = tpu.vector_load %arg11[%swap3A_286, %swap3A_287] {strides = array<i32>} : memref<40x128xf32, #tpu.memory_space<vmem>>, vector<1x16xf32>,
        %swap3A_289 = vector.shape_cast %swap3A_288 : vector<1x16xf32> to vector<16xf32>
        %swap3A_290 = vector.shape_cast %max3A_285 : vector<16xf32> to vector<1x16xf32>
        tpu.vector_store %arg11[%swap3A_286, %swap3A_287], %swap3A_290 {strides = array<i32>} : memref<40x128xf32, #tpu.memory_space<vmem>>, vector<1x16xf32>,
        %get3A_291 = arith.index_cast %scan3A_206 : i32 to index
        %get3A_292 = arith.constant 64 : index
        %get3A_293 = tpu.vector_load %arg11[%get3A_291, %get3A_292] {strides = array<i32>} : memref<40x128xf32, #tpu.memory_space<vmem>>, vector<1x16xf32>,
        %get3A_294 = vector.shape_cast %get3A_293 : vector<1x16xf32> to vector<16xf32>
        %get3A_295 = arith.index_cast %scan3A_206 : i32 to index
        %get3A_296 = arith.constant 64 : index
        %get3A_297 = tpu.vector_load %arg15[%get3A_295, %get3A_296] {strides = array<i32>} : memref<40x128xf32, #tpu.memory_space<vmem>>, vector<1x16xf32>,
        %get3A_298 = vector.shape_cast %get3A_297 : vector<1x16xf32> to vector<16xf32>
        %add3A_299 = arith.addf %get3A_294, %get3A_298 : vector<16xf32>
        %get3A_300 = arith.index_cast %scan3A_206 : i32 to index
        %get3A_301 = arith.constant 64 : index
        %get3A_302 = tpu.vector_load %arg13[%get3A_300, %get3A_301] {strides = array<i32>} : memref<40x128xf32, #tpu.memory_space<vmem>>, vector<1x16xf32>,
        %get3A_303 = vector.shape_cast %get3A_302 : vector<1x16xf32> to vector<16xf32>
        %sub3A_304 = arith.subf %add3A_299, %get3A_303 : vector<16xf32>
        %max3A_305 = arith.constant 0.000000e+00 : f32
        %max3A_306 = vector.broadcast %max3A_305 : f32 to vector<16xf32>
        %max3A_307 = arith.maximumf %sub3A_304, %max3A_306 : vector<16xf32>
        %swap3A_308 = arith.index_cast %scan3A_206 : i32 to index
        %swap3A_309 = arith.constant 64 : index
        %swap3A_310 = tpu.vector_load %arg11[%swap3A_308, %swap3A_309] {strides = array<i32>} : memref<40x128xf32, #tpu.memory_space<vmem>>, vector<1x16xf32>,
        %swap3A_311 = vector.shape_cast %swap3A_310 : vector<1x16xf32> to vector<16xf32>
        %swap3A_312 = vector.shape_cast %max3A_307 : vector<16xf32> to vector<1x16xf32>
        tpu.vector_store %arg11[%swap3A_308, %swap3A_309], %swap3A_312 {strides = array<i32>} : memref<40x128xf32, #tpu.memory_space<vmem>>, vector<1x16xf32>,
        %get3A_313 = arith.index_cast %scan3A_206 : i32 to index
        %get3A_314 = arith.constant 80 : index
        %get3A_315 = tpu.vector_load %arg11[%get3A_313, %get3A_314] {strides = array<i32>} : memref<40x128xf32, #tpu.memory_space<vmem>>, vector<1x16xf32>,
        %get3A_316 = vector.shape_cast %get3A_315 : vector<1x16xf32> to vector<16xf32>
        %get3A_317 = arith.index_cast %scan3A_206 : i32 to index
        %get3A_318 = arith.constant 80 : index
        %get3A_319 = tpu.vector_load %arg15[%get3A_317, %get3A_318] {strides = array<i32>} : memref<40x128xf32, #tpu.memory_space<vmem>>, vector<1x16xf32>,
        %get3A_320 = vector.shape_cast %get3A_319 : vector<1x16xf32> to vector<16xf32>
        %add3A_321 = arith.addf %get3A_316, %get3A_320 : vector<16xf32>
        %get3A_322 = arith.index_cast %scan3A_206 : i32 to index
        %get3A_323 = arith.constant 80 : index
        %get3A_324 = tpu.vector_load %arg13[%get3A_322, %get3A_323] {strides = array<i32>} : memref<40x128xf32, #tpu.memory_space<vmem>>, vector<1x16xf32>,
        %get3A_325 = vector.shape_cast %get3A_324 : vector<1x16xf32> to vector<16xf32>
        %sub3A_326 = arith.subf %add3A_321, %get3A_325 : vector<16xf32>
        %max3A_327 = arith.constant 0.000000e+00 : f32
        %max3A_328 = vector.broadcast %max3A_327 : f32 to vector<16xf32>
        %max3A_329 = arith.maximumf %sub3A_326, %max3A_328 : vector<16xf32>
        %swap3A_330 = arith.index_cast %scan3A_206 : i32 to index
        %swap3A_331 = arith.constant 80 : index
        %swap3A_332 = tpu.vector_load %arg11[%swap3A_330, %swap3A_331] {strides = array<i32>} : memref<40x128xf32, #tpu.memory_space<vmem>>, vector<1x16xf32>,
        %swap3A_333 = vector.shape_cast %swap3A_332 : vector<1x16xf32> to vector<16xf32>
        %swap3A_334 = vector.shape_cast %max3A_329 : vector<16xf32> to vector<1x16xf32>
        tpu.vector_store %arg11[%swap3A_330, %swap3A_331], %swap3A_334 {strides = array<i32>} : memref<40x128xf32, #tpu.memory_space<vmem>>, vector<1x16xf32>,
        %get3A_335 = arith.index_cast %scan3A_206 : i32 to index
        %get3A_336 = arith.constant 96 : index
        %get3A_337 = tpu.vector_load %arg11[%get3A_335, %get3A_336] {strides = array<i32>} : memref<40x128xf32, #tpu.memory_space<vmem>>, vector<1x16xf32>,
        %get3A_338 = vector.shape_cast %get3A_337 : vector<1x16xf32> to vector<16xf32>
        %get3A_339 = arith.index_cast %scan3A_206 : i32 to index
        %get3A_340 = arith.constant 96 : index
        %get3A_341 = tpu.vector_load %arg15[%get3A_339, %get3A_340] {strides = array<i32>} : memref<40x128xf32, #tpu.memory_space<vmem>>, vector<1x16xf32>,
        %get3A_342 = vector.shape_cast %get3A_341 : vector<1x16xf32> to vector<16xf32>
        %add3A_343 = arith.addf %get3A_338, %get3A_342 : vector<16xf32>
        %get3A_344 = arith.index_cast %scan3A_206 : i32 to index
        %get3A_345 = arith.constant 96 : index
        %get3A_346 = tpu.vector_load %arg13[%get3A_344, %get3A_345] {strides = array<i32>} : memref<40x128xf32, #tpu.memory_space<vmem>>, vector<1x16xf32>,
        %get3A_347 = vector.shape_cast %get3A_346 : vector<1x16xf32> to vector<16xf32>
        %sub3A_348 = arith.subf %add3A_343, %get3A_347 : vector<16xf32>
        %max3A_349 = arith.constant 0.000000e+00 : f32
        %max3A_350 = vector.broadcast %max3A_349 : f32 to vector<16xf32>
        %max3A_351 = arith.maximumf %sub3A_348, %max3A_350 : vector<16xf32>
        %swap3A_352 = arith.index_cast %scan3A_206 : i32 to index
        %swap3A_353 = arith.constant 96 : index
        %swap3A_354 = tpu.vector_load %arg11[%swap3A_352, %swap3A_353] {strides = array<i32>} : memref<40x128xf32, #tpu.memory_space<vmem>>, vector<1x16xf32>,
        %swap3A_355 = vector.shape_cast %swap3A_354 : vector<1x16xf32> to vector<16xf32>
        %swap3A_356 = vector.shape_cast %max3A_351 : vector<16xf32> to vector<1x16xf32>
        tpu.vector_store %arg11[%swap3A_352, %swap3A_353], %swap3A_356 {strides = array<i32>} : memref<40x128xf32, #tpu.memory_space<vmem>>, vector<1x16xf32>,
        %get3A_357 = arith.index_cast %scan3A_206 : i32 to index
        %get3A_358 = arith.constant 112 : index
        %get3A_359 = tpu.vector_load %arg11[%get3A_357, %get3A_358] {strides = array<i32>} : memref<40x128xf32, #tpu.memory_space<vmem>>, vector<1x16xf32>,
        %get3A_360 = vector.shape_cast %get3A_359 : vector<1x16xf32> to vector<16xf32>
        %get3A_361 = arith.index_cast %scan3A_206 : i32 to index
        %get3A_362 = arith.constant 112 : index
        %get3A_363 = tpu.vector_load %arg15[%get3A_361, %get3A_362] {strides = array<i32>} : memref<40x128xf32, #tpu.memory_space<vmem>>, vector<1x16xf32>,
        %get3A_364 = vector.shape_cast %get3A_363 : vector<1x16xf32> to vector<16xf32>
        %add3A_365 = arith.addf %get3A_360, %get3A_364 : vector<16xf32>
        %get3A_366 = arith.index_cast %scan3A_206 : i32 to index
        %get3A_367 = arith.constant 112 : index
        %get3A_368 = tpu.vector_load %arg13[%get3A_366, %get3A_367] {strides = array<i32>} : memref<40x128xf32, #tpu.memory_space<vmem>>, vector<1x16xf32>,
        %get3A_369 = vector.shape_cast %get3A_368 : vector<1x16xf32> to vector<16xf32>
        %sub3A_370 = arith.subf %add3A_365, %get3A_369 : vector<16xf32>
        %max3A_371 = arith.constant 0.000000e+00 : f32
        %max3A_372 = vector.broadcast %max3A_371 : f32 to vector<16xf32>
        %max3A_373 = arith.maximumf %sub3A_370, %max3A_372 : vector<16xf32>
        %swap3A_374 = arith.index_cast %scan3A_206 : i32 to index
        %swap3A_375 = arith.constant 112 : index
        %swap3A_376 = tpu.vector_load %arg11[%swap3A_374, %swap3A_375] {strides = array<i32>} : memref<40x128xf32, #tpu.memory_space<vmem>>, vector<1x16xf32>,
        %swap3A_377 = vector.shape_cast %swap3A_376 : vector<1x16xf32> to vector<16xf32>
        %swap3A_378 = vector.shape_cast %max3A_373 : vector<16xf32> to vector<1x16xf32>
        tpu.vector_store %arg11[%swap3A_374, %swap3A_375], %swap3A_378 {strides = array<i32>} : memref<40x128xf32, #tpu.memory_space<vmem>>, vector<1x16xf32>,
      }
      %scan3A_182 = arith.constant 40 : i32
      %add3A_183 = arith.constant 2 : i32
      %add3A_184 = arith.addi %mul3A_57, %add3A_183 : i32
      %lt3A = arith.constant 250 : i32
      %lt3A_185 = arith.cmpi slt, %add3A_184, %lt3A : i32
      %convert_element_type3A_186 = arith.extui %lt3A_185 : i1 to i32
      %cond3A_187 = arith.constant 0 : i32
      %cond3A_188 = arith.cmpi ne, %convert_element_type3A_186, %cond3A_187 : i32
      scf.if %cond3A_188 {
        %mul3A_206 = arith.constant 40 : i32
        %mul3A_207 = arith.muli %mul3A_57, %mul3A_206 : i32
        %add3A_208 = arith.addi %mul3A_2, %mul3A_207 : i32
        %multiple_of3A_209 = tpu.assume_multiple %add3A_208, 8 : i32
        %dma_wait3A_210 = arith.constant 0 : i32
        %dma_wait3A_211 = tpu.memref_slice %arg8[%multiple_of3A_209, %dma_wait3A_210] : memref<320000x128xf32, #tpu.memory_space<hbm>> -> memref<40x128xf32, #tpu.memory_space<hbm>>
        %dma_wait3A_212 = arith.constant 0 : i32
        %dma_wait3A_213 = tpu.memref_slice %arg8[%multiple_of3A_209, %dma_wait3A_212] : memref<320000x128xf32, #tpu.memory_space<hbm>> -> memref<40x128xf32, #tpu.memory_space<hbm>>
        tpu.wait_dma2 semaphore(%arg35 : memref<!tpu.dma_semaphore, #tpu.memory_space<semaphore_mem>>) src(%arg10 : memref<40x128xf32, #tpu.memory_space<vmem>>) dst(%dma_wait3A_213 : memref<40x128xf32, #tpu.memory_space<hbm>>)
        %dma_wait3A_214 = arith.constant 0 : i32
        %dma_wait3A_215 = arith.constant 0 : i32
        %dma_wait3A_216 = tpu.memref_slice %arg22[%dma_wait3A_214, %dma_wait3A_215] : memref<10000x128xf32, #tpu.memory_space<vmem_shared>> -> memref<10000x128xf32, #tpu.memory_space<vmem_shared>>
        tpu.wait_indirect_dma semaphore(%arg37 : memref<!tpu.dma_semaphore, #tpu.memory_space<semaphore_mem>>) src(%arg10 : memref<40x128xf32, #tpu.memory_space<vmem>>) dst(%dma_wait3A_216 : memref<10000x128xf32, #tpu.memory_space<vmem_shared>>)
        %add3A_217 = arith.constant 2 : i32
        %add3A_218 = arith.addi %mul3A_57, %add3A_217 : i32
        %mul3A_219 = arith.constant 40 : i32
        %mul3A_220 = arith.muli %add3A_218, %mul3A_219 : i32
        %add3A_221 = arith.addi %mul3A_2, %mul3A_220 : i32
        %multiple_of3A_222 = tpu.assume_multiple %add3A_221, 8 : i32
        %dma_start3A_223 = arith.constant 0 : i32
        %dma_start3A_224 = tpu.memref_slice %arg2[%multiple_of3A_222, %dma_start3A_223] : memref<320000x128xf32, #tpu.memory_space<hbm>> -> memref<40x128xf32, #tpu.memory_space<hbm>>
        %dma_start3A_225 = arith.constant 0 : i32
        %dma_start3A_226 = tpu.memref_slice %arg2[%multiple_of3A_222, %dma_start3A_225] : memref<320000x128xf32, #tpu.memory_space<hbm>> -> memref<40x128xf32, #tpu.memory_space<hbm>>
        tpu.enqueue_dma source(%dma_start3A_226 : memref<40x128xf32, #tpu.memory_space<hbm>>) target(%arg10 : memref<40x128xf32, #tpu.memory_space<vmem>>) target_semaphore(%arg23 : memref<!tpu.dma_semaphore, #tpu.memory_space<semaphore_mem>>)
        %mul3A_227 = arith.constant 40 : i32
        %mul3A_228 = arith.muli %add3A_218, %mul3A_227 : i32
        %add3A_229 = arith.addi %mul3A_2, %mul3A_228 : i32
        %multiple_of3A_230 = tpu.assume_multiple %add3A_229, 8 : i32
        %dma_start3A_231 = tpu.memref_slice %arg4[%multiple_of3A_230] : memref<320000xi32, #tpu.memory_space<hbm>> -> memref<40xi32, #tpu.memory_space<hbm>>
        %dma_start3A_232 = tpu.memref_slice %arg4[%multiple_of3A_230] : memref<320000xi32, #tpu.memory_space<hbm>> -> memref<40xi32, #tpu.memory_space<hbm>>
        tpu.enqueue_dma source(%dma_start3A_232 : memref<40xi32, #tpu.memory_space<hbm>>) target(%arg16 : memref<40xi32, #tpu.memory_space<vmem>>) target_semaphore(%arg29 : memref<!tpu.dma_semaphore, #tpu.memory_space<semaphore_mem>>)
        %mul3A_233 = arith.constant 40 : i32
        %mul3A_234 = arith.muli %add3A_218, %mul3A_233 : i32
        %add3A_235 = arith.addi %mul3A_2, %mul3A_234 : i32
        %multiple_of3A_236 = tpu.assume_multiple %add3A_235, 8 : i32
        %dma_start3A_237 = tpu.memref_slice %arg5[%multiple_of3A_236] : memref<320000xi32, #tpu.memory_space<hbm>> -> memref<40xi32, #tpu.memory_space<hbm>>
        %dma_start3A_238 = tpu.memref_slice %arg5[%multiple_of3A_236] : memref<320000xi32, #tpu.memory_space<hbm>> -> memref<40xi32, #tpu.memory_space<hbm>>
        tpu.enqueue_dma source(%dma_start3A_238 : memref<40xi32, #tpu.memory_space<hbm>>) target(%arg18 : memref<40xi32, #tpu.memory_space<vmem>>) target_semaphore(%arg31 : memref<!tpu.dma_semaphore, #tpu.memory_space<semaphore_mem>>)
        %mul3A_239 = arith.constant 40 : i32
        %mul3A_240 = arith.muli %add3A_218, %mul3A_239 : i32
        %add3A_241 = arith.addi %mul3A_2, %mul3A_240 : i32
        %multiple_of3A_242 = tpu.assume_multiple %add3A_241, 8 : i32
        %dma_start3A_243 = tpu.memref_slice %arg6[%multiple_of3A_242] : memref<320000xi32, #tpu.memory_space<hbm>> -> memref<40xi32, #tpu.memory_space<hbm>>
        %dma_start3A_244 = tpu.memref_slice %arg6[%multiple_of3A_242] : memref<320000xi32, #tpu.memory_space<hbm>> -> memref<40xi32, #tpu.memory_space<hbm>>
        tpu.enqueue_dma source(%dma_start3A_244 : memref<40xi32, #tpu.memory_space<hbm>>) target(%arg20 : memref<40xi32, #tpu.memory_space<vmem>>) target_semaphore(%arg33 : memref<!tpu.dma_semaphore, #tpu.memory_space<semaphore_mem>>)
      } else {
      }
      %mul3A_189 = arith.constant 40 : i32
      %mul3A_190 = arith.muli %add3A_59, %mul3A_189 : i32
      %add3A_191 = arith.addi %mul3A_2, %mul3A_190 : i32
      %multiple_of3A_192 = tpu.assume_multiple %add3A_191, 8 : i32
      %dma_wait3A_193 = tpu.memref_slice %arg6[%multiple_of3A_192] : memref<320000xi32, #tpu.memory_space<hbm>> -> memref<40xi32, #tpu.memory_space<hbm>>
      %dma_wait3A_194 = tpu.memref_slice %arg6[%multiple_of3A_192] : memref<320000xi32, #tpu.memory_space<hbm>> -> memref<40xi32, #tpu.memory_space<hbm>>
      tpu.wait_dma2 semaphore(%arg34 : memref<!tpu.dma_semaphore, #tpu.memory_space<semaphore_mem>>) src(%dma_wait3A_194 : memref<40xi32, #tpu.memory_space<hbm>>) dst(%arg21 : memref<40xi32, #tpu.memory_space<vmem>>)
      %mul3A_195 = arith.constant 40 : i32
      %mul3A_196 = arith.muli %add3A_59, %mul3A_195 : i32
      %add3A_197 = arith.addi %mul3A_2, %mul3A_196 : i32
      %multiple_of3A_198 = tpu.assume_multiple %add3A_197, 8 : i32
      %dma_start3A_199 = arith.constant 0 : i32
      %dma_start3A_200 = tpu.memref_slice %arg8[%multiple_of3A_198, %dma_start3A_199] : memref<320000x128xf32, #tpu.memory_space<hbm>> -> memref<40x128xf32, #tpu.memory_space<hbm>>
      %dma_start3A_201 = arith.constant 0 : i32
      %dma_start3A_202 = tpu.memref_slice %arg8[%multiple_of3A_198, %dma_start3A_201] : memref<320000x128xf32, #tpu.memory_space<hbm>> -> memref<40x128xf32, #tpu.memory_space<hbm>>
      tpu.enqueue_dma source(%arg11 : memref<40x128xf32, #tpu.memory_space<vmem>>) target(%dma_start3A_202 : memref<40x128xf32, #tpu.memory_space<hbm>>) target_semaphore(%arg36 : memref<!tpu.dma_semaphore, #tpu.memory_space<semaphore_mem>>)
      %dma_start3A_203 = arith.constant 0 : i32
      %dma_start3A_204 = arith.constant 0 : i32
      %dma_start3A_205 = tpu.memref_slice %arg22[%dma_start3A_203, %dma_start3A_204] : memref<10000x128xf32, #tpu.memory_space<vmem_shared>> -> memref<10000x128xf32, #tpu.memory_space<vmem_shared>>
      tpu.enqueue_indirect_dma source(%arg11 : memref<40x128xf32, #tpu.memory_space<vmem>>) target(%dma_start3A_205 : memref<10000x128xf32, #tpu.memory_space<vmem_shared>>) offsets(%arg21 : memref<40xi32, #tpu.memory_space<vmem>>) semaphore(%arg38 : memref<!tpu.dma_semaphore, #tpu.memory_space<semaphore_mem>>) {add = true}
    }
    %scan3A_29 = arith.constant 125 : i32
    %add3A_30 = arith.constant 9920 : i32
    %add3A_31 = arith.addi %mul3A_2, %add3A_30 : i32
    %multiple_of3A_32 = tpu.assume_multiple %add3A_31, 8 : i32
    %dma_wait3A = arith.constant 0 : i32
    %dma_wait3A_33 = tpu.memref_slice %arg8[%multiple_of3A_32, %dma_wait3A] : memref<320000x128xf32, #tpu.memory_space<hbm>> -> memref<40x128xf32, #tpu.memory_space<hbm>>
    %dma_wait3A_34 = arith.constant 0 : i32
    %dma_wait3A_35 = tpu.memref_slice %arg8[%multiple_of3A_32, %dma_wait3A_34] : memref<320000x128xf32, #tpu.memory_space<hbm>> -> memref<40x128xf32, #tpu.memory_space<hbm>>
    tpu.wait_dma2 semaphore(%arg35 : memref<!tpu.dma_semaphore, #tpu.memory_space<semaphore_mem>>) src(%arg10 : memref<40x128xf32, #tpu.memory_space<vmem>>) dst(%dma_wait3A_35 : memref<40x128xf32, #tpu.memory_space<hbm>>)
    %dma_wait3A_36 = arith.constant 0 : i32
    %dma_wait3A_37 = arith.constant 0 : i32
    %dma_wait3A_38 = tpu.memref_slice %arg22[%dma_wait3A_36, %dma_wait3A_37] : memref<10000x128xf32, #tpu.memory_space<vmem_shared>> -> memref<10000x128xf32, #tpu.memory_space<vmem_shared>>
    tpu.wait_indirect_dma semaphore(%arg37 : memref<!tpu.dma_semaphore, #tpu.memory_space<semaphore_mem>>) src(%arg10 : memref<40x128xf32, #tpu.memory_space<vmem>>) dst(%dma_wait3A_38 : memref<10000x128xf32, #tpu.memory_space<vmem_shared>>)
    %add3A_39 = arith.constant 9960 : i32
    %add3A_40 = arith.addi %mul3A_2, %add3A_39 : i32
    %multiple_of3A_41 = tpu.assume_multiple %add3A_40, 8 : i32
    %dma_wait3A_42 = arith.constant 0 : i32
    %dma_wait3A_43 = tpu.memref_slice %arg8[%multiple_of3A_41, %dma_wait3A_42] : memref<320000x128xf32, #tpu.memory_space<hbm>> -> memref<40x128xf32, #tpu.memory_space<hbm>>
    %dma_wait3A_44 = arith.constant 0 : i32
    %dma_wait3A_45 = tpu.memref_slice %arg8[%multiple_of3A_41, %dma_wait3A_44] : memref<320000x128xf32, #tpu.memory_space<hbm>> -> memref<40x128xf32, #tpu.memory_space<hbm>>
    tpu.wait_dma2 semaphore(%arg36 : memref<!tpu.dma_semaphore, #tpu.memory_space<semaphore_mem>>) src(%arg11 : memref<40x128xf32, #tpu.memory_space<vmem>>) dst(%dma_wait3A_45 : memref<40x128xf32, #tpu.memory_space<hbm>>)
    %dma_wait3A_46 = arith.constant 0 : i32
    %dma_wait3A_47 = arith.constant 0 : i32
    %dma_wait3A_48 = tpu.memref_slice %arg22[%dma_wait3A_46, %dma_wait3A_47] : memref<10000x128xf32, #tpu.memory_space<vmem_shared>> -> memref<10000x128xf32, #tpu.memory_space<vmem_shared>>
    tpu.wait_indirect_dma semaphore(%arg38 : memref<!tpu.dma_semaphore, #tpu.memory_space<semaphore_mem>>) src(%arg11 : memref<40x128xf32, #tpu.memory_space<vmem>>) dst(%dma_wait3A_48 : memref<10000x128xf32, #tpu.memory_space<vmem_shared>>)
    %barrier3A_49 = arith.constant 0 : index
    tpu.barrier barrier_id(%barrier3A_49)
    %eq3A_50 = arith.constant 0 : i32
    %eq3A_51 = arith.cmpi eq, %arg1, %eq3A_50 : i32
    %convert_element_type3A_52 = arith.extui %eq3A_51 : i1 to i32
    %cond3A_53 = arith.constant 0 : i32
    %cond3A_54 = arith.cmpi ne, %convert_element_type3A_52, %cond3A_53 : i32
    scf.if %cond3A_54 {
      "tpu.region"() ({
        %run_scoped3A = tpu.sem_alloc : memref<!tpu.dma_semaphore, #tpu.memory_space<semaphore_mem>>
        %dma_start3A_55 = arith.constant 0 : i32
        %dma_start3A_56 = arith.constant 0 : i32
        %dma_start3A_57 = tpu.memref_slice %arg9[%arg0, %dma_start3A_55, %dma_start3A_56] : memref<2x10000x128xf32, #tpu.memory_space<hbm>> -> memref<1x10000x128xf32, #tpu.memory_space<hbm>>
        %dma_start3A_58 = tpu.memref_squeeze %dma_start3A_57 : memref<1x10000x128xf32, #tpu.memory_space<hbm>> -> memref<10000x128xf32, #tpu.memory_space<hbm>>
        tpu.enqueue_dma source(%arg22 : memref<10000x128xf32, #tpu.memory_space<vmem_shared>>) target(%dma_start3A_58 : memref<10000x128xf32, #tpu.memory_space<hbm>>) target_semaphore(%run_scoped3A : memref<!tpu.dma_semaphore, #tpu.memory_space<semaphore_mem>>)
        %dma_wait3A_59 = arith.constant 0 : i32
        %dma_wait3A_60 = arith.constant 0 : i32
        %dma_wait3A_61 = tpu.memref_slice %arg9[%arg0, %dma_wait3A_59, %dma_wait3A_60] : memref<2x10000x128xf32, #tpu.memory_space<hbm>> -> memref<1x10000x128xf32, #tpu.memory_space<hbm>>
        %dma_wait3A_62 = tpu.memref_squeeze %dma_wait3A_61 : memref<1x10000x128xf32, #tpu.memory_space<hbm>> -> memref<10000x128xf32, #tpu.memory_space<hbm>>
        tpu.wait_dma2 semaphore(%run_scoped3A : memref<!tpu.dma_semaphore, #tpu.memory_space<semaphore_mem>>) src(%arg22 : memref<10000x128xf32, #tpu.memory_space<vmem_shared>>) dst(%dma_wait3A_62 : memref<10000x128xf32, #tpu.memory_space<hbm>>)
        tpu.yield
      }) : () -> ()
    } else {
    }
    return
  }
}

#map = affine_map<(d0, d1) -> (0, 0)>
#map1 = affine_map<(d0, d1) -> (0)>
#map2 = affine_map<(d0, d1) -> (0, 0, 0)>
module attributes {stable_mosaic.version = 14 : i64} {
  func.func @k(%arg0: i32, %arg1: i32, %arg2: memref<320000x128xf32, #tpu.memory_space<hbm>>, %arg3: memref<10000x128xf32, #tpu.memory_space<hbm>>, %arg4: memref<320000xi32, #tpu.memory_space<hbm>>, %arg5: memref<320000xi32, #tpu.memory_space<hbm>>, %arg6: memref<10000x128xf32, #tpu.memory_space<hbm>>, %arg7: memref<320000x128xf32, #tpu.memory_space<hbm>>, %arg8: memref<2x10000x128xf32, #tpu.memory_space<hbm>>, %arg9: memref<40x128xf32, #tpu.memory_space<vmem>>, %arg10: memref<40x128xf32, #tpu.memory_space<vmem>>, %arg11: memref<40x128xf32, #tpu.memory_space<vmem>>, %arg12: memref<40x128xf32, #tpu.memory_space<vmem>>, %arg13: memref<40x128xf32, #tpu.memory_space<vmem>>, %arg14: memref<40x128xf32, #tpu.memory_space<vmem>>, %arg15: memref<40xi32, #tpu.memory_space<vmem>>, %arg16: memref<40xi32, #tpu.memory_space<vmem>>, %arg17: memref<40xi32, #tpu.memory_space<vmem>>, %arg18: memref<40xi32, #tpu.memory_space<vmem>>, %arg19: memref<10000x128xf32, #tpu.memory_space<vmem_shared>>, %arg20: memref<!tpu.dma_semaphore, #tpu.memory_space<semaphore_mem>>, %arg21: memref<!tpu.dma_semaphore, #tpu.memory_space<semaphore_mem>>, %arg22: memref<!tpu.dma_semaphore, #tpu.memory_space<semaphore_mem>>, %arg23: memref<!tpu.dma_semaphore, #tpu.memory_space<semaphore_mem>>, %arg24: memref<!tpu.dma_semaphore, #tpu.memory_space<semaphore_mem>>, %arg25: memref<!tpu.dma_semaphore, #tpu.memory_space<semaphore_mem>>, %arg26: memref<!tpu.dma_semaphore, #tpu.memory_space<semaphore_mem>>, %arg27: memref<!tpu.dma_semaphore, #tpu.memory_space<semaphore_mem>>, %arg28: memref<!tpu.dma_semaphore, #tpu.memory_space<semaphore_mem>>, %arg29: memref<!tpu.dma_semaphore, #tpu.memory_space<semaphore_mem>>, %arg30: memref<!tpu.dma_semaphore, #tpu.memory_space<semaphore_mem>>, %arg31: memref<!tpu.dma_semaphore, #tpu.memory_space<semaphore_mem>>) attributes {dimension_semantics = [#tpu.dimension_semantics<core_parallel>, #tpu.dimension_semantics<subcore_parallel>], iteration_bounds = array<i64: 2, 16>, scalar_prefetch = 0 : i64, scratch_operands = 23 : i64, tpu.core_type = #tpu.core_type<sc_vector_subcore>, window_params = [{transform_indices = #map}, {transform_indices = #map}, {transform_indices = #map1}, {transform_indices = #map1}, {transform_indices = #map}, {transform_indices = #map}, {transform_indices = #map2}]} {
    %mul3A = arith.constant 2 : i32
    %mul3A_0 = arith.muli %arg1, %mul3A : i32
    %add3A = arith.addi %mul3A_0, %arg0 : i32
    %mul3A_1 = arith.constant 10000 : i32
    %mul3A_2 = arith.muli %add3A, %mul3A_1 : i32
    %eq3A = arith.constant 0 : i32
    %eq3A_3 = arith.cmpi eq, %arg1, %eq3A : i32
    %convert_element_type3A = arith.extui %eq3A_3 : i1 to i32
    %cond3A = arith.constant 0 : i32
    %cond3A_4 = arith.cmpi ne, %convert_element_type3A, %cond3A : i32
    scf.if %cond3A_4 {
      "tpu.region"() ({
        %run_scoped3A = tpu.sem_alloc : memref<!tpu.dma_semaphore, #tpu.memory_space<semaphore_mem>>
        tpu.enqueue_dma source(%arg6 : memref<10000x128xf32, #tpu.memory_space<hbm>>) target(%arg19 : memref<10000x128xf32, #tpu.memory_space<vmem_shared>>) target_semaphore(%run_scoped3A : memref<!tpu.dma_semaphore, #tpu.memory_space<semaphore_mem>>)
        tpu.wait_dma2 semaphore(%run_scoped3A : memref<!tpu.dma_semaphore, #tpu.memory_space<semaphore_mem>>) src(%arg6 : memref<10000x128xf32, #tpu.memory_space<hbm>>) dst(%arg19 : memref<10000x128xf32, #tpu.memory_space<vmem_shared>>)
        tpu.yield
      }) : () -> ()
    } else {
    }
    %barrier3A = arith.constant 0 : index
    tpu.barrier barrier_id(%barrier3A)
    %add3A_5 = arith.constant 0 : i32
    %add3A_6 = arith.addi %mul3A_2, %add3A_5 : i32
    %multiple_of3A = tpu.assume_multiple %add3A_6, 8 : i32
    %dma_start3A = arith.constant 0 : i32
    %dma_start3A_7 = tpu.memref_slice %arg2[%multiple_of3A, %dma_start3A] : memref<320000x128xf32, #tpu.memory_space<hbm>> -> memref<40x128xf32, #tpu.memory_space<hbm>>
    %dma_start3A_8 = arith.constant 0 : i32
    %dma_start3A_9 = tpu.memref_slice %arg2[%multiple_of3A, %dma_start3A_8] : memref<320000x128xf32, #tpu.memory_space<hbm>> -> memref<40x128xf32, #tpu.memory_space<hbm>>
    tpu.enqueue_dma source(%dma_start3A_9 : memref<40x128xf32, #tpu.memory_space<hbm>>) target(%arg9 : memref<40x128xf32, #tpu.memory_space<vmem>>) target_semaphore(%arg20 : memref<!tpu.dma_semaphore, #tpu.memory_space<semaphore_mem>>)
    %add3A_10 = arith.constant 0 : i32
    %add3A_11 = arith.addi %mul3A_2, %add3A_10 : i32
    %multiple_of3A_12 = tpu.assume_multiple %add3A_11, 8 : i32
    %dma_start3A_13 = tpu.memref_slice %arg4[%multiple_of3A_12] : memref<320000xi32, #tpu.memory_space<hbm>> -> memref<40xi32, #tpu.memory_space<hbm>>
    %dma_start3A_14 = tpu.memref_slice %arg4[%multiple_of3A_12] : memref<320000xi32, #tpu.memory_space<hbm>> -> memref<40xi32, #tpu.memory_space<hbm>>
    tpu.enqueue_dma source(%dma_start3A_14 : memref<40xi32, #tpu.memory_space<hbm>>) target(%arg15 : memref<40xi32, #tpu.memory_space<vmem>>) target_semaphore(%arg24 : memref<!tpu.dma_semaphore, #tpu.memory_space<semaphore_mem>>)
    %add3A_15 = arith.constant 0 : i32
    %add3A_16 = arith.addi %mul3A_2, %add3A_15 : i32
    %multiple_of3A_17 = tpu.assume_multiple %add3A_16, 8 : i32
    %dma_start3A_18 = tpu.memref_slice %arg5[%multiple_of3A_17] : memref<320000xi32, #tpu.memory_space<hbm>> -> memref<40xi32, #tpu.memory_space<hbm>>
    %dma_start3A_19 = tpu.memref_slice %arg5[%multiple_of3A_17] : memref<320000xi32, #tpu.memory_space<hbm>> -> memref<40xi32, #tpu.memory_space<hbm>>
    tpu.enqueue_dma source(%dma_start3A_19 : memref<40xi32, #tpu.memory_space<hbm>>) target(%arg17 : memref<40xi32, #tpu.memory_space<vmem>>) target_semaphore(%arg26 : memref<!tpu.dma_semaphore, #tpu.memory_space<semaphore_mem>>)
    %scan3A = arith.constant 0 : i32
    %scan3A_20 = arith.constant 0 : i32
    %scan3A_21 = arith.constant 125 : i32
    %scan3A_22 = arith.addi %scan3A_20, %scan3A_21 : i32
    %scan3A_23 = arith.constant 1 : i32
    scf.for %scan3A_50 = %scan3A_20 to %scan3A_22 step %scan3A_23  : i32 {
      %mul3A_51 = arith.constant 2 : i32
      %mul3A_52 = arith.muli %mul3A_51, %scan3A_50 : i32
      %add3A_53 = arith.constant 1 : i32
      %add3A_54 = arith.addi %mul3A_52, %add3A_53 : i32
      %mul3A_55 = arith.constant 40 : i32
      %mul3A_56 = arith.muli %mul3A_52, %mul3A_55 : i32
      %add3A_57 = arith.addi %mul3A_2, %mul3A_56 : i32
      %multiple_of3A_58 = tpu.assume_multiple %add3A_57, 8 : i32
      %dma_wait3A_59 = tpu.memref_slice %arg4[%multiple_of3A_58] : memref<320000xi32, #tpu.memory_space<hbm>> -> memref<40xi32, #tpu.memory_space<hbm>>
      %dma_wait3A_60 = tpu.memref_slice %arg4[%multiple_of3A_58] : memref<320000xi32, #tpu.memory_space<hbm>> -> memref<40xi32, #tpu.memory_space<hbm>>
      tpu.wait_dma2 semaphore(%arg24 : memref<!tpu.dma_semaphore, #tpu.memory_space<semaphore_mem>>) src(%dma_wait3A_60 : memref<40xi32, #tpu.memory_space<hbm>>) dst(%arg15 : memref<40xi32, #tpu.memory_space<vmem>>)
      %dma_start3A_61 = arith.constant 0 : i32
      %dma_start3A_62 = arith.constant 0 : i32
      %dma_start3A_63 = tpu.memref_slice %arg3[%dma_start3A_61, %dma_start3A_62] : memref<10000x128xf32, #tpu.memory_space<hbm>> -> memref<10000x128xf32, #tpu.memory_space<hbm>>
      tpu.enqueue_indirect_dma source(%dma_start3A_63 : memref<10000x128xf32, #tpu.memory_space<hbm>>) target(%arg11 : memref<40x128xf32, #tpu.memory_space<vmem>>) offsets(%arg15 : memref<40xi32, #tpu.memory_space<vmem>>) semaphore(%arg22 : memref<!tpu.dma_semaphore, #tpu.memory_space<semaphore_mem>>)
      %ge3A = arith.constant 1 : i32
      %ge3A_64 = arith.cmpi sge, %scan3A_50, %ge3A : i32
      %convert_element_type3A_65 = arith.extui %ge3A_64 : i1 to i32
      %cond3A_66 = arith.constant 0 : i32
      %cond3A_67 = arith.cmpi ne, %convert_element_type3A_65, %cond3A_66 : i32
      scf.if %cond3A_67 {
        %sub3A = arith.constant 2 : i32
        %sub3A_171 = arith.subi %add3A_54, %sub3A : i32
        %mul3A_172 = arith.constant 40 : i32
        %mul3A_173 = arith.muli %sub3A_171, %mul3A_172 : i32
        %add3A_174 = arith.addi %mul3A_2, %mul3A_173 : i32
        %multiple_of3A_175 = tpu.assume_multiple %add3A_174, 8 : i32
        %dma_wait3A_176 = arith.constant 0 : i32
        %dma_wait3A_177 = tpu.memref_slice %arg7[%multiple_of3A_175, %dma_wait3A_176] : memref<320000x128xf32, #tpu.memory_space<hbm>> -> memref<40x128xf32, #tpu.memory_space<hbm>>
        %dma_wait3A_178 = arith.constant 0 : i32
        %dma_wait3A_179 = tpu.memref_slice %arg7[%multiple_of3A_175, %dma_wait3A_178] : memref<320000x128xf32, #tpu.memory_space<hbm>> -> memref<40x128xf32, #tpu.memory_space<hbm>>
        tpu.wait_dma2 semaphore(%arg29 : memref<!tpu.dma_semaphore, #tpu.memory_space<semaphore_mem>>) src(%arg10 : memref<40x128xf32, #tpu.memory_space<vmem>>) dst(%dma_wait3A_179 : memref<40x128xf32, #tpu.memory_space<hbm>>)
        %dma_wait3A_180 = arith.constant 0 : i32
        %dma_wait3A_181 = arith.constant 0 : i32
        %dma_wait3A_182 = tpu.memref_slice %arg19[%dma_wait3A_180, %dma_wait3A_181] : memref<10000x128xf32, #tpu.memory_space<vmem_shared>> -> memref<10000x128xf32, #tpu.memory_space<vmem_shared>>
        tpu.wait_indirect_dma semaphore(%arg31 : memref<!tpu.dma_semaphore, #tpu.memory_space<semaphore_mem>>) src(%arg14 : memref<40x128xf32, #tpu.memory_space<vmem>>) dst(%dma_wait3A_182 : memref<10000x128xf32, #tpu.memory_space<vmem_shared>>)
      } else {
      }
      %mul3A_68 = arith.constant 40 : i32
      %mul3A_69 = arith.muli %add3A_54, %mul3A_68 : i32
      %add3A_70 = arith.addi %mul3A_2, %mul3A_69 : i32
      %multiple_of3A_71 = tpu.assume_multiple %add3A_70, 8 : i32
      %dma_start3A_72 = arith.constant 0 : i32
      %dma_start3A_73 = tpu.memref_slice %arg2[%multiple_of3A_71, %dma_start3A_72] : memref<320000x128xf32, #tpu.memory_space<hbm>> -> memref<40x128xf32, #tpu.memory_space<hbm>>
      %dma_start3A_74 = arith.constant 0 : i32
      %dma_start3A_75 = tpu.memref_slice %arg2[%multiple_of3A_71, %dma_start3A_74] : memref<320000x128xf32, #tpu.memory_space<hbm>> -> memref<40x128xf32, #tpu.memory_space<hbm>>
      tpu.enqueue_dma source(%dma_start3A_75 : memref<40x128xf32, #tpu.memory_space<hbm>>) target(%arg10 : memref<40x128xf32, #tpu.memory_space<vmem>>) target_semaphore(%arg21 : memref<!tpu.dma_semaphore, #tpu.memory_space<semaphore_mem>>)
      %mul3A_76 = arith.constant 40 : i32
      %mul3A_77 = arith.muli %add3A_54, %mul3A_76 : i32
      %add3A_78 = arith.addi %mul3A_2, %mul3A_77 : i32
      %multiple_of3A_79 = tpu.assume_multiple %add3A_78, 8 : i32
      %dma_start3A_80 = tpu.memref_slice %arg4[%multiple_of3A_79] : memref<320000xi32, #tpu.memory_space<hbm>> -> memref<40xi32, #tpu.memory_space<hbm>>
      %dma_start3A_81 = tpu.memref_slice %arg4[%multiple_of3A_79] : memref<320000xi32, #tpu.memory_space<hbm>> -> memref<40xi32, #tpu.memory_space<hbm>>
      tpu.enqueue_dma source(%dma_start3A_81 : memref<40xi32, #tpu.memory_space<hbm>>) target(%arg16 : memref<40xi32, #tpu.memory_space<vmem>>) target_semaphore(%arg25 : memref<!tpu.dma_semaphore, #tpu.memory_space<semaphore_mem>>)
      %mul3A_82 = arith.constant 40 : i32
      %mul3A_83 = arith.muli %add3A_54, %mul3A_82 : i32
      %add3A_84 = arith.addi %mul3A_2, %mul3A_83 : i32
      %multiple_of3A_85 = tpu.assume_multiple %add3A_84, 8 : i32
      %dma_start3A_86 = tpu.memref_slice %arg5[%multiple_of3A_85] : memref<320000xi32, #tpu.memory_space<hbm>> -> memref<40xi32, #tpu.memory_space<hbm>>
      %dma_start3A_87 = tpu.memref_slice %arg5[%multiple_of3A_85] : memref<320000xi32, #tpu.memory_space<hbm>> -> memref<40xi32, #tpu.memory_space<hbm>>
      tpu.enqueue_dma source(%dma_start3A_87 : memref<40xi32, #tpu.memory_space<hbm>>) target(%arg18 : memref<40xi32, #tpu.memory_space<vmem>>) target_semaphore(%arg27 : memref<!tpu.dma_semaphore, #tpu.memory_space<semaphore_mem>>)
      %mul3A_88 = arith.constant 40 : i32
      %mul3A_89 = arith.muli %mul3A_52, %mul3A_88 : i32
      %add3A_90 = arith.addi %mul3A_2, %mul3A_89 : i32
      %multiple_of3A_91 = tpu.assume_multiple %add3A_90, 8 : i32
      %dma_wait3A_92 = arith.constant 0 : i32
      %dma_wait3A_93 = tpu.memref_slice %arg2[%multiple_of3A_91, %dma_wait3A_92] : memref<320000x128xf32, #tpu.memory_space<hbm>> -> memref<40x128xf32, #tpu.memory_space<hbm>>
      %dma_wait3A_94 = arith.constant 0 : i32
      %dma_wait3A_95 = tpu.memref_slice %arg2[%multiple_of3A_91, %dma_wait3A_94] : memref<320000x128xf32, #tpu.memory_space<hbm>> -> memref<40x128xf32, #tpu.memory_space<hbm>>
      tpu.wait_dma2 semaphore(%arg20 : memref<!tpu.dma_semaphore, #tpu.memory_space<semaphore_mem>>) src(%dma_wait3A_95 : memref<40x128xf32, #tpu.memory_space<hbm>>) dst(%arg9 : memref<40x128xf32, #tpu.memory_space<vmem>>)
      %dma_wait3A_96 = arith.constant 0 : i32
      %dma_wait3A_97 = arith.constant 0 : i32
      %dma_wait3A_98 = tpu.memref_slice %arg3[%dma_wait3A_96, %dma_wait3A_97] : memref<10000x128xf32, #tpu.memory_space<hbm>> -> memref<10000x128xf32, #tpu.memory_space<hbm>>
      tpu.wait_indirect_dma semaphore(%arg22 : memref<!tpu.dma_semaphore, #tpu.memory_space<semaphore_mem>>) src(%dma_wait3A_98 : memref<10000x128xf32, #tpu.memory_space<hbm>>) dst(%arg11 : memref<40x128xf32, #tpu.memory_space<vmem>>)
      %scan3A_99 = arith.constant 0 : i32
      %scan3A_100 = arith.constant 0 : i32
      %scan3A_101 = arith.constant 40 : i32
      %scan3A_102 = arith.addi %scan3A_100, %scan3A_101 : i32
      %scan3A_103 = arith.constant 1 : i32
      scf.for %scan3A_171 = %scan3A_100 to %scan3A_102 step %scan3A_103  : i32 {
        %get3A = arith.index_cast %scan3A_171 : i32 to index
        %get3A_172 = arith.constant 0 : index
        %get3A_173 = tpu.vector_load %arg9[%get3A, %get3A_172] {strides = array<i32>} : memref<40x128xf32, #tpu.memory_space<vmem>>, vector<1x16xf32>,
        %get3A_174 = vector.shape_cast %get3A_173 : vector<1x16xf32> to vector<16xf32>
        %get3A_175 = arith.index_cast %scan3A_171 : i32 to index
        %get3A_176 = arith.constant 0 : index
        %get3A_177 = tpu.vector_load %arg11[%get3A_175, %get3A_176] {strides = array<i32>} : memref<40x128xf32, #tpu.memory_space<vmem>>, vector<1x16xf32>,
        %get3A_178 = vector.shape_cast %get3A_177 : vector<1x16xf32> to vector<16xf32>
        %add3A_179 = arith.addf %get3A_174, %get3A_178 : vector<16xf32>
        %swap3A = arith.index_cast %scan3A_171 : i32 to index
        %swap3A_180 = arith.constant 0 : index
        %swap3A_181 = tpu.vector_load %arg9[%swap3A, %swap3A_180] {strides = array<i32>} : memref<40x128xf32, #tpu.memory_space<vmem>>, vector<1x16xf32>,
        %swap3A_182 = vector.shape_cast %swap3A_181 : vector<1x16xf32> to vector<16xf32>
        %swap3A_183 = vector.shape_cast %add3A_179 : vector<16xf32> to vector<1x16xf32>
        tpu.vector_store %arg9[%swap3A, %swap3A_180], %swap3A_183 {strides = array<i32>} : memref<40x128xf32, #tpu.memory_space<vmem>>, vector<1x16xf32>,
        %max3A = arith.constant 0.000000e+00 : f32
        %max3A_184 = vector.broadcast %max3A : f32 to vector<16xf32>
        %max3A_185 = arith.maximumf %add3A_179, %max3A_184 : vector<16xf32>
        %swap3A_186 = arith.index_cast %scan3A_171 : i32 to index
        %swap3A_187 = arith.constant 0 : index
        %swap3A_188 = tpu.vector_load %arg13[%swap3A_186, %swap3A_187] {strides = array<i32>} : memref<40x128xf32, #tpu.memory_space<vmem>>, vector<1x16xf32>,
        %swap3A_189 = vector.shape_cast %swap3A_188 : vector<1x16xf32> to vector<16xf32>
        %swap3A_190 = vector.shape_cast %max3A_185 : vector<16xf32> to vector<1x16xf32>
        tpu.vector_store %arg13[%swap3A_186, %swap3A_187], %swap3A_190 {strides = array<i32>} : memref<40x128xf32, #tpu.memory_space<vmem>>, vector<1x16xf32>,
        %get3A_191 = arith.index_cast %scan3A_171 : i32 to index
        %get3A_192 = arith.constant 16 : index
        %get3A_193 = tpu.vector_load %arg9[%get3A_191, %get3A_192] {strides = array<i32>} : memref<40x128xf32, #tpu.memory_space<vmem>>, vector<1x16xf32>,
        %get3A_194 = vector.shape_cast %get3A_193 : vector<1x16xf32> to vector<16xf32>
        %get3A_195 = arith.index_cast %scan3A_171 : i32 to index
        %get3A_196 = arith.constant 16 : index
        %get3A_197 = tpu.vector_load %arg11[%get3A_195, %get3A_196] {strides = array<i32>} : memref<40x128xf32, #tpu.memory_space<vmem>>, vector<1x16xf32>,
        %get3A_198 = vector.shape_cast %get3A_197 : vector<1x16xf32> to vector<16xf32>
        %add3A_199 = arith.addf %get3A_194, %get3A_198 : vector<16xf32>
        %swap3A_200 = arith.index_cast %scan3A_171 : i32 to index
        %swap3A_201 = arith.constant 16 : index
        %swap3A_202 = tpu.vector_load %arg9[%swap3A_200, %swap3A_201] {strides = array<i32>} : memref<40x128xf32, #tpu.memory_space<vmem>>, vector<1x16xf32>,
        %swap3A_203 = vector.shape_cast %swap3A_202 : vector<1x16xf32> to vector<16xf32>
        %swap3A_204 = vector.shape_cast %add3A_199 : vector<16xf32> to vector<1x16xf32>
        tpu.vector_store %arg9[%swap3A_200, %swap3A_201], %swap3A_204 {strides = array<i32>} : memref<40x128xf32, #tpu.memory_space<vmem>>, vector<1x16xf32>,
        %max3A_205 = arith.constant 0.000000e+00 : f32
        %max3A_206 = vector.broadcast %max3A_205 : f32 to vector<16xf32>
        %max3A_207 = arith.maximumf %add3A_199, %max3A_206 : vector<16xf32>
        %swap3A_208 = arith.index_cast %scan3A_171 : i32 to index
        %swap3A_209 = arith.constant 16 : index
        %swap3A_210 = tpu.vector_load %arg13[%swap3A_208, %swap3A_209] {strides = array<i32>} : memref<40x128xf32, #tpu.memory_space<vmem>>, vector<1x16xf32>,
        %swap3A_211 = vector.shape_cast %swap3A_210 : vector<1x16xf32> to vector<16xf32>
        %swap3A_212 = vector.shape_cast %max3A_207 : vector<16xf32> to vector<1x16xf32>
        tpu.vector_store %arg13[%swap3A_208, %swap3A_209], %swap3A_212 {strides = array<i32>} : memref<40x128xf32, #tpu.memory_space<vmem>>, vector<1x16xf32>,
        %get3A_213 = arith.index_cast %scan3A_171 : i32 to index
        %get3A_214 = arith.constant 32 : index
        %get3A_215 = tpu.vector_load %arg9[%get3A_213, %get3A_214] {strides = array<i32>} : memref<40x128xf32, #tpu.memory_space<vmem>>, vector<1x16xf32>,
        %get3A_216 = vector.shape_cast %get3A_215 : vector<1x16xf32> to vector<16xf32>
        %get3A_217 = arith.index_cast %scan3A_171 : i32 to index
        %get3A_218 = arith.constant 32 : index
        %get3A_219 = tpu.vector_load %arg11[%get3A_217, %get3A_218] {strides = array<i32>} : memref<40x128xf32, #tpu.memory_space<vmem>>, vector<1x16xf32>,
        %get3A_220 = vector.shape_cast %get3A_219 : vector<1x16xf32> to vector<16xf32>
        %add3A_221 = arith.addf %get3A_216, %get3A_220 : vector<16xf32>
        %swap3A_222 = arith.index_cast %scan3A_171 : i32 to index
        %swap3A_223 = arith.constant 32 : index
        %swap3A_224 = tpu.vector_load %arg9[%swap3A_222, %swap3A_223] {strides = array<i32>} : memref<40x128xf32, #tpu.memory_space<vmem>>, vector<1x16xf32>,
        %swap3A_225 = vector.shape_cast %swap3A_224 : vector<1x16xf32> to vector<16xf32>
        %swap3A_226 = vector.shape_cast %add3A_221 : vector<16xf32> to vector<1x16xf32>
        tpu.vector_store %arg9[%swap3A_222, %swap3A_223], %swap3A_226 {strides = array<i32>} : memref<40x128xf32, #tpu.memory_space<vmem>>, vector<1x16xf32>,
        %max3A_227 = arith.constant 0.000000e+00 : f32
        %max3A_228 = vector.broadcast %max3A_227 : f32 to vector<16xf32>
        %max3A_229 = arith.maximumf %add3A_221, %max3A_228 : vector<16xf32>
        %swap3A_230 = arith.index_cast %scan3A_171 : i32 to index
        %swap3A_231 = arith.constant 32 : index
        %swap3A_232 = tpu.vector_load %arg13[%swap3A_230, %swap3A_231] {strides = array<i32>} : memref<40x128xf32, #tpu.memory_space<vmem>>, vector<1x16xf32>,
        %swap3A_233 = vector.shape_cast %swap3A_232 : vector<1x16xf32> to vector<16xf32>
        %swap3A_234 = vector.shape_cast %max3A_229 : vector<16xf32> to vector<1x16xf32>
        tpu.vector_store %arg13[%swap3A_230, %swap3A_231], %swap3A_234 {strides = array<i32>} : memref<40x128xf32, #tpu.memory_space<vmem>>, vector<1x16xf32>,
        %get3A_235 = arith.index_cast %scan3A_171 : i32 to index
        %get3A_236 = arith.constant 48 : index
        %get3A_237 = tpu.vector_load %arg9[%get3A_235, %get3A_236] {strides = array<i32>} : memref<40x128xf32, #tpu.memory_space<vmem>>, vector<1x16xf32>,
        %get3A_238 = vector.shape_cast %get3A_237 : vector<1x16xf32> to vector<16xf32>
        %get3A_239 = arith.index_cast %scan3A_171 : i32 to index
        %get3A_240 = arith.constant 48 : index
        %get3A_241 = tpu.vector_load %arg11[%get3A_239, %get3A_240] {strides = array<i32>} : memref<40x128xf32, #tpu.memory_space<vmem>>, vector<1x16xf32>,
        %get3A_242 = vector.shape_cast %get3A_241 : vector<1x16xf32> to vector<16xf32>
        %add3A_243 = arith.addf %get3A_238, %get3A_242 : vector<16xf32>
        %swap3A_244 = arith.index_cast %scan3A_171 : i32 to index
        %swap3A_245 = arith.constant 48 : index
        %swap3A_246 = tpu.vector_load %arg9[%swap3A_244, %swap3A_245] {strides = array<i32>} : memref<40x128xf32, #tpu.memory_space<vmem>>, vector<1x16xf32>,
        %swap3A_247 = vector.shape_cast %swap3A_246 : vector<1x16xf32> to vector<16xf32>
        %swap3A_248 = vector.shape_cast %add3A_243 : vector<16xf32> to vector<1x16xf32>
        tpu.vector_store %arg9[%swap3A_244, %swap3A_245], %swap3A_248 {strides = array<i32>} : memref<40x128xf32, #tpu.memory_space<vmem>>, vector<1x16xf32>,
        %max3A_249 = arith.constant 0.000000e+00 : f32
        %max3A_250 = vector.broadcast %max3A_249 : f32 to vector<16xf32>
        %max3A_251 = arith.maximumf %add3A_243, %max3A_250 : vector<16xf32>
        %swap3A_252 = arith.index_cast %scan3A_171 : i32 to index
        %swap3A_253 = arith.constant 48 : index
        %swap3A_254 = tpu.vector_load %arg13[%swap3A_252, %swap3A_253] {strides = array<i32>} : memref<40x128xf32, #tpu.memory_space<vmem>>, vector<1x16xf32>,
        %swap3A_255 = vector.shape_cast %swap3A_254 : vector<1x16xf32> to vector<16xf32>
        %swap3A_256 = vector.shape_cast %max3A_251 : vector<16xf32> to vector<1x16xf32>
        tpu.vector_store %arg13[%swap3A_252, %swap3A_253], %swap3A_256 {strides = array<i32>} : memref<40x128xf32, #tpu.memory_space<vmem>>, vector<1x16xf32>,
        %get3A_257 = arith.index_cast %scan3A_171 : i32 to index
        %get3A_258 = arith.constant 64 : index
        %get3A_259 = tpu.vector_load %arg9[%get3A_257, %get3A_258] {strides = array<i32>} : memref<40x128xf32, #tpu.memory_space<vmem>>, vector<1x16xf32>,
        %get3A_260 = vector.shape_cast %get3A_259 : vector<1x16xf32> to vector<16xf32>
        %get3A_261 = arith.index_cast %scan3A_171 : i32 to index
        %get3A_262 = arith.constant 64 : index
        %get3A_263 = tpu.vector_load %arg11[%get3A_261, %get3A_262] {strides = array<i32>} : memref<40x128xf32, #tpu.memory_space<vmem>>, vector<1x16xf32>,
        %get3A_264 = vector.shape_cast %get3A_263 : vector<1x16xf32> to vector<16xf32>
        %add3A_265 = arith.addf %get3A_260, %get3A_264 : vector<16xf32>
        %swap3A_266 = arith.index_cast %scan3A_171 : i32 to index
        %swap3A_267 = arith.constant 64 : index
        %swap3A_268 = tpu.vector_load %arg9[%swap3A_266, %swap3A_267] {strides = array<i32>} : memref<40x128xf32, #tpu.memory_space<vmem>>, vector<1x16xf32>,
        %swap3A_269 = vector.shape_cast %swap3A_268 : vector<1x16xf32> to vector<16xf32>
        %swap3A_270 = vector.shape_cast %add3A_265 : vector<16xf32> to vector<1x16xf32>
        tpu.vector_store %arg9[%swap3A_266, %swap3A_267], %swap3A_270 {strides = array<i32>} : memref<40x128xf32, #tpu.memory_space<vmem>>, vector<1x16xf32>,
        %max3A_271 = arith.constant 0.000000e+00 : f32
        %max3A_272 = vector.broadcast %max3A_271 : f32 to vector<16xf32>
        %max3A_273 = arith.maximumf %add3A_265, %max3A_272 : vector<16xf32>
        %swap3A_274 = arith.index_cast %scan3A_171 : i32 to index
        %swap3A_275 = arith.constant 64 : index
        %swap3A_276 = tpu.vector_load %arg13[%swap3A_274, %swap3A_275] {strides = array<i32>} : memref<40x128xf32, #tpu.memory_space<vmem>>, vector<1x16xf32>,
        %swap3A_277 = vector.shape_cast %swap3A_276 : vector<1x16xf32> to vector<16xf32>
        %swap3A_278 = vector.shape_cast %max3A_273 : vector<16xf32> to vector<1x16xf32>
        tpu.vector_store %arg13[%swap3A_274, %swap3A_275], %swap3A_278 {strides = array<i32>} : memref<40x128xf32, #tpu.memory_space<vmem>>, vector<1x16xf32>,
        %get3A_279 = arith.index_cast %scan3A_171 : i32 to index
        %get3A_280 = arith.constant 80 : index
        %get3A_281 = tpu.vector_load %arg9[%get3A_279, %get3A_280] {strides = array<i32>} : memref<40x128xf32, #tpu.memory_space<vmem>>, vector<1x16xf32>,
        %get3A_282 = vector.shape_cast %get3A_281 : vector<1x16xf32> to vector<16xf32>
        %get3A_283 = arith.index_cast %scan3A_171 : i32 to index
        %get3A_284 = arith.constant 80 : index
        %get3A_285 = tpu.vector_load %arg11[%get3A_283, %get3A_284] {strides = array<i32>} : memref<40x128xf32, #tpu.memory_space<vmem>>, vector<1x16xf32>,
        %get3A_286 = vector.shape_cast %get3A_285 : vector<1x16xf32> to vector<16xf32>
        %add3A_287 = arith.addf %get3A_282, %get3A_286 : vector<16xf32>
        %swap3A_288 = arith.index_cast %scan3A_171 : i32 to index
        %swap3A_289 = arith.constant 80 : index
        %swap3A_290 = tpu.vector_load %arg9[%swap3A_288, %swap3A_289] {strides = array<i32>} : memref<40x128xf32, #tpu.memory_space<vmem>>, vector<1x16xf32>,
        %swap3A_291 = vector.shape_cast %swap3A_290 : vector<1x16xf32> to vector<16xf32>
        %swap3A_292 = vector.shape_cast %add3A_287 : vector<16xf32> to vector<1x16xf32>
        tpu.vector_store %arg9[%swap3A_288, %swap3A_289], %swap3A_292 {strides = array<i32>} : memref<40x128xf32, #tpu.memory_space<vmem>>, vector<1x16xf32>,
        %max3A_293 = arith.constant 0.000000e+00 : f32
        %max3A_294 = vector.broadcast %max3A_293 : f32 to vector<16xf32>
        %max3A_295 = arith.maximumf %add3A_287, %max3A_294 : vector<16xf32>
        %swap3A_296 = arith.index_cast %scan3A_171 : i32 to index
        %swap3A_297 = arith.constant 80 : index
        %swap3A_298 = tpu.vector_load %arg13[%swap3A_296, %swap3A_297] {strides = array<i32>} : memref<40x128xf32, #tpu.memory_space<vmem>>, vector<1x16xf32>,
        %swap3A_299 = vector.shape_cast %swap3A_298 : vector<1x16xf32> to vector<16xf32>
        %swap3A_300 = vector.shape_cast %max3A_295 : vector<16xf32> to vector<1x16xf32>
        tpu.vector_store %arg13[%swap3A_296, %swap3A_297], %swap3A_300 {strides = array<i32>} : memref<40x128xf32, #tpu.memory_space<vmem>>, vector<1x16xf32>,
        %get3A_301 = arith.index_cast %scan3A_171 : i32 to index
        %get3A_302 = arith.constant 96 : index
        %get3A_303 = tpu.vector_load %arg9[%get3A_301, %get3A_302] {strides = array<i32>} : memref<40x128xf32, #tpu.memory_space<vmem>>, vector<1x16xf32>,
        %get3A_304 = vector.shape_cast %get3A_303 : vector<1x16xf32> to vector<16xf32>
        %get3A_305 = arith.index_cast %scan3A_171 : i32 to index
        %get3A_306 = arith.constant 96 : index
        %get3A_307 = tpu.vector_load %arg11[%get3A_305, %get3A_306] {strides = array<i32>} : memref<40x128xf32, #tpu.memory_space<vmem>>, vector<1x16xf32>,
        %get3A_308 = vector.shape_cast %get3A_307 : vector<1x16xf32> to vector<16xf32>
        %add3A_309 = arith.addf %get3A_304, %get3A_308 : vector<16xf32>
        %swap3A_310 = arith.index_cast %scan3A_171 : i32 to index
        %swap3A_311 = arith.constant 96 : index
        %swap3A_312 = tpu.vector_load %arg9[%swap3A_310, %swap3A_311] {strides = array<i32>} : memref<40x128xf32, #tpu.memory_space<vmem>>, vector<1x16xf32>,
        %swap3A_313 = vector.shape_cast %swap3A_312 : vector<1x16xf32> to vector<16xf32>
        %swap3A_314 = vector.shape_cast %add3A_309 : vector<16xf32> to vector<1x16xf32>
        tpu.vector_store %arg9[%swap3A_310, %swap3A_311], %swap3A_314 {strides = array<i32>} : memref<40x128xf32, #tpu.memory_space<vmem>>, vector<1x16xf32>,
        %max3A_315 = arith.constant 0.000000e+00 : f32
        %max3A_316 = vector.broadcast %max3A_315 : f32 to vector<16xf32>
        %max3A_317 = arith.maximumf %add3A_309, %max3A_316 : vector<16xf32>
        %swap3A_318 = arith.index_cast %scan3A_171 : i32 to index
        %swap3A_319 = arith.constant 96 : index
        %swap3A_320 = tpu.vector_load %arg13[%swap3A_318, %swap3A_319] {strides = array<i32>} : memref<40x128xf32, #tpu.memory_space<vmem>>, vector<1x16xf32>,
        %swap3A_321 = vector.shape_cast %swap3A_320 : vector<1x16xf32> to vector<16xf32>
        %swap3A_322 = vector.shape_cast %max3A_317 : vector<16xf32> to vector<1x16xf32>
        tpu.vector_store %arg13[%swap3A_318, %swap3A_319], %swap3A_322 {strides = array<i32>} : memref<40x128xf32, #tpu.memory_space<vmem>>, vector<1x16xf32>,
        %get3A_323 = arith.index_cast %scan3A_171 : i32 to index
        %get3A_324 = arith.constant 112 : index
        %get3A_325 = tpu.vector_load %arg9[%get3A_323, %get3A_324] {strides = array<i32>} : memref<40x128xf32, #tpu.memory_space<vmem>>, vector<1x16xf32>,
        %get3A_326 = vector.shape_cast %get3A_325 : vector<1x16xf32> to vector<16xf32>
        %get3A_327 = arith.index_cast %scan3A_171 : i32 to index
        %get3A_328 = arith.constant 112 : index
        %get3A_329 = tpu.vector_load %arg11[%get3A_327, %get3A_328] {strides = array<i32>} : memref<40x128xf32, #tpu.memory_space<vmem>>, vector<1x16xf32>,
        %get3A_330 = vector.shape_cast %get3A_329 : vector<1x16xf32> to vector<16xf32>
        %add3A_331 = arith.addf %get3A_326, %get3A_330 : vector<16xf32>
        %swap3A_332 = arith.index_cast %scan3A_171 : i32 to index
        %swap3A_333 = arith.constant 112 : index
        %swap3A_334 = tpu.vector_load %arg9[%swap3A_332, %swap3A_333] {strides = array<i32>} : memref<40x128xf32, #tpu.memory_space<vmem>>, vector<1x16xf32>,
        %swap3A_335 = vector.shape_cast %swap3A_334 : vector<1x16xf32> to vector<16xf32>
        %swap3A_336 = vector.shape_cast %add3A_331 : vector<16xf32> to vector<1x16xf32>
        tpu.vector_store %arg9[%swap3A_332, %swap3A_333], %swap3A_336 {strides = array<i32>} : memref<40x128xf32, #tpu.memory_space<vmem>>, vector<1x16xf32>,
        %max3A_337 = arith.constant 0.000000e+00 : f32
        %max3A_338 = vector.broadcast %max3A_337 : f32 to vector<16xf32>
        %max3A_339 = arith.maximumf %add3A_331, %max3A_338 : vector<16xf32>
        %swap3A_340 = arith.index_cast %scan3A_171 : i32 to index
        %swap3A_341 = arith.constant 112 : index
        %swap3A_342 = tpu.vector_load %arg13[%swap3A_340, %swap3A_341] {strides = array<i32>} : memref<40x128xf32, #tpu.memory_space<vmem>>, vector<1x16xf32>,
        %swap3A_343 = vector.shape_cast %swap3A_342 : vector<1x16xf32> to vector<16xf32>
        %swap3A_344 = vector.shape_cast %max3A_339 : vector<16xf32> to vector<1x16xf32>
        tpu.vector_store %arg13[%swap3A_340, %swap3A_341], %swap3A_344 {strides = array<i32>} : memref<40x128xf32, #tpu.memory_space<vmem>>, vector<1x16xf32>,
      }
      %scan3A_104 = arith.constant 40 : i32
      %mul3A_105 = arith.constant 40 : i32
      %mul3A_106 = arith.muli %mul3A_52, %mul3A_105 : i32
      %add3A_107 = arith.addi %mul3A_2, %mul3A_106 : i32
      %multiple_of3A_108 = tpu.assume_multiple %add3A_107, 8 : i32
      %dma_wait3A_109 = tpu.memref_slice %arg5[%multiple_of3A_108] : memref<320000xi32, #tpu.memory_space<hbm>> -> memref<40xi32, #tpu.memory_space<hbm>>
      %dma_wait3A_110 = tpu.memref_slice %arg5[%multiple_of3A_108] : memref<320000xi32, #tpu.memory_space<hbm>> -> memref<40xi32, #tpu.memory_space<hbm>>
      tpu.wait_dma2 semaphore(%arg26 : memref<!tpu.dma_semaphore, #tpu.memory_space<semaphore_mem>>) src(%dma_wait3A_110 : memref<40xi32, #tpu.memory_space<hbm>>) dst(%arg17 : memref<40xi32, #tpu.memory_space<vmem>>)
      %mul3A_111 = arith.constant 40 : i32
      %mul3A_112 = arith.muli %mul3A_52, %mul3A_111 : i32
      %add3A_113 = arith.addi %mul3A_2, %mul3A_112 : i32
      %multiple_of3A_114 = tpu.assume_multiple %add3A_113, 8 : i32
      %dma_start3A_115 = arith.constant 0 : i32
      %dma_start3A_116 = tpu.memref_slice %arg7[%multiple_of3A_114, %dma_start3A_115] : memref<320000x128xf32, #tpu.memory_space<hbm>> -> memref<40x128xf32, #tpu.memory_space<hbm>>
      %dma_start3A_117 = arith.constant 0 : i32
      %dma_start3A_118 = tpu.memref_slice %arg7[%multiple_of3A_114, %dma_start3A_117] : memref<320000x128xf32, #tpu.memory_space<hbm>> -> memref<40x128xf32, #tpu.memory_space<hbm>>
      tpu.enqueue_dma source(%arg9 : memref<40x128xf32, #tpu.memory_space<vmem>>) target(%dma_start3A_118 : memref<40x128xf32, #tpu.memory_space<hbm>>) target_semaphore(%arg28 : memref<!tpu.dma_semaphore, #tpu.memory_space<semaphore_mem>>)
      %dma_start3A_119 = arith.constant 0 : i32
      %dma_start3A_120 = arith.constant 0 : i32
      %dma_start3A_121 = tpu.memref_slice %arg19[%dma_start3A_119, %dma_start3A_120] : memref<10000x128xf32, #tpu.memory_space<vmem_shared>> -> memref<10000x128xf32, #tpu.memory_space<vmem_shared>>
      tpu.enqueue_indirect_dma source(%arg13 : memref<40x128xf32, #tpu.memory_space<vmem>>) target(%dma_start3A_121 : memref<10000x128xf32, #tpu.memory_space<vmem_shared>>) offsets(%arg17 : memref<40xi32, #tpu.memory_space<vmem>>) semaphore(%arg30 : memref<!tpu.dma_semaphore, #tpu.memory_space<semaphore_mem>>) {add = true}
      %mul3A_122 = arith.constant 40 : i32
      %mul3A_123 = arith.muli %add3A_54, %mul3A_122 : i32
      %add3A_124 = arith.addi %mul3A_2, %mul3A_123 : i32
      %multiple_of3A_125 = tpu.assume_multiple %add3A_124, 8 : i32
      %dma_wait3A_126 = tpu.memref_slice %arg4[%multiple_of3A_125] : memref<320000xi32, #tpu.memory_space<hbm>> -> memref<40xi32, #tpu.memory_space<hbm>>
      %dma_wait3A_127 = tpu.memref_slice %arg4[%multiple_of3A_125] : memref<320000xi32, #tpu.memory_space<hbm>> -> memref<40xi32, #tpu.memory_space<hbm>>
      tpu.wait_dma2 semaphore(%arg25 : memref<!tpu.dma_semaphore, #tpu.memory_space<semaphore_mem>>) src(%dma_wait3A_127 : memref<40xi32, #tpu.memory_space<hbm>>) dst(%arg16 : memref<40xi32, #tpu.memory_space<vmem>>)
      %dma_start3A_128 = arith.constant 0 : i32
      %dma_start3A_129 = arith.constant 0 : i32
      %dma_start3A_130 = tpu.memref_slice %arg3[%dma_start3A_128, %dma_start3A_129] : memref<10000x128xf32, #tpu.memory_space<hbm>> -> memref<10000x128xf32, #tpu.memory_space<hbm>>
      tpu.enqueue_indirect_dma source(%dma_start3A_130 : memref<10000x128xf32, #tpu.memory_space<hbm>>) target(%arg12 : memref<40x128xf32, #tpu.memory_space<vmem>>) offsets(%arg16 : memref<40xi32, #tpu.memory_space<vmem>>) semaphore(%arg23 : memref<!tpu.dma_semaphore, #tpu.memory_space<semaphore_mem>>)
      %mul3A_131 = arith.constant 40 : i32
      %mul3A_132 = arith.muli %add3A_54, %mul3A_131 : i32
      %add3A_133 = arith.addi %mul3A_2, %mul3A_132 : i32
      %multiple_of3A_134 = tpu.assume_multiple %add3A_133, 8 : i32
      %dma_wait3A_135 = arith.constant 0 : i32
      %dma_wait3A_136 = tpu.memref_slice %arg2[%multiple_of3A_134, %dma_wait3A_135] : memref<320000x128xf32, #tpu.memory_space<hbm>> -> memref<40x128xf32, #tpu.memory_space<hbm>>
      %dma_wait3A_137 = arith.constant 0 : i32
      %dma_wait3A_138 = tpu.memref_slice %arg2[%multiple_of3A_134, %dma_wait3A_137] : memref<320000x128xf32, #tpu.memory_space<hbm>> -> memref<40x128xf32, #tpu.memory_space<hbm>>
      tpu.wait_dma2 semaphore(%arg21 : memref<!tpu.dma_semaphore, #tpu.memory_space<semaphore_mem>>) src(%dma_wait3A_138 : memref<40x128xf32, #tpu.memory_space<hbm>>) dst(%arg10 : memref<40x128xf32, #tpu.memory_space<vmem>>)
      %dma_wait3A_139 = arith.constant 0 : i32
      %dma_wait3A_140 = arith.constant 0 : i32
      %dma_wait3A_141 = tpu.memref_slice %arg3[%dma_wait3A_139, %dma_wait3A_140] : memref<10000x128xf32, #tpu.memory_space<hbm>> -> memref<10000x128xf32, #tpu.memory_space<hbm>>
      tpu.wait_indirect_dma semaphore(%arg23 : memref<!tpu.dma_semaphore, #tpu.memory_space<semaphore_mem>>) src(%dma_wait3A_141 : memref<10000x128xf32, #tpu.memory_space<hbm>>) dst(%arg12 : memref<40x128xf32, #tpu.memory_space<vmem>>)
      %scan3A_142 = arith.constant 0 : i32
      %scan3A_143 = arith.constant 0 : i32
      %scan3A_144 = arith.constant 40 : i32
      %scan3A_145 = arith.addi %scan3A_143, %scan3A_144 : i32
      %scan3A_146 = arith.constant 1 : i32
      scf.for %scan3A_171 = %scan3A_143 to %scan3A_145 step %scan3A_146  : i32 {
        %get3A = arith.index_cast %scan3A_171 : i32 to index
        %get3A_172 = arith.constant 0 : index
        %get3A_173 = tpu.vector_load %arg10[%get3A, %get3A_172] {strides = array<i32>} : memref<40x128xf32, #tpu.memory_space<vmem>>, vector<1x16xf32>,
        %get3A_174 = vector.shape_cast %get3A_173 : vector<1x16xf32> to vector<16xf32>
        %get3A_175 = arith.index_cast %scan3A_171 : i32 to index
        %get3A_176 = arith.constant 0 : index
        %get3A_177 = tpu.vector_load %arg12[%get3A_175, %get3A_176] {strides = array<i32>} : memref<40x128xf32, #tpu.memory_space<vmem>>, vector<1x16xf32>,
        %get3A_178 = vector.shape_cast %get3A_177 : vector<1x16xf32> to vector<16xf32>
        %add3A_179 = arith.addf %get3A_174, %get3A_178 : vector<16xf32>
        %swap3A = arith.index_cast %scan3A_171 : i32 to index
        %swap3A_180 = arith.constant 0 : index
        %swap3A_181 = tpu.vector_load %arg10[%swap3A, %swap3A_180] {strides = array<i32>} : memref<40x128xf32, #tpu.memory_space<vmem>>, vector<1x16xf32>,
        %swap3A_182 = vector.shape_cast %swap3A_181 : vector<1x16xf32> to vector<16xf32>
        %swap3A_183 = vector.shape_cast %add3A_179 : vector<16xf32> to vector<1x16xf32>
        tpu.vector_store %arg10[%swap3A, %swap3A_180], %swap3A_183 {strides = array<i32>} : memref<40x128xf32, #tpu.memory_space<vmem>>, vector<1x16xf32>,
        %max3A = arith.constant 0.000000e+00 : f32
        %max3A_184 = vector.broadcast %max3A : f32 to vector<16xf32>
        %max3A_185 = arith.maximumf %add3A_179, %max3A_184 : vector<16xf32>
        %swap3A_186 = arith.index_cast %scan3A_171 : i32 to index
        %swap3A_187 = arith.constant 0 : index
        %swap3A_188 = tpu.vector_load %arg14[%swap3A_186, %swap3A_187] {strides = array<i32>} : memref<40x128xf32, #tpu.memory_space<vmem>>, vector<1x16xf32>,
        %swap3A_189 = vector.shape_cast %swap3A_188 : vector<1x16xf32> to vector<16xf32>
        %swap3A_190 = vector.shape_cast %max3A_185 : vector<16xf32> to vector<1x16xf32>
        tpu.vector_store %arg14[%swap3A_186, %swap3A_187], %swap3A_190 {strides = array<i32>} : memref<40x128xf32, #tpu.memory_space<vmem>>, vector<1x16xf32>,
        %get3A_191 = arith.index_cast %scan3A_171 : i32 to index
        %get3A_192 = arith.constant 16 : index
        %get3A_193 = tpu.vector_load %arg10[%get3A_191, %get3A_192] {strides = array<i32>} : memref<40x128xf32, #tpu.memory_space<vmem>>, vector<1x16xf32>,
        %get3A_194 = vector.shape_cast %get3A_193 : vector<1x16xf32> to vector<16xf32>
        %get3A_195 = arith.index_cast %scan3A_171 : i32 to index
        %get3A_196 = arith.constant 16 : index
        %get3A_197 = tpu.vector_load %arg12[%get3A_195, %get3A_196] {strides = array<i32>} : memref<40x128xf32, #tpu.memory_space<vmem>>, vector<1x16xf32>,
        %get3A_198 = vector.shape_cast %get3A_197 : vector<1x16xf32> to vector<16xf32>
        %add3A_199 = arith.addf %get3A_194, %get3A_198 : vector<16xf32>
        %swap3A_200 = arith.index_cast %scan3A_171 : i32 to index
        %swap3A_201 = arith.constant 16 : index
        %swap3A_202 = tpu.vector_load %arg10[%swap3A_200, %swap3A_201] {strides = array<i32>} : memref<40x128xf32, #tpu.memory_space<vmem>>, vector<1x16xf32>,
        %swap3A_203 = vector.shape_cast %swap3A_202 : vector<1x16xf32> to vector<16xf32>
        %swap3A_204 = vector.shape_cast %add3A_199 : vector<16xf32> to vector<1x16xf32>
        tpu.vector_store %arg10[%swap3A_200, %swap3A_201], %swap3A_204 {strides = array<i32>} : memref<40x128xf32, #tpu.memory_space<vmem>>, vector<1x16xf32>,
        %max3A_205 = arith.constant 0.000000e+00 : f32
        %max3A_206 = vector.broadcast %max3A_205 : f32 to vector<16xf32>
        %max3A_207 = arith.maximumf %add3A_199, %max3A_206 : vector<16xf32>
        %swap3A_208 = arith.index_cast %scan3A_171 : i32 to index
        %swap3A_209 = arith.constant 16 : index
        %swap3A_210 = tpu.vector_load %arg14[%swap3A_208, %swap3A_209] {strides = array<i32>} : memref<40x128xf32, #tpu.memory_space<vmem>>, vector<1x16xf32>,
        %swap3A_211 = vector.shape_cast %swap3A_210 : vector<1x16xf32> to vector<16xf32>
        %swap3A_212 = vector.shape_cast %max3A_207 : vector<16xf32> to vector<1x16xf32>
        tpu.vector_store %arg14[%swap3A_208, %swap3A_209], %swap3A_212 {strides = array<i32>} : memref<40x128xf32, #tpu.memory_space<vmem>>, vector<1x16xf32>,
        %get3A_213 = arith.index_cast %scan3A_171 : i32 to index
        %get3A_214 = arith.constant 32 : index
        %get3A_215 = tpu.vector_load %arg10[%get3A_213, %get3A_214] {strides = array<i32>} : memref<40x128xf32, #tpu.memory_space<vmem>>, vector<1x16xf32>,
        %get3A_216 = vector.shape_cast %get3A_215 : vector<1x16xf32> to vector<16xf32>
        %get3A_217 = arith.index_cast %scan3A_171 : i32 to index
        %get3A_218 = arith.constant 32 : index
        %get3A_219 = tpu.vector_load %arg12[%get3A_217, %get3A_218] {strides = array<i32>} : memref<40x128xf32, #tpu.memory_space<vmem>>, vector<1x16xf32>,
        %get3A_220 = vector.shape_cast %get3A_219 : vector<1x16xf32> to vector<16xf32>
        %add3A_221 = arith.addf %get3A_216, %get3A_220 : vector<16xf32>
        %swap3A_222 = arith.index_cast %scan3A_171 : i32 to index
        %swap3A_223 = arith.constant 32 : index
        %swap3A_224 = tpu.vector_load %arg10[%swap3A_222, %swap3A_223] {strides = array<i32>} : memref<40x128xf32, #tpu.memory_space<vmem>>, vector<1x16xf32>,
        %swap3A_225 = vector.shape_cast %swap3A_224 : vector<1x16xf32> to vector<16xf32>
        %swap3A_226 = vector.shape_cast %add3A_221 : vector<16xf32> to vector<1x16xf32>
        tpu.vector_store %arg10[%swap3A_222, %swap3A_223], %swap3A_226 {strides = array<i32>} : memref<40x128xf32, #tpu.memory_space<vmem>>, vector<1x16xf32>,
        %max3A_227 = arith.constant 0.000000e+00 : f32
        %max3A_228 = vector.broadcast %max3A_227 : f32 to vector<16xf32>
        %max3A_229 = arith.maximumf %add3A_221, %max3A_228 : vector<16xf32>
        %swap3A_230 = arith.index_cast %scan3A_171 : i32 to index
        %swap3A_231 = arith.constant 32 : index
        %swap3A_232 = tpu.vector_load %arg14[%swap3A_230, %swap3A_231] {strides = array<i32>} : memref<40x128xf32, #tpu.memory_space<vmem>>, vector<1x16xf32>,
        %swap3A_233 = vector.shape_cast %swap3A_232 : vector<1x16xf32> to vector<16xf32>
        %swap3A_234 = vector.shape_cast %max3A_229 : vector<16xf32> to vector<1x16xf32>
        tpu.vector_store %arg14[%swap3A_230, %swap3A_231], %swap3A_234 {strides = array<i32>} : memref<40x128xf32, #tpu.memory_space<vmem>>, vector<1x16xf32>,
        %get3A_235 = arith.index_cast %scan3A_171 : i32 to index
        %get3A_236 = arith.constant 48 : index
        %get3A_237 = tpu.vector_load %arg10[%get3A_235, %get3A_236] {strides = array<i32>} : memref<40x128xf32, #tpu.memory_space<vmem>>, vector<1x16xf32>,
        %get3A_238 = vector.shape_cast %get3A_237 : vector<1x16xf32> to vector<16xf32>
        %get3A_239 = arith.index_cast %scan3A_171 : i32 to index
        %get3A_240 = arith.constant 48 : index
        %get3A_241 = tpu.vector_load %arg12[%get3A_239, %get3A_240] {strides = array<i32>} : memref<40x128xf32, #tpu.memory_space<vmem>>, vector<1x16xf32>,
        %get3A_242 = vector.shape_cast %get3A_241 : vector<1x16xf32> to vector<16xf32>
        %add3A_243 = arith.addf %get3A_238, %get3A_242 : vector<16xf32>
        %swap3A_244 = arith.index_cast %scan3A_171 : i32 to index
        %swap3A_245 = arith.constant 48 : index
        %swap3A_246 = tpu.vector_load %arg10[%swap3A_244, %swap3A_245] {strides = array<i32>} : memref<40x128xf32, #tpu.memory_space<vmem>>, vector<1x16xf32>,
        %swap3A_247 = vector.shape_cast %swap3A_246 : vector<1x16xf32> to vector<16xf32>
        %swap3A_248 = vector.shape_cast %add3A_243 : vector<16xf32> to vector<1x16xf32>
        tpu.vector_store %arg10[%swap3A_244, %swap3A_245], %swap3A_248 {strides = array<i32>} : memref<40x128xf32, #tpu.memory_space<vmem>>, vector<1x16xf32>,
        %max3A_249 = arith.constant 0.000000e+00 : f32
        %max3A_250 = vector.broadcast %max3A_249 : f32 to vector<16xf32>
        %max3A_251 = arith.maximumf %add3A_243, %max3A_250 : vector<16xf32>
        %swap3A_252 = arith.index_cast %scan3A_171 : i32 to index
        %swap3A_253 = arith.constant 48 : index
        %swap3A_254 = tpu.vector_load %arg14[%swap3A_252, %swap3A_253] {strides = array<i32>} : memref<40x128xf32, #tpu.memory_space<vmem>>, vector<1x16xf32>,
        %swap3A_255 = vector.shape_cast %swap3A_254 : vector<1x16xf32> to vector<16xf32>
        %swap3A_256 = vector.shape_cast %max3A_251 : vector<16xf32> to vector<1x16xf32>
        tpu.vector_store %arg14[%swap3A_252, %swap3A_253], %swap3A_256 {strides = array<i32>} : memref<40x128xf32, #tpu.memory_space<vmem>>, vector<1x16xf32>,
        %get3A_257 = arith.index_cast %scan3A_171 : i32 to index
        %get3A_258 = arith.constant 64 : index
        %get3A_259 = tpu.vector_load %arg10[%get3A_257, %get3A_258] {strides = array<i32>} : memref<40x128xf32, #tpu.memory_space<vmem>>, vector<1x16xf32>,
        %get3A_260 = vector.shape_cast %get3A_259 : vector<1x16xf32> to vector<16xf32>
        %get3A_261 = arith.index_cast %scan3A_171 : i32 to index
        %get3A_262 = arith.constant 64 : index
        %get3A_263 = tpu.vector_load %arg12[%get3A_261, %get3A_262] {strides = array<i32>} : memref<40x128xf32, #tpu.memory_space<vmem>>, vector<1x16xf32>,
        %get3A_264 = vector.shape_cast %get3A_263 : vector<1x16xf32> to vector<16xf32>
        %add3A_265 = arith.addf %get3A_260, %get3A_264 : vector<16xf32>
        %swap3A_266 = arith.index_cast %scan3A_171 : i32 to index
        %swap3A_267 = arith.constant 64 : index
        %swap3A_268 = tpu.vector_load %arg10[%swap3A_266, %swap3A_267] {strides = array<i32>} : memref<40x128xf32, #tpu.memory_space<vmem>>, vector<1x16xf32>,
        %swap3A_269 = vector.shape_cast %swap3A_268 : vector<1x16xf32> to vector<16xf32>
        %swap3A_270 = vector.shape_cast %add3A_265 : vector<16xf32> to vector<1x16xf32>
        tpu.vector_store %arg10[%swap3A_266, %swap3A_267], %swap3A_270 {strides = array<i32>} : memref<40x128xf32, #tpu.memory_space<vmem>>, vector<1x16xf32>,
        %max3A_271 = arith.constant 0.000000e+00 : f32
        %max3A_272 = vector.broadcast %max3A_271 : f32 to vector<16xf32>
        %max3A_273 = arith.maximumf %add3A_265, %max3A_272 : vector<16xf32>
        %swap3A_274 = arith.index_cast %scan3A_171 : i32 to index
        %swap3A_275 = arith.constant 64 : index
        %swap3A_276 = tpu.vector_load %arg14[%swap3A_274, %swap3A_275] {strides = array<i32>} : memref<40x128xf32, #tpu.memory_space<vmem>>, vector<1x16xf32>,
        %swap3A_277 = vector.shape_cast %swap3A_276 : vector<1x16xf32> to vector<16xf32>
        %swap3A_278 = vector.shape_cast %max3A_273 : vector<16xf32> to vector<1x16xf32>
        tpu.vector_store %arg14[%swap3A_274, %swap3A_275], %swap3A_278 {strides = array<i32>} : memref<40x128xf32, #tpu.memory_space<vmem>>, vector<1x16xf32>,
        %get3A_279 = arith.index_cast %scan3A_171 : i32 to index
        %get3A_280 = arith.constant 80 : index
        %get3A_281 = tpu.vector_load %arg10[%get3A_279, %get3A_280] {strides = array<i32>} : memref<40x128xf32, #tpu.memory_space<vmem>>, vector<1x16xf32>,
        %get3A_282 = vector.shape_cast %get3A_281 : vector<1x16xf32> to vector<16xf32>
        %get3A_283 = arith.index_cast %scan3A_171 : i32 to index
        %get3A_284 = arith.constant 80 : index
        %get3A_285 = tpu.vector_load %arg12[%get3A_283, %get3A_284] {strides = array<i32>} : memref<40x128xf32, #tpu.memory_space<vmem>>, vector<1x16xf32>,
        %get3A_286 = vector.shape_cast %get3A_285 : vector<1x16xf32> to vector<16xf32>
        %add3A_287 = arith.addf %get3A_282, %get3A_286 : vector<16xf32>
        %swap3A_288 = arith.index_cast %scan3A_171 : i32 to index
        %swap3A_289 = arith.constant 80 : index
        %swap3A_290 = tpu.vector_load %arg10[%swap3A_288, %swap3A_289] {strides = array<i32>} : memref<40x128xf32, #tpu.memory_space<vmem>>, vector<1x16xf32>,
        %swap3A_291 = vector.shape_cast %swap3A_290 : vector<1x16xf32> to vector<16xf32>
        %swap3A_292 = vector.shape_cast %add3A_287 : vector<16xf32> to vector<1x16xf32>
        tpu.vector_store %arg10[%swap3A_288, %swap3A_289], %swap3A_292 {strides = array<i32>} : memref<40x128xf32, #tpu.memory_space<vmem>>, vector<1x16xf32>,
        %max3A_293 = arith.constant 0.000000e+00 : f32
        %max3A_294 = vector.broadcast %max3A_293 : f32 to vector<16xf32>
        %max3A_295 = arith.maximumf %add3A_287, %max3A_294 : vector<16xf32>
        %swap3A_296 = arith.index_cast %scan3A_171 : i32 to index
        %swap3A_297 = arith.constant 80 : index
        %swap3A_298 = tpu.vector_load %arg14[%swap3A_296, %swap3A_297] {strides = array<i32>} : memref<40x128xf32, #tpu.memory_space<vmem>>, vector<1x16xf32>,
        %swap3A_299 = vector.shape_cast %swap3A_298 : vector<1x16xf32> to vector<16xf32>
        %swap3A_300 = vector.shape_cast %max3A_295 : vector<16xf32> to vector<1x16xf32>
        tpu.vector_store %arg14[%swap3A_296, %swap3A_297], %swap3A_300 {strides = array<i32>} : memref<40x128xf32, #tpu.memory_space<vmem>>, vector<1x16xf32>,
        %get3A_301 = arith.index_cast %scan3A_171 : i32 to index
        %get3A_302 = arith.constant 96 : index
        %get3A_303 = tpu.vector_load %arg10[%get3A_301, %get3A_302] {strides = array<i32>} : memref<40x128xf32, #tpu.memory_space<vmem>>, vector<1x16xf32>,
        %get3A_304 = vector.shape_cast %get3A_303 : vector<1x16xf32> to vector<16xf32>
        %get3A_305 = arith.index_cast %scan3A_171 : i32 to index
        %get3A_306 = arith.constant 96 : index
        %get3A_307 = tpu.vector_load %arg12[%get3A_305, %get3A_306] {strides = array<i32>} : memref<40x128xf32, #tpu.memory_space<vmem>>, vector<1x16xf32>,
        %get3A_308 = vector.shape_cast %get3A_307 : vector<1x16xf32> to vector<16xf32>
        %add3A_309 = arith.addf %get3A_304, %get3A_308 : vector<16xf32>
        %swap3A_310 = arith.index_cast %scan3A_171 : i32 to index
        %swap3A_311 = arith.constant 96 : index
        %swap3A_312 = tpu.vector_load %arg10[%swap3A_310, %swap3A_311] {strides = array<i32>} : memref<40x128xf32, #tpu.memory_space<vmem>>, vector<1x16xf32>,
        %swap3A_313 = vector.shape_cast %swap3A_312 : vector<1x16xf32> to vector<16xf32>
        %swap3A_314 = vector.shape_cast %add3A_309 : vector<16xf32> to vector<1x16xf32>
        tpu.vector_store %arg10[%swap3A_310, %swap3A_311], %swap3A_314 {strides = array<i32>} : memref<40x128xf32, #tpu.memory_space<vmem>>, vector<1x16xf32>,
        %max3A_315 = arith.constant 0.000000e+00 : f32
        %max3A_316 = vector.broadcast %max3A_315 : f32 to vector<16xf32>
        %max3A_317 = arith.maximumf %add3A_309, %max3A_316 : vector<16xf32>
        %swap3A_318 = arith.index_cast %scan3A_171 : i32 to index
        %swap3A_319 = arith.constant 96 : index
        %swap3A_320 = tpu.vector_load %arg14[%swap3A_318, %swap3A_319] {strides = array<i32>} : memref<40x128xf32, #tpu.memory_space<vmem>>, vector<1x16xf32>,
        %swap3A_321 = vector.shape_cast %swap3A_320 : vector<1x16xf32> to vector<16xf32>
        %swap3A_322 = vector.shape_cast %max3A_317 : vector<16xf32> to vector<1x16xf32>
        tpu.vector_store %arg14[%swap3A_318, %swap3A_319], %swap3A_322 {strides = array<i32>} : memref<40x128xf32, #tpu.memory_space<vmem>>, vector<1x16xf32>,
        %get3A_323 = arith.index_cast %scan3A_171 : i32 to index
        %get3A_324 = arith.constant 112 : index
        %get3A_325 = tpu.vector_load %arg10[%get3A_323, %get3A_324] {strides = array<i32>} : memref<40x128xf32, #tpu.memory_space<vmem>>, vector<1x16xf32>,
        %get3A_326 = vector.shape_cast %get3A_325 : vector<1x16xf32> to vector<16xf32>
        %get3A_327 = arith.index_cast %scan3A_171 : i32 to index
        %get3A_328 = arith.constant 112 : index
        %get3A_329 = tpu.vector_load %arg12[%get3A_327, %get3A_328] {strides = array<i32>} : memref<40x128xf32, #tpu.memory_space<vmem>>, vector<1x16xf32>,
        %get3A_330 = vector.shape_cast %get3A_329 : vector<1x16xf32> to vector<16xf32>
        %add3A_331 = arith.addf %get3A_326, %get3A_330 : vector<16xf32>
        %swap3A_332 = arith.index_cast %scan3A_171 : i32 to index
        %swap3A_333 = arith.constant 112 : index
        %swap3A_334 = tpu.vector_load %arg10[%swap3A_332, %swap3A_333] {strides = array<i32>} : memref<40x128xf32, #tpu.memory_space<vmem>>, vector<1x16xf32>,
        %swap3A_335 = vector.shape_cast %swap3A_334 : vector<1x16xf32> to vector<16xf32>
        %swap3A_336 = vector.shape_cast %add3A_331 : vector<16xf32> to vector<1x16xf32>
        tpu.vector_store %arg10[%swap3A_332, %swap3A_333], %swap3A_336 {strides = array<i32>} : memref<40x128xf32, #tpu.memory_space<vmem>>, vector<1x16xf32>,
        %max3A_337 = arith.constant 0.000000e+00 : f32
        %max3A_338 = vector.broadcast %max3A_337 : f32 to vector<16xf32>
        %max3A_339 = arith.maximumf %add3A_331, %max3A_338 : vector<16xf32>
        %swap3A_340 = arith.index_cast %scan3A_171 : i32 to index
        %swap3A_341 = arith.constant 112 : index
        %swap3A_342 = tpu.vector_load %arg14[%swap3A_340, %swap3A_341] {strides = array<i32>} : memref<40x128xf32, #tpu.memory_space<vmem>>, vector<1x16xf32>,
        %swap3A_343 = vector.shape_cast %swap3A_342 : vector<1x16xf32> to vector<16xf32>
        %swap3A_344 = vector.shape_cast %max3A_339 : vector<16xf32> to vector<1x16xf32>
        tpu.vector_store %arg14[%swap3A_340, %swap3A_341], %swap3A_344 {strides = array<i32>} : memref<40x128xf32, #tpu.memory_space<vmem>>, vector<1x16xf32>,
      }
      %scan3A_147 = arith.constant 40 : i32
      %add3A_148 = arith.constant 1 : i32
      %add3A_149 = arith.addi %scan3A_50, %add3A_148 : i32
      %lt3A = arith.constant 125 : i32
      %lt3A_150 = arith.cmpi slt, %add3A_149, %lt3A : i32
      %convert_element_type3A_151 = arith.extui %lt3A_150 : i1 to i32
      %cond3A_152 = arith.constant 0 : i32
      %cond3A_153 = arith.cmpi ne, %convert_element_type3A_151, %cond3A_152 : i32
      scf.if %cond3A_153 {
        %mul3A_171 = arith.constant 40 : i32
        %mul3A_172 = arith.muli %mul3A_52, %mul3A_171 : i32
        %add3A_173 = arith.addi %mul3A_2, %mul3A_172 : i32
        %multiple_of3A_174 = tpu.assume_multiple %add3A_173, 8 : i32
        %dma_wait3A_175 = arith.constant 0 : i32
        %dma_wait3A_176 = tpu.memref_slice %arg7[%multiple_of3A_174, %dma_wait3A_175] : memref<320000x128xf32, #tpu.memory_space<hbm>> -> memref<40x128xf32, #tpu.memory_space<hbm>>
        %dma_wait3A_177 = arith.constant 0 : i32
        %dma_wait3A_178 = tpu.memref_slice %arg7[%multiple_of3A_174, %dma_wait3A_177] : memref<320000x128xf32, #tpu.memory_space<hbm>> -> memref<40x128xf32, #tpu.memory_space<hbm>>
        tpu.wait_dma2 semaphore(%arg28 : memref<!tpu.dma_semaphore, #tpu.memory_space<semaphore_mem>>) src(%arg9 : memref<40x128xf32, #tpu.memory_space<vmem>>) dst(%dma_wait3A_178 : memref<40x128xf32, #tpu.memory_space<hbm>>)
        %dma_wait3A_179 = arith.constant 0 : i32
        %dma_wait3A_180 = arith.constant 0 : i32
        %dma_wait3A_181 = tpu.memref_slice %arg19[%dma_wait3A_179, %dma_wait3A_180] : memref<10000x128xf32, #tpu.memory_space<vmem_shared>> -> memref<10000x128xf32, #tpu.memory_space<vmem_shared>>
        tpu.wait_indirect_dma semaphore(%arg30 : memref<!tpu.dma_semaphore, #tpu.memory_space<semaphore_mem>>) src(%arg13 : memref<40x128xf32, #tpu.memory_space<vmem>>) dst(%dma_wait3A_181 : memref<10000x128xf32, #tpu.memory_space<vmem_shared>>)
        %add3A_182 = arith.constant 2 : i32
        %add3A_183 = arith.addi %mul3A_52, %add3A_182 : i32
        %mul3A_184 = arith.constant 40 : i32
        %mul3A_185 = arith.muli %add3A_183, %mul3A_184 : i32
        %add3A_186 = arith.addi %mul3A_2, %mul3A_185 : i32
        %multiple_of3A_187 = tpu.assume_multiple %add3A_186, 8 : i32
        %dma_start3A_188 = arith.constant 0 : i32
        %dma_start3A_189 = tpu.memref_slice %arg2[%multiple_of3A_187, %dma_start3A_188] : memref<320000x128xf32, #tpu.memory_space<hbm>> -> memref<40x128xf32, #tpu.memory_space<hbm>>
        %dma_start3A_190 = arith.constant 0 : i32
        %dma_start3A_191 = tpu.memref_slice %arg2[%multiple_of3A_187, %dma_start3A_190] : memref<320000x128xf32, #tpu.memory_space<hbm>> -> memref<40x128xf32, #tpu.memory_space<hbm>>
        tpu.enqueue_dma source(%dma_start3A_191 : memref<40x128xf32, #tpu.memory_space<hbm>>) target(%arg9 : memref<40x128xf32, #tpu.memory_space<vmem>>) target_semaphore(%arg20 : memref<!tpu.dma_semaphore, #tpu.memory_space<semaphore_mem>>)
        %mul3A_192 = arith.constant 40 : i32
        %mul3A_193 = arith.muli %add3A_183, %mul3A_192 : i32
        %add3A_194 = arith.addi %mul3A_2, %mul3A_193 : i32
        %multiple_of3A_195 = tpu.assume_multiple %add3A_194, 8 : i32
        %dma_start3A_196 = tpu.memref_slice %arg4[%multiple_of3A_195] : memref<320000xi32, #tpu.memory_space<hbm>> -> memref<40xi32, #tpu.memory_space<hbm>>
        %dma_start3A_197 = tpu.memref_slice %arg4[%multiple_of3A_195] : memref<320000xi32, #tpu.memory_space<hbm>> -> memref<40xi32, #tpu.memory_space<hbm>>
        tpu.enqueue_dma source(%dma_start3A_197 : memref<40xi32, #tpu.memory_space<hbm>>) target(%arg15 : memref<40xi32, #tpu.memory_space<vmem>>) target_semaphore(%arg24 : memref<!tpu.dma_semaphore, #tpu.memory_space<semaphore_mem>>)
        %mul3A_198 = arith.constant 40 : i32
        %mul3A_199 = arith.muli %add3A_183, %mul3A_198 : i32
        %add3A_200 = arith.addi %mul3A_2, %mul3A_199 : i32
        %multiple_of3A_201 = tpu.assume_multiple %add3A_200, 8 : i32
        %dma_start3A_202 = tpu.memref_slice %arg5[%multiple_of3A_201] : memref<320000xi32, #tpu.memory_space<hbm>> -> memref<40xi32, #tpu.memory_space<hbm>>
        %dma_start3A_203 = tpu.memref_slice %arg5[%multiple_of3A_201] : memref<320000xi32, #tpu.memory_space<hbm>> -> memref<40xi32, #tpu.memory_space<hbm>>
        tpu.enqueue_dma source(%dma_start3A_203 : memref<40xi32, #tpu.memory_space<hbm>>) target(%arg17 : memref<40xi32, #tpu.memory_space<vmem>>) target_semaphore(%arg26 : memref<!tpu.dma_semaphore, #tpu.memory_space<semaphore_mem>>)
      } else {
      }
      %mul3A_154 = arith.constant 40 : i32
      %mul3A_155 = arith.muli %add3A_54, %mul3A_154 : i32
      %add3A_156 = arith.addi %mul3A_2, %mul3A_155 : i32
      %multiple_of3A_157 = tpu.assume_multiple %add3A_156, 8 : i32
      %dma_wait3A_158 = tpu.memref_slice %arg5[%multiple_of3A_157] : memref<320000xi32, #tpu.memory_space<hbm>> -> memref<40xi32, #tpu.memory_space<hbm>>
      %dma_wait3A_159 = tpu.memref_slice %arg5[%multiple_of3A_157] : memref<320000xi32, #tpu.memory_space<hbm>> -> memref<40xi32, #tpu.memory_space<hbm>>
      tpu.wait_dma2 semaphore(%arg27 : memref<!tpu.dma_semaphore, #tpu.memory_space<semaphore_mem>>) src(%dma_wait3A_159 : memref<40xi32, #tpu.memory_space<hbm>>) dst(%arg18 : memref<40xi32, #tpu.memory_space<vmem>>)
      %mul3A_160 = arith.constant 40 : i32
      %mul3A_161 = arith.muli %add3A_54, %mul3A_160 : i32
      %add3A_162 = arith.addi %mul3A_2, %mul3A_161 : i32
      %multiple_of3A_163 = tpu.assume_multiple %add3A_162, 8 : i32
      %dma_start3A_164 = arith.constant 0 : i32
      %dma_start3A_165 = tpu.memref_slice %arg7[%multiple_of3A_163, %dma_start3A_164] : memref<320000x128xf32, #tpu.memory_space<hbm>> -> memref<40x128xf32, #tpu.memory_space<hbm>>
      %dma_start3A_166 = arith.constant 0 : i32
      %dma_start3A_167 = tpu.memref_slice %arg7[%multiple_of3A_163, %dma_start3A_166] : memref<320000x128xf32, #tpu.memory_space<hbm>> -> memref<40x128xf32, #tpu.memory_space<hbm>>
      tpu.enqueue_dma source(%arg10 : memref<40x128xf32, #tpu.memory_space<vmem>>) target(%dma_start3A_167 : memref<40x128xf32, #tpu.memory_space<hbm>>) target_semaphore(%arg29 : memref<!tpu.dma_semaphore, #tpu.memory_space<semaphore_mem>>)
      %dma_start3A_168 = arith.constant 0 : i32
      %dma_start3A_169 = arith.constant 0 : i32
      %dma_start3A_170 = tpu.memref_slice %arg19[%dma_start3A_168, %dma_start3A_169] : memref<10000x128xf32, #tpu.memory_space<vmem_shared>> -> memref<10000x128xf32, #tpu.memory_space<vmem_shared>>
      tpu.enqueue_indirect_dma source(%arg14 : memref<40x128xf32, #tpu.memory_space<vmem>>) target(%dma_start3A_170 : memref<10000x128xf32, #tpu.memory_space<vmem_shared>>) offsets(%arg18 : memref<40xi32, #tpu.memory_space<vmem>>) semaphore(%arg31 : memref<!tpu.dma_semaphore, #tpu.memory_space<semaphore_mem>>) {add = true}
    }
    %scan3A_24 = arith.constant 125 : i32
    %add3A_25 = arith.constant 9920 : i32
    %add3A_26 = arith.addi %mul3A_2, %add3A_25 : i32
    %multiple_of3A_27 = tpu.assume_multiple %add3A_26, 8 : i32
    %dma_wait3A = arith.constant 0 : i32
    %dma_wait3A_28 = tpu.memref_slice %arg7[%multiple_of3A_27, %dma_wait3A] : memref<320000x128xf32, #tpu.memory_space<hbm>> -> memref<40x128xf32, #tpu.memory_space<hbm>>
    %dma_wait3A_29 = arith.constant 0 : i32
    %dma_wait3A_30 = tpu.memref_slice %arg7[%multiple_of3A_27, %dma_wait3A_29] : memref<320000x128xf32, #tpu.memory_space<hbm>> -> memref<40x128xf32, #tpu.memory_space<hbm>>
    tpu.wait_dma2 semaphore(%arg28 : memref<!tpu.dma_semaphore, #tpu.memory_space<semaphore_mem>>) src(%arg9 : memref<40x128xf32, #tpu.memory_space<vmem>>) dst(%dma_wait3A_30 : memref<40x128xf32, #tpu.memory_space<hbm>>)
    %dma_wait3A_31 = arith.constant 0 : i32
    %dma_wait3A_32 = arith.constant 0 : i32
    %dma_wait3A_33 = tpu.memref_slice %arg19[%dma_wait3A_31, %dma_wait3A_32] : memref<10000x128xf32, #tpu.memory_space<vmem_shared>> -> memref<10000x128xf32, #tpu.memory_space<vmem_shared>>
    tpu.wait_indirect_dma semaphore(%arg30 : memref<!tpu.dma_semaphore, #tpu.memory_space<semaphore_mem>>) src(%arg13 : memref<40x128xf32, #tpu.memory_space<vmem>>) dst(%dma_wait3A_33 : memref<10000x128xf32, #tpu.memory_space<vmem_shared>>)
    %add3A_34 = arith.constant 9960 : i32
    %add3A_35 = arith.addi %mul3A_2, %add3A_34 : i32
    %multiple_of3A_36 = tpu.assume_multiple %add3A_35, 8 : i32
    %dma_wait3A_37 = arith.constant 0 : i32
    %dma_wait3A_38 = tpu.memref_slice %arg7[%multiple_of3A_36, %dma_wait3A_37] : memref<320000x128xf32, #tpu.memory_space<hbm>> -> memref<40x128xf32, #tpu.memory_space<hbm>>
    %dma_wait3A_39 = arith.constant 0 : i32
    %dma_wait3A_40 = tpu.memref_slice %arg7[%multiple_of3A_36, %dma_wait3A_39] : memref<320000x128xf32, #tpu.memory_space<hbm>> -> memref<40x128xf32, #tpu.memory_space<hbm>>
    tpu.wait_dma2 semaphore(%arg29 : memref<!tpu.dma_semaphore, #tpu.memory_space<semaphore_mem>>) src(%arg10 : memref<40x128xf32, #tpu.memory_space<vmem>>) dst(%dma_wait3A_40 : memref<40x128xf32, #tpu.memory_space<hbm>>)
    %dma_wait3A_41 = arith.constant 0 : i32
    %dma_wait3A_42 = arith.constant 0 : i32
    %dma_wait3A_43 = tpu.memref_slice %arg19[%dma_wait3A_41, %dma_wait3A_42] : memref<10000x128xf32, #tpu.memory_space<vmem_shared>> -> memref<10000x128xf32, #tpu.memory_space<vmem_shared>>
    tpu.wait_indirect_dma semaphore(%arg31 : memref<!tpu.dma_semaphore, #tpu.memory_space<semaphore_mem>>) src(%arg14 : memref<40x128xf32, #tpu.memory_space<vmem>>) dst(%dma_wait3A_43 : memref<10000x128xf32, #tpu.memory_space<vmem_shared>>)
    %barrier3A_44 = arith.constant 0 : index
    tpu.barrier barrier_id(%barrier3A_44)
    %eq3A_45 = arith.constant 0 : i32
    %eq3A_46 = arith.cmpi eq, %arg1, %eq3A_45 : i32
    %convert_element_type3A_47 = arith.extui %eq3A_46 : i1 to i32
    %cond3A_48 = arith.constant 0 : i32
    %cond3A_49 = arith.cmpi ne, %convert_element_type3A_47, %cond3A_48 : i32
    scf.if %cond3A_49 {
      "tpu.region"() ({
        %run_scoped3A = tpu.sem_alloc : memref<!tpu.dma_semaphore, #tpu.memory_space<semaphore_mem>>
        %dma_start3A_50 = arith.constant 0 : i32
        %dma_start3A_51 = arith.constant 0 : i32
        %dma_start3A_52 = tpu.memref_slice %arg8[%arg0, %dma_start3A_50, %dma_start3A_51] : memref<2x10000x128xf32, #tpu.memory_space<hbm>> -> memref<1x10000x128xf32, #tpu.memory_space<hbm>>
        %dma_start3A_53 = tpu.memref_squeeze %dma_start3A_52 : memref<1x10000x128xf32, #tpu.memory_space<hbm>> -> memref<10000x128xf32, #tpu.memory_space<hbm>>
        tpu.enqueue_dma source(%arg19 : memref<10000x128xf32, #tpu.memory_space<vmem_shared>>) target(%dma_start3A_53 : memref<10000x128xf32, #tpu.memory_space<hbm>>) target_semaphore(%run_scoped3A : memref<!tpu.dma_semaphore, #tpu.memory_space<semaphore_mem>>)
        %dma_wait3A_54 = arith.constant 0 : i32
        %dma_wait3A_55 = arith.constant 0 : i32
        %dma_wait3A_56 = tpu.memref_slice %arg8[%arg0, %dma_wait3A_54, %dma_wait3A_55] : memref<2x10000x128xf32, #tpu.memory_space<hbm>> -> memref<1x10000x128xf32, #tpu.memory_space<hbm>>
        %dma_wait3A_57 = tpu.memref_squeeze %dma_wait3A_56 : memref<1x10000x128xf32, #tpu.memory_space<hbm>> -> memref<10000x128xf32, #tpu.memory_space<hbm>>
        tpu.wait_dma2 semaphore(%run_scoped3A : memref<!tpu.dma_semaphore, #tpu.memory_space<semaphore_mem>>) src(%arg19 : memref<10000x128xf32, #tpu.memory_space<vmem_shared>>) dst(%dma_wait3A_57 : memref<10000x128xf32, #tpu.memory_space<hbm>>)
        tpu.yield
      }) : () -> ()
    } else {
    }
    return
  }
}

module attributes {stable_mosaic.version = 14 : i64} {
  func.func @body(%arg0: i32, %arg1: memref<1000x128xf32, #tpu.memory_space<vmem>>, %arg2: memref<128x128xf32, #tpu.memory_space<vmem>>, %arg3: memref<1000x128xf32, #tpu.memory_space<vmem>>) attributes {dimension_semantics = [#tpu.dimension_semantics<parallel>], iteration_bounds = array<i64: 10>, scalar_prefetch = 0 : i64, scratch_operands = 0 : i64, tpu.core_type = #tpu.core_type<tc>, window_params = [{transform_indices = @transform_0, window_bounds = array<i64: 1000, 128>}, {pipeline_mode = #tpu.pipeline_mode<synchronous>, transform_indices = @transform_1, window_bounds = array<i64: 128, 128>}, {transform_indices = @transform_2, window_bounds = array<i64: 1000, 128>}]} {
    %get3A = arith.constant 0 : index
    %get3A_0 = arith.constant 0 : index
    %get3A_1 = vector.load %arg1[%get3A, %get3A_0] : memref<1000x128xf32, #tpu.memory_space<vmem>>, vector<1000x128xf32>
    %get3A_2 = arith.constant 0 : index
    %get3A_3 = arith.constant 0 : index
    %get3A_4 = vector.load %arg2[%get3A_2, %get3A_3] : memref<128x128xf32, #tpu.memory_space<vmem>>, vector<128x128xf32>
    %dot_general3A = arith.constant dense<0.000000e+00> : vector<1000x128xf32>
    %dot_general3A_5 = tpu.matmul %get3A_1, %get3A_4, %dot_general3A {dimension_numbers = #tpu.dot_dimension_numbers<[1], [0], [0], [1], [0, 0, 1, 1], [], []>, transpose_lhs_hint = false} : vector<1000x128xf32>, vector<128x128xf32>, vector<1000x128xf32> -> vector<1000x128xf32>
    %swap3A = arith.constant 0 : index
    %swap3A_6 = arith.constant 0 : index
    %swap3A_7 = vector.load %arg3[%swap3A, %swap3A_6] : memref<1000x128xf32, #tpu.memory_space<vmem>>, vector<1000x128xf32>
    tpu.vector_store %arg3[%swap3A, %swap3A_6], %dot_general3A_5 {strides = array<i32>} : memref<1000x128xf32, #tpu.memory_space<vmem>>, vector<1000x128xf32>,
    return
  }
  func.func @transform_0(%arg0: i32) -> (i32, i32) {
    %c0_i32 = arith.constant 0 : i32
    %c0_i32_0 = arith.constant 0 : i32
    return %arg0, %c0_i32 : i32, i32
  }
  func.func @transform_1(%arg0: i32) -> (i32, i32) {
    %c0_i32 = arith.constant 0 : i32
    %c0_i32_0 = arith.constant 0 : i32
    %c0_i32_1 = arith.constant 0 : i32
    return %c0_i32, %c0_i32_0 : i32, i32
  }
  func.func @transform_2(%arg0: i32) -> (i32, i32) {
    %c0_i32 = arith.constant 0 : i32
    %c0_i32_0 = arith.constant 0 : i32
    return %arg0, %c0_i32 : i32, i32
  }
}

module attributes {stable_mosaic.version = 14 : i64} {
  func.func @body(%arg0: i32, %arg1: memref<16x2560xf32, #tpu.memory_space<vmem>>, %arg2: memref<16x128xf32, #tpu.memory_space<vmem>>, %arg3: memref<1x128xf32, #tpu.memory_space<vmem>>, %arg4: memref<2560x128xf32, #tpu.memory_space<vmem>>) attributes {dimension_semantics = [#tpu.dimension_semantics<parallel>], iteration_bounds = array<i64: 125>, scalar_prefetch = 0 : i64, scratch_operands = 0 : i64, tpu.core_type = #tpu.core_type<tc>, window_params = [{transform_indices = @transform_0, window_bounds = array<i64: 16, 2560>}, {pipeline_mode = #tpu.pipeline_mode<synchronous>, transform_indices = @transform_1, window_bounds = array<i64: 16, 128>}, {pipeline_mode = #tpu.pipeline_mode<synchronous>, transform_indices = @transform_2, window_bounds = array<i64: 1, 128>}, {transform_indices = @transform_3, window_bounds = array<i64: 2560, 128>}]} {
    %get3A = arith.constant 0 : index
    %get3A_0 = arith.constant 0 : index
    %get3A_1 = vector.load %arg1[%get3A, %get3A_0] : memref<16x2560xf32, #tpu.memory_space<vmem>>, vector<16x2560xf32>
    %get3A_2 = arith.constant 0 : index
    %get3A_3 = arith.constant 0 : index
    %get3A_4 = vector.load %arg2[%get3A_2, %get3A_3] : memref<16x128xf32, #tpu.memory_space<vmem>>, vector<16x128xf32>
    %dot_general3A = arith.constant dense<0.000000e+00> : vector<2560x128xf32>
    %dot_general3A_5 = tpu.matmul %get3A_1, %get3A_4, %dot_general3A {dimension_numbers = #tpu.dot_dimension_numbers<[0], [0], [1], [1], [0, 1, 1, 1], [], []>, transpose_lhs_hint = false} : vector<16x2560xf32>, vector<16x128xf32>, vector<2560x128xf32> -> vector<2560x128xf32>
    %get3A_6 = arith.constant 0 : index
    %get3A_7 = arith.constant 0 : index
    %get3A_8 = vector.load %arg3[%get3A_6, %get3A_7] : memref<1x128xf32, #tpu.memory_space<vmem>>, vector<1x128xf32>
    %add3A = vector.broadcast %get3A_8 : vector<1x128xf32> to vector<2560x128xf32>
    %add3A_9 = arith.addf %dot_general3A_5, %add3A : vector<2560x128xf32>
    %swap3A = arith.constant 0 : index
    %swap3A_10 = arith.constant 0 : index
    %swap3A_11 = vector.load %arg4[%swap3A, %swap3A_10] : memref<2560x128xf32, #tpu.memory_space<vmem>>, vector<2560x128xf32>
    tpu.vector_store %arg4[%swap3A, %swap3A_10], %add3A_9 {strides = array<i32>} : memref<2560x128xf32, #tpu.memory_space<vmem>>, vector<2560x128xf32>,
    return
  }
  func.func @transform_0(%arg0: i32) -> (i32, i32) {
    %c0_i32 = arith.constant 0 : i32
    %c0_i32_0 = arith.constant 0 : i32
    return %c0_i32, %arg0 : i32, i32
  }
  func.func @transform_1(%arg0: i32) -> (i32, i32) {
    %c0_i32 = arith.constant 0 : i32
    %c0_i32_0 = arith.constant 0 : i32
    %c0_i32_1 = arith.constant 0 : i32
    return %c0_i32, %c0_i32_0 : i32, i32
  }
  func.func @transform_2(%arg0: i32) -> (i32, i32) {
    %c0_i32 = arith.constant 0 : i32
    %c0_i32_0 = arith.constant 0 : i32
    %c0_i32_1 = arith.constant 0 : i32
    return %c0_i32, %c0_i32_0 : i32, i32
  }
  func.func @transform_3(%arg0: i32) -> (i32, i32) {
    %c0_i32 = arith.constant 0 : i32
    %c0_i32_0 = arith.constant 0 : i32
    return %arg0, %c0_i32 : i32, i32
  }
}

module attributes {stable_mosaic.version = 14 : i64} {
  func.func @body(%arg0: i32, %arg1: memref<2000x128xf32, #tpu.memory_space<vmem>>, %arg2: memref<2000x128xf32, #tpu.memory_space<vmem>>, %arg3: memref<2000x128xf32, #tpu.memory_space<vmem>>, %arg4: memref<128x128xf32, #tpu.memory_space<vmem>>, %arg5: memref<1x128xf32, #tpu.memory_space<vmem>>, %arg6: memref<2000x128xf32, #tpu.memory_space<vmem>>) attributes {dimension_semantics = [#tpu.dimension_semantics<arbitrary>], iteration_bounds = array<i64: 165>, scalar_prefetch = 0 : i64, scratch_operands = 0 : i64, tpu.core_type = #tpu.core_type<tc>, window_params = [{transform_indices = @transform_0, window_bounds = array<i64: 2000, 128>}, {transform_indices = @transform_1, window_bounds = array<i64: 2000, 128>}, {transform_indices = @transform_2, window_bounds = array<i64: 2000, 128>}, {pipeline_mode = #tpu.pipeline_mode<synchronous>, transform_indices = @transform_3, window_bounds = array<i64: 128, 128>}, {pipeline_mode = #tpu.pipeline_mode<synchronous>, transform_indices = @transform_4, window_bounds = array<i64: 1, 128>}, {transform_indices = @transform_5, window_bounds = array<i64: 2000, 128>}]} {
    %lt3A = arith.constant 160 : i32
    %lt3A_0 = arith.cmpi slt, %arg0, %lt3A : i32
    %convert_element_type3A = arith.extui %lt3A_0 : i1 to i32
    %cond3A = arith.constant 0 : i32
    %cond3A_1 = arith.cmpi ne, %convert_element_type3A, %cond3A : i32
    scf.if %cond3A_1 {
      %get3A = arith.constant 0 : index
      %get3A_6 = arith.constant 0 : index
      %get3A_7 = vector.load %arg1[%get3A, %get3A_6] : memref<2000x128xf32, #tpu.memory_space<vmem>>, vector<2000x128xf32>
      %max3A = arith.constant 0.000000e+00 : f32
      %max3A_8 = vector.broadcast %max3A : f32 to vector<2000x128xf32>
      %max3A_9 = arith.maximumf %get3A_7, %max3A_8 : vector<2000x128xf32>
      %get3A_10 = arith.constant 0 : index
      %get3A_11 = arith.constant 0 : index
      %get3A_12 = vector.load %arg4[%get3A_10, %get3A_11] : memref<128x128xf32, #tpu.memory_space<vmem>>, vector<128x128xf32>
      %dot_general3A = arith.constant dense<0.000000e+00> : vector<2000x128xf32>
      %dot_general3A_13 = tpu.matmul %max3A_9, %get3A_12, %dot_general3A {dimension_numbers = #tpu.dot_dimension_numbers<[1], [0], [0], [1], [0, 0, 1, 1], [], []>, transpose_lhs_hint = false} : vector<2000x128xf32>, vector<128x128xf32>, vector<2000x128xf32> -> vector<2000x128xf32>
      %swap3A = arith.constant 0 : index
      %swap3A_14 = arith.constant 0 : index
      %swap3A_15 = vector.load %arg6[%swap3A, %swap3A_14] : memref<2000x128xf32, #tpu.memory_space<vmem>>, vector<2000x128xf32>
      tpu.vector_store %arg6[%swap3A, %swap3A_14], %dot_general3A_13 {strides = array<i32>} : memref<2000x128xf32, #tpu.memory_space<vmem>>, vector<2000x128xf32>,
    } else {
    }
    %ge3A = arith.constant 160 : i32
    %ge3A_2 = arith.cmpi sge, %arg0, %ge3A : i32
    %convert_element_type3A_3 = arith.extui %ge3A_2 : i1 to i32
    %cond3A_4 = arith.constant 0 : i32
    %cond3A_5 = arith.cmpi ne, %convert_element_type3A_3, %cond3A_4 : i32
    scf.if %cond3A_5 {
      %get3A = arith.constant 0 : index
      %get3A_6 = arith.constant 0 : index
      %get3A_7 = vector.load %arg2[%get3A, %get3A_6] : memref<2000x128xf32, #tpu.memory_space<vmem>>, vector<2000x128xf32>
      %get3A_8 = arith.constant 0 : index
      %get3A_9 = arith.constant 0 : index
      %get3A_10 = vector.load %arg3[%get3A_8, %get3A_9] : memref<2000x128xf32, #tpu.memory_space<vmem>>, vector<2000x128xf32>
      %add3A = arith.addf %get3A_7, %get3A_10 : vector<2000x128xf32>
      %get3A_11 = arith.constant 0 : index
      %get3A_12 = arith.constant 0 : index
      %get3A_13 = vector.load %arg4[%get3A_11, %get3A_12] : memref<128x128xf32, #tpu.memory_space<vmem>>, vector<128x128xf32>
      %dot_general3A = arith.constant dense<0.000000e+00> : vector<2000x128xf32>
      %dot_general3A_14 = tpu.matmul %add3A, %get3A_13, %dot_general3A {dimension_numbers = #tpu.dot_dimension_numbers<[1], [0], [0], [1], [0, 0, 1, 1], [], []>, transpose_lhs_hint = false} : vector<2000x128xf32>, vector<128x128xf32>, vector<2000x128xf32> -> vector<2000x128xf32>
      %get3A_15 = arith.constant 0 : index
      %get3A_16 = arith.constant 0 : index
      %get3A_17 = vector.load %arg5[%get3A_15, %get3A_16] : memref<1x128xf32, #tpu.memory_space<vmem>>, vector<1x128xf32>
      %add3A_18 = vector.broadcast %get3A_17 : vector<1x128xf32> to vector<2000x128xf32>
      %add3A_19 = arith.addf %dot_general3A_14, %add3A_18 : vector<2000x128xf32>
      %swap3A = arith.constant 0 : index
      %swap3A_20 = arith.constant 0 : index
      %swap3A_21 = vector.load %arg6[%swap3A, %swap3A_20] : memref<2000x128xf32, #tpu.memory_space<vmem>>, vector<2000x128xf32>
      tpu.vector_store %arg6[%swap3A, %swap3A_20], %add3A_19 {strides = array<i32>} : memref<2000x128xf32, #tpu.memory_space<vmem>>, vector<2000x128xf32>,
    } else {
    }
    return
  }
  func.func @transform_0(%arg0: i32) -> (i32, i32) {
    %min3A = arith.constant 159 : i32
    %min3A_0 = arith.minsi %arg0, %min3A : i32
    %c0_i32 = arith.constant 0 : i32
    %c0_i32_1 = arith.constant 0 : i32
    return %min3A_0, %c0_i32 : i32, i32
  }
  func.func @transform_1(%arg0: i32) -> (i32, i32) {
    %sub3A = arith.constant 160 : i32
    %sub3A_0 = arith.subi %arg0, %sub3A : i32
    %max3A = arith.constant 0 : i32
    %max3A_1 = arith.maxsi %sub3A_0, %max3A : i32
    %c0_i32 = arith.constant 0 : i32
    %c0_i32_2 = arith.constant 0 : i32
    return %max3A_1, %c0_i32 : i32, i32
  }
  func.func @transform_2(%arg0: i32) -> (i32, i32) {
    %sub3A = arith.constant 160 : i32
    %sub3A_0 = arith.subi %arg0, %sub3A : i32
    %max3A = arith.constant 0 : i32
    %max3A_1 = arith.maxsi %sub3A_0, %max3A : i32
    %c0_i32 = arith.constant 0 : i32
    %c0_i32_2 = arith.constant 0 : i32
    return %max3A_1, %c0_i32 : i32, i32
  }
  func.func @transform_3(%arg0: i32) -> (i32, i32) {
    %c0_i32 = arith.constant 0 : i32
    %c0_i32_0 = arith.constant 0 : i32
    %c0_i32_1 = arith.constant 0 : i32
    return %c0_i32, %c0_i32_0 : i32, i32
  }
  func.func @transform_4(%arg0: i32) -> (i32, i32) {
    %c0_i32 = arith.constant 0 : i32
    %c0_i32_0 = arith.constant 0 : i32
    %c0_i32_1 = arith.constant 0 : i32
    return %c0_i32, %c0_i32_0 : i32, i32
  }
  func.func @transform_5(%arg0: i32) -> (i32, i32) {
    %c0_i32 = arith.constant 0 : i32
    %c0_i32_0 = arith.constant 0 : i32
    return %arg0, %c0_i32 : i32, i32
  }
}

module attributes {stable_mosaic.version = 14 : i64} {
  func.func @body(%arg0: i32, %arg1: memref<2000x128xf32, #tpu.memory_space<vmem>>, %arg2: memref<2000x128xf32, #tpu.memory_space<vmem>>, %arg3: memref<2000x128xf32, #tpu.memory_space<vmem>>, %arg4: memref<128x128xf32, #tpu.memory_space<vmem>>, %arg5: memref<1x128xf32, #tpu.memory_space<vmem>>, %arg6: memref<2000x128xf32, #tpu.memory_space<vmem>>) attributes {dimension_semantics = [#tpu.dimension_semantics<arbitrary>], iteration_bounds = array<i64: 165>, scalar_prefetch = 0 : i64, scratch_operands = 0 : i64, tpu.core_type = #tpu.core_type<tc>, window_params = [{transform_indices = @transform_0, window_bounds = array<i64: 2000, 128>}, {transform_indices = @transform_1, window_bounds = array<i64: 2000, 128>}, {transform_indices = @transform_2, window_bounds = array<i64: 2000, 128>}, {pipeline_mode = #tpu.pipeline_mode<synchronous>, transform_indices = @transform_3, window_bounds = array<i64: 128, 128>}, {pipeline_mode = #tpu.pipeline_mode<synchronous>, transform_indices = @transform_4, window_bounds = array<i64: 1, 128>}, {transform_indices = @transform_5, window_bounds = array<i64: 2000, 128>}]} {
    %lt3A = arith.constant 160 : i32
    %lt3A_0 = arith.cmpi slt, %arg0, %lt3A : i32
    %convert_element_type3A = arith.extui %lt3A_0 : i1 to i32
    %cond3A = arith.constant 0 : i32
    %cond3A_1 = arith.cmpi ne, %convert_element_type3A, %cond3A : i32
    scf.if %cond3A_1 {
      %get3A = arith.constant 0 : index
      %get3A_6 = arith.constant 0 : index
      %get3A_7 = vector.load %arg1[%get3A, %get3A_6] : memref<2000x128xf32, #tpu.memory_space<vmem>>, vector<2000x128xf32>
      %get3A_8 = arith.constant 0 : index
      %get3A_9 = arith.constant 0 : index
      %get3A_10 = vector.load %arg4[%get3A_8, %get3A_9] : memref<128x128xf32, #tpu.memory_space<vmem>>, vector<128x128xf32>
      %dot_general3A = arith.constant dense<0.000000e+00> : vector<2000x128xf32>
      %dot_general3A_11 = tpu.matmul %get3A_7, %get3A_10, %dot_general3A {dimension_numbers = #tpu.dot_dimension_numbers<[1], [0], [0], [1], [0, 0, 1, 1], [], []>, transpose_lhs_hint = false} : vector<2000x128xf32>, vector<128x128xf32>, vector<2000x128xf32> -> vector<2000x128xf32>
      %swap3A = arith.constant 0 : index
      %swap3A_12 = arith.constant 0 : index
      %swap3A_13 = vector.load %arg6[%swap3A, %swap3A_12] : memref<2000x128xf32, #tpu.memory_space<vmem>>, vector<2000x128xf32>
      tpu.vector_store %arg6[%swap3A, %swap3A_12], %dot_general3A_11 {strides = array<i32>} : memref<2000x128xf32, #tpu.memory_space<vmem>>, vector<2000x128xf32>,
    } else {
    }
    %ge3A = arith.constant 160 : i32
    %ge3A_2 = arith.cmpi sge, %arg0, %ge3A : i32
    %convert_element_type3A_3 = arith.extui %ge3A_2 : i1 to i32
    %cond3A_4 = arith.constant 0 : i32
    %cond3A_5 = arith.cmpi ne, %convert_element_type3A_3, %cond3A_4 : i32
    scf.if %cond3A_5 {
      %get3A = arith.constant 0 : index
      %get3A_6 = arith.constant 0 : index
      %get3A_7 = vector.load %arg2[%get3A, %get3A_6] : memref<2000x128xf32, #tpu.memory_space<vmem>>, vector<2000x128xf32>
      %get3A_8 = arith.constant 0 : index
      %get3A_9 = arith.constant 0 : index
      %get3A_10 = vector.load %arg3[%get3A_8, %get3A_9] : memref<2000x128xf32, #tpu.memory_space<vmem>>, vector<2000x128xf32>
      %add3A = arith.addf %get3A_7, %get3A_10 : vector<2000x128xf32>
      %get3A_11 = arith.constant 0 : index
      %get3A_12 = arith.constant 0 : index
      %get3A_13 = vector.load %arg4[%get3A_11, %get3A_12] : memref<128x128xf32, #tpu.memory_space<vmem>>, vector<128x128xf32>
      %dot_general3A = arith.constant dense<0.000000e+00> : vector<2000x128xf32>
      %dot_general3A_14 = tpu.matmul %add3A, %get3A_13, %dot_general3A {dimension_numbers = #tpu.dot_dimension_numbers<[1], [0], [0], [1], [0, 0, 1, 1], [], []>, transpose_lhs_hint = false} : vector<2000x128xf32>, vector<128x128xf32>, vector<2000x128xf32> -> vector<2000x128xf32>
      %get3A_15 = arith.constant 0 : index
      %get3A_16 = arith.constant 0 : index
      %get3A_17 = vector.load %arg5[%get3A_15, %get3A_16] : memref<1x128xf32, #tpu.memory_space<vmem>>, vector<1x128xf32>
      %add3A_18 = vector.broadcast %get3A_17 : vector<1x128xf32> to vector<2000x128xf32>
      %add3A_19 = arith.addf %dot_general3A_14, %add3A_18 : vector<2000x128xf32>
      %swap3A = arith.constant 0 : index
      %swap3A_20 = arith.constant 0 : index
      %swap3A_21 = vector.load %arg6[%swap3A, %swap3A_20] : memref<2000x128xf32, #tpu.memory_space<vmem>>, vector<2000x128xf32>
      tpu.vector_store %arg6[%swap3A, %swap3A_20], %add3A_19 {strides = array<i32>} : memref<2000x128xf32, #tpu.memory_space<vmem>>, vector<2000x128xf32>,
    } else {
    }
    return
  }
  func.func @transform_0(%arg0: i32) -> (i32, i32) {
    %min3A = arith.constant 159 : i32
    %min3A_0 = arith.minsi %arg0, %min3A : i32
    %c0_i32 = arith.constant 0 : i32
    %c0_i32_1 = arith.constant 0 : i32
    return %min3A_0, %c0_i32 : i32, i32
  }
  func.func @transform_1(%arg0: i32) -> (i32, i32) {
    %sub3A = arith.constant 160 : i32
    %sub3A_0 = arith.subi %arg0, %sub3A : i32
    %max3A = arith.constant 0 : i32
    %max3A_1 = arith.maxsi %sub3A_0, %max3A : i32
    %c0_i32 = arith.constant 0 : i32
    %c0_i32_2 = arith.constant 0 : i32
    return %max3A_1, %c0_i32 : i32, i32
  }
  func.func @transform_2(%arg0: i32) -> (i32, i32) {
    %sub3A = arith.constant 160 : i32
    %sub3A_0 = arith.subi %arg0, %sub3A : i32
    %max3A = arith.constant 0 : i32
    %max3A_1 = arith.maxsi %sub3A_0, %max3A : i32
    %c0_i32 = arith.constant 0 : i32
    %c0_i32_2 = arith.constant 0 : i32
    return %max3A_1, %c0_i32 : i32, i32
  }
  func.func @transform_3(%arg0: i32) -> (i32, i32) {
    %c0_i32 = arith.constant 0 : i32
    %c0_i32_0 = arith.constant 0 : i32
    %c0_i32_1 = arith.constant 0 : i32
    return %c0_i32, %c0_i32_0 : i32, i32
  }
  func.func @transform_4(%arg0: i32) -> (i32, i32) {
    %c0_i32 = arith.constant 0 : i32
    %c0_i32_0 = arith.constant 0 : i32
    %c0_i32_1 = arith.constant 0 : i32
    return %c0_i32, %c0_i32_0 : i32, i32
  }
  func.func @transform_5(%arg0: i32) -> (i32, i32) {
    %c0_i32 = arith.constant 0 : i32
    %c0_i32_0 = arith.constant 0 : i32
    return %arg0, %c0_i32 : i32, i32
  }
}

module attributes {stable_mosaic.version = 14 : i64} {
  func.func @body(%arg0: i32, %arg1: memref<1000x128xf32, #tpu.memory_space<vmem>>, %arg2: memref<1000x128xf32, #tpu.memory_space<vmem>>, %arg3: memref<1000x128xf32, #tpu.memory_space<vmem>>, %arg4: memref<128x128xf32, #tpu.memory_space<vmem>>, %arg5: memref<128x128xf32, #tpu.memory_space<vmem>>, %arg6: memref<1x128xf32, #tpu.memory_space<vmem>>, %arg7: memref<1000x128xf32, #tpu.memory_space<vmem>>) attributes {dimension_semantics = [#tpu.dimension_semantics<parallel>], iteration_bounds = array<i64: 10>, scalar_prefetch = 0 : i64, scratch_operands = 0 : i64, tpu.core_type = #tpu.core_type<tc>, window_params = [{transform_indices = @transform_0, window_bounds = array<i64: 1000, 128>}, {transform_indices = @transform_1, window_bounds = array<i64: 1000, 128>}, {transform_indices = @transform_2, window_bounds = array<i64: 1000, 128>}, {pipeline_mode = #tpu.pipeline_mode<synchronous>, transform_indices = @transform_3, window_bounds = array<i64: 128, 128>}, {pipeline_mode = #tpu.pipeline_mode<synchronous>, transform_indices = @transform_4, window_bounds = array<i64: 128, 128>}, {pipeline_mode = #tpu.pipeline_mode<synchronous>, transform_indices = @transform_5, window_bounds = array<i64: 1, 128>}, {transform_indices = @transform_6, window_bounds = array<i64: 1000, 128>}]} {
    %get3A = arith.constant 0 : index
    %get3A_0 = arith.constant 0 : index
    %get3A_1 = vector.load %arg2[%get3A, %get3A_0] : memref<1000x128xf32, #tpu.memory_space<vmem>>, vector<1000x128xf32>
    %get3A_2 = arith.constant 0 : index
    %get3A_3 = arith.constant 0 : index
    %get3A_4 = vector.load %arg3[%get3A_2, %get3A_3] : memref<1000x128xf32, #tpu.memory_space<vmem>>, vector<1000x128xf32>
    %add3A = arith.addf %get3A_1, %get3A_4 : vector<1000x128xf32>
    %get3A_5 = arith.constant 0 : index
    %get3A_6 = arith.constant 0 : index
    %get3A_7 = vector.load %arg1[%get3A_5, %get3A_6] : memref<1000x128xf32, #tpu.memory_space<vmem>>, vector<1000x128xf32>
    %reduce_sum3A = arith.constant dense<0.000000e+00> : vector<1000xf32>
    %reduce_sum3A_8 = vector.multi_reduction <add>, %add3A, %reduce_sum3A [1] : vector<1000x128xf32> to vector<1000xf32>
    %broadcast_in_dim3A = vector.shape_cast %reduce_sum3A_8 : vector<1000xf32> to vector<1000x1xf32>
    %eq3A = arith.constant 0.000000e+00 : f32
    %eq3A_9 = vector.broadcast %eq3A : f32 to vector<1000x1xf32>
    %eq3A_10 = arith.cmpf oeq, %broadcast_in_dim3A, %eq3A_9 : vector<1000x1xf32>
    %broadcast_in_dim3A_11 = vector.shape_cast %eq3A_10 : vector<1000x1xi1> to vector<1000x1xi1>
    %broadcast_in_dim3A_12 = vector.broadcast %broadcast_in_dim3A_11 : vector<1000x1xi1> to vector<1000x128xi1>
    %select_n3A = arith.select %broadcast_in_dim3A_12, %get3A_7, %add3A : vector<1000x128xi1>, vector<1000x128xf32>
    %get3A_13 = arith.constant 0 : index
    %get3A_14 = arith.constant 0 : index
    %get3A_15 = vector.load %arg4[%get3A_13, %get3A_14] : memref<128x128xf32, #tpu.memory_space<vmem>>, vector<128x128xf32>
    %dot_general3A = arith.constant dense<0.000000e+00> : vector<1000x128xf32>
    %dot_general3A_16 = tpu.matmul %get3A_7, %get3A_15, %dot_general3A {dimension_numbers = #tpu.dot_dimension_numbers<[1], [0], [0], [1], [0, 0, 1, 1], [], []>, transpose_lhs_hint = false} : vector<1000x128xf32>, vector<128x128xf32>, vector<1000x128xf32> -> vector<1000x128xf32>
    %get3A_17 = arith.constant 0 : index
    %get3A_18 = arith.constant 0 : index
    %get3A_19 = vector.load %arg5[%get3A_17, %get3A_18] : memref<128x128xf32, #tpu.memory_space<vmem>>, vector<128x128xf32>
    %dot_general3A_20 = arith.constant dense<0.000000e+00> : vector<1000x128xf32>
    %dot_general3A_21 = tpu.matmul %select_n3A, %get3A_19, %dot_general3A_20 {dimension_numbers = #tpu.dot_dimension_numbers<[1], [0], [0], [1], [0, 0, 1, 1], [], []>, transpose_lhs_hint = false} : vector<1000x128xf32>, vector<128x128xf32>, vector<1000x128xf32> -> vector<1000x128xf32>
    %add3A_22 = arith.addf %dot_general3A_16, %dot_general3A_21 : vector<1000x128xf32>
    %get3A_23 = arith.constant 0 : index
    %get3A_24 = arith.constant 0 : index
    %get3A_25 = vector.load %arg6[%get3A_23, %get3A_24] : memref<1x128xf32, #tpu.memory_space<vmem>>, vector<1x128xf32>
    %add3A_26 = vector.broadcast %get3A_25 : vector<1x128xf32> to vector<1000x128xf32>
    %add3A_27 = arith.addf %add3A_22, %add3A_26 : vector<1000x128xf32>
    %max3A = arith.constant 0.000000e+00 : f32
    %max3A_28 = vector.broadcast %max3A : f32 to vector<1000x128xf32>
    %max3A_29 = arith.maximumf %add3A_27, %max3A_28 : vector<1000x128xf32>
    %swap3A = arith.constant 0 : index
    %swap3A_30 = arith.constant 0 : index
    %swap3A_31 = vector.load %arg7[%swap3A, %swap3A_30] : memref<1000x128xf32, #tpu.memory_space<vmem>>, vector<1000x128xf32>
    tpu.vector_store %arg7[%swap3A, %swap3A_30], %max3A_29 {strides = array<i32>} : memref<1000x128xf32, #tpu.memory_space<vmem>>, vector<1000x128xf32>,
    return
  }
  func.func @transform_0(%arg0: i32) -> (i32, i32) {
    %c0_i32 = arith.constant 0 : i32
    %c0_i32_0 = arith.constant 0 : i32
    return %arg0, %c0_i32 : i32, i32
  }
  func.func @transform_1(%arg0: i32) -> (i32, i32) {
    %c0_i32 = arith.constant 0 : i32
    %c0_i32_0 = arith.constant 0 : i32
    return %arg0, %c0_i32 : i32, i32
  }
  func.func @transform_2(%arg0: i32) -> (i32, i32) {
    %c0_i32 = arith.constant 0 : i32
    %c0_i32_0 = arith.constant 0 : i32
    return %arg0, %c0_i32 : i32, i32
  }
  func.func @transform_3(%arg0: i32) -> (i32, i32) {
    %c0_i32 = arith.constant 0 : i32
    %c0_i32_0 = arith.constant 0 : i32
    %c0_i32_1 = arith.constant 0 : i32
    return %c0_i32, %c0_i32_0 : i32, i32
  }
  func.func @transform_4(%arg0: i32) -> (i32, i32) {
    %c0_i32 = arith.constant 0 : i32
    %c0_i32_0 = arith.constant 0 : i32
    %c0_i32_1 = arith.constant 0 : i32
    return %c0_i32, %c0_i32_0 : i32, i32
  }
  func.func @transform_5(%arg0: i32) -> (i32, i32) {
    %c0_i32 = arith.constant 0 : i32
    %c0_i32_0 = arith.constant 0 : i32
    %c0_i32_1 = arith.constant 0 : i32
    return %c0_i32, %c0_i32_0 : i32, i32
  }
  func.func @transform_6(%arg0: i32) -> (i32, i32) {
    %c0_i32 = arith.constant 0 : i32
    %c0_i32_0 = arith.constant 0 : i32
    return %arg0, %c0_i32 : i32, i32
  }
}

</mosaic_0001>

<sc_bundles>
// kernel: kernel.10.cloned.1.call-start
scs
__scs_entry_jumppad:
0x0: {  	(pc) =	sbr.rel $0x88, $3  }
0x1: {  	(tag) =	ssettag $0x0;
	lr =	simm.s32 $0x1  }
0x2: {  	[smem:$0x3F97] =	sst lr;
	_ =	strace $0xD0000000  }
0x3: {  	_ = 	snop  }
0x4: {  	_ = 	snop  }
0x5: {  	_ = 	snop  }
0x6: {  	_ = 	snop  }
0x7: {  	_ = 	snop  }
__scs_overlays_trampoline_lowered:
0x8: {  	[smem:$0x3FA6] =	sst s0  }
0x9: {  	[smem:$0x3FA7] =	sst s1  }
0xa: {  	[smem:$0x3FA8] =	sst s2  }
0xb: {  	[smem:$0x3FA9] =	sst s3  }
0xc: {  	[smem:$0x3FAA] =	sst s4  }
0xd: {  	[smem:$0x3FAB] =	sst s5  }
0xe: {  	[smem:$0x3FAC] =	sst s6  }
0xf: {  	[smem:$0x3FAD] =	sst s7  }
0x10: {  	[smem:$0x3FAE] =	sst s8  }
0x11: {  	[smem:$0x3FAF] =	sst s9;
	s0 =	simm.s32 @!p0 $0x0  }
0x12: {  	s1 =	sld [smem:$0x3F95];
	s0 =	simm.s32 @p0 $0x1  }
0x13: {  	[smem:$0x3FB0] =	sst s0;
	s0 =	simm.s32 @!p1 $0x0  }
0x14: {  	s2 =	sld [smem:$0x3F94];
	s0 =	simm.s32 @p1 $0x1  }
0x15: {  	[smem:$0x3FB1] =	sst s0;
	s0 =	simm.s32 @!p2 $0x0  }
0x16: {  	s3 =	sld [smem:$0x3FDB];
	s0 =	simm.s32 @p2 $0x1  }
0x17: {  	s4 =	simm.s32 $0x1BF5;
	[smem:$0x3FB3] =	sst s0  }
0x18: {  	s0 =	sld [smem:$0x3F96];
	_ =	swait.ge [sflag:s4], $0x0  }
0x19: {  	s7 =	sld [smem:$0x3F97]  }
0x1a: {  	s8 =	sadd.s32 $0xFFFFE003, lr  }
0x1b: {  	s9 =	sadd.s32 $0xFFFFFEF7, lr;
	s5 =	simm.s32 $0xFFFFFFFF;
	p2 =	slt.u32 s8, $0xFFFFF086  }
0x1c: {  	p1 =	slt.u32 s9, $0xF7A;
	s5 =	simm.s32 @!p2 $0x0  }
0x1d: {  	s5 =	simm.s32 @p1 $0x1;
	p0 =	seq.s32 s7, s2  }
0x1e: {  	s7 =	smul.u32 @!p0 $0xF7A, s2;
	p2 =	seq.s32 @!p0 s5, $0x0  }
0x1f: {  	s9 =	smul.u32 $0xF7A, s1;
	s8 =	simm.s32 @!p0 $0x1BF5;
	p2 =	por !p2, p0  }
0x20: {  	[sflag:s8] =	ssyncset.s32 @!p0 $0xFFFFF086;
	s6 =	sadd.s32 @!p0 s3, s7;
	s7 =	simm.s32 @!p0 $0x108  }
0x21: {  	s3 =	sadd.s32 s3, s9;
	s6 =	sadd.s32 @!p0 $0x88, s6;
	s7 =	simm.s32 @p2 $0x1082  }
0x22: {  	[simem:s7], [sflag:s8] =	dma.local @!p0 [hbm:s6], $0xF7A  }
0x23: {  	s9 =	sor.u32 $0xD0000000, s2;
	s6 =	simm.s32 $0x108;
	_ =	swait.ge @!p0 [sflag:s8], $0x0  }
0x24: {  	s3 =	sadd.s32 $0x88, s3;
	s6 =	simm.s32 @!p1 $0x1082;
	[sflag:s4] =	ssyncset.s32 $0xFFFFF086  }
0x25: {  	[simem:s6], [sflag:s4] =	dma.local [hbm:s3], $0xF7A  }
0x26: {  	[smem:$0x3F97] =	sst s1;
	(tag) =	ssettag s2;
	_ =	strace s9  }
0x27: {  	s1 =	sld [smem:$0x3FA7]  }
0x28: {  	s2 =	sld [smem:$0x3FA8]  }
0x29: {  	s4 =	sld [smem:$0x3FAA]  }
0x2a: {  	p0 =	seq.s32 s5, $0x0;
	s5 =	sld [smem:$0x3FAB]  }
0x2b: {  	s6 =	sld [smem:$0x3FAC]  }
0x2c: {  	s7 =	sld [smem:$0x3FAD]  }
0x2d: {  	s3 =	simm.s32 $0x108;
	s8 =	sld [smem:$0x3FAE]  }
0x2e: {  	s3 =	simm.s32 @!p0 $0x1082;
	s9 =	sld [smem:$0x3FAF]  }
0x2f: {  	lr =	sadd.s32 s0, s3;
	s0 =	sld [smem:$0x3FA6]  }
0x30: {  	s3 =	sld [smem:$0x3FA9]  }
0x31: {  	[smem:$0x3FB2] =	sst s10  }
0x32: {  	s10 =	sld [smem:$0x3FB0];
	_ =	sdelay $0x3  }
0x33: {  	p0 =	seq.s32 s10, $0x1;
	s10 =	sld [smem:$0x3FB2];
	_ =	sdelay $0x3  }
0x34: {  	[smem:$0x3FB2] =	sst s10  }
0x35: {  	s10 =	sld [smem:$0x3FB1];
	_ =	sdelay $0x3  }
0x36: {  	p1 =	seq.s32 s10, $0x1;
	s10 =	sld [smem:$0x3FB2];
	_ =	sdelay $0x3  }
0x37: {  	[smem:$0x3FB2] =	sst s10  }
0x38: {  	s10 =	sld [smem:$0x3FB3]  }
0x39: {  	_ = 	snop;
	(pc) =	sbr.ind lr, $3  }
0x3a: {  	_ = 	snop  }
0x3b: {  	_ = 	snop  }
0x3c: {  	p2 =	seq.s32 s10, $0x1;
	s10 =	sld [smem:$0x3FB2]  }
0x3d: {  	_ =	shalt  }
0x3e: {  	_ =	shalt  }
0x3f: {  	_ =	shalt  }
0x40: {  	_ =	shalt  }
0x41: {  	_ =	shalt  }
0x42: {  	_ =	shalt  }
0x43: {  	_ =	shalt  }
0x44: {  	_ =	shalt  }
0x45: {  	_ =	shalt  }
0x46: {  	_ =	shalt  }
0x47: {  	_ =	shalt  }
0x48: {  	_ =	shalt  }
0x49: {  	_ =	shalt  }
0x4a: {  	_ =	shalt  }
0x4b: {  	_ =	shalt  }
0x4c: {  	_ =	shalt  }
0x4d: {  	_ =	shalt  }
0x4e: {  	_ =	shalt  }
0x4f: {  	_ =	shalt  }
0x50: {  	_ =	shalt  }
0x51: {  	_ =	shalt  }
0x52: {  	_ =	shalt  }
0x53: {  	_ =	shalt  }
0x54: {  	_ =	shalt  }
0x55: {  	_ =	shalt  }
0x56: {  	_ =	shalt  }
0x57: {  	_ =	shalt  }
0x58: {  	_ =	shalt  }
0x59: {  	_ =	shalt  }
0x5a: {  	_ =	shalt  }
0x5b: {  	_ =	shalt  }
0x5c: {  	_ =	shalt  }
0x5d: {  	_ =	shalt  }
0x5e: {  	_ =	shalt  }
0x5f: {  	_ =	shalt  }
0x60: {  	_ =	shalt  }
0x61: {  	_ =	shalt  }
0x62: {  	_ =	shalt  }
0x63: {  	_ =	shalt  }
0x64: {  	_ =	shalt  }
0x65: {  	_ =	shalt  }
0x66: {  	_ =	shalt  }
0x67: {  	_ =	shalt  }
0x68: {  	_ =	shalt  }
0x69: {  	_ =	shalt  }
0x6a: {  	_ =	shalt  }
0x6b: {  	_ =	shalt  }
0x6c: {  	_ =	shalt  }
0x6d: {  	_ =	shalt  }
0x6e: {  	_ =	shalt  }
0x6f: {  	_ =	shalt  }
0x70: {  	_ =	shalt  }
0x71: {  	_ =	shalt  }
0x72: {  	_ =	shalt  }
0x73: {  	_ =	shalt  }
0x74: {  	_ =	shalt  }
0x75: {  	_ =	shalt  }
0x76: {  	_ =	shalt  }
0x77: {  	_ =	shalt  }
0x78: {  	_ =	shalt  }
0x79: {  	_ =	shalt  }
0x7a: {  	_ =	shalt  }
0x7b: {  	_ =	shalt  }
0x7c: {  	_ =	shalt  }
0x7d: {  	_ =	shalt  }
0x7e: {  	_ =	shalt  }
0x7f: {  	_ =	shalt  }
0x80: {  	_ =	shalt  }
0x81: {  	_ =	shalt  }
0x82: {  	_ =	shalt  }
0x83: {  	_ =	shalt  }
0x84: {  	_ =	shalt  }
0x85: {  	_ =	shalt  }
0x86: {  	_ =	shalt  }
0x87: {  	_ =	shalt  }
.Lfunc_end0:
.L_simem_size_0:
called_computation_lowered:
.L_overlay_start_0:
0x88: {  	s2 =	sld [smem:$0x3FD9]  }
0x89: {  	s3 =	sld [smem:$0x3FFE];
	_ =	sdelay $0x1  }
0x8a: {  	s1 =	srdreg.scid  }
0x8b: {  	s0 =	sand.u32 $0x1, s1  }
0x8c: {  	s17 =	sshll.u32 s0, $0xA;
	s2 =	sadd.s32 s3, s2  }
0x8d: {  	s2 =	sadd.s32 s2, s17  }
0x8e: {  	[smem:$0x3FBE] =	sst s2  }
0x8f: {  	_ = 	snop  }
0x90: {  	s2 =	sld [smem:$0x3FD0];
	(tm) =	ssettm $0x1  }
0x91: {  	s18 =	sld [smem:$0x3FFB];
	_ =	sdelay $0x3  }
0x92: {  	_ =	strace s18  }
0x93: {  	s3 =	sld [smem:$0x3FFC];
	_ =	sdelay $0x3  }
0x94: {  	_ =	strace s3  }
0x95: {  	s3 =	sld [smem:$0x3FFD];
	_ =	sdelay $0x3  }
0x96: {  	_ =	strace s3  }
0x97: {  	_ =	strace $0x8FFFFFFF  }
0x98: {  	s19 =	sld [smem:$0x3FDB];
	_ =	sdelay $0x1  }
0x99: {  	s4 =	simm.s32 $_scs_section_size  }
0x9a: {  	s5 =	simm.s32 $_size__tile_overlayer_lowered;
	s6 =	simm.s32 $_tile_overlayer_lowered  }
0x9b: {  	s22 =	simm.s32 $0x1BFF;
	s21 =	sshll.u32 s6, $0x1;
	s3 =	sadd.s32 s4, s19  }
0x9c: {  	s7 =	simm.s32 $0x0;
	s20 =	sshll.u32 s5, $0x1;
	s5 =	sadd.s32 s21, s3  }
0x9d: {  	[timem:s7], [sflag:s22] =	dma.local [hbm:s5], s20  }
0x9e: {  	_ =	swait.ge [sflag:s22], s20  }
0x9f: {  	s4 =	ssub.s32 $0x0, s20;
	[sflag:s22] =	ssyncset.done $0x0  }
0xa0: {  	[sflag:s22] =	ssyncadd.s32 s4;
	_ =	sdelay $0x1  }
0xa1: {  	s23 =	simm.s32 $0x1B8B  }
0xa2: {  	_ =	swait.ge [sflag:s23], $0x1  }
0xa3: {  	[sflag:s23] =	ssyncset.done $0x0  }
0xa4: {  	s25 =	simm.s32 $0x1B8E;
	s24 =	sld [smem:$0x3FFE];
	[sflag:s23] =	ssyncadd.s32 $0xFFFFFFFF  }
0xa5: {  	s26 =	simm.s32 $execute0_lowered;
	[smem:$0x3FD2] =	sst s25  }
0xa6: {  	s5 =	sshll.u32 s26, $0x1;
	_ =	strace $0x80000046;
	[dreg:$0x1] =	wrdreg $0xFFFFFFFF  }
0xa7: {  	s28 =	simm.s32 $_size_execute0_lowered;
	s3 =	sadd.s32 s3, s5;
	[dreg:$0x0] =	wrdreg $0x0  }
0xa8: {  	s5 =	sshll.u32 s28, $0x1;
	[dreg:$0x2] =	wrdreg s3  }
0xa9: {  	[dreg:$0x3] =	wrdreg s5  }
0xaa: {  	[dreg:$0x4] =	wrdreg $0xC0  }
0xab: {  	_ =	task [dreg:s7], $0x5FFFF  }
0xac: {  	[dreg:$0x1] =	wrdreg $0xFFFFFFFF  }
0xad: {  	[dreg:$0x0] =	wrdreg $0x60  }
0xae: {  	[dreg:$0x2] =	wrdreg s24  }
0xaf: {  	[dreg:$0x3] =	wrdreg s2  }
0xb0: {  	[dreg:$0x4] =	wrdreg $0x7A000  }
0xb1: {  	[dreg:$0x5] =	wrdreg $0x9  }
0xb2: {  	_ =	task.clear_ibuf [dreg:s7], $0x6FFFF;
	_ =	strace $0x90000046  }
0xb3: {  	s29 =	simm.s32 $0x9;
	_ =	strace $0x80000048  }
0xb4: {  	_ =	swait.ge [sflag:s29], $0x1  }
0xb5: {  	[sflag:s29] =	ssyncadd.s32 $0xFFFFFFFF  }
0xb6: {  	_ =	strace $0x90000048  }
0xb7: {  	_ =	sfence  }
0xb8: {  	s30 =	sld [smem:$0x0];
	_ =	sdelay $0x2  }
0xb9: {  	s31 =	sshll.u32 s1, $0xD;
	s1 =	sshrl.u32 s1, $0x2  }
0xba: {  	s3 =	sand.u32 $0x4000, s31;
	s1 =	sadd.s32 s1, s30  }
0xbb: {  	s0 =	sor.u32 s3, s0;
	s1 =	sshll.u32 s1, $0x11  }
0xbc: {  	s0 =	sor.u32 s1, s0  }
0xbd: {  	s0 =	sadd.s32 $0x8F2B, s0  }
0xbe: {  	[sflag:s0] =	ssyncadd.remote.s32 $0x1  }
0xbf: {  	_ =	sfence.sel $0xFFFF  }
0xc0: {  	[dreg:$0x0] =	wrdreg $0xFFFFFFFF;
	(pc) =	sbr.abs _section_cstart, $3  }
0xc1: {  	[dreg:$0x1] =	wrdreg $0xFFFFFFFF  }
0xc2: {  	_ =	task.clear_ibuf [dreg:s7], $0x2FFFF;
	_ =	strace $0x9FFFFFFF  }
0xc3: {  	(tm) =	ssettm $0x7FFFFFFF  }
tec
execute0_lowered:
.L_overlay_start_1:
0x0: {  	(tag) =	ssettag $0x1  }
0x1: {  	s0 =	rddreg [dreg:$0x0]  }
0x2: {  	s1 =	rddreg [dreg:$0x1]  }
0x3: {  	s2 =	rddreg [dreg:$0x2];
	s3 =	simm.s32 $0x0  }
0x4: {  	s5 =	srdreg.scid;
	s7 =	stileid.u32;
	s19 =	simm.s32 $0x7900  }
0x5: {  	s20 =	simm.s32 $0x5;
	s21 =	simm.s32 $0x28;
	s28 =	simm.s32 $0x3  }
0x6: {  	s29 =	simm.s32 $0x7;
	s31 =	simm.s32 $0x6;
	s17 =	simm.s32 $0x0  }
0x7: {  	[smem:$0x7FF] =	sst s3;
	s4 =	sadd.s32 $0x17000, s0;
	s10 =	sand.u32 $0x1, s5  }
0x8: {  	s6 =	sshll.u32 s7, $0x1;
	s5 =	sadd.s32 $0x3400, s0;
	s8 =	sadd.s32 $0x4F9000, s0  }
0x9: {  	s9 =	sadd.s32 $0x56E400, s0;
	p0 =	sne.s32 s7, $0x0;
	s7 =	simm.s32 $0x2  }
0xa: {  	_ =	strace $0x80000047;
	s11 =	smul.u32 $0x27100, s10;
	s12 =	sor.u32 s10, s6  }
0xb: {  	s6 =	sadd.s32 $0xD200, s0;
	[dreg:$0x4] =	wrdreg s8;
	s8 =	smul.u32 $0x2710, s12  }
0xc: {  	s10 =	ssub.s32 $0x2, s10;
	s16 =	sshrl.u32 @!p0 s2, $0x3;
	s12 =	smul.u32 $0x27100, s12  }
0xd: {  	s23 =	sshrl.u32 s10, $0x1;
	[dreg:$0xa] =	wrdreg s16;
	s0 =	sadd.s32 s11, s0  }
0xe: {  	s10 =	ssub.s32 s10, s23;
	s23 =	simm.s32 $0x1400;
	s11 =	simm.s32 $0x8  }
0xf: {  	s13 =	sshrl.u32 s8, $0x3;
	s24 =	sadd.s32 s4, s12;
	s14 =	sadd.s32 $0x50, s8  }
0x10: {  	s0 =	sadd.s32 $0x520200, s0;
	s30 =	smax.u32 s10, $0x1;
	[dreg:$0x5] =	wrdreg s24  }
0x11: {  	s10 =	simm.s32 $0x4;
	s12 =	simm.s32 $0x6400;
	[dreg:$0x8] =	wrdreg s0  }
0x12: {  	s25 =	sadd.s32 s5, s13;
	s26 =	sadd.s32 s6, s13;
	[dreg:$0x9] =	wrdreg s30  }
0x13: {  	s13 =	sadd.s32 $0x28, s8;
	s24 =	simm.s32 $0x7880;
	[dreg:$0x6] =	wrdreg s25  }
0x14: {  	[dreg:$0x7] =	wrdreg s26;
	s25 =	simm.s32 $0x7980;
	s26 =	simm.s32 $0x1  }
.LBB2_1:
0x15: {  	[dreg:$0xb] =	wrdreg s17  }
0x16: {  	s0 =	simm.s32 @!p0 $0x1C0D;
	s15 =	rddreg [dreg:$0x4]  }
0x17: {  	[spmem:s16], [sflag:s0] =	dma.local @!p0 [hbm:s15], $0x27100  }
0x18: {  	s0 =	simm.s32 @!p0 $0xD  }
0x19: {  	_ =	swait.ge @!p0 [sflag:s0], $0x27100  }
0x1a: {  	[sflag:s0] =	ssyncset.done @!p0 $0x0  }
0x1b: {  	[sflag:s0] =	ssyncadd.s32 @!p0 $0xFFFD8F00  }
0x1c: {  	[bflag:$0x0] =	sbarrier.arrive $0xFFFF  }
0x1d: {  	s17 =	rddreg [dreg:$0x5]  }
0x1e: {  	[tilespmem:s3], [sflag:$0x1] =	stream.linear.gather [hbm4b:s17+s3], $0x1400, $0x38;
	[tilespmem:$0x1B280] =	vst v63  }
0x1f: {  	s22 =	simm.s32 $0x7800;
	s18 =	rddreg [dreg:$0x6]  }
0x20: {  	[tilespmem:s22], [sflag:$0x5] =	stream.linear.gather [hbm4b:s18+s3], $0x28, $0x38;
	[tilespmem:$0x1B280] =	vst v63  }
0x21: {  	s16 =	simm.s32 $0x0;
	s30 =	rddreg [dreg:$0x7]  }
0x22: {  	[tilespmem:s19], [sflag:$0x7] =	stream.linear.gather [hbm4b:s30+s3], $0x28, $0x38;
	[tilespmem:$0x1B280] =	vst v63  }
.LBB2_2:
0x23: {  	_ =	swait.ge [sflag:s20], $0x28  }
0x24: {  	s0 =	simm.s32 $0x7800;
	[sflag:s20] =	ssyncset.done $0x0  }
0x25: {  	s15 =	simm.s32 $0x2800;
	p1 =	seq.s32 s16, $0x0;
	[sflag:s20] =	ssyncadd.s32 $0xFFFFFFD8  }
0x26: {  	[tilespmem:s15], [sflag:$0x3] =	stream.indirect.gather [hbm4b:s1+s21], $0x80, s0, s21, $0xb8;
	[tilespmem:$0x1B280] =	vst v63  }
0x27: {  	s0 =	simm.s32 @!p1 $0xA  }
0x28: {  	_ =	swait.ge @!p1 [sflag:s0], $0x1400  }
0x29: {  	s15 =	smul.u32 $0x50, s16;
	[sflag:s0] =	ssyncset.done @!p1 $0x0  }
0x2a: {  	[sflag:s0] =	ssyncadd.s32 @!p1 $0xFFFFEC00;
	s0 =	simm.s32 @!p1 $0xC  }
0x2b: {  	s18 =	sadd.s32 s15, s13;
	_ =	swait.ge @!p1 [sflag:s0], $0x1400  }
0x2c: {  	s17 =	sshll.u32 s18, $0x4;
	[sflag:s0] =	ssyncset.done @!p1 $0x0  }
0x2d: {  	s22 =	simm.s32 $0x0;
	[sflag:s0] =	ssyncadd.s32 @!p1 $0xFFFFEC00;
	s0 =	sadd.s32 s4, s17  }
0x2e: {  	[tilespmem:s23], [sflag:$0x2] =	stream.linear.gather [hbm4b:s0+s22], $0x1400, $0x38;
	[tilespmem:$0x1B280] =	vst v63  }
0x2f: {  	s0 =	sshrl.u32 s18, $0x3  }
0x30: {  	s18 =	sadd.s32 s5, s0  }
0x31: {  	[tilespmem:s24], [sflag:$0x6] =	stream.linear.gather [hbm4b:s18+s22], $0x28, $0x38;
	[tilespmem:$0x1B280] =	vst v63  }
0x32: {  	s0 =	sadd.s32 s6, s0  }
0x33: {  	[tilespmem:s25], [sflag:$0x8] =	stream.linear.gather [hbm4b:s0+s22], $0x28, $0x38;
	[tilespmem:$0x1B280] =	vst v63  }
0x34: {  	_ =	swait.ge [sflag:s26], $0x1400  }
0x35: {  	[sflag:s26] =	ssyncset.done $0x0  }
0x36: {  	[sflag:s26] =	ssyncadd.s32 $0xFFFFEC00  }
0x37: {  	_ =	swait.ge [sflag:s28], $0x1400  }
0x38: {  	[sflag:s28] =	ssyncset.done $0x0  }
0x39: {  	s30 =	simm.s32 $0x0;
	[sflag:s28] =	ssyncadd.s32 $0xFFFFEC00  }
0x3a: {  	v0 =	vld [tilespmem:s30+$0x2800]  }
0x3b: {  	v1 =	vld [tilespmem:s30+$0x2810]  }
0x3c: {  	v2 =	vld [tilespmem:s30+$0x2820]  }
0x3d: {  	v3 =	vld [tilespmem:s30+$0x2830]  }
0x3e: {  	v4 =	vld [tilespmem:s30+$0x2840]  }
0x3f: {  	v5 =	vld [tilespmem:s30+$0x2850]  }
0x40: {  	v7 =	vld [tilespmem:s30+$0x2860]  }
0x41: {  	v8 =	vld [tilespmem:s30+$0x2870]  }
0x42: {  	v6 =	vld [tilespmem:s30+$0x0]  }
0x43: {  	v9 =	vld [tilespmem:s30+$0x10]  }
0x44: {  	v10 =	vld [tilespmem:s30+$0x20]  }
0x45: {  	v11 =	vld [tilespmem:s30+$0x30]  }
0x46: {  	v12 =	vld [tilespmem:s30+$0x40]  }
0x47: {  	v14 =	vld [tilespmem:s30+$0x50];
	v13 =	vadd.f32 v0, v6  }
0x48: {  	v15 =	vld [tilespmem:s30+$0x60];
	v9 =	vadd.f32 v1, v9  }
0x49: {  	s22 =	simm.s32 $0x80;
	v16 =	vld [tilespmem:s30+$0x70];
	v10 =	vadd.f32 v2, v10;
	[tilespmem:s30+$0x0] =	vst v13  }
0x4a: {  	v18 =	vadd.f32 v3, v11;
	v17 =	vld [tilespmem:s22+$0x2800];
	[tilespmem:s30+$0x10] =	vst v9  }
0x4b: {  	v12 =	vadd.f32 v4, v12;
	v6 =	vld [tilespmem:s22+$0x2810];
	[tilespmem:s30+$0x20] =	vst v10  }
0x4c: {  	v14 =	vadd.f32 v5, v14;
	v1 =	vld [tilespmem:s22+$0x2820];
	[tilespmem:s30+$0x30] =	vst v18  }
0x4d: {  	v15 =	vadd.f32 v7, v15;
	v0 =	vld [tilespmem:s22+$0x2830];
	[tilespmem:s30+$0x40] =	vst v12  }
0x4e: {  	v16 =	vadd.f32 v8, v16;
	v2 =	vld [tilespmem:s22+$0x2840];
	[tilespmem:s30+$0x50] =	vst v14  }
0x4f: {  	v3 =	vld [tilespmem:s22+$0x2850];
	[tilespmem:s30+$0x60] =	vst v15  }
0x50: {  	v7 =	vmax.f32 v13, $0.0e+00;
	v4 =	vld [tilespmem:s22+$0x2860];
	[tilespmem:s30+$0x70] =	vst v16  }
0x51: {  	v5 =	vld [tilespmem:s22+$0x2870];
	[tilespmem:s30+$0x5000] =	vst v7;
	v7 =	vmax.f32 v9, $0.0e+00  }
0x52: {  	v13 =	vld [tilespmem:s22+$0x0];
	[tilespmem:s30+$0x5010] =	vst v7;
	v7 =	vmax.f32 v10, $0.0e+00  }
0x53: {  	v11 =	vld [tilespmem:s22+$0x10];
	[tilespmem:s30+$0x5020] =	vst v7;
	v7 =	vmax.f32 v18, $0.0e+00  }
0x54: {  	v10 =	vld [tilespmem:s22+$0x20];
	[tilespmem:s30+$0x5030] =	vst v7;
	v7 =	vmax.f32 v12, $0.0e+00  }
0x55: {  	v8 =	vmax.f32 v14, $0.0e+00;
	v9 =	vld [tilespmem:s22+$0x30];
	[tilespmem:s30+$0x5040] =	vst v7  }
0x56: {  	v14 =	vmax.f32 v15, $0.0e+00;
	v7 =	vld [tilespmem:s22+$0x40];
	[tilespmem:s30+$0x5050] =	vst v8  }
0x57: {  	s18 =	simm.s32 $0x400;
	s0 =	sadd.s32 s8, s15;
	v12 =	vmax.f32 v16, $0.0e+00;
	v8 =	vld [tilespmem:s22+$0x50];
	v13 =	vadd.f32 v17, v13;
	[tilespmem:s30+$0x5060] =	vst v14  }
.LBB2_3:
0x58: {  	p1 =	sne.s32 s18, $0x4E00;
	v6 =	vadd.f32 v6, v11;
	v11 =	vld [tilespmem:s22+$0x60];
	[tilespmem:s30+$0x5070] =	vst v12;
	s30 =	smov.u32 s22  }
0x59: {  	s22 =	sshra.s32 s18, $0x2;
	[tilespmem:s30+$0x0] =	vst v13;
	v13 =	vmax.f32 v13, $0.0e+00;
	v1 =	vadd.f32 v1, v10;
	v10 =	vld [tilespmem:s30+$0x70]  }
0x5a: {  	v14 =	vld [tilespmem:s22+$0x2800];
	[tilespmem:s30+$0x10] =	vst v6;
	v15 =	vmax.f32 v6, $0.0e+00;
	v0 =	vadd.f32 v0, v9  }
0x5b: {  	v6 =	vld [tilespmem:s22+$0x2810];
	[tilespmem:s30+$0x20] =	vst v1;
	v9 =	vmax.f32 v1, $0.0e+00;
	v2 =	vadd.f32 v2, v7  }
0x5c: {  	v1 =	vld [tilespmem:s22+$0x2820];
	[tilespmem:s30+$0x30] =	vst v0;
	v7 =	vmax.f32 v0, $0.0e+00;
	v3 =	vadd.f32 v3, v8  }
0x5d: {  	v0 =	vld [tilespmem:s22+$0x2830];
	[tilespmem:s30+$0x40] =	vst v2;
	v8 =	vmax.f32 v2, $0.0e+00;
	v4 =	vadd.f32 v4, v11  }
0x5e: {  	v2 =	vld [tilespmem:s22+$0x2840];
	[tilespmem:s30+$0x50] =	vst v3;
	v16 =	vmax.f32 v3, $0.0e+00;
	v5 =	vadd.f32 v5, v10  }
0x5f: {  	v3 =	vld [tilespmem:s22+$0x2850];
	[tilespmem:s30+$0x60] =	vst v4;
	v17 =	vmax.f32 v4, $0.0e+00  }
0x60: {  	v4 =	vld [tilespmem:s22+$0x2860];
	[tilespmem:s30+$0x70] =	vst v5;
	v12 =	vmax.f32 v5, $0.0e+00  }
0x61: {  	v5 =	vld [tilespmem:s22+$0x2870];
	[tilespmem:s30+$0x5000] =	vst v13  }
0x62: {  	v13 =	vld [tilespmem:s22+$0x0];
	[tilespmem:s30+$0x5010] =	vst v15  }
.Ltmp0:
0x63: {  	v11 =	vld [tilespmem:s22+$0x10];
	[tilespmem:s30+$0x5020] =	vst v9;
	(pc) =	sbr.rel @p1 .LBB2_3-.Ltmp0, $4  }
0x64: {  	v10 =	vld [tilespmem:s22+$0x20];
	[tilespmem:s30+$0x5030] =	vst v7  }
0x65: {  	v9 =	vld [tilespmem:s22+$0x30];
	[tilespmem:s30+$0x5040] =	vst v8  }
0x66: {  	v7 =	vld [tilespmem:s22+$0x40];
	[tilespmem:s30+$0x5050] =	vst v16  }
0x67: {  	s18 =	sadd.s32 $0x200, s18;
	v13 =	vadd.f32 v14, v13;
	v8 =	vld [tilespmem:s22+$0x50];
	[tilespmem:s30+$0x5060] =	vst v17  }
0x68: {  	v14 =	vld [tilespmem:s22+$0x60];
	[tilespmem:s30+$0x5070] =	vst v12;
	v6 =	vadd.f32 v6, v11  }
0x69: {  	[tilespmem:s22+$0x0] =	vst v13;
	v1 =	vadd.f32 v1, v10  }
0x6a: {  	[tilespmem:s22+$0x10] =	vst v6  }
0x6b: {  	v0 =	vadd.f32 v0, v9;
	v6 =	vmax.f32 v6, $0.0e+00;
	[tilespmem:s22+$0x20] =	vst v1  }
0x6c: {  	[tilespmem:s22+$0x5010] =	vst v6  }
0x6d: {  	v2 =	vadd.f32 v2, v7;
	v7 =	vmax.f32 v13, $0.0e+00;
	[tilespmem:s22+$0x30] =	vst v0  }
0x6e: {  	v1 =	vmax.f32 v1, $0.0e+00;
	[tilespmem:s22+$0x5000] =	vst v7  }
0x6f: {  	v10 =	vld [tilespmem:s22+$0x70];
	[tilespmem:s22+$0x5020] =	vst v1  }
0x70: {  	v3 =	vadd.f32 v3, v8;
	v0 =	vmax.f32 v0, $0.0e+00;
	[tilespmem:s22+$0x40] =	vst v2  }
0x71: {  	[tilespmem:s22+$0x5030] =	vst v0  }
0x72: {  	v4 =	vadd.f32 v4, v14;
	v1 =	vmax.f32 v2, $0.0e+00;
	[tilespmem:s22+$0x50] =	vst v3  }
0x73: {  	[tilespmem:s22+$0x5040] =	vst v1  }
0x74: {  	v5 =	vadd.f32 v5, v10;
	v0 =	vmax.f32 v3, $0.0e+00;
	[tilespmem:s22+$0x60] =	vst v4  }
0x75: {  	[tilespmem:s22+$0x5050] =	vst v0  }
0x76: {  	v1 =	vmax.f32 v4, $0.0e+00;
	[tilespmem:s22+$0x70] =	vst v5  }
0x77: {  	v0 =	vmax.f32 v5, $0.0e+00;
	[tilespmem:s22+$0x5060] =	vst v1  }
0x78: {  	[tilespmem:s22+$0x5070] =	vst v0  }
0x79: {  	_ =	swait.ge [sflag:s29], $0x28  }
0x7a: {  	s0 =	sshll.u32 s0, $0x4;
	[sflag:s29] =	ssyncset.done $0x0  }
0x7b: {  	s18 =	simm.s32 $0x0;
	s0 =	sadd.s32 s9, s0;
	[sflag:s29] =	ssyncadd.s32 $0xFFFFFFD8  }
0x7c: {  	[hbm4b:s0+s18] =	stream.linear.scatter [tilespmem:s18], [sflag:$0x9], $0x1400, $0x38;
	[tilespmem:$0x1B280] =	vst v63  }
0x7d: {  	s18 =	simm.s32 $0x5000  }
0x7e: {  	[spmem:s2] =	stream.indirect.scatter.add.f32 [tilespmem:s18], [sflag:$0xB], $0x80, s19, s21, $0xb8;
	[tilespmem:$0x1B280] =	vst v63  }
0x7f: {  	_ =	swait.ge [sflag:s31], $0x28  }
0x80: {  	[sflag:s31] =	ssyncset.done $0x0  }
0x81: {  	s22 =	simm.s32 $0x3C00;
	[sflag:s31] =	ssyncadd.s32 $0xFFFFFFD8  }
0x82: {  	[tilespmem:s22], [sflag:$0x4] =	stream.indirect.gather [hbm4b:s1+s21], $0x80, s24, s21, $0xb8;
	[tilespmem:$0x1B280] =	vst v63  }
0x83: {  	_ =	swait.ge [sflag:s7], $0x1400  }
0x84: {  	[sflag:s7] =	ssyncset.done $0x0  }
0x85: {  	[sflag:s7] =	ssyncadd.s32 $0xFFFFEC00  }
0x86: {  	_ =	swait.ge [sflag:s10], $0x1400  }
0x87: {  	[sflag:s10] =	ssyncset.done $0x0  }
0x88: {  	s30 =	simm.s32 $0x0;
	[sflag:s10] =	ssyncadd.s32 $0xFFFFEC00  }
0x89: {  	v0 =	vld [tilespmem:s30+$0x3C00]  }
0x8a: {  	v1 =	vld [tilespmem:s30+$0x3C10]  }
0x8b: {  	v2 =	vld [tilespmem:s30+$0x3C20]  }
0x8c: {  	v3 =	vld [tilespmem:s30+$0x3C30]  }
0x8d: {  	v4 =	vld [tilespmem:s30+$0x3C40]  }
0x8e: {  	v5 =	vld [tilespmem:s30+$0x3C50]  }
0x8f: {  	v7 =	vld [tilespmem:s30+$0x3C60]  }
0x90: {  	v8 =	vld [tilespmem:s30+$0x3C70]  }
0x91: {  	v6 =	vld [tilespmem:s30+$0x1400]  }
0x92: {  	v9 =	vld [tilespmem:s30+$0x1410]  }
0x93: {  	v10 =	vld [tilespmem:s30+$0x1420]  }
0x94: {  	v11 =	vld [tilespmem:s30+$0x1430]  }
0x95: {  	v12 =	vld [tilespmem:s30+$0x1440]  }
0x96: {  	v14 =	vld [tilespmem:s30+$0x1450];
	v13 =	vadd.f32 v0, v6  }
0x97: {  	v15 =	vld [tilespmem:s30+$0x1460];
	v9 =	vadd.f32 v1, v9  }
0x98: {  	s22 =	simm.s32 $0x80;
	v16 =	vld [tilespmem:s30+$0x1470];
	v10 =	vadd.f32 v2, v10;
	[tilespmem:s30+$0x1400] =	vst v13  }
0x99: {  	v18 =	vadd.f32 v3, v11;
	v17 =	vld [tilespmem:s22+$0x3C00];
	[tilespmem:s30+$0x1410] =	vst v9  }
0x9a: {  	v12 =	vadd.f32 v4, v12;
	v6 =	vld [tilespmem:s22+$0x3C10];
	[tilespmem:s30+$0x1420] =	vst v10  }
0x9b: {  	v14 =	vadd.f32 v5, v14;
	v1 =	vld [tilespmem:s22+$0x3C20];
	[tilespmem:s30+$0x1430] =	vst v18  }
0x9c: {  	v15 =	vadd.f32 v7, v15;
	v0 =	vld [tilespmem:s22+$0x3C30];
	[tilespmem:s30+$0x1440] =	vst v12  }
0x9d: {  	v16 =	vadd.f32 v8, v16;
	v2 =	vld [tilespmem:s22+$0x3C40];
	[tilespmem:s30+$0x1450] =	vst v14  }
0x9e: {  	v3 =	vld [tilespmem:s22+$0x3C50];
	[tilespmem:s30+$0x1460] =	vst v15  }
0x9f: {  	v7 =	vmax.f32 v13, $0.0e+00;
	v4 =	vld [tilespmem:s22+$0x3C60];
	[tilespmem:s30+$0x1470] =	vst v16  }
0xa0: {  	v5 =	vld [tilespmem:s22+$0x3C70];
	[tilespmem:s30+$0x6400] =	vst v7;
	v7 =	vmax.f32 v9, $0.0e+00  }
0xa1: {  	v13 =	vld [tilespmem:s22+$0x1400];
	[tilespmem:s30+$0x6410] =	vst v7;
	v7 =	vmax.f32 v10, $0.0e+00  }
0xa2: {  	v11 =	vld [tilespmem:s22+$0x1410];
	[tilespmem:s30+$0x6420] =	vst v7;
	v7 =	vmax.f32 v18, $0.0e+00  }
0xa3: {  	v10 =	vld [tilespmem:s22+$0x1420];
	[tilespmem:s30+$0x6430] =	vst v7;
	v7 =	vmax.f32 v12, $0.0e+00  }
0xa4: {  	v8 =	vmax.f32 v14, $0.0e+00;
	v9 =	vld [tilespmem:s22+$0x1430];
	[tilespmem:s30+$0x6440] =	vst v7  }
0xa5: {  	v14 =	vmax.f32 v15, $0.0e+00;
	v7 =	vld [tilespmem:s22+$0x1440];
	[tilespmem:s30+$0x6450] =	vst v8  }
0xa6: {  	s0 =	simm.s32 $0x400;
	v12 =	vmax.f32 v16, $0.0e+00;
	v8 =	vld [tilespmem:s22+$0x1450];
	v13 =	vadd.f32 v17, v13;
	[tilespmem:s30+$0x6460] =	vst v14  }
.LBB2_5:
0xa7: {  	p1 =	sne.s32 s0, $0x4E00;
	v6 =	vadd.f32 v6, v11;
	v11 =	vld [tilespmem:s22+$0x1460];
	[tilespmem:s30+$0x6470] =	vst v12;
	s30 =	smov.u32 s22  }
0xa8: {  	s22 =	sshra.s32 s0, $0x2;
	[tilespmem:s30+$0x1400] =	vst v13;
	v13 =	vmax.f32 v13, $0.0e+00;
	v1 =	vadd.f32 v1, v10;
	v10 =	vld [tilespmem:s30+$0x1470]  }
0xa9: {  	v14 =	vld [tilespmem:s22+$0x3C00];
	[tilespmem:s30+$0x1410] =	vst v6;
	v15 =	vmax.f32 v6, $0.0e+00;
	v0 =	vadd.f32 v0, v9  }
0xaa: {  	v6 =	vld [tilespmem:s22+$0x3C10];
	[tilespmem:s30+$0x1420] =	vst v1;
	v9 =	vmax.f32 v1, $0.0e+00;
	v2 =	vadd.f32 v2, v7  }
0xab: {  	v1 =	vld [tilespmem:s22+$0x3C20];
	[tilespmem:s30+$0x1430] =	vst v0;
	v7 =	vmax.f32 v0, $0.0e+00;
	v3 =	vadd.f32 v3, v8  }
0xac: {  	v0 =	vld [tilespmem:s22+$0x3C30];
	[tilespmem:s30+$0x1440] =	vst v2;
	v8 =	vmax.f32 v2, $0.0e+00;
	v4 =	vadd.f32 v4, v11  }
0xad: {  	v2 =	vld [tilespmem:s22+$0x3C40];
	[tilespmem:s30+$0x1450] =	vst v3;
	v16 =	vmax.f32 v3, $0.0e+00;
	v5 =	vadd.f32 v5, v10  }
0xae: {  	v3 =	vld [tilespmem:s22+$0x3C50];
	[tilespmem:s30+$0x1460] =	vst v4;
	v17 =	vmax.f32 v4, $0.0e+00  }
0xaf: {  	v4 =	vld [tilespmem:s22+$0x3C60];
	[tilespmem:s30+$0x1470] =	vst v5;
	v12 =	vmax.f32 v5, $0.0e+00  }
0xb0: {  	v5 =	vld [tilespmem:s22+$0x3C70];
	[tilespmem:s30+$0x6400] =	vst v13  }
0xb1: {  	v13 =	vld [tilespmem:s22+$0x1400];
	[tilespmem:s30+$0x6410] =	vst v15  }
.Ltmp1:
0xb2: {  	v11 =	vld [tilespmem:s22+$0x1410];
	[tilespmem:s30+$0x6420] =	vst v9;
	(pc) =	sbr.rel @p1 .LBB2_5-.Ltmp1, $4  }
0xb3: {  	v10 =	vld [tilespmem:s22+$0x1420];
	[tilespmem:s30+$0x6430] =	vst v7  }
0xb4: {  	v9 =	vld [tilespmem:s22+$0x1430];
	[tilespmem:s30+$0x6440] =	vst v8  }
0xb5: {  	v7 =	vld [tilespmem:s22+$0x1440];
	[tilespmem:s30+$0x6450] =	vst v16  }
0xb6: {  	s0 =	sadd.s32 $0x200, s0;
	v13 =	vadd.f32 v14, v13;
	v8 =	vld [tilespmem:s22+$0x1450];
	[tilespmem:s30+$0x6460] =	vst v17  }
0xb7: {  	v14 =	vld [tilespmem:s22+$0x1460];
	[tilespmem:s30+$0x6470] =	vst v12;
	v6 =	vadd.f32 v6, v11  }
0xb8: {  	[tilespmem:s22+$0x1400] =	vst v13  }
0xb9: {  	v1 =	vadd.f32 v1, v10;
	v59 =	vmax.f32 v13, $0.0e+00;
	[tilespmem:s22+$0x1410] =	vst v6  }
0xba: {  	[tilespmem:s22+$0x6400] =	vst v59  }
0xbb: {  	v0 =	vadd.f32 v0, v9;
	v6 =	vmax.f32 v6, $0.0e+00;
	[tilespmem:s22+$0x1420] =	vst v1  }
0xbc: {  	[tilespmem:s22+$0x6410] =	vst v6  }
0xbd: {  	v2 =	vadd.f32 v2, v7;
	v1 =	vmax.f32 v1, $0.0e+00;
	[tilespmem:s22+$0x1430] =	vst v0  }
0xbe: {  	v58 =	vld [tilespmem:s22+$0x1470];
	[tilespmem:s22+$0x6420] =	vst v1  }
0xbf: {  	v3 =	vadd.f32 v3, v8;
	v0 =	vmax.f32 v0, $0.0e+00;
	[tilespmem:s22+$0x1440] =	vst v2  }
0xc0: {  	[tilespmem:s22+$0x6430] =	vst v0  }
0xc1: {  	v4 =	vadd.f32 v4, v14;
	v60 =	vmax.f32 v2, $0.0e+00;
	[tilespmem:s22+$0x1450] =	vst v3  }
0xc2: {  	[tilespmem:s22+$0x6440] =	vst v60  }
0xc3: {  	v5 =	vadd.f32 v5, v58;
	v61 =	vmax.f32 v3, $0.0e+00;
	[tilespmem:s22+$0x1460] =	vst v4  }
0xc4: {  	[tilespmem:s22+$0x6450] =	vst v61  }
0xc5: {  	v62 =	vmax.f32 v4, $0.0e+00;
	[tilespmem:s22+$0x1470] =	vst v5  }
0xc6: {  	p1 =	seq.s32 s16, $0x7C;
	v63 =	vmax.f32 v5, $0.0e+00;
	[tilespmem:s22+$0x6460] =	vst v62  }
0xc7: {  	s0 =	simm.s32 @!p1 $0x9;
	[tilespmem:s22+$0x6470] =	vst v63  }
0xc8: {  	_ =	swait.ge @!p1 [sflag:s0], $0x1400  }
0xc9: {  	[sflag:s0] =	ssyncset.done @!p1 $0x0  }
0xca: {  	[sflag:s0] =	ssyncadd.s32 @!p1 $0xFFFFEC00;
	s0 =	simm.s32 @!p1 $0xB  }
0xcb: {  	s15 =	sadd.s32 @!p1 s15, s14;
	_ =	swait.ge @!p1 [sflag:s0], $0x1400  }
0xcc: {  	s18 =	sshll.u32 @!p1 s15, $0x4;
	[sflag:s0] =	ssyncset.done @!p1 $0x0  }
0xcd: {  	[sflag:s0] =	ssyncadd.s32 @!p1 $0xFFFFEC00;
	s0 =	sadd.s32 @!p1 s4, s18;
	s18 =	simm.s32 @!p1 $0x0  }
0xce: {  	[tilespmem:s18], [sflag:$0x1] =	stream.linear.gather @!p1 [hbm4b:s0+s18], $0x1400, $0x38;
	[tilespmem:$0x1B280] =	vst v63  }
0xcf: {  	s0 =	sshrl.u32 @!p1 s15, $0x3  }
0xd0: {  	s22 =	simm.s32 @!p1 $0x7800;
	s15 =	sadd.s32 @!p1 s5, s0  }
0xd1: {  	[tilespmem:s22], [sflag:$0x5] =	stream.linear.gather @!p1 [hbm4b:s15+s18], $0x28, $0x38;
	[tilespmem:$0x1B280] =	vst v63  }
0xd2: {  	s16 =	sadd.s32 $0x1, s16;
	s0 =	sadd.s32 @!p1 s6, s0;
	s15 =	simm.s32 @!p1 $0x7900  }
0xd3: {  	[tilespmem:s15], [sflag:$0x7] =	stream.linear.gather @!p1 [hbm4b:s0+s18], $0x28, $0x38;
	[tilespmem:$0x1B280] =	vst v63  }
0xd4: {  	p1 =	sne.s32 s16, $0x7D;
	_ =	swait.ge [sflag:s11], $0x28  }
.Ltmp2:
0xd5: {  	[sflag:s11] =	ssyncset.done $0x0;
	(pc) =	sbr.rel @p1 .LBB2_2-.Ltmp2, $4  }
0xd6: {  	s30 =	sadd.s32 s9, s17;
	[sflag:s11] =	ssyncadd.s32 $0xFFFFFFD8  }
0xd7: {  	[hbm4b:s30+s3] =	stream.linear.scatter [tilespmem:s23], [sflag:$0xA], $0x1400, $0x38;
	[tilespmem:$0x1B280] =	vst v63  }
0xd8: {  	_ = 	snop  }
0xd9: {  	[spmem:s2] =	stream.indirect.scatter.add.f32 [tilespmem:s12], [sflag:$0xC], $0x80, s25, s21, $0xb8;
	[tilespmem:$0x1B280] =	vst v63  }
0xda: {  	s0 =	simm.s32 $0x9  }
0xdb: {  	_ =	swait.ge [sflag:s0], $0x1400  }
0xdc: {  	[sflag:s0] =	ssyncset.done $0x0  }
0xdd: {  	s17 =	simm.s32 $0xB;
	[sflag:s0] =	ssyncadd.s32 $0xFFFFEC00  }
0xde: {  	_ =	swait.ge [sflag:s17], $0x1400  }
0xdf: {  	[sflag:s17] =	ssyncset.done $0x0  }
0xe0: {  	s18 =	simm.s32 $0xA;
	[sflag:s17] =	ssyncadd.s32 $0xFFFFEC00  }
0xe1: {  	_ =	swait.ge [sflag:s18], $0x1400  }
0xe2: {  	[sflag:s18] =	ssyncset.done $0x0  }
0xe3: {  	s22 =	simm.s32 $0xC;
	[sflag:s18] =	ssyncadd.s32 $0xFFFFEC00  }
0xe4: {  	_ =	swait.ge [sflag:s22], $0x1400  }
0xe5: {  	[sflag:s22] =	ssyncset.done $0x0  }
0xe6: {  	[sflag:s22] =	ssyncadd.s32 $0xFFFFEC00  }
0xe7: {  	[bflag:$0x0] =	sbarrier.arrive $0xFFFF  }
0xe8: {  	s15 =	rddreg [dreg:$0x8]  }
0xe9: {  	s0 =	simm.s32 @!p0 $0x1C0D;
	s16 =	rddreg [dreg:$0xa]  }
0xea: {  	[hbm:s15], [sflag:s0] =	dma.local @!p0 [spmem:s16], $0x27100  }
0xeb: {  	s0 =	simm.s32 @!p0 $0xD  }
0xec: {  	_ =	swait.ge @!p0 [sflag:s0], $0x27100  }
0xed: {  	s17 =	rddreg [dreg:$0xb]  }
0xee: {  	s30 =	rddreg [dreg:$0x9];
	s17 =	sadd.s32 $0x1, s17  }
0xef: {  	p1 =	sne.s32 s17, s30  }
.Ltmp3:
0xf0: {  	_ = 	snop;
	(pc) =	sbr.rel @p1 .LBB2_1-.Ltmp3, $3  }
0xf1: {  	_ =	sdelay $0x1  }
0xf2: {  	[sflag:s0] =	ssyncset.done @!p0 $0x0  }
0xf3: {  	[sflag:s0] =	ssyncadd.s32 @!p0 $0xFFFD8F00  }
0xf4: {  	_ =	sfence.sel $0x180000  }
0xf5: {  	[bflag:$0x0] =	sbarrier.arrive $0xFFFF  }
0xf6: {  	_ =	strace $0x90000047  }
0xf7: {  	[bflag:$0x2] =	sbarrier.arrive $0xFFFF  }
0xf8: {  	s0 =	rddreg [dreg:$0x3]  }
0xf9: {  	s0 =	sadd.s32 @!p0 $0x100000, s0  }
0xfa: {  	[sflag:s0] =	ssyncadd.tile.s32 @!p0 $0x1;
	_ =	shalt  }
.Lfunc_end2:
_tile_overlayer_lowered:
.L_overlay_start_2:
0xfb: {  	(tag) =	ssettag $0x2  }
0xfc: {  	s0 =	rddreg [dreg:$0x0];
	s2 =	stileid.u32  }
0xfd: {  	s1 =	rddreg [dreg:$0x1];
	p0 =	sne.s32 s2, $0x0  }
0xfe: {  	s3 =	rddreg [dreg:$0x2];
	[bflag:$0x3] =	sbarrier.arrive $0xFFFF;
	s2 =	simm.s32 @!p0 $0x1C0D  }
0xff: {  	[timem:s3], [sflag:s2] =	dma.local @!p0 [hbm:s0], s1  }
0x100: {  	s0 =	simm.s32 @!p0 $0xD  }
0x101: {  	_ =	swait.ge @!p0 [sflag:s0], s1  }
0x102: {  	s1 =	ssub.s32 @!p0 $0x0, s1;
	[sflag:s0] =	ssyncset.done @!p0 $0x0  }
0x103: {  	[sflag:s0] =	ssyncadd.s32 @!p0 s1  }
0x104: {  	[bflag:$0x3] =	sbarrier.arrive $0xFFFF  }
0x105: {  	_ =	shalt  }

// kernel: kernel.13.cloned.1.call-start
scs
__scs_entry_jumppad:
0x0: {  	(pc) =	sbr.rel $0x88, $3  }
0x1: {  	(tag) =	ssettag $0x0;
	lr =	simm.s32 $0x1  }
0x2: {  	[smem:$0x3F97] =	sst lr;
	_ =	strace $0xD0000000  }
0x3: {  	_ = 	snop  }
0x4: {  	_ = 	snop  }
0x5: {  	_ = 	snop  }
0x6: {  	_ = 	snop  }
0x7: {  	_ = 	snop  }
__scs_overlays_trampoline_lowered:
0x8: {  	[smem:$0x3FA6] =	sst s0  }
0x9: {  	[smem:$0x3FA7] =	sst s1  }
0xa: {  	[smem:$0x3FA8] =	sst s2  }
0xb: {  	[smem:$0x3FA9] =	sst s3  }
0xc: {  	[smem:$0x3FAA] =	sst s4  }
0xd: {  	[smem:$0x3FAB] =	sst s5  }
0xe: {  	[smem:$0x3FAC] =	sst s6  }
0xf: {  	[smem:$0x3FAD] =	sst s7  }
0x10: {  	[smem:$0x3FAE] =	sst s8  }
0x11: {  	[smem:$0x3FAF] =	sst s9;
	s0 =	simm.s32 @!p0 $0x0  }
0x12: {  	s1 =	sld [smem:$0x3F95];
	s0 =	simm.s32 @p0 $0x1  }
0x13: {  	[smem:$0x3FB0] =	sst s0;
	s0 =	simm.s32 @!p1 $0x0  }
0x14: {  	s2 =	sld [smem:$0x3F94];
	s0 =	simm.s32 @p1 $0x1  }
0x15: {  	[smem:$0x3FB1] =	sst s0;
	s0 =	simm.s32 @!p2 $0x0  }
0x16: {  	s3 =	sld [smem:$0x3FDB];
	s0 =	simm.s32 @p2 $0x1  }
0x17: {  	s4 =	simm.s32 $0x1BF5;
	[smem:$0x3FB3] =	sst s0  }
0x18: {  	s0 =	sld [smem:$0x3F96];
	_ =	swait.ge [sflag:s4], $0x0  }
0x19: {  	s7 =	sld [smem:$0x3F97]  }
0x1a: {  	s8 =	sadd.s32 $0xFFFFE003, lr  }
0x1b: {  	s9 =	sadd.s32 $0xFFFFFEF7, lr;
	s5 =	simm.s32 $0xFFFFFFFF;
	p2 =	slt.u32 s8, $0xFFFFF086  }
0x1c: {  	p1 =	slt.u32 s9, $0xF7A;
	s5 =	simm.s32 @!p2 $0x0  }
0x1d: {  	s5 =	simm.s32 @p1 $0x1;
	p0 =	seq.s32 s7, s2  }
0x1e: {  	s7 =	smul.u32 @!p0 $0xF7A, s2;
	p2 =	seq.s32 @!p0 s5, $0x0  }
0x1f: {  	s9 =	smul.u32 $0xF7A, s1;
	s8 =	simm.s32 @!p0 $0x1BF5;
	p2 =	por !p2, p0  }
0x20: {  	[sflag:s8] =	ssyncset.s32 @!p0 $0xFFFFF086;
	s6 =	sadd.s32 @!p0 s3, s7;
	s7 =	simm.s32 @!p0 $0x108  }
0x21: {  	s3 =	sadd.s32 s3, s9;
	s6 =	sadd.s32 @!p0 $0x88, s6;
	s7 =	simm.s32 @p2 $0x1082  }
0x22: {  	[simem:s7], [sflag:s8] =	dma.local @!p0 [hbm:s6], $0xF7A  }
0x23: {  	s9 =	sor.u32 $0xD0000000, s2;
	s6 =	simm.s32 $0x108;
	_ =	swait.ge @!p0 [sflag:s8], $0x0  }
0x24: {  	s3 =	sadd.s32 $0x88, s3;
	s6 =	simm.s32 @!p1 $0x1082;
	[sflag:s4] =	ssyncset.s32 $0xFFFFF086  }
0x25: {  	[simem:s6], [sflag:s4] =	dma.local [hbm:s3], $0xF7A  }
0x26: {  	[smem:$0x3F97] =	sst s1;
	(tag) =	ssettag s2;
	_ =	strace s9  }
0x27: {  	s1 =	sld [smem:$0x3FA7]  }
0x28: {  	s2 =	sld [smem:$0x3FA8]  }
0x29: {  	s4 =	sld [smem:$0x3FAA]  }
0x2a: {  	p0 =	seq.s32 s5, $0x0;
	s5 =	sld [smem:$0x3FAB]  }
0x2b: {  	s6 =	sld [smem:$0x3FAC]  }
0x2c: {  	s7 =	sld [smem:$0x3FAD]  }
0x2d: {  	s3 =	simm.s32 $0x108;
	s8 =	sld [smem:$0x3FAE]  }
0x2e: {  	s3 =	simm.s32 @!p0 $0x1082;
	s9 =	sld [smem:$0x3FAF]  }
0x2f: {  	lr =	sadd.s32 s0, s3;
	s0 =	sld [smem:$0x3FA6]  }
0x30: {  	s3 =	sld [smem:$0x3FA9]  }
0x31: {  	[smem:$0x3FB2] =	sst s10  }
0x32: {  	s10 =	sld [smem:$0x3FB0];
	_ =	sdelay $0x3  }
0x33: {  	p0 =	seq.s32 s10, $0x1;
	s10 =	sld [smem:$0x3FB2];
	_ =	sdelay $0x3  }
0x34: {  	[smem:$0x3FB2] =	sst s10  }
0x35: {  	s10 =	sld [smem:$0x3FB1];
	_ =	sdelay $0x3  }
0x36: {  	p1 =	seq.s32 s10, $0x1;
	s10 =	sld [smem:$0x3FB2];
	_ =	sdelay $0x3  }
0x37: {  	[smem:$0x3FB2] =	sst s10  }
0x38: {  	s10 =	sld [smem:$0x3FB3]  }
0x39: {  	_ = 	snop;
	(pc) =	sbr.ind lr, $3  }
0x3a: {  	_ = 	snop  }
0x3b: {  	_ = 	snop  }
0x3c: {  	p2 =	seq.s32 s10, $0x1;
	s10 =	sld [smem:$0x3FB2]  }
0x3d: {  	_ =	shalt  }
0x3e: {  	_ =	shalt  }
0x3f: {  	_ =	shalt  }
0x40: {  	_ =	shalt  }
0x41: {  	_ =	shalt  }
0x42: {  	_ =	shalt  }
0x43: {  	_ =	shalt  }
0x44: {  	_ =	shalt  }
0x45: {  	_ =	shalt  }
0x46: {  	_ =	shalt  }
0x47: {  	_ =	shalt  }
0x48: {  	_ =	shalt  }
0x49: {  	_ =	shalt  }
0x4a: {  	_ =	shalt  }
0x4b: {  	_ =	shalt  }
0x4c: {  	_ =	shalt  }
0x4d: {  	_ =	shalt  }
0x4e: {  	_ =	shalt  }
0x4f: {  	_ =	shalt  }
0x50: {  	_ =	shalt  }
0x51: {  	_ =	shalt  }
0x52: {  	_ =	shalt  }
0x53: {  	_ =	shalt  }
0x54: {  	_ =	shalt  }
0x55: {  	_ =	shalt  }
0x56: {  	_ =	shalt  }
0x57: {  	_ =	shalt  }
0x58: {  	_ =	shalt  }
0x59: {  	_ =	shalt  }
0x5a: {  	_ =	shalt  }
0x5b: {  	_ =	shalt  }
0x5c: {  	_ =	shalt  }
0x5d: {  	_ =	shalt  }
0x5e: {  	_ =	shalt  }
0x5f: {  	_ =	shalt  }
0x60: {  	_ =	shalt  }
0x61: {  	_ =	shalt  }
0x62: {  	_ =	shalt  }
0x63: {  	_ =	shalt  }
0x64: {  	_ =	shalt  }
0x65: {  	_ =	shalt  }
0x66: {  	_ =	shalt  }
0x67: {  	_ =	shalt  }
0x68: {  	_ =	shalt  }
0x69: {  	_ =	shalt  }
0x6a: {  	_ =	shalt  }
0x6b: {  	_ =	shalt  }
0x6c: {  	_ =	shalt  }
0x6d: {  	_ =	shalt  }
0x6e: {  	_ =	shalt  }
0x6f: {  	_ =	shalt  }
0x70: {  	_ =	shalt  }
0x71: {  	_ =	shalt  }
0x72: {  	_ =	shalt  }
0x73: {  	_ =	shalt  }
0x74: {  	_ =	shalt  }
0x75: {  	_ =	shalt  }
0x76: {  	_ =	shalt  }
0x77: {  	_ =	shalt  }
0x78: {  	_ =	shalt  }
0x79: {  	_ =	shalt  }
0x7a: {  	_ =	shalt  }
0x7b: {  	_ =	shalt  }
0x7c: {  	_ =	shalt  }
0x7d: {  	_ =	shalt  }
0x7e: {  	_ =	shalt  }
0x7f: {  	_ =	shalt  }
0x80: {  	_ =	shalt  }
0x81: {  	_ =	shalt  }
0x82: {  	_ =	shalt  }
0x83: {  	_ =	shalt  }
0x84: {  	_ =	shalt  }
0x85: {  	_ =	shalt  }
0x86: {  	_ =	shalt  }
0x87: {  	_ =	shalt  }
.Lfunc_end0:
.L_simem_size_0:
called_computation.1_lowered:
.L_overlay_start_0:
0x88: {  	s2 =	sld [smem:$0x3FD9]  }
0x89: {  	s3 =	sld [smem:$0x3FFE];
	_ =	sdelay $0x1  }
0x8a: {  	s1 =	srdreg.scid  }
0x8b: {  	s0 =	sand.u32 $0x1, s1  }
0x8c: {  	s17 =	sshll.u32 s0, $0xA;
	s2 =	sadd.s32 s3, s2  }
0x8d: {  	s2 =	sadd.s32 s2, s17  }
0x8e: {  	[smem:$0x3FBE] =	sst s2  }
0x8f: {  	_ = 	snop  }
0x90: {  	s2 =	sld [smem:$0x3FC0];
	(tm) =	ssettm $0x1  }
0x91: {  	s18 =	sld [smem:$0x3FFB];
	_ =	sdelay $0x3  }
0x92: {  	_ =	strace s18  }
0x93: {  	s3 =	sld [smem:$0x3FFC];
	_ =	sdelay $0x3  }
0x94: {  	_ =	strace s3  }
0x95: {  	s3 =	sld [smem:$0x3FFD];
	_ =	sdelay $0x3  }
0x96: {  	_ =	strace s3  }
0x97: {  	_ =	strace $0x8FFFFFFF  }
0x98: {  	s19 =	sld [smem:$0x3FDB];
	_ =	sdelay $0x1  }
0x99: {  	s4 =	simm.s32 $_scs_section_size  }
0x9a: {  	s5 =	simm.s32 $_size__tile_overlayer_lowered;
	s6 =	simm.s32 $_tile_overlayer_lowered  }
0x9b: {  	s22 =	simm.s32 $0x1BFF;
	s21 =	sshll.u32 s6, $0x1;
	s3 =	sadd.s32 s4, s19  }
0x9c: {  	s7 =	simm.s32 $0x0;
	s20 =	sshll.u32 s5, $0x1;
	s5 =	sadd.s32 s21, s3  }
0x9d: {  	[timem:s7], [sflag:s22] =	dma.local [hbm:s5], s20  }
0x9e: {  	_ =	swait.ge [sflag:s22], s20  }
0x9f: {  	s4 =	ssub.s32 $0x0, s20;
	[sflag:s22] =	ssyncset.done $0x0  }
0xa0: {  	[sflag:s22] =	ssyncadd.s32 s4;
	_ =	sdelay $0x1  }
0xa1: {  	s23 =	simm.s32 $0x1B8B  }
0xa2: {  	_ =	swait.ge [sflag:s23], $0x1  }
0xa3: {  	[sflag:s23] =	ssyncset.done $0x0  }
0xa4: {  	s25 =	simm.s32 $0x1B8E;
	s24 =	sld [smem:$0x3FFE];
	[sflag:s23] =	ssyncadd.s32 $0xFFFFFFFF  }
0xa5: {  	s26 =	simm.s32 $execute0_lowered;
	[smem:$0x3FD2] =	sst s25  }
0xa6: {  	s5 =	sshll.u32 s26, $0x1;
	_ =	strace $0x80000049;
	[dreg:$0x1] =	wrdreg $0xFFFFFFFF  }
0xa7: {  	s28 =	simm.s32 $_size_execute0_lowered;
	s3 =	sadd.s32 s3, s5;
	[dreg:$0x0] =	wrdreg $0x0  }
0xa8: {  	s5 =	sshll.u32 s28, $0x1;
	[dreg:$0x2] =	wrdreg s3  }
0xa9: {  	[dreg:$0x3] =	wrdreg s5  }
0xaa: {  	[dreg:$0x4] =	wrdreg $0xC0  }
0xab: {  	_ =	task [dreg:s7], $0x5FFFF  }
0xac: {  	[dreg:$0x1] =	wrdreg $0xFFFFFFFF  }
0xad: {  	[dreg:$0x0] =	wrdreg $0x60  }
0xae: {  	[dreg:$0x2] =	wrdreg s24  }
0xaf: {  	[dreg:$0x3] =	wrdreg s2  }
0xb0: {  	[dreg:$0x4] =	wrdreg $0x7B000  }
0xb1: {  	[dreg:$0x5] =	wrdreg $0x9  }
0xb2: {  	_ =	task.clear_ibuf [dreg:s7], $0x6FFFF;
	_ =	strace $0x90000049  }
0xb3: {  	s29 =	simm.s32 $0x9;
	_ =	strace $0x8000004B  }
0xb4: {  	_ =	swait.ge [sflag:s29], $0x1  }
0xb5: {  	[sflag:s29] =	ssyncadd.s32 $0xFFFFFFFF  }
0xb6: {  	_ =	strace $0x9000004B  }
0xb7: {  	_ =	sfence  }
0xb8: {  	s30 =	sld [smem:$0x0];
	_ =	sdelay $0x2  }
0xb9: {  	s31 =	sshll.u32 s1, $0xD;
	s1 =	sshrl.u32 s1, $0x2  }
0xba: {  	s3 =	sand.u32 $0x4000, s31;
	s1 =	sadd.s32 s1, s30  }
0xbb: {  	s0 =	sor.u32 s3, s0;
	s1 =	sshll.u32 s1, $0x11  }
0xbc: {  	s0 =	sor.u32 s1, s0  }
0xbd: {  	s0 =	sadd.s32 $0x8F2B, s0  }
0xbe: {  	[sflag:s0] =	ssyncadd.remote.s32 $0x1  }
0xbf: {  	_ =	sfence.sel $0xFFFF  }
0xc0: {  	[dreg:$0x0] =	wrdreg $0xFFFFFFFF;
	(pc) =	sbr.abs _section_cstart, $3  }
0xc1: {  	[dreg:$0x1] =	wrdreg $0xFFFFFFFF  }
0xc2: {  	_ =	task.clear_ibuf [dreg:s7], $0x2FFFF;
	_ =	strace $0x9FFFFFFF  }
0xc3: {  	(tm) =	ssettm $0x7FFFFFFF  }
tec
execute0_lowered:
.L_overlay_start_1:
0x0: {  	(tag) =	ssettag $0x1  }
0x1: {  	s0 =	rddreg [dreg:$0x0]  }
0x2: {  	s9 =	rddreg [dreg:$0x1]  }
0x3: {  	s12 =	rddreg [dreg:$0x2];
	s1 =	simm.s32 $0x0;
	s19 =	srdreg.scid  }
0x4: {  	s2 =	stileid.u32;
	s29 =	simm.s32 $0x1400;
	s30 =	simm.s32 $0x7880  }
0x5: {  	s31 =	simm.s32 $0x7980;
	s14 =	simm.s32 $0x8;
	s17 =	simm.s32 $0xA  }
0x6: {  	s28 =	simm.s32 $0x4;
	[smem:$0x7FF] =	sst s1;
	s4 =	sadd.s32 $0x56E400, s0  }
0x7: {  	s15 =	simm.s32 $0x0;
	s5 =	sadd.s32 $0xA5AA00, s0;
	s6 =	sadd.s32 $0xA50C00, s0  }
0x8: {  	s1 =	sand.u32 $0x1, s19;
	s3 =	sshll.u32 s2, $0x1;
	s7 =	sadd.s32 $0xD200, s0  }
0x9: {  	s10 =	sadd.s32 $0x4F9000, s0;
	p0 =	sne.s32 s2, $0x0;
	s16 =	smov.u32 s12  }
0xa: {  	_ =	strace $0x8000004A;
	s8 =	smul.u32 $0x27100, s1;
	s3 =	sor.u32 s1, s3  }
0xb: {  	[dreg:$0x4] =	wrdreg s10;
	s1 =	ssub.s32 $0x2, s1;
	s13 =	smul.u32 $0x2710, s3  }
0xc: {  	s10 =	sadd.s32 $0x17000, s0;
	s11 =	sshrl.u32 s1, $0x1;
	s3 =	smul.u32 $0x27100, s3  }
0xd: {  	s0 =	sadd.s32 s8, s0;
	s1 =	ssub.s32 s1, s11;
	s8 =	simm.s32 $0x1  }
0xe: {  	s11 =	simm.s32 $0x3;
	s3 =	sadd.s32 s4, s3;
	[dreg:$0x5] =	wrdreg s13  }
0xf: {  	s20 =	sshrl.u32 s13, $0x3;
	s24 =	sadd.s32 $0x28, s13;
	[dreg:$0x6] =	wrdreg s3  }
0x10: {  	s25 =	sadd.s32 $0x50, s13;
	s0 =	sadd.s32 $0x520200, s0;
	[dreg:$0xa] =	wrdreg s24  }
0x11: {  	s26 =	smax.u32 s1, $0x1;
	s13 =	simm.s32 $0xB;
	[dreg:$0xb] =	wrdreg s25  }
0x12: {  	s21 =	sadd.s32 s9, s20;
	s22 =	sadd.s32 s6, s20;
	[dreg:$0xc] =	wrdreg s0  }
0x13: {  	s23 =	sadd.s32 s7, s20;
	[dreg:$0xd] =	wrdreg s26;
	s3 =	sshrl.u32 @!p0 s12, $0x3  }
0x14: {  	s24 =	simm.s32 $0x9;
	s25 =	simm.s32 $0x28;
	[dreg:$0x7] =	wrdreg s21  }
0x15: {  	s0 =	simm.s32 $0x7A80;
	s12 =	simm.s32 $0x5;
	[dreg:$0x8] =	wrdreg s22  }
0x16: {  	s26 =	simm.s32 $0x2;
	s20 =	simm.s32 $0x6;
	[dreg:$0x9] =	wrdreg s23  }
0x17: {  	s23 =	simm.s32 $0x7;
	s21 =	simm.s32 $0xC;
	[dreg:$0xe] =	wrdreg s3  }
.LBB2_1:
0x18: {  	[dreg:$0xf] =	wrdreg s15  }
0x19: {  	s1 =	simm.s32 @!p0 $0x1C11;
	s2 =	rddreg [dreg:$0x4]  }
0x1a: {  	[spmem:s3], [sflag:s1] =	dma.local @!p0 [hbm:s2], $0x27100  }
0x1b: {  	s1 =	simm.s32 @!p0 $0x11  }
0x1c: {  	_ =	swait.ge @!p0 [sflag:s1], $0x27100  }
0x1d: {  	[sflag:s1] =	ssyncset.done @!p0 $0x0  }
0x1e: {  	[sflag:s1] =	ssyncadd.s32 @!p0 $0xFFFD8F00  }
0x1f: {  	[bflag:$0x0] =	sbarrier.arrive $0xFFFF  }
0x20: {  	s1 =	simm.s32 $0x0;
	s18 =	rddreg [dreg:$0x6]  }
0x21: {  	[tilespmem:s1], [sflag:$0x1] =	stream.linear.gather [hbm4b:s18+s1], $0x1400, $0x38;
	[tilespmem:$0x1B380] =	vst v63  }
0x22: {  	s22 =	simm.s32 $0x7800;
	s19 =	rddreg [dreg:$0x7]  }
0x23: {  	[tilespmem:s22], [sflag:$0x7] =	stream.linear.gather [hbm4b:s19+s1], $0x28, $0x38;
	[tilespmem:$0x1B380] =	vst v63  }
0x24: {  	s15 =	rddreg [dreg:$0x8];
	s18 =	simm.s32 $0x7900  }
0x25: {  	[tilespmem:s18], [sflag:$0x9] =	stream.linear.gather [hbm4b:s15+s1], $0x28, $0x38;
	[tilespmem:$0x1B380] =	vst v63  }
0x26: {  	s19 =	rddreg [dreg:$0x9];
	s22 =	simm.s32 $0x7A00  }
0x27: {  	[tilespmem:s22], [sflag:$0xB] =	stream.linear.gather [hbm4b:s19+s1], $0x28, $0x38;
	[tilespmem:$0x1B380] =	vst v63  }
0x28: {  	s22 =	simm.s32 $0x0  }
.LBB2_2:
0x29: {  	_ =	swait.ge [sflag:s23], $0x28  }
0x2a: {  	[sflag:s23] =	ssyncset.done $0x0  }
0x2b: {  	[sflag:s23] =	ssyncadd.s32 $0xFFFFFFD8  }
0x2c: {  	_ =	swait.ge [sflag:s24], $0x28  }
0x2d: {  	s1 =	simm.s32 $0x7800;
	[sflag:s24] =	ssyncset.done $0x0  }
0x2e: {  	s2 =	simm.s32 $0x2800;
	p1 =	seq.s32 s22, $0x0;
	[sflag:s24] =	ssyncadd.s32 $0xFFFFFFD8  }
0x2f: {  	[tilespmem:s2], [sflag:$0x3] =	stream.indirect.gather [hbm4b:s5+s25], $0x80, s1, s25, $0xb8;
	[tilespmem:$0x1B380] =	vst v63  }
0x30: {  	s18 =	simm.s32 $0x7900;
	s19 =	simm.s32 $0x5000;
	s1 =	simm.s32 @!p1 $0xE  }
0x31: {  	[tilespmem:s19], [sflag:$0x5] =	stream.indirect.gather [hbm4b:s5+s25], $0x80, s18, s25, $0xb8;
	[tilespmem:$0x1B380] =	vst v63  }
0x32: {  	_ =	swait.ge @!p1 [sflag:s1], $0x1400  }
0x33: {  	[sflag:s1] =	ssyncset.done @!p1 $0x0  }
0x34: {  	[sflag:s1] =	ssyncadd.s32 @!p1 $0xFFFFEC00;
	s1 =	simm.s32 @!p1 $0x10  }
0x35: {  	s19 =	smul.u32 $0x50, s22;
	_ =	swait.ge @!p1 [sflag:s1], $0x1400  }
0x36: {  	s3 =	rddreg [dreg:$0xa]  }
0x37: {  	[sflag:s1] =	ssyncset.done @!p1 $0x0;
	s2 =	sadd.s32 s19, s3  }
0x38: {  	[sflag:s1] =	ssyncadd.s32 @!p1 $0xFFFFEC00;
	s18 =	sshll.u32 s2, $0x4  }
0x39: {  	s3 =	simm.s32 $0x0;
	s1 =	sshrl.u32 s2, $0x3;
	s15 =	sadd.s32 s4, s18  }
0x3a: {  	[tilespmem:s29], [sflag:$0x2] =	stream.linear.gather [hbm4b:s15+s3], $0x1400, $0x38;
	[tilespmem:$0x1B380] =	vst v63  }
0x3b: {  	s2 =	sadd.s32 s9, s1  }
0x3c: {  	[tilespmem:s30], [sflag:$0x8] =	stream.linear.gather [hbm4b:s2+s3], $0x28, $0x38;
	[tilespmem:$0x1B380] =	vst v63  }
0x3d: {  	s15 =	smov.u32 s9;
	s9 =	sadd.s32 s6, s1  }
0x3e: {  	[tilespmem:s31], [sflag:$0xA] =	stream.linear.gather [hbm4b:s9+s3], $0x28, $0x38;
	[tilespmem:$0x1B380] =	vst v63  }
0x3f: {  	s1 =	sadd.s32 s7, s1  }
0x40: {  	[tilespmem:s0], [sflag:$0xC] =	stream.linear.gather [hbm4b:s1+s3], $0x28, $0x38;
	[tilespmem:$0x1B380] =	vst v63  }
0x41: {  	_ =	swait.ge [sflag:s8], $0x1400  }
0x42: {  	[sflag:s8] =	ssyncset.done $0x0  }
0x43: {  	[sflag:s8] =	ssyncadd.s32 $0xFFFFEC00  }
0x44: {  	_ =	swait.ge [sflag:s11], $0x1400  }
0x45: {  	[sflag:s11] =	ssyncset.done $0x0  }
0x46: {  	[sflag:s11] =	ssyncadd.s32 $0xFFFFEC00  }
0x47: {  	_ =	swait.ge [sflag:s12], $0x1400  }
0x48: {  	[sflag:s12] =	ssyncset.done $0x0  }
0x49: {  	s3 =	simm.s32 $0x0;
	[sflag:s12] =	ssyncadd.s32 $0xFFFFEC00  }
0x4a: {  	v4 =	vld [tilespmem:s3+$0x2800]  }
0x4b: {  	v5 =	vld [tilespmem:s3+$0x2810]  }
0x4c: {  	v3 =	vld [tilespmem:s3+$0x2820]  }
0x4d: {  	v2 =	vld [tilespmem:s3+$0x2830]  }
0x4e: {  	v1 =	vld [tilespmem:s3+$0x2840]  }
0x4f: {  	v0 =	vld [tilespmem:s3+$0x2850]  }
0x50: {  	v12 =	vld [tilespmem:s3+$0x5000]  }
0x51: {  	v17 =	vld [tilespmem:s3+$0x5010]  }
0x52: {  	v11 =	vld [tilespmem:s3+$0x5020]  }
0x53: {  	v10 =	vld [tilespmem:s3+$0x5030]  }
0x54: {  	v9 =	vld [tilespmem:s3+$0x5040]  }
0x55: {  	v8 =	vld [tilespmem:s3+$0x5050]  }
0x56: {  	v7 =	vld [tilespmem:s3+$0x5060]  }
0x57: {  	v6 =	vld [tilespmem:s3+$0x5070]  }
0x58: {  	v18 =	vld [tilespmem:s3+$0x0]  }
0x59: {  	v19 =	vld [tilespmem:s3+$0x10]  }
0x5a: {  	v16 =	vld [tilespmem:s3+$0x20]  }
0x5b: {  	v15 =	vld [tilespmem:s3+$0x30]  }
0x5c: {  	v14 =	vld [tilespmem:s3+$0x40]  }
0x5d: {  	s9 =	rddreg [dreg:$0x5];
	v13 =	vld [tilespmem:s3+$0x50];
	v18 =	vadd.f32 v12, v18  }
0x5e: {  	s2 =	simm.s32 $0x200;
	s1 =	sadd.s32 s9, s19;
	v17 =	vadd.f32 v17, v19;
	v12 =	vld [tilespmem:s3+$0x60]  }
.LBB2_3:
0x5f: {  	p1 =	sne.s32 s2, $0x4E00;
	v4 =	vsub.f32 v18, v4;
	v11 =	vadd.f32 v11, v16;
	v16 =	vld [tilespmem:s3+$0x70]  }
0x60: {  	v5 =	vsub.f32 v17, v5;
	v10 =	vadd.f32 v10, v15;
	v15 =	vld [tilespmem:s3+$0x2860]  }
0x61: {  	s9 =	sshra.s32 s2, $0x2;
	v17 =	vmax.f32 v4, $0.0e+00;
	v3 =	vsub.f32 v11, v3;
	v9 =	vadd.f32 v9, v14;
	v11 =	vld [tilespmem:s3+$0x2870]  }
0x62: {  	v4 =	vld [tilespmem:s9+$0x2800];
	[tilespmem:s3+$0x0] =	vst v17;
	v14 =	vmax.f32 v5, $0.0e+00;
	v2 =	vsub.f32 v10, v2;
	v8 =	vadd.f32 v8, v13  }
0x63: {  	v5 =	vld [tilespmem:s9+$0x2810];
	[tilespmem:s3+$0x10] =	vst v14;
	v10 =	vmax.f32 v3, $0.0e+00;
	v1 =	vsub.f32 v9, v1;
	v7 =	vadd.f32 v7, v12  }
0x64: {  	v3 =	vld [tilespmem:s9+$0x2820];
	[tilespmem:s3+$0x20] =	vst v10;
	v9 =	vmax.f32 v2, $0.0e+00;
	v0 =	vsub.f32 v8, v0;
	v6 =	vadd.f32 v6, v16  }
0x65: {  	v2 =	vld [tilespmem:s9+$0x2830];
	[tilespmem:s3+$0x30] =	vst v9;
	v8 =	vmax.f32 v1, $0.0e+00;
	v7 =	vsub.f32 v7, v15  }
0x66: {  	v1 =	vld [tilespmem:s9+$0x2840];
	[tilespmem:s3+$0x40] =	vst v8;
	v8 =	vmax.f32 v0, $0.0e+00;
	v6 =	vsub.f32 v6, v11  }
0x67: {  	v0 =	vld [tilespmem:s9+$0x2850];
	[tilespmem:s3+$0x50] =	vst v8;
	v7 =	vmax.f32 v7, $0.0e+00  }
0x68: {  	v12 =	vld [tilespmem:s9+$0x5000];
	[tilespmem:s3+$0x60] =	vst v7;
	v6 =	vmax.f32 v6, $0.0e+00  }
0x69: {  	v17 =	vld [tilespmem:s9+$0x5010];
	[tilespmem:s3+$0x70] =	vst v6;
	s3 =	smov.u32 s9  }
0x6a: {  	v11 =	vld [tilespmem:s3+$0x5020]  }
0x6b: {  	v10 =	vld [tilespmem:s3+$0x5030]  }
0x6c: {  	v9 =	vld [tilespmem:s3+$0x5040]  }
0x6d: {  	v8 =	vld [tilespmem:s3+$0x5050]  }
0x6e: {  	v7 =	vld [tilespmem:s3+$0x5060]  }
0x6f: {  	v6 =	vld [tilespmem:s3+$0x5070]  }
0x70: {  	v13 =	vld [tilespmem:s3+$0x0]  }
0x71: {  	v19 =	vld [tilespmem:s3+$0x10]  }
.Ltmp0:
0x72: {  	v16 =	vld [tilespmem:s3+$0x20];
	(pc) =	sbr.rel @p1 .LBB2_3-.Ltmp0, $4  }
0x73: {  	v15 =	vld [tilespmem:s3+$0x30]  }
0x74: {  	v14 =	vld [tilespmem:s3+$0x40]  }
0x75: {  	v18 =	vadd.f32 v12, v13;
	v13 =	vld [tilespmem:s3+$0x50]  }
0x76: {  	s2 =	sadd.s32 $0x200, s2;
	v17 =	vadd.f32 v17, v19;
	v12 =	vld [tilespmem:s3+$0x60]  }
0x77: {  	v4 =	vsub.f32 v18, v4;
	v11 =	vadd.f32 v11, v16;
	v16 =	vld [tilespmem:s3+$0x70]  }
0x78: {  	v5 =	vsub.f32 v17, v5;
	v10 =	vadd.f32 v10, v15;
	v15 =	vld [tilespmem:s3+$0x2860]  }
0x79: {  	v4 =	vmax.f32 v4, $0.0e+00;
	v3 =	vsub.f32 v11, v3;
	v9 =	vadd.f32 v9, v14;
	v11 =	vld [tilespmem:s3+$0x2870]  }
0x7a: {  	[tilespmem:s3+$0x0] =	vst v4;
	v4 =	vmax.f32 v5, $0.0e+00;
	v2 =	vsub.f32 v10, v2;
	v5 =	vadd.f32 v8, v13  }
0x7b: {  	[tilespmem:s3+$0x10] =	vst v4;
	v3 =	vmax.f32 v3, $0.0e+00;
	v1 =	vsub.f32 v9, v1;
	v4 =	vadd.f32 v7, v12  }
0x7c: {  	[tilespmem:s3+$0x20] =	vst v3;
	v2 =	vmax.f32 v2, $0.0e+00;
	v0 =	vsub.f32 v5, v0;
	v3 =	vadd.f32 v6, v16  }
0x7d: {  	[tilespmem:s3+$0x30] =	vst v2;
	v1 =	vmax.f32 v1, $0.0e+00;
	v2 =	vsub.f32 v4, v15  }
0x7e: {  	[tilespmem:s3+$0x40] =	vst v1;
	v0 =	vmax.f32 v0, $0.0e+00;
	v1 =	vsub.f32 v3, v11  }
0x7f: {  	[tilespmem:s3+$0x50] =	vst v0;
	v0 =	vmax.f32 v2, $0.0e+00  }
0x80: {  	[tilespmem:s3+$0x60] =	vst v0;
	v0 =	vmax.f32 v1, $0.0e+00  }
0x81: {  	[tilespmem:s3+$0x70] =	vst v0  }
0x82: {  	_ =	swait.ge [sflag:s13], $0x28  }
0x83: {  	s1 =	sshll.u32 s1, $0x4;
	[sflag:s13] =	ssyncset.done $0x0  }
0x84: {  	s2 =	simm.s32 $0x0;
	s1 =	sadd.s32 s10, s1;
	[sflag:s13] =	ssyncadd.s32 $0xFFFFFFD8  }
0x85: {  	[hbm4b:s1+s2] =	stream.linear.scatter [tilespmem:s2], [sflag:$0xD], $0x1400, $0x38;
	[tilespmem:$0x1B380] =	vst v63  }
0x86: {  	s9 =	simm.s32 $0x7A00  }
0x87: {  	[spmem:s16] =	stream.indirect.scatter.add.f32 [tilespmem:s2], [sflag:$0xF], $0x80, s9, s25, $0xb8;
	[tilespmem:$0x1B380] =	vst v63  }
0x88: {  	_ =	swait.ge [sflag:s14], $0x28  }
0x89: {  	[sflag:s14] =	ssyncset.done $0x0  }
0x8a: {  	[sflag:s14] =	ssyncadd.s32 $0xFFFFFFD8  }
0x8b: {  	_ =	swait.ge [sflag:s17], $0x28  }
0x8c: {  	[sflag:s17] =	ssyncset.done $0x0  }
0x8d: {  	s3 =	simm.s32 $0x3C00;
	[sflag:s17] =	ssyncadd.s32 $0xFFFFFFD8  }
0x8e: {  	[tilespmem:s3], [sflag:$0x4] =	stream.indirect.gather [hbm4b:s5+s25], $0x80, s30, s25, $0xb8;
	[tilespmem:$0x1B380] =	vst v63  }
0x8f: {  	s9 =	simm.s32 $0x6400  }
0x90: {  	[tilespmem:s9], [sflag:$0x6] =	stream.indirect.gather [hbm4b:s5+s25], $0x80, s31, s25, $0xb8;
	[tilespmem:$0x1B380] =	vst v63  }
0x91: {  	_ =	swait.ge [sflag:s26], $0x1400  }
0x92: {  	[sflag:s26] =	ssyncset.done $0x0  }
0x93: {  	[sflag:s26] =	ssyncadd.s32 $0xFFFFEC00  }
0x94: {  	_ =	swait.ge [sflag:s28], $0x1400  }
0x95: {  	[sflag:s28] =	ssyncset.done $0x0  }
0x96: {  	[sflag:s28] =	ssyncadd.s32 $0xFFFFEC00  }
0x97: {  	_ =	swait.ge [sflag:s20], $0x1400  }
0x98: {  	[sflag:s20] =	ssyncset.done $0x0  }
0x99: {  	s3 =	simm.s32 $0x0;
	[sflag:s20] =	ssyncadd.s32 $0xFFFFEC00  }
0x9a: {  	v4 =	vld [tilespmem:s3+$0x3C00]  }
0x9b: {  	v5 =	vld [tilespmem:s3+$0x3C10]  }
0x9c: {  	v3 =	vld [tilespmem:s3+$0x3C20]  }
0x9d: {  	v2 =	vld [tilespmem:s3+$0x3C30]  }
0x9e: {  	v1 =	vld [tilespmem:s3+$0x3C40]  }
0x9f: {  	v0 =	vld [tilespmem:s3+$0x3C50]  }
0xa0: {  	v12 =	vld [tilespmem:s3+$0x6400]  }
0xa1: {  	v17 =	vld [tilespmem:s3+$0x6410]  }
0xa2: {  	v11 =	vld [tilespmem:s3+$0x6420]  }
0xa3: {  	v10 =	vld [tilespmem:s3+$0x6430]  }
0xa4: {  	v9 =	vld [tilespmem:s3+$0x6440]  }
0xa5: {  	v8 =	vld [tilespmem:s3+$0x6450]  }
0xa6: {  	v7 =	vld [tilespmem:s3+$0x6460]  }
0xa7: {  	v6 =	vld [tilespmem:s3+$0x6470]  }
0xa8: {  	v18 =	vld [tilespmem:s3+$0x1400]  }
0xa9: {  	v19 =	vld [tilespmem:s3+$0x1410]  }
0xaa: {  	v16 =	vld [tilespmem:s3+$0x1420]  }
0xab: {  	v15 =	vld [tilespmem:s3+$0x1430]  }
0xac: {  	v14 =	vld [tilespmem:s3+$0x1440]  }
0xad: {  	v13 =	vld [tilespmem:s3+$0x1450];
	v18 =	vadd.f32 v12, v18  }
0xae: {  	s1 =	simm.s32 $0x200;
	v17 =	vadd.f32 v17, v19;
	v12 =	vld [tilespmem:s3+$0x1460]  }
.LBB2_5:
0xaf: {  	p1 =	sne.s32 s1, $0x4E00;
	v4 =	vsub.f32 v18, v4;
	v11 =	vadd.f32 v11, v16;
	v16 =	vld [tilespmem:s3+$0x1470]  }
0xb0: {  	v5 =	vsub.f32 v17, v5;
	v10 =	vadd.f32 v10, v15;
	v15 =	vld [tilespmem:s3+$0x3C60]  }
0xb1: {  	s2 =	sshra.s32 s1, $0x2;
	v17 =	vmax.f32 v4, $0.0e+00;
	v3 =	vsub.f32 v11, v3;
	v9 =	vadd.f32 v9, v14;
	v11 =	vld [tilespmem:s3+$0x3C70]  }
0xb2: {  	v4 =	vld [tilespmem:s2+$0x3C00];
	[tilespmem:s3+$0x1400] =	vst v17;
	v14 =	vmax.f32 v5, $0.0e+00;
	v2 =	vsub.f32 v10, v2;
	v8 =	vadd.f32 v8, v13  }
0xb3: {  	v5 =	vld [tilespmem:s2+$0x3C10];
	[tilespmem:s3+$0x1410] =	vst v14;
	v10 =	vmax.f32 v3, $0.0e+00;
	v1 =	vsub.f32 v9, v1;
	v7 =	vadd.f32 v7, v12  }
0xb4: {  	v3 =	vld [tilespmem:s2+$0x3C20];
	[tilespmem:s3+$0x1420] =	vst v10;
	v9 =	vmax.f32 v2, $0.0e+00;
	v0 =	vsub.f32 v8, v0;
	v6 =	vadd.f32 v6, v16  }
0xb5: {  	v2 =	vld [tilespmem:s2+$0x3C30];
	[tilespmem:s3+$0x1430] =	vst v9;
	v8 =	vmax.f32 v1, $0.0e+00;
	v7 =	vsub.f32 v7, v15  }
0xb6: {  	v1 =	vld [tilespmem:s2+$0x3C40];
	[tilespmem:s3+$0x1440] =	vst v8;
	v8 =	vmax.f32 v0, $0.0e+00;
	v6 =	vsub.f32 v6, v11  }
0xb7: {  	v0 =	vld [tilespmem:s2+$0x3C50];
	[tilespmem:s3+$0x1450] =	vst v8;
	v7 =	vmax.f32 v7, $0.0e+00  }
0xb8: {  	v12 =	vld [tilespmem:s2+$0x6400];
	[tilespmem:s3+$0x1460] =	vst v7;
	v6 =	vmax.f32 v6, $0.0e+00  }
0xb9: {  	v17 =	vld [tilespmem:s2+$0x6410];
	[tilespmem:s3+$0x1470] =	vst v6;
	s3 =	smov.u32 s2  }
0xba: {  	v11 =	vld [tilespmem:s3+$0x6420]  }
0xbb: {  	v10 =	vld [tilespmem:s3+$0x6430]  }
0xbc: {  	v9 =	vld [tilespmem:s3+$0x6440]  }
0xbd: {  	v8 =	vld [tilespmem:s3+$0x6450]  }
0xbe: {  	v7 =	vld [tilespmem:s3+$0x6460]  }
0xbf: {  	v6 =	vld [tilespmem:s3+$0x6470]  }
0xc0: {  	v13 =	vld [tilespmem:s3+$0x1400]  }
0xc1: {  	v19 =	vld [tilespmem:s3+$0x1410]  }
.Ltmp1:
0xc2: {  	v16 =	vld [tilespmem:s3+$0x1420];
	(pc) =	sbr.rel @p1 .LBB2_5-.Ltmp1, $4  }
0xc3: {  	v15 =	vld [tilespmem:s3+$0x1430]  }
0xc4: {  	v14 =	vld [tilespmem:s3+$0x1440]  }
0xc5: {  	v18 =	vadd.f32 v12, v13;
	v13 =	vld [tilespmem:s3+$0x1450]  }
0xc6: {  	s1 =	sadd.s32 $0x200, s1;
	v17 =	vadd.f32 v17, v19;
	v12 =	vld [tilespmem:s3+$0x1460]  }
0xc7: {  	v4 =	vsub.f32 v18, v4;
	v11 =	vadd.f32 v11, v16;
	v53 =	vld [tilespmem:s3+$0x1470]  }
0xc8: {  	v54 =	vld [tilespmem:s3+$0x3C60];
	v5 =	vsub.f32 v17, v5;
	v10 =	vadd.f32 v10, v15  }
0xc9: {  	v55 =	vld [tilespmem:s3+$0x3C70];
	v4 =	vmax.f32 v4, $0.0e+00;
	v3 =	vsub.f32 v11, v3;
	v9 =	vadd.f32 v9, v14  }
0xca: {  	[tilespmem:s3+$0x1400] =	vst v4;
	v56 =	vmax.f32 v5, $0.0e+00;
	v2 =	vsub.f32 v10, v2;
	v57 =	vadd.f32 v8, v13  }
0xcb: {  	[tilespmem:s3+$0x1410] =	vst v56;
	v3 =	vmax.f32 v3, $0.0e+00;
	v1 =	vsub.f32 v9, v1;
	v58 =	vadd.f32 v7, v12  }
0xcc: {  	[tilespmem:s3+$0x1420] =	vst v3;
	v2 =	vmax.f32 v2, $0.0e+00;
	v0 =	vsub.f32 v57, v0;
	v59 =	vadd.f32 v6, v53  }
0xcd: {  	[tilespmem:s3+$0x1430] =	vst v2;
	v1 =	vmax.f32 v1, $0.0e+00;
	v60 =	vsub.f32 v58, v54  }
0xce: {  	[tilespmem:s3+$0x1440] =	vst v1;
	v0 =	vmax.f32 v0, $0.0e+00;
	v61 =	vsub.f32 v59, v55  }
0xcf: {  	[tilespmem:s3+$0x1450] =	vst v0;
	v62 =	vmax.f32 v60, $0.0e+00  }
0xd0: {  	p1 =	seq.s32 s22, $0x7C;
	[tilespmem:s3+$0x1460] =	vst v62;
	v63 =	vmax.f32 v61, $0.0e+00  }
0xd1: {  	s1 =	simm.s32 @!p1 $0xD;
	[tilespmem:s3+$0x1470] =	vst v63  }
0xd2: {  	_ =	swait.ge @!p1 [sflag:s1], $0x1400  }
0xd3: {  	[sflag:s1] =	ssyncset.done @!p1 $0x0  }
0xd4: {  	[sflag:s1] =	ssyncadd.s32 @!p1 $0xFFFFEC00;
	s1 =	simm.s32 @!p1 $0xF  }
0xd5: {  	_ =	swait.ge @!p1 [sflag:s1], $0x1400  }
0xd6: {  	s2 =	rddreg [dreg:$0xb]  }
0xd7: {  	s2 =	sadd.s32 @!p1 s19, s2  }
0xd8: {  	[sflag:s1] =	ssyncset.done @!p1 $0x0;
	s3 =	sshll.u32 @!p1 s2, $0x4  }
0xd9: {  	[sflag:s1] =	ssyncadd.s32 @!p1 $0xFFFFEC00;
	s1 =	sadd.s32 @!p1 s4, s3;
	s3 =	simm.s32 @!p1 $0x0  }
0xda: {  	[tilespmem:s3], [sflag:$0x1] =	stream.linear.gather @!p1 [hbm4b:s1+s3], $0x1400, $0x38;
	[tilespmem:$0x1B380] =	vst v63  }
0xdb: {  	s1 =	sshrl.u32 @!p1 s2, $0x3  }
0xdc: {  	s9 =	simm.s32 @!p1 $0x7800;
	s2 =	sadd.s32 @!p1 s15, s1  }
0xdd: {  	[tilespmem:s9], [sflag:$0x7] =	stream.linear.gather @!p1 [hbm4b:s2+s3], $0x28, $0x38;
	[tilespmem:$0x1B380] =	vst v63  }
0xde: {  	s2 =	sadd.s32 @!p1 s6, s1;
	s9 =	simm.s32 @!p1 $0x7900  }
0xdf: {  	[tilespmem:s9], [sflag:$0x9] =	stream.linear.gather @!p1 [hbm4b:s2+s3], $0x28, $0x38;
	[tilespmem:$0x1B380] =	vst v63  }
0xe0: {  	s22 =	sadd.s32 $0x1, s22;
	s1 =	sadd.s32 @!p1 s7, s1;
	s2 =	simm.s32 @!p1 $0x7A00  }
0xe1: {  	[tilespmem:s2], [sflag:$0xB] =	stream.linear.gather @!p1 [hbm4b:s1+s3], $0x28, $0x38;
	[tilespmem:$0x1B380] =	vst v63  }
0xe2: {  	p1 =	sne.s32 s22, $0x7D;
	_ =	swait.ge [sflag:s21], $0x28  }
.Ltmp2:
0xe3: {  	[sflag:s21] =	ssyncset.done $0x0;
	(pc) =	sbr.rel @p1 .LBB2_2-.Ltmp2, $4  }
0xe4: {  	s18 =	sadd.s32 s10, s18;
	s19 =	simm.s32 $0x0;
	[sflag:s21] =	ssyncadd.s32 $0xFFFFFFD8  }
0xe5: {  	[hbm4b:s18+s19] =	stream.linear.scatter [tilespmem:s29], [sflag:$0xE], $0x1400, $0x38;
	[tilespmem:$0x1B380] =	vst v63  }
0xe6: {  	s9 =	smov.u32 s15  }
0xe7: {  	[spmem:s16] =	stream.indirect.scatter.add.f32 [tilespmem:s29], [sflag:$0x10], $0x80, s0, s25, $0xb8;
	[tilespmem:$0x1B380] =	vst v63  }
0xe8: {  	s1 =	simm.s32 $0xD  }
0xe9: {  	_ =	swait.ge [sflag:s1], $0x1400  }
0xea: {  	[sflag:s1] =	ssyncset.done $0x0  }
0xeb: {  	s15 =	simm.s32 $0xF;
	[sflag:s1] =	ssyncadd.s32 $0xFFFFEC00  }
0xec: {  	_ =	swait.ge [sflag:s15], $0x1400  }
0xed: {  	[sflag:s15] =	ssyncset.done $0x0  }
0xee: {  	s18 =	simm.s32 $0xE;
	[sflag:s15] =	ssyncadd.s32 $0xFFFFEC00  }
0xef: {  	_ =	swait.ge [sflag:s18], $0x1400  }
0xf0: {  	[sflag:s18] =	ssyncset.done $0x0  }
0xf1: {  	s19 =	simm.s32 $0x10;
	[sflag:s18] =	ssyncadd.s32 $0xFFFFEC00  }
0xf2: {  	_ =	swait.ge [sflag:s19], $0x1400  }
0xf3: {  	[sflag:s19] =	ssyncset.done $0x0  }
0xf4: {  	[sflag:s19] =	ssyncadd.s32 $0xFFFFEC00  }
0xf5: {  	[bflag:$0x0] =	sbarrier.arrive $0xFFFF  }
0xf6: {  	s2 =	rddreg [dreg:$0xc]  }
0xf7: {  	s1 =	simm.s32 @!p0 $0x1C11;
	s3 =	rddreg [dreg:$0xe]  }
0xf8: {  	[hbm:s2], [sflag:s1] =	dma.local @!p0 [spmem:s3], $0x27100  }
0xf9: {  	s1 =	simm.s32 @!p0 $0x11  }
0xfa: {  	_ =	swait.ge @!p0 [sflag:s1], $0x27100  }
0xfb: {  	s15 =	rddreg [dreg:$0xf]  }
0xfc: {  	s22 =	rddreg [dreg:$0xd];
	s15 =	sadd.s32 $0x1, s15  }
0xfd: {  	p1 =	sne.s32 s15, s22  }
.Ltmp3:
0xfe: {  	_ = 	snop;
	(pc) =	sbr.rel @p1 .LBB2_1-.Ltmp3, $3  }
0xff: {  	_ =	sdelay $0x1  }
0x100: {  	[sflag:s1] =	ssyncset.done @!p0 $0x0  }
0x101: {  	[sflag:s1] =	ssyncadd.s32 @!p0 $0xFFFD8F00  }
0x102: {  	_ =	sfence.sel $0x180000  }
0x103: {  	[bflag:$0x0] =	sbarrier.arrive $0xFFFF  }
0x104: {  	_ =	strace $0x9000004A  }
0x105: {  	[bflag:$0x2] =	sbarrier.arrive $0xFFFF  }
0x106: {  	s0 =	rddreg [dreg:$0x3]  }
0x107: {  	s0 =	sadd.s32 @!p0 $0x100000, s0  }
0x108: {  	[sflag:s0] =	ssyncadd.tile.s32 @!p0 $0x1;
	_ =	shalt  }
.Lfunc_end2:
_tile_overlayer_lowered:
.L_overlay_start_2:
0x109: {  	(tag) =	ssettag $0x2  }
0x10a: {  	s0 =	rddreg [dreg:$0x0];
	s2 =	stileid.u32  }
0x10b: {  	s1 =	rddreg [dreg:$0x1];
	p0 =	sne.s32 s2, $0x0  }
0x10c: {  	s3 =	rddreg [dreg:$0x2];
	[bflag:$0x3] =	sbarrier.arrive $0xFFFF;
	s2 =	simm.s32 @!p0 $0x1C11  }
0x10d: {  	[timem:s3], [sflag:s2] =	dma.local @!p0 [hbm:s0], s1  }
0x10e: {  	s0 =	simm.s32 @!p0 $0x11  }
0x10f: {  	_ =	swait.ge @!p0 [sflag:s0], s1  }
0x110: {  	s1 =	ssub.s32 @!p0 $0x0, s1;
	[sflag:s0] =	ssyncset.done @!p0 $0x0  }
0x111: {  	[sflag:s0] =	ssyncadd.s32 @!p0 s1  }
0x112: {  	[bflag:$0x3] =	sbarrier.arrive $0xFFFF  }
0x113: {  	_ =	shalt  }

// kernel: kernel.16.cloned.1.call-start
scs
__scs_entry_jumppad:
0x0: {  	(pc) =	sbr.rel $0x88, $3  }
0x1: {  	(tag) =	ssettag $0x0;
	lr =	simm.s32 $0x1  }
0x2: {  	[smem:$0x3F97] =	sst lr;
	_ =	strace $0xD0000000  }
0x3: {  	_ = 	snop  }
0x4: {  	_ = 	snop  }
0x5: {  	_ = 	snop  }
0x6: {  	_ = 	snop  }
0x7: {  	_ = 	snop  }
__scs_overlays_trampoline_lowered:
0x8: {  	[smem:$0x3FA6] =	sst s0  }
0x9: {  	[smem:$0x3FA7] =	sst s1  }
0xa: {  	[smem:$0x3FA8] =	sst s2  }
0xb: {  	[smem:$0x3FA9] =	sst s3  }
0xc: {  	[smem:$0x3FAA] =	sst s4  }
0xd: {  	[smem:$0x3FAB] =	sst s5  }
0xe: {  	[smem:$0x3FAC] =	sst s6  }
0xf: {  	[smem:$0x3FAD] =	sst s7  }
0x10: {  	[smem:$0x3FAE] =	sst s8  }
0x11: {  	[smem:$0x3FAF] =	sst s9;
	s0 =	simm.s32 @!p0 $0x0  }
0x12: {  	s1 =	sld [smem:$0x3F95];
	s0 =	simm.s32 @p0 $0x1  }
0x13: {  	[smem:$0x3FB0] =	sst s0;
	s0 =	simm.s32 @!p1 $0x0  }
0x14: {  	s2 =	sld [smem:$0x3F94];
	s0 =	simm.s32 @p1 $0x1  }
0x15: {  	[smem:$0x3FB1] =	sst s0;
	s0 =	simm.s32 @!p2 $0x0  }
0x16: {  	s3 =	sld [smem:$0x3FDB];
	s0 =	simm.s32 @p2 $0x1  }
0x17: {  	s4 =	simm.s32 $0x1BF5;
	[smem:$0x3FB3] =	sst s0  }
0x18: {  	s0 =	sld [smem:$0x3F96];
	_ =	swait.ge [sflag:s4], $0x0  }
0x19: {  	s7 =	sld [smem:$0x3F97]  }
0x1a: {  	s8 =	sadd.s32 $0xFFFFE003, lr  }
0x1b: {  	s9 =	sadd.s32 $0xFFFFFEF7, lr;
	s5 =	simm.s32 $0xFFFFFFFF;
	p2 =	slt.u32 s8, $0xFFFFF086  }
0x1c: {  	p1 =	slt.u32 s9, $0xF7A;
	s5 =	simm.s32 @!p2 $0x0  }
0x1d: {  	s5 =	simm.s32 @p1 $0x1;
	p0 =	seq.s32 s7, s2  }
0x1e: {  	s7 =	smul.u32 @!p0 $0xF7A, s2;
	p2 =	seq.s32 @!p0 s5, $0x0  }
0x1f: {  	s9 =	smul.u32 $0xF7A, s1;
	s8 =	simm.s32 @!p0 $0x1BF5;
	p2 =	por !p2, p0  }
0x20: {  	[sflag:s8] =	ssyncset.s32 @!p0 $0xFFFFF086;
	s6 =	sadd.s32 @!p0 s3, s7;
	s7 =	simm.s32 @!p0 $0x108  }
0x21: {  	s3 =	sadd.s32 s3, s9;
	s6 =	sadd.s32 @!p0 $0x88, s6;
	s7 =	simm.s32 @p2 $0x1082  }
0x22: {  	[simem:s7], [sflag:s8] =	dma.local @!p0 [hbm:s6], $0xF7A  }
0x23: {  	s9 =	sor.u32 $0xD0000000, s2;
	s6 =	simm.s32 $0x108;
	_ =	swait.ge @!p0 [sflag:s8], $0x0  }
0x24: {  	s3 =	sadd.s32 $0x88, s3;
	s6 =	simm.s32 @!p1 $0x1082;
	[sflag:s4] =	ssyncset.s32 $0xFFFFF086  }
0x25: {  	[simem:s6], [sflag:s4] =	dma.local [hbm:s3], $0xF7A  }
0x26: {  	[smem:$0x3F97] =	sst s1;
	(tag) =	ssettag s2;
	_ =	strace s9  }
0x27: {  	s1 =	sld [smem:$0x3FA7]  }
0x28: {  	s2 =	sld [smem:$0x3FA8]  }
0x29: {  	s4 =	sld [smem:$0x3FAA]  }
0x2a: {  	p0 =	seq.s32 s5, $0x0;
	s5 =	sld [smem:$0x3FAB]  }
0x2b: {  	s6 =	sld [smem:$0x3FAC]  }
0x2c: {  	s7 =	sld [smem:$0x3FAD]  }
0x2d: {  	s3 =	simm.s32 $0x108;
	s8 =	sld [smem:$0x3FAE]  }
0x2e: {  	s3 =	simm.s32 @!p0 $0x1082;
	s9 =	sld [smem:$0x3FAF]  }
0x2f: {  	lr =	sadd.s32 s0, s3;
	s0 =	sld [smem:$0x3FA6]  }
0x30: {  	s3 =	sld [smem:$0x3FA9]  }
0x31: {  	[smem:$0x3FB2] =	sst s10  }
0x32: {  	s10 =	sld [smem:$0x3FB0];
	_ =	sdelay $0x3  }
0x33: {  	p0 =	seq.s32 s10, $0x1;
	s10 =	sld [smem:$0x3FB2];
	_ =	sdelay $0x3  }
0x34: {  	[smem:$0x3FB2] =	sst s10  }
0x35: {  	s10 =	sld [smem:$0x3FB1];
	_ =	sdelay $0x3  }
0x36: {  	p1 =	seq.s32 s10, $0x1;
	s10 =	sld [smem:$0x3FB2];
	_ =	sdelay $0x3  }
0x37: {  	[smem:$0x3FB2] =	sst s10  }
0x38: {  	s10 =	sld [smem:$0x3FB3]  }
0x39: {  	_ = 	snop;
	(pc) =	sbr.ind lr, $3  }
0x3a: {  	_ = 	snop  }
0x3b: {  	_ = 	snop  }
0x3c: {  	p2 =	seq.s32 s10, $0x1;
	s10 =	sld [smem:$0x3FB2]  }
0x3d: {  	_ =	shalt  }
0x3e: {  	_ =	shalt  }
0x3f: {  	_ =	shalt  }
0x40: {  	_ =	shalt  }
0x41: {  	_ =	shalt  }
0x42: {  	_ =	shalt  }
0x43: {  	_ =	shalt  }
0x44: {  	_ =	shalt  }
0x45: {  	_ =	shalt  }
0x46: {  	_ =	shalt  }
0x47: {  	_ =	shalt  }
0x48: {  	_ =	shalt  }
0x49: {  	_ =	shalt  }
0x4a: {  	_ =	shalt  }
0x4b: {  	_ =	shalt  }
0x4c: {  	_ =	shalt  }
0x4d: {  	_ =	shalt  }
0x4e: {  	_ =	shalt  }
0x4f: {  	_ =	shalt  }
0x50: {  	_ =	shalt  }
0x51: {  	_ =	shalt  }
0x52: {  	_ =	shalt  }
0x53: {  	_ =	shalt  }
0x54: {  	_ =	shalt  }
0x55: {  	_ =	shalt  }
0x56: {  	_ =	shalt  }
0x57: {  	_ =	shalt  }
0x58: {  	_ =	shalt  }
0x59: {  	_ =	shalt  }
0x5a: {  	_ =	shalt  }
0x5b: {  	_ =	shalt  }
0x5c: {  	_ =	shalt  }
0x5d: {  	_ =	shalt  }
0x5e: {  	_ =	shalt  }
0x5f: {  	_ =	shalt  }
0x60: {  	_ =	shalt  }
0x61: {  	_ =	shalt  }
0x62: {  	_ =	shalt  }
0x63: {  	_ =	shalt  }
0x64: {  	_ =	shalt  }
0x65: {  	_ =	shalt  }
0x66: {  	_ =	shalt  }
0x67: {  	_ =	shalt  }
0x68: {  	_ =	shalt  }
0x69: {  	_ =	shalt  }
0x6a: {  	_ =	shalt  }
0x6b: {  	_ =	shalt  }
0x6c: {  	_ =	shalt  }
0x6d: {  	_ =	shalt  }
0x6e: {  	_ =	shalt  }
0x6f: {  	_ =	shalt  }
0x70: {  	_ =	shalt  }
0x71: {  	_ =	shalt  }
0x72: {  	_ =	shalt  }
0x73: {  	_ =	shalt  }
0x74: {  	_ =	shalt  }
0x75: {  	_ =	shalt  }
0x76: {  	_ =	shalt  }
0x77: {  	_ =	shalt  }
0x78: {  	_ =	shalt  }
0x79: {  	_ =	shalt  }
0x7a: {  	_ =	shalt  }
0x7b: {  	_ =	shalt  }
0x7c: {  	_ =	shalt  }
0x7d: {  	_ =	shalt  }
0x7e: {  	_ =	shalt  }
0x7f: {  	_ =	shalt  }
0x80: {  	_ =	shalt  }
0x81: {  	_ =	shalt  }
0x82: {  	_ =	shalt  }
0x83: {  	_ =	shalt  }
0x84: {  	_ =	shalt  }
0x85: {  	_ =	shalt  }
0x86: {  	_ =	shalt  }
0x87: {  	_ =	shalt  }
.Lfunc_end0:
.L_simem_size_0:
called_computation.2_lowered:
.L_overlay_start_0:
0x88: {  	s2 =	sld [smem:$0x3FD9]  }
0x89: {  	s3 =	sld [smem:$0x3FFE];
	_ =	sdelay $0x1  }
0x8a: {  	s1 =	srdreg.scid  }
0x8b: {  	s0 =	sand.u32 $0x1, s1  }
0x8c: {  	s17 =	sshll.u32 s0, $0xA;
	s2 =	sadd.s32 s3, s2  }
0x8d: {  	s2 =	sadd.s32 s2, s17  }
0x8e: {  	[smem:$0x3FBE] =	sst s2  }
0x8f: {  	_ = 	snop  }
0x90: {  	s2 =	sld [smem:$0x3FC0];
	(tm) =	ssettm $0x1  }
0x91: {  	s18 =	sld [smem:$0x3FFB];
	_ =	sdelay $0x3  }
0x92: {  	_ =	strace s18  }
0x93: {  	s3 =	sld [smem:$0x3FFC];
	_ =	sdelay $0x3  }
0x94: {  	_ =	strace s3  }
0x95: {  	s3 =	sld [smem:$0x3FFD];
	_ =	sdelay $0x3  }
0x96: {  	_ =	strace s3  }
0x97: {  	_ =	strace $0x8FFFFFFF  }
0x98: {  	s19 =	sld [smem:$0x3FDB];
	_ =	sdelay $0x1  }
0x99: {  	s4 =	simm.s32 $_scs_section_size  }
0x9a: {  	s5 =	simm.s32 $_size__tile_overlayer_lowered;
	s6 =	simm.s32 $_tile_overlayer_lowered  }
0x9b: {  	s22 =	simm.s32 $0x1BFF;
	s21 =	sshll.u32 s6, $0x1;
	s3 =	sadd.s32 s4, s19  }
0x9c: {  	s7 =	simm.s32 $0x0;
	s20 =	sshll.u32 s5, $0x1;
	s5 =	sadd.s32 s21, s3  }
0x9d: {  	[timem:s7], [sflag:s22] =	dma.local [hbm:s5], s20  }
0x9e: {  	_ =	swait.ge [sflag:s22], s20  }
0x9f: {  	s4 =	ssub.s32 $0x0, s20;
	[sflag:s22] =	ssyncset.done $0x0  }
0xa0: {  	[sflag:s22] =	ssyncadd.s32 s4;
	_ =	sdelay $0x1  }
0xa1: {  	s23 =	simm.s32 $0x1B8B  }
0xa2: {  	_ =	swait.ge [sflag:s23], $0x1  }
0xa3: {  	[sflag:s23] =	ssyncset.done $0x0  }
0xa4: {  	s25 =	simm.s32 $0x1B8E;
	s24 =	sld [smem:$0x3FFE];
	[sflag:s23] =	ssyncadd.s32 $0xFFFFFFFF  }
0xa5: {  	s26 =	simm.s32 $execute0_lowered;
	[smem:$0x3FD2] =	sst s25  }
0xa6: {  	s5 =	sshll.u32 s26, $0x1;
	_ =	strace $0x8000004C;
	[dreg:$0x1] =	wrdreg $0xFFFFFFFF  }
0xa7: {  	s28 =	simm.s32 $_size_execute0_lowered;
	s3 =	sadd.s32 s3, s5;
	[dreg:$0x0] =	wrdreg $0x0  }
0xa8: {  	s5 =	sshll.u32 s28, $0x1;
	[dreg:$0x2] =	wrdreg s3  }
0xa9: {  	[dreg:$0x3] =	wrdreg s5  }
0xaa: {  	[dreg:$0x4] =	wrdreg $0xC0  }
0xab: {  	_ =	task [dreg:s7], $0x5FFFF  }
0xac: {  	[dreg:$0x1] =	wrdreg $0xFFFFFFFF  }
0xad: {  	[dreg:$0x0] =	wrdreg $0x60  }
0xae: {  	[dreg:$0x2] =	wrdreg s24  }
0xaf: {  	[dreg:$0x3] =	wrdreg s2  }
0xb0: {  	[dreg:$0x4] =	wrdreg $0x7B000  }
0xb1: {  	[dreg:$0x5] =	wrdreg $0x9  }
0xb2: {  	_ =	task.clear_ibuf [dreg:s7], $0x6FFFF;
	_ =	strace $0x9000004C  }
0xb3: {  	s29 =	simm.s32 $0x9;
	_ =	strace $0x8000004E  }
0xb4: {  	_ =	swait.ge [sflag:s29], $0x1  }
0xb5: {  	[sflag:s29] =	ssyncadd.s32 $0xFFFFFFFF  }
0xb6: {  	_ =	strace $0x9000004E  }
0xb7: {  	_ =	sfence  }
0xb8: {  	s30 =	sld [smem:$0x0];
	_ =	sdelay $0x2  }
0xb9: {  	s31 =	sshll.u32 s1, $0xD;
	s1 =	sshrl.u32 s1, $0x2  }
0xba: {  	s3 =	sand.u32 $0x4000, s31;
	s1 =	sadd.s32 s1, s30  }
0xbb: {  	s0 =	sor.u32 s3, s0;
	s1 =	sshll.u32 s1, $0x11  }
0xbc: {  	s0 =	sor.u32 s1, s0  }
0xbd: {  	s0 =	sadd.s32 $0x8F2B, s0  }
0xbe: {  	[sflag:s0] =	ssyncadd.remote.s32 $0x1  }
0xbf: {  	_ =	sfence.sel $0xFFFF  }
0xc0: {  	[dreg:$0x0] =	wrdreg $0xFFFFFFFF;
	(pc) =	sbr.abs _section_cstart, $3  }
0xc1: {  	[dreg:$0x1] =	wrdreg $0xFFFFFFFF  }
0xc2: {  	_ =	task.clear_ibuf [dreg:s7], $0x2FFFF;
	_ =	strace $0x9FFFFFFF  }
0xc3: {  	(tm) =	ssettm $0x7FFFFFFF  }
tec
execute0_lowered:
.L_overlay_start_1:
0x0: {  	(tag) =	ssettag $0x1  }
0x1: {  	s0 =	rddreg [dreg:$0x0]  }
0x2: {  	s1 =	rddreg [dreg:$0x1]  }
0x3: {  	s2 =	rddreg [dreg:$0x2];
	s3 =	simm.s32 $0x0  }
0x4: {  	s20 =	srdreg.scid;
	s8 =	stileid.u32;
	s28 =	simm.s32 $0x7880  }
0x5: {  	s29 =	simm.s32 $0x7980;
	s30 =	simm.s32 $0x7A80;
	s31 =	simm.s32 $0x1  }
0x6: {  	s15 =	simm.s32 $0x6400;
	s16 =	simm.s32 $0x2;
	s17 =	simm.s32 $0x6  }
0x7: {  	[smem:$0x7FF] =	sst s3;
	s4 =	sadd.s32 $0x56E400, s0;
	s3 =	sand.u32 $0x1, s20  }
0x8: {  	s6 =	sshll.u32 s8, $0x1;
	s5 =	sadd.s32 $0xA5AA00, s0;
	s7 =	sadd.s32 $0xD200, s0  }
0x9: {  	s12 =	sadd.s32 $0x4F9000, s0;
	p0 =	sne.s32 s8, $0x0;
	s8 =	simm.s32 $0x5  }
0xa: {  	s20 =	simm.s32 $0x0;
	_ =	strace $0x8000004D;
	s9 =	smul.u32 $0x27100, s3  }
0xb: {  	s10 =	sor.u32 s3, s6;
	s6 =	sadd.s32 $0xA50C00, s0;
	s3 =	ssub.s32 $0x2, s3  }
0xc: {  	[dreg:$0x4] =	wrdreg s12;
	s19 =	sshrl.u32 @!p0 s2, $0x3;
	s11 =	smul.u32 $0x2710, s10  }
0xd: {  	s10 =	smul.u32 $0x27100, s10;
	s21 =	sshrl.u32 s3, $0x1;
	[dreg:$0xb] =	wrdreg s19  }
0xe: {  	s0 =	sadd.s32 s9, s0;
	s3 =	ssub.s32 s3, s21;
	s21 =	simm.s32 $0x7  }
0xf: {  	s22 =	sadd.s32 s4, s10;
	s23 =	sshrl.u32 s11, $0x3;
	s13 =	sadd.s32 $0x28, s11  }
0x10: {  	s14 =	sadd.s32 $0x50, s11;
	s0 =	sadd.s32 $0x520200, s0;
	s26 =	smax.u32 s3, $0x1  }
0x11: {  	s10 =	simm.s32 $0x8;
	s11 =	simm.s32 $0xA;
	[dreg:$0x5] =	wrdreg s22  }
0x12: {  	s3 =	simm.s32 $0x4;
	s24 =	sadd.s32 s1, s23;
	[dreg:$0x9] =	wrdreg s0  }
0x13: {  	s25 =	sadd.s32 s6, s23;
	s9 =	sadd.s32 s7, s23;
	[dreg:$0xa] =	wrdreg s26  }
0x14: {  	s22 =	simm.s32 $0x9;
	s23 =	simm.s32 $0x28;
	[dreg:$0x6] =	wrdreg s24  }
0x15: {  	s26 =	simm.s32 $0x1400;
	s0 =	simm.s32 $0x3;
	[dreg:$0x7] =	wrdreg s25  }
0x16: {  	[dreg:$0x8] =	wrdreg s9;
	s9 =	simm.s32 $0xB;
	s24 =	simm.s32 $0xC  }
.LBB2_1:
0x17: {  	[dreg:$0xc] =	wrdreg s20  }
0x18: {  	s18 =	simm.s32 @!p0 $0x1C0F;
	s12 =	rddreg [dreg:$0x4]  }
0x19: {  	[spmem:s19], [sflag:s18] =	dma.local @!p0 [hbm:s12], $0x27100  }
0x1a: {  	s18 =	simm.s32 @!p0 $0xF  }
0x1b: {  	_ =	swait.ge @!p0 [sflag:s18], $0x27100  }
0x1c: {  	[sflag:s18] =	ssyncset.done @!p0 $0x0  }
0x1d: {  	[sflag:s18] =	ssyncadd.s32 @!p0 $0xFFFD8F00  }
0x1e: {  	[bflag:$0x0] =	sbarrier.arrive $0xFFFF  }
0x1f: {  	s12 =	simm.s32 $0x0;
	s19 =	rddreg [dreg:$0x5]  }
0x20: {  	[tilespmem:s12], [sflag:$0x1] =	stream.linear.gather [hbm4b:s19+s12], $0x1400, $0x38;
	[tilespmem:$0x1B380] =	vst v63  }
0x21: {  	s25 =	simm.s32 $0x7800;
	s20 =	rddreg [dreg:$0x6]  }
0x22: {  	[tilespmem:s25], [sflag:$0x7] =	stream.linear.gather [hbm4b:s20+s12], $0x28, $0x38;
	[tilespmem:$0x1B380] =	vst v63  }
0x23: {  	s20 =	rddreg [dreg:$0x7];
	s25 =	simm.s32 $0x7900  }
0x24: {  	[tilespmem:s25], [sflag:$0x9] =	stream.linear.gather [hbm4b:s20+s12], $0x28, $0x38;
	[tilespmem:$0x1B380] =	vst v63  }
0x25: {  	s20 =	rddreg [dreg:$0x8];
	s25 =	simm.s32 $0x7A00  }
0x26: {  	[tilespmem:s25], [sflag:$0xB] =	stream.linear.gather [hbm4b:s20+s12], $0x28, $0x38;
	[tilespmem:$0x1B380] =	vst v63  }
0x27: {  	s25 =	simm.s32 $0x0  }
.LBB2_2:
0x28: {  	_ =	swait.ge [sflag:s21], $0x28  }
0x29: {  	[sflag:s21] =	ssyncset.done $0x0  }
0x2a: {  	[sflag:s21] =	ssyncadd.s32 $0xFFFFFFD8  }
0x2b: {  	_ =	swait.ge [sflag:s22], $0x28  }
0x2c: {  	s12 =	simm.s32 $0x7800;
	[sflag:s22] =	ssyncset.done $0x0  }
0x2d: {  	s18 =	simm.s32 $0x2800;
	s19 =	simm.s32 $0x7900;
	[sflag:s22] =	ssyncadd.s32 $0xFFFFFFD8  }
0x2e: {  	[tilespmem:s18], [sflag:$0x3] =	stream.indirect.gather [hbm4b:s5+s23], $0x80, s12, s23, $0xb8;
	[tilespmem:$0x1B380] =	vst v63  }
0x2f: {  	s20 =	simm.s32 $0x5000;
	p1 =	seq.s32 s25, $0x0;
	s18 =	smul.u32 $0x50, s25  }
0x30: {  	[tilespmem:s20], [sflag:$0x5] =	stream.indirect.gather [hbm4b:s5+s23], $0x80, s19, s23, $0xb8;
	[tilespmem:$0x1B380] =	vst v63  }
0x31: {  	s19 =	simm.s32 @!p1 $0xE  }
0x32: {  	s20 =	sadd.s32 s18, s13;
	_ =	swait.ge @!p1 [sflag:s19], $0x1400  }
0x33: {  	s12 =	sshll.u32 s20, $0x4;
	[sflag:s19] =	ssyncset.done @!p1 $0x0  }
0x34: {  	s12 =	sadd.s32 s4, s12;
	[sflag:s19] =	ssyncadd.s32 @!p1 $0xFFFFEC00;
	s19 =	simm.s32 $0x0  }
0x35: {  	[tilespmem:s26], [sflag:$0x2] =	stream.linear.gather [hbm4b:s12+s19], $0x1400, $0x38;
	[tilespmem:$0x1B380] =	vst v63  }
0x36: {  	s12 =	sshrl.u32 s20, $0x3  }
0x37: {  	s20 =	sadd.s32 s1, s12  }
0x38: {  	[tilespmem:s28], [sflag:$0x8] =	stream.linear.gather [hbm4b:s20+s19], $0x28, $0x38;
	[tilespmem:$0x1B380] =	vst v63  }
0x39: {  	s20 =	sadd.s32 s6, s12  }
0x3a: {  	[tilespmem:s29], [sflag:$0xA] =	stream.linear.gather [hbm4b:s20+s19], $0x28, $0x38;
	[tilespmem:$0x1B380] =	vst v63  }
0x3b: {  	s12 =	sadd.s32 s7, s12  }
0x3c: {  	[tilespmem:s30], [sflag:$0xC] =	stream.linear.gather [hbm4b:s12+s19], $0x28, $0x38;
	[tilespmem:$0x1B380] =	vst v63  }
0x3d: {  	_ =	swait.ge [sflag:s31], $0x1400  }
0x3e: {  	[sflag:s31] =	ssyncset.done $0x0  }
0x3f: {  	[sflag:s31] =	ssyncadd.s32 $0xFFFFEC00  }
0x40: {  	_ =	swait.ge [sflag:s0], $0x1400  }
0x41: {  	[sflag:s0] =	ssyncset.done $0x0  }
0x42: {  	[sflag:s0] =	ssyncadd.s32 $0xFFFFEC00  }
0x43: {  	_ =	swait.ge [sflag:s8], $0x1400  }
0x44: {  	[sflag:s8] =	ssyncset.done $0x0  }
0x45: {  	s19 =	simm.s32 $0x0;
	[sflag:s8] =	ssyncadd.s32 $0xFFFFEC00  }
0x46: {  	v4 =	vld [tilespmem:s19+$0x2800]  }
0x47: {  	v5 =	vld [tilespmem:s19+$0x2810]  }
0x48: {  	v3 =	vld [tilespmem:s19+$0x2820]  }
0x49: {  	v2 =	vld [tilespmem:s19+$0x2830]  }
0x4a: {  	v1 =	vld [tilespmem:s19+$0x2840]  }
0x4b: {  	v0 =	vld [tilespmem:s19+$0x2850]  }
0x4c: {  	v12 =	vld [tilespmem:s19+$0x5000]  }
0x4d: {  	v17 =	vld [tilespmem:s19+$0x5010]  }
0x4e: {  	v11 =	vld [tilespmem:s19+$0x5020]  }
0x4f: {  	v10 =	vld [tilespmem:s19+$0x5030]  }
0x50: {  	v9 =	vld [tilespmem:s19+$0x5040]  }
0x51: {  	v8 =	vld [tilespmem:s19+$0x5050]  }
0x52: {  	v7 =	vld [tilespmem:s19+$0x5060]  }
0x53: {  	v6 =	vld [tilespmem:s19+$0x5070]  }
0x54: {  	v18 =	vld [tilespmem:s19+$0x0]  }
0x55: {  	v19 =	vld [tilespmem:s19+$0x10]  }
0x56: {  	v16 =	vld [tilespmem:s19+$0x20]  }
0x57: {  	v15 =	vld [tilespmem:s19+$0x30]  }
0x58: {  	v14 =	vld [tilespmem:s19+$0x40]  }
0x59: {  	v13 =	vld [tilespmem:s19+$0x50];
	v18 =	vadd.f32 v12, v18  }
0x5a: {  	s20 =	simm.s32 $0x200;
	v17 =	vadd.f32 v17, v19;
	v12 =	vld [tilespmem:s19+$0x60]  }
.LBB2_3:
0x5b: {  	p1 =	sne.s32 s20, $0x4E00;
	v4 =	vsub.f32 v18, v4;
	v11 =	vadd.f32 v11, v16;
	v16 =	vld [tilespmem:s19+$0x70]  }
0x5c: {  	v5 =	vsub.f32 v17, v5;
	v10 =	vadd.f32 v10, v15;
	v15 =	vld [tilespmem:s19+$0x2860]  }
0x5d: {  	s12 =	sshra.s32 s20, $0x2;
	v17 =	vmax.f32 v4, $0.0e+00;
	v3 =	vsub.f32 v11, v3;
	v9 =	vadd.f32 v9, v14;
	v11 =	vld [tilespmem:s19+$0x2870]  }
0x5e: {  	v4 =	vld [tilespmem:s12+$0x2800];
	[tilespmem:s19+$0x0] =	vst v17;
	v14 =	vmax.f32 v5, $0.0e+00;
	v2 =	vsub.f32 v10, v2;
	v8 =	vadd.f32 v8, v13  }
0x5f: {  	v5 =	vld [tilespmem:s12+$0x2810];
	[tilespmem:s19+$0x10] =	vst v14;
	v10 =	vmax.f32 v3, $0.0e+00;
	v1 =	vsub.f32 v9, v1;
	v7 =	vadd.f32 v7, v12  }
0x60: {  	v3 =	vld [tilespmem:s12+$0x2820];
	[tilespmem:s19+$0x20] =	vst v10;
	v9 =	vmax.f32 v2, $0.0e+00;
	v0 =	vsub.f32 v8, v0;
	v6 =	vadd.f32 v6, v16  }
0x61: {  	v2 =	vld [tilespmem:s12+$0x2830];
	[tilespmem:s19+$0x30] =	vst v9;
	v8 =	vmax.f32 v1, $0.0e+00;
	v7 =	vsub.f32 v7, v15  }
0x62: {  	v1 =	vld [tilespmem:s12+$0x2840];
	[tilespmem:s19+$0x40] =	vst v8;
	v8 =	vmax.f32 v0, $0.0e+00;
	v6 =	vsub.f32 v6, v11  }
0x63: {  	v0 =	vld [tilespmem:s12+$0x2850];
	[tilespmem:s19+$0x50] =	vst v8;
	v7 =	vmax.f32 v7, $0.0e+00  }
0x64: {  	v12 =	vld [tilespmem:s12+$0x5000];
	[tilespmem:s19+$0x60] =	vst v7;
	v6 =	vmax.f32 v6, $0.0e+00  }
0x65: {  	v17 =	vld [tilespmem:s12+$0x5010];
	[tilespmem:s19+$0x70] =	vst v6;
	s19 =	smov.u32 s12  }
0x66: {  	v11 =	vld [tilespmem:s19+$0x5020]  }
0x67: {  	v10 =	vld [tilespmem:s19+$0x5030]  }
0x68: {  	v9 =	vld [tilespmem:s19+$0x5040]  }
0x69: {  	v8 =	vld [tilespmem:s19+$0x5050]  }
0x6a: {  	v7 =	vld [tilespmem:s19+$0x5060]  }
0x6b: {  	v6 =	vld [tilespmem:s19+$0x5070]  }
0x6c: {  	v13 =	vld [tilespmem:s19+$0x0]  }
0x6d: {  	v19 =	vld [tilespmem:s19+$0x10]  }
.Ltmp0:
0x6e: {  	v16 =	vld [tilespmem:s19+$0x20];
	(pc) =	sbr.rel @p1 .LBB2_3-.Ltmp0, $4  }
0x6f: {  	v15 =	vld [tilespmem:s19+$0x30]  }
0x70: {  	v14 =	vld [tilespmem:s19+$0x40]  }
0x71: {  	v18 =	vadd.f32 v12, v13;
	v13 =	vld [tilespmem:s19+$0x50]  }
0x72: {  	s20 =	sadd.s32 $0x200, s20;
	v17 =	vadd.f32 v17, v19;
	v12 =	vld [tilespmem:s19+$0x60]  }
0x73: {  	v4 =	vsub.f32 v18, v4;
	v11 =	vadd.f32 v11, v16;
	v16 =	vld [tilespmem:s19+$0x70]  }
0x74: {  	v5 =	vsub.f32 v17, v5;
	v10 =	vadd.f32 v10, v15;
	v15 =	vld [tilespmem:s19+$0x2860]  }
0x75: {  	v4 =	vmax.f32 v4, $0.0e+00;
	v3 =	vsub.f32 v11, v3;
	v9 =	vadd.f32 v9, v14;
	v11 =	vld [tilespmem:s19+$0x2870]  }
0x76: {  	[tilespmem:s19+$0x0] =	vst v4;
	v4 =	vmax.f32 v5, $0.0e+00;
	v2 =	vsub.f32 v10, v2;
	v5 =	vadd.f32 v8, v13  }
0x77: {  	[tilespmem:s19+$0x10] =	vst v4;
	v3 =	vmax.f32 v3, $0.0e+00;
	v1 =	vsub.f32 v9, v1;
	v4 =	vadd.f32 v7, v12  }
0x78: {  	[tilespmem:s19+$0x20] =	vst v3;
	v2 =	vmax.f32 v2, $0.0e+00;
	v0 =	vsub.f32 v5, v0;
	v3 =	vadd.f32 v6, v16  }
0x79: {  	[tilespmem:s19+$0x30] =	vst v2;
	v1 =	vmax.f32 v1, $0.0e+00;
	v2 =	vsub.f32 v4, v15  }
0x7a: {  	[tilespmem:s19+$0x40] =	vst v1;
	v0 =	vmax.f32 v0, $0.0e+00;
	v1 =	vsub.f32 v3, v11  }
0x7b: {  	[tilespmem:s19+$0x50] =	vst v0;
	v0 =	vmax.f32 v2, $0.0e+00  }
0x7c: {  	[tilespmem:s19+$0x60] =	vst v0;
	v0 =	vmax.f32 v1, $0.0e+00  }
0x7d: {  	[tilespmem:s19+$0x70] =	vst v0  }
0x7e: {  	_ =	swait.ge [sflag:s9], $0x28  }
0x7f: {  	[sflag:s9] =	ssyncset.done $0x0  }
0x80: {  	s12 =	simm.s32 $0x0;
	s20 =	simm.s32 $0x7A00;
	[sflag:s9] =	ssyncadd.s32 $0xFFFFFFD8  }
0x81: {  	[spmem:s2] =	stream.indirect.scatter.add.f32 [tilespmem:s12], [sflag:$0xD], $0x80, s20, s23, $0xb8;
	[tilespmem:$0x1B380] =	vst v63  }
0x82: {  	_ =	swait.ge [sflag:s10], $0x28  }
0x83: {  	[sflag:s10] =	ssyncset.done $0x0  }
0x84: {  	[sflag:s10] =	ssyncadd.s32 $0xFFFFFFD8  }
0x85: {  	_ =	swait.ge [sflag:s11], $0x28  }
0x86: {  	[sflag:s11] =	ssyncset.done $0x0  }
0x87: {  	s20 =	simm.s32 $0x3C00;
	[sflag:s11] =	ssyncadd.s32 $0xFFFFFFD8  }
0x88: {  	[tilespmem:s20], [sflag:$0x4] =	stream.indirect.gather [hbm4b:s5+s23], $0x80, s28, s23, $0xb8;
	[tilespmem:$0x1B380] =	vst v63  }
0x89: {  	_ = 	snop  }
0x8a: {  	[tilespmem:s15], [sflag:$0x6] =	stream.indirect.gather [hbm4b:s5+s23], $0x80, s29, s23, $0xb8;
	[tilespmem:$0x1B380] =	vst v63  }
0x8b: {  	_ =	swait.ge [sflag:s16], $0x1400  }
0x8c: {  	[sflag:s16] =	ssyncset.done $0x0  }
0x8d: {  	[sflag:s16] =	ssyncadd.s32 $0xFFFFEC00  }
0x8e: {  	_ =	swait.ge [sflag:s3], $0x1400  }
0x8f: {  	[sflag:s3] =	ssyncset.done $0x0  }
0x90: {  	[sflag:s3] =	ssyncadd.s32 $0xFFFFEC00  }
0x91: {  	_ =	swait.ge [sflag:s17], $0x1400  }
0x92: {  	[sflag:s17] =	ssyncset.done $0x0  }
0x93: {  	s19 =	simm.s32 $0x0;
	[sflag:s17] =	ssyncadd.s32 $0xFFFFEC00  }
0x94: {  	v4 =	vld [tilespmem:s19+$0x3C00]  }
0x95: {  	v5 =	vld [tilespmem:s19+$0x3C10]  }
0x96: {  	v3 =	vld [tilespmem:s19+$0x3C20]  }
0x97: {  	v2 =	vld [tilespmem:s19+$0x3C30]  }
0x98: {  	v1 =	vld [tilespmem:s19+$0x3C40]  }
0x99: {  	v0 =	vld [tilespmem:s19+$0x3C50]  }
0x9a: {  	v12 =	vld [tilespmem:s19+$0x6400]  }
0x9b: {  	v17 =	vld [tilespmem:s19+$0x6410]  }
0x9c: {  	v11 =	vld [tilespmem:s19+$0x6420]  }
0x9d: {  	v10 =	vld [tilespmem:s19+$0x6430]  }
0x9e: {  	v9 =	vld [tilespmem:s19+$0x6440]  }
0x9f: {  	v8 =	vld [tilespmem:s19+$0x6450]  }
0xa0: {  	v7 =	vld [tilespmem:s19+$0x6460]  }
0xa1: {  	v6 =	vld [tilespmem:s19+$0x6470]  }
0xa2: {  	v18 =	vld [tilespmem:s19+$0x1400]  }
0xa3: {  	v19 =	vld [tilespmem:s19+$0x1410]  }
0xa4: {  	v16 =	vld [tilespmem:s19+$0x1420]  }
0xa5: {  	v15 =	vld [tilespmem:s19+$0x1430]  }
0xa6: {  	v14 =	vld [tilespmem:s19+$0x1440]  }
0xa7: {  	v13 =	vld [tilespmem:s19+$0x1450];
	v18 =	vadd.f32 v12, v18  }
0xa8: {  	s20 =	simm.s32 $0x200;
	v17 =	vadd.f32 v17, v19;
	v12 =	vld [tilespmem:s19+$0x1460]  }
.LBB2_5:
0xa9: {  	p1 =	sne.s32 s20, $0x4E00;
	v4 =	vsub.f32 v18, v4;
	v11 =	vadd.f32 v11, v16;
	v16 =	vld [tilespmem:s19+$0x1470]  }
0xaa: {  	v5 =	vsub.f32 v17, v5;
	v10 =	vadd.f32 v10, v15;
	v15 =	vld [tilespmem:s19+$0x3C60]  }
0xab: {  	s12 =	sshra.s32 s20, $0x2;
	v17 =	vmax.f32 v4, $0.0e+00;
	v3 =	vsub.f32 v11, v3;
	v9 =	vadd.f32 v9, v14;
	v11 =	vld [tilespmem:s19+$0x3C70]  }
0xac: {  	v4 =	vld [tilespmem:s12+$0x3C00];
	[tilespmem:s19+$0x1400] =	vst v17;
	v14 =	vmax.f32 v5, $0.0e+00;
	v2 =	vsub.f32 v10, v2;
	v8 =	vadd.f32 v8, v13  }
0xad: {  	v5 =	vld [tilespmem:s12+$0x3C10];
	[tilespmem:s19+$0x1410] =	vst v14;
	v10 =	vmax.f32 v3, $0.0e+00;
	v1 =	vsub.f32 v9, v1;
	v7 =	vadd.f32 v7, v12  }
0xae: {  	v3 =	vld [tilespmem:s12+$0x3C20];
	[tilespmem:s19+$0x1420] =	vst v10;
	v9 =	vmax.f32 v2, $0.0e+00;
	v0 =	vsub.f32 v8, v0;
	v6 =	vadd.f32 v6, v16  }
0xaf: {  	v2 =	vld [tilespmem:s12+$0x3C30];
	[tilespmem:s19+$0x1430] =	vst v9;
	v8 =	vmax.f32 v1, $0.0e+00;
	v7 =	vsub.f32 v7, v15  }
0xb0: {  	v1 =	vld [tilespmem:s12+$0x3C40];
	[tilespmem:s19+$0x1440] =	vst v8;
	v8 =	vmax.f32 v0, $0.0e+00;
	v6 =	vsub.f32 v6, v11  }
0xb1: {  	v0 =	vld [tilespmem:s12+$0x3C50];
	[tilespmem:s19+$0x1450] =	vst v8;
	v7 =	vmax.f32 v7, $0.0e+00  }
0xb2: {  	v12 =	vld [tilespmem:s12+$0x6400];
	[tilespmem:s19+$0x1460] =	vst v7;
	v6 =	vmax.f32 v6, $0.0e+00  }
0xb3: {  	v17 =	vld [tilespmem:s12+$0x6410];
	[tilespmem:s19+$0x1470] =	vst v6;
	s19 =	smov.u32 s12  }
0xb4: {  	v11 =	vld [tilespmem:s19+$0x6420]  }
0xb5: {  	v10 =	vld [tilespmem:s19+$0x6430]  }
0xb6: {  	v9 =	vld [tilespmem:s19+$0x6440]  }
0xb7: {  	v8 =	vld [tilespmem:s19+$0x6450]  }
0xb8: {  	v7 =	vld [tilespmem:s19+$0x6460]  }
0xb9: {  	v6 =	vld [tilespmem:s19+$0x6470]  }
0xba: {  	v13 =	vld [tilespmem:s19+$0x1400]  }
0xbb: {  	v19 =	vld [tilespmem:s19+$0x1410]  }
.Ltmp1:
0xbc: {  	v16 =	vld [tilespmem:s19+$0x1420];
	(pc) =	sbr.rel @p1 .LBB2_5-.Ltmp1, $4  }
0xbd: {  	v15 =	vld [tilespmem:s19+$0x1430]  }
0xbe: {  	v14 =	vld [tilespmem:s19+$0x1440]  }
0xbf: {  	v18 =	vadd.f32 v12, v13;
	v13 =	vld [tilespmem:s19+$0x1450]  }
0xc0: {  	s20 =	sadd.s32 $0x200, s20;
	v17 =	vadd.f32 v17, v19;
	v12 =	vld [tilespmem:s19+$0x1460]  }
0xc1: {  	v4 =	vsub.f32 v18, v4;
	v11 =	vadd.f32 v11, v16;
	v53 =	vld [tilespmem:s19+$0x1470]  }
0xc2: {  	v54 =	vld [tilespmem:s19+$0x3C60];
	v5 =	vsub.f32 v17, v5;
	v10 =	vadd.f32 v10, v15  }
0xc3: {  	v55 =	vld [tilespmem:s19+$0x3C70];
	v4 =	vmax.f32 v4, $0.0e+00;
	v3 =	vsub.f32 v11, v3;
	v9 =	vadd.f32 v9, v14  }
0xc4: {  	[tilespmem:s19+$0x1400] =	vst v4;
	v56 =	vmax.f32 v5, $0.0e+00;
	v2 =	vsub.f32 v10, v2;
	v57 =	vadd.f32 v8, v13  }
0xc5: {  	[tilespmem:s19+$0x1410] =	vst v56;
	v3 =	vmax.f32 v3, $0.0e+00;
	v1 =	vsub.f32 v9, v1;
	v58 =	vadd.f32 v7, v12  }
0xc6: {  	[tilespmem:s19+$0x1420] =	vst v3;
	v2 =	vmax.f32 v2, $0.0e+00;
	v0 =	vsub.f32 v57, v0;
	v59 =	vadd.f32 v6, v53  }
0xc7: {  	[tilespmem:s19+$0x1430] =	vst v2;
	v1 =	vmax.f32 v1, $0.0e+00;
	v60 =	vsub.f32 v58, v54  }
0xc8: {  	[tilespmem:s19+$0x1440] =	vst v1;
	v0 =	vmax.f32 v0, $0.0e+00;
	v61 =	vsub.f32 v59, v55  }
0xc9: {  	[tilespmem:s19+$0x1450] =	vst v0;
	v62 =	vmax.f32 v60, $0.0e+00  }
0xca: {  	p1 =	seq.s32 s25, $0x7C;
	[tilespmem:s19+$0x1460] =	vst v62;
	v63 =	vmax.f32 v61, $0.0e+00  }
0xcb: {  	s12 =	simm.s32 @!p1 $0xD;
	[tilespmem:s19+$0x1470] =	vst v63  }
0xcc: {  	s18 =	sadd.s32 @!p1 s18, s14;
	_ =	swait.ge @!p1 [sflag:s12], $0x1400  }
0xcd: {  	s19 =	sshll.u32 @!p1 s18, $0x4;
	[sflag:s12] =	ssyncset.done @!p1 $0x0  }
0xce: {  	[sflag:s12] =	ssyncadd.s32 @!p1 $0xFFFFEC00;
	s12 =	sadd.s32 @!p1 s4, s19;
	s19 =	simm.s32 @!p1 $0x0  }
0xcf: {  	[tilespmem:s19], [sflag:$0x1] =	stream.linear.gather @!p1 [hbm4b:s12+s19], $0x1400, $0x38;
	[tilespmem:$0x1B380] =	vst v63  }
0xd0: {  	s12 =	sshrl.u32 @!p1 s18, $0x3  }
0xd1: {  	s20 =	simm.s32 @!p1 $0x7800;
	s18 =	sadd.s32 @!p1 s1, s12  }
0xd2: {  	[tilespmem:s20], [sflag:$0x7] =	stream.linear.gather @!p1 [hbm4b:s18+s19], $0x28, $0x38;
	[tilespmem:$0x1B380] =	vst v63  }
0xd3: {  	s18 =	sadd.s32 @!p1 s6, s12;
	s20 =	simm.s32 @!p1 $0x7900  }
0xd4: {  	[tilespmem:s20], [sflag:$0x9] =	stream.linear.gather @!p1 [hbm4b:s18+s19], $0x28, $0x38;
	[tilespmem:$0x1B380] =	vst v63  }
0xd5: {  	s25 =	sadd.s32 $0x1, s25;
	s12 =	sadd.s32 @!p1 s7, s12;
	s18 =	simm.s32 @!p1 $0x7A00  }
0xd6: {  	[tilespmem:s18], [sflag:$0xB] =	stream.linear.gather @!p1 [hbm4b:s12+s19], $0x28, $0x38;
	[tilespmem:$0x1B380] =	vst v63  }
0xd7: {  	p1 =	sne.s32 s25, $0x7D  }
.Ltmp2:
0xd8: {  	_ = 	snop;
	(pc) =	sbr.rel @p1 .LBB2_2-.Ltmp2, $4  }
0xd9: {  	_ =	swait.ge [sflag:s24], $0x28  }
0xda: {  	[sflag:s24] =	ssyncset.done $0x0  }
0xdb: {  	[sflag:s24] =	ssyncadd.s32 $0xFFFFFFD8  }
0xdc: {  	[spmem:s2] =	stream.indirect.scatter.add.f32 [tilespmem:s26], [sflag:$0xE], $0x80, s30, s23, $0xb8;
	[tilespmem:$0x1B380] =	vst v63  }
0xdd: {  	s12 =	simm.s32 $0xD  }
0xde: {  	_ =	swait.ge [sflag:s12], $0x1400  }
0xdf: {  	[sflag:s12] =	ssyncset.done $0x0  }
0xe0: {  	s20 =	simm.s32 $0xE;
	[sflag:s12] =	ssyncadd.s32 $0xFFFFEC00  }
0xe1: {  	_ =	swait.ge [sflag:s20], $0x1400  }
0xe2: {  	[sflag:s20] =	ssyncset.done $0x0  }
0xe3: {  	[sflag:s20] =	ssyncadd.s32 $0xFFFFEC00  }
0xe4: {  	[bflag:$0x0] =	sbarrier.arrive $0xFFFF  }
0xe5: {  	s18 =	rddreg [dreg:$0x9]  }
0xe6: {  	s12 =	simm.s32 @!p0 $0x1C0F;
	s19 =	rddreg [dreg:$0xb]  }
0xe7: {  	[hbm:s18], [sflag:s12] =	dma.local @!p0 [spmem:s19], $0x27100  }
0xe8: {  	s12 =	simm.s32 @!p0 $0xF  }
0xe9: {  	_ =	swait.ge @!p0 [sflag:s12], $0x27100  }
0xea: {  	s20 =	rddreg [dreg:$0xc]  }
0xeb: {  	s25 =	rddreg [dreg:$0xa];
	s20 =	sadd.s32 $0x1, s20  }
0xec: {  	p1 =	sne.s32 s20, s25  }
.Ltmp3:
0xed: {  	_ = 	snop;
	(pc) =	sbr.rel @p1 .LBB2_1-.Ltmp3, $3  }
0xee: {  	_ =	sdelay $0x1  }
0xef: {  	[sflag:s12] =	ssyncset.done @!p0 $0x0  }
0xf0: {  	[sflag:s12] =	ssyncadd.s32 @!p0 $0xFFFD8F00  }
0xf1: {  	_ =	sfence.sel $0x180000  }
0xf2: {  	[bflag:$0x0] =	sbarrier.arrive $0xFFFF  }
0xf3: {  	_ =	strace $0x9000004D  }
0xf4: {  	[bflag:$0x2] =	sbarrier.arrive $0xFFFF  }
0xf5: {  	s0 =	rddreg [dreg:$0x3]  }
0xf6: {  	s0 =	sadd.s32 @!p0 $0x100000, s0  }
0xf7: {  	[sflag:s0] =	ssyncadd.tile.s32 @!p0 $0x1;
	_ =	shalt  }
.Lfunc_end2:
_tile_overlayer_lowered:
.L_overlay_start_2:
0xf8: {  	(tag) =	ssettag $0x2  }
0xf9: {  	s0 =	rddreg [dreg:$0x0];
	s2 =	stileid.u32  }
0xfa: {  	s1 =	rddreg [dreg:$0x1];
	p0 =	sne.s32 s2, $0x0  }
0xfb: {  	s3 =	rddreg [dreg:$0x2];
	[bflag:$0x3] =	sbarrier.arrive $0xFFFF;
	s2 =	simm.s32 @!p0 $0x1C0F  }
0xfc: {  	[timem:s3], [sflag:s2] =	dma.local @!p0 [hbm:s0], s1  }
0xfd: {  	s0 =	simm.s32 @!p0 $0xF  }
0xfe: {  	_ =	swait.ge @!p0 [sflag:s0], s1  }
0xff: {  	s1 =	ssub.s32 @!p0 $0x0, s1;
	[sflag:s0] =	ssyncset.done @!p0 $0x0  }
0x100: {  	[sflag:s0] =	ssyncadd.s32 @!p0 s1  }
0x101: {  	[bflag:$0x3] =	sbarrier.arrive $0xFFFF  }
0x102: {  	_ =	shalt  }

</sc_bundles>
